<compile_context>
chip_gen: v7x
topology: tpu7x:2x2x1
jax: 0.10.2.dev20260603
libtpu: 0.0.44.dev20260713+nightly
codegen_flags: <defaults>
</compile_context>

<pallas_src>
import functools

import numpy as np

import jax
import jax.numpy as jnp
from jax import lax
from jax.experimental import pallas as pl
from jax.experimental.pallas import tpu as pltpu
from jax.experimental.pallas import tpu_sc as plsc

_N = 160000
_G = 512
_NT = 128
_NK = 129
_NW = 32
_CHUNK = _N // _NW
_SBUF = 5008
_ITER = _SBUF // 16
_NEG = float("-inf")


_PERM_BIG = np.concatenate([np.arange(b, b + _NT) for b in
                            (0, 128, 259, 387, 518, 646)]).astype(np.int32)
_B128 = np.array([256, 515, 774], dtype=np.int32)
_SMALL = np.array([257, 258, 516, 517, 775, 776], dtype=np.int32)


def _take(x, idx):
  return x.at[idx].get(mode="promise_in_bounds")


def _sc_pool_body(bat_h, typ_h, tok_h, xs0_h, xs1_h,
                  out_t, out_k, out_sm,
                  b_v, t_v, k_v, s0_v, s1_v, hist_t, hist_k, smacc):
  cid = lax.axis_index("c")
  sid = lax.axis_index("s")
  wid = sid * 2 + cid
  base = wid * _CHUNK
  pltpu.sync_copy(bat_h.at[pl.ds(base, _CHUNK)], b_v.at[pl.ds(0, _CHUNK)])
  pltpu.sync_copy(typ_h.at[pl.ds(base, _CHUNK)], t_v.at[pl.ds(0, _CHUNK)])
  pltpu.sync_copy(tok_h.at[pl.ds(base, _CHUNK)], k_v.at[pl.ds(0, _CHUNK)])
  pltpu.sync_copy(xs0_h.at[pl.ds(base, _CHUNK)], s0_v.at[pl.ds(0, _CHUNK)])
  pltpu.sync_copy(xs1_h.at[pl.ds(base, _CHUNK)], s1_v.at[pl.ds(0, _CHUNK)])

  lanes = lax.iota(jnp.int32, 16)
  izero16 = jnp.zeros((16,), jnp.int32)
  zero16 = jnp.zeros((16,), jnp.float32)
  ninf16 = jnp.full((16,), _NEG, jnp.float32)

  def _zero_hists(j, c):
    for q in range(8):
      hist_t[j, pl.ds(q * 16, 16)] = izero16
      hist_k[j, pl.ds(q * 16, 16)] = izero16
    return c

  lax.fori_loop(0, _G // 2, _zero_hists, 0)
  for r in range(16):
    val = ninf16 if r in (4, 5) else zero16
    for q in range(_G // 16):
      smacc[r, pl.ds(q * 16, 16)] = val

  def _hist_loop(i, c):
    off = i * 16
    valid = (off + lanes) < _CHUNK
    b = jnp.where(valid, b_v[pl.ds(off, 16)], -1)
    t = t_v[pl.ds(off, 16)]
    k = jnp.clip(k_v[pl.ds(off, 16)], 0, _NK - 1)
    odd = (b & 1) == 1
    even = valid & jnp.logical_not(odd)
    oddm = valid & odd
    row = lax.shift_right_logical(b, 1)
    one = lanes * 0 + 1
    big = lax.shift_left(one, 16)
    plsc.addupdate_scatter(hist_t, [row, t], one, mask=even)
    plsc.addupdate_scatter(hist_t, [row, t], big, mask=oddm)
    kin = k < _NT
    plsc.addupdate_scatter(hist_k, [row, k], one, mask=even & kin)
    plsc.addupdate_scatter(hist_k, [row, k], big, mask=oddm & kin)
    return c

  lax.fori_loop(0, _ITER, _hist_loop, 0)
  pltpu.sync_copy(hist_t, out_t.at[wid])
  pltpu.sync_copy(hist_k, out_k.at[wid])

  def _small_loop(i, c):
    off = i * 16
    valid = (off + lanes) < _CHUNK
    b = jnp.where(valid, b_v[pl.ds(off, 16)], -1)
    v0 = jnp.where(valid, s0_v[pl.ds(off, 16)], 0.0)
    v1 = jnp.where(valid, s1_v[pl.ds(off, 16)], 0.0)
    s0 = v0
    s1 = v1
    q0 = v0 * v0
    q1 = v1 * v1
    m0 = jnp.where(valid, v0, _NEG)
    m1 = jnp.where(valid, v1, _NEG)
    for d in (1, 2, 4, 8):
      sidx = jnp.maximum(lanes - d, 0)
      bd = _take(b, sidx)
      same = (bd == b) & (lanes >= d)
      s0 = s0 + jnp.where(same, _take(s0, sidx), 0.0)
      s1 = s1 + jnp.where(same, _take(s1, sidx), 0.0)
      q0 = q0 + jnp.where(same, _take(q0, sidx), 0.0)
      q1 = q1 + jnp.where(same, _take(q1, sidx), 0.0)
      m0 = jnp.maximum(m0, jnp.where(same, _take(m0, sidx), _NEG))
      m1 = jnp.maximum(m1, jnp.where(same, _take(m1, sidx), _NEG))
    nb = _take(b, jnp.minimum(lanes + 1, 15))
    lastseg = ((b != nb) | (lanes == 15)) & valid
    r0 = lanes * 0
    plsc.addupdate_scatter(smacc, [r0, b], s0, mask=lastseg)
    plsc.addupdate_scatter(smacc, [r0 + 1, b], s1, mask=lastseg)
    plsc.addupdate_scatter(smacc, [r0 + 2, b], q0, mask=lastseg)
    plsc.addupdate_scatter(smacc, [r0 + 3, b], q1, mask=lastseg)
    cur0 = plsc.load_gather(smacc, [r0 + 4, b], mask=lastseg)
    plsc.store_scatter(smacc, [r0 + 4, b], jnp.maximum(cur0, m0), mask=lastseg)
    cur1 = plsc.load_gather(smacc, [r0 + 5, b], mask=lastseg)
    plsc.store_scatter(smacc, [r0 + 5, b], jnp.maximum(cur1, m1), mask=lastseg)
    return c

  lax.fori_loop(0, _ITER, _small_loop, 0)
  pltpu.sync_copy(smacc, out_sm.at[wid])


_sc_pool = functools.partial(
    pl.kernel,
    out_type=[
        jax.ShapeDtypeStruct((_NW, _G // 2, _NT), jnp.int32),
        jax.ShapeDtypeStruct((_NW, _G // 2, _NT), jnp.int32),
        jax.ShapeDtypeStruct((_NW, 16, _G), jnp.float32),
    ],
    mesh=plsc.VectorSubcoreMesh(core_axis_name="c", subcore_axis_name="s"),
    compiler_params=pltpu.CompilerParams(needs_layout_passes=False),
    scratch_types=[
        pltpu.VMEM((_SBUF,), jnp.int32),
        pltpu.VMEM((_SBUF,), jnp.int32),
        pltpu.VMEM((_SBUF,), jnp.int32),
        pltpu.VMEM((_SBUF,), jnp.float32),
        pltpu.VMEM((_SBUF,), jnp.float32),
        pltpu.VMEM((_G // 2, _NT), jnp.int32),
        pltpu.VMEM((_G // 2, _NT), jnp.int32),
        pltpu.VMEM((16, _G), jnp.float32),
    ],
)(_sc_pool_body)


def _leaky(v):
  return jnp.where(v > 0, v, 0.01 * v)


def _tc_mlp_body(ht, hk, sm, w1b, w1c, w1s, b1, w2, b2, w3, b3, out):
  wt = ht[...]
  wk = hk[...]
  lo_t = jnp.sum(jnp.bitwise_and(wt, 0xFFFF).astype(jnp.float32), axis=0)
  hi_t = jnp.sum(lax.shift_right_logical(wt, 16).astype(jnp.float32), axis=0)
  lo_k = jnp.sum(jnp.bitwise_and(wk, 0xFFFF).astype(jnp.float32), axis=0)
  hi_k = jnp.sum(lax.shift_right_logical(wk, 16).astype(jnp.float32), axis=0)
  smv = sm[...]
  sums = jnp.sum(smv[:, 0:4, :], axis=0)
  maxs = jnp.max(smv[:, 4:6, :], axis=0)

  at = jnp.stack([lo_t, hi_t], axis=1).reshape(_G, _NT)
  ak = jnp.stack([lo_k, hi_k], axis=1).reshape(_G, _NT)
  cnt = jnp.sum(at, axis=1, keepdims=True)
  cntc = jnp.maximum(cnt, 1.0)
  ones_row = jnp.ones((1, _NT), jnp.float32)
  cnt_r = jnp.maximum(
      lax.dot_general(ones_row, at, (((1,), (1,)), ((), ())),
                      preferred_element_type=jnp.float32,
                      precision=lax.Precision.HIGHEST), 1.0)
  empty = cnt <= 0.0
  mt = at / cntc
  mk = ak / cntc
  xt = jnp.where(empty, _NEG, (at > 0).astype(jnp.float32))
  xk = jnp.where(empty, _NEG, (ak > 0).astype(jnp.float32))
  st = jnp.sqrt(jnp.clip(mt - mt * mt, 0.0, None) + 1e-8)
  sk = jnp.sqrt(jnp.clip(mk - mk * mk, 0.0, None) + 1e-8)
  k128 = cnt - jnp.sum(ak, axis=1, keepdims=True)
  mk1 = k128 / cntc
  xk1 = jnp.where(empty, _NEG, (k128 > 0).astype(jnp.float32))
  sk1 = jnp.sqrt(jnp.clip(mk1 - mk1 * mk1, 0.0, None) + 1e-8)

  ms = sums[0:2, :] / cnt_r
  qs = sums[2:4, :] / cnt_r
  ss = jnp.sqrt(jnp.clip(qs - ms * ms, 0.0, None) + 1e-8)
  small_f = jnp.concatenate([ms, maxs, ss], axis=0)

  hbig = jnp.concatenate([mt, mk, xt, xk, st, sk], axis=1)
  hb = jnp.concatenate([mk1, xk1, sk1], axis=1)
  z1 = jnp.dot(hbig, w1b[...], preferred_element_type=jnp.float32,
               precision=lax.Precision.HIGHEST)
  z1 += jnp.dot(hb, w1c[...], preferred_element_type=jnp.float32,
                precision=lax.Precision.HIGHEST)
  z1 += lax.dot_general(small_f, w1s[...], (((0,), (0,)), ((), ())),
                        preferred_element_type=jnp.float32,
                        precision=lax.Precision.HIGHEST)
  h1 = _leaky(z1 + b1[...])
  h2 = _leaky(jnp.dot(h1, w2[...], preferred_element_type=jnp.float32,
                      precision=lax.Precision.HIGHEST) + b2[...])
  out[...] = jnp.sum(h2 * w3[...], axis=1, keepdims=True) + b3[...]


def _tc_mlp(ht, hk, sm, w1b, w1c, w1s, b1, w2, b2, w3row, b3):
  return pl.pallas_call(
      _tc_mlp_body,
      out_shape=jax.ShapeDtypeStruct((_G, 1), jnp.float32),
  )(ht, hk, sm, w1b, w1c, w1s, b1, w2, b2, w3row, b3)


def kernel(x_type, x_tok, x_small, batch, W1, b1, W2, b2, W3, b3):
  bat = batch.astype(jnp.int32)
  typ = x_type.astype(jnp.int32)
  tok = x_tok.astype(jnp.int32)
  xs = x_small.astype(jnp.float32)
  ht, hk, sm = _sc_pool(bat, typ, tok, xs[:, 0], xs[:, 1])
  out = _tc_mlp(
      ht,
      hk,
      sm,
      W1[_PERM_BIG],
      W1[_B128],
      W1[_SMALL],
      b1.reshape(1, 256),
      W2,
      b2.reshape(1, 256),
      W3.reshape(1, 256),
      b3.reshape(1, 1),
  )
  return out.reshape(-1)

# --- scband reference (transcript-rebuilt; emitter-appended) ---
"""Pipeline reference for scband-mlpbaseline-81922206204130 (READ-ONLY COPY).

The authoritative reference and input builder live on the scoring server;
editing this copy changes nothing except your own understanding.
"""

import jax, jax.numpy as jnp
import numpy as np

N = 160000
NUM_TYPES = 128
TOK_DIM = 129  # tok_dim + 1
SMALL = 2
IN_DIM = NUM_TYPES + TOK_DIM + SMALL  # 259
AGG_DIM = IN_DIM * 3  # 777
HIDDEN = 256
G = 512  # number of graphs / segments


def setup_inputs(seed: int = 0) -> dict:
    key = jax.random.key(seed)
    ks = jax.random.split(key, 10)
    x_type = jax.random.randint(ks[0], (N,), 0, NUM_TYPES)
    x_tok = jax.random.randint(ks[1], (N,), 0, TOK_DIM)
    x_small = jax.random.normal(ks[2], (N, SMALL), dtype=jnp.float32)
    batch = jnp.sort(jax.random.randint(ks[3], (N,), 0, G))
    W1 = jax.random.normal(ks[4], (AGG_DIM, HIDDEN), dtype=jnp.float32) * 0.02
    b1 = jnp.zeros((HIDDEN,), dtype=jnp.float32)
    W2 = jax.random.normal(ks[5], (HIDDEN, HIDDEN), dtype=jnp.float32) * 0.02
    b2 = jnp.zeros((HIDDEN,), dtype=jnp.float32)
    W3 = jax.random.normal(ks[6], (HIDDEN, 1), dtype=jnp.float32) * 0.02
    b3 = jnp.zeros((1,), dtype=jnp.float32)
    return {"x_type": x_type, "x_tok": x_tok, "x_small": x_small, "batch": batch,
            "W1": W1, "b1": b1, "W2": W2, "b2": b2, "W3": W3, "b3": b3}


def _leaky_relu(v):
    return jnp.where(v > 0, v, 0.01 * v)


def reference(x_type, x_tok, x_small, batch, W1, b1, W2, b2, W3, b3):
    # build_features
    h_type = jax.nn.one_hot(x_type, NUM_TYPES, dtype=jnp.float32)
    xk = jnp.clip(x_tok, 0, TOK_DIM - 1)
    h_tok = jax.nn.one_hot(xk, TOK_DIM, dtype=jnp.float32)
    x = jnp.concatenate([h_type, h_tok, x_small], axis=1)
    # global mean / max / std pooling per graph (segment reduce)
    ones = jnp.ones((x.shape[0],), dtype=x.dtype)
    cnt = jax.ops.segment_sum(ones, batch, num_segments=G)
    cnt = jnp.clip(cnt, 1.0, None)[:, None]
    mean = jax.ops.segment_sum(x, batch, num_segments=G) / cnt
    max_ = jax.ops.segment_max(x, batch, num_segments=G)
    mean_sq = jax.ops.segment_sum(x * x, batch, num_segments=G) / cnt
    var = jnp.clip(mean_sq - mean * mean, 0.0, None)
    std = jnp.sqrt(var + 1e-08)
    h = jnp.concatenate([mean, max_, std], axis=1)  # [G, AGG_DIM]
    # MLP (dropout is identity in eval mode)
    h = _leaky_relu(h @ W1 + b1)
    h = _leaky_relu(h @ W2 + b2)
    out = h @ W3 + b3
    return out.reshape(-1)

if __name__ == "__main__":
    import jax
    _d = setup_inputs()
    print(jax.jit(kernel)(*tuple(_d.values())))

</pallas_src>

<mosaic_0001>
#map = affine_map<(d0, d1) -> (0)>
#map1 = affine_map<(d0, d1) -> (0, 0, 0)>
module attributes {stable_mosaic.version = 14 : i64} {
  func.func @_sc_pool_body(%arg0: i32, %arg1: i32, %arg2: memref<160000xi32, #tpu.memory_space<hbm>>, %arg3: memref<160000xi32, #tpu.memory_space<hbm>>, %arg4: memref<160000xi32, #tpu.memory_space<hbm>>, %arg5: memref<160000xf32, #tpu.memory_space<hbm>>, %arg6: memref<160000xf32, #tpu.memory_space<hbm>>, %arg7: memref<32x256x128xi32, #tpu.memory_space<hbm>>, %arg8: memref<32x256x128xi32, #tpu.memory_space<hbm>>, %arg9: memref<32x16x512xf32, #tpu.memory_space<hbm>>, %arg10: memref<5008xi32, #tpu.memory_space<vmem>>, %arg11: memref<5008xi32, #tpu.memory_space<vmem>>, %arg12: memref<5008xi32, #tpu.memory_space<vmem>>, %arg13: memref<5008xf32, #tpu.memory_space<vmem>>, %arg14: memref<5008xf32, #tpu.memory_space<vmem>>, %arg15: memref<256x128xi32, #tpu.memory_space<vmem>>, %arg16: memref<256x128xi32, #tpu.memory_space<vmem>>, %arg17: memref<16x512xf32, #tpu.memory_space<vmem>>) attributes {dimension_semantics = [#tpu.dimension_semantics<core_parallel>, #tpu.dimension_semantics<subcore_parallel>], iteration_bounds = array<i64: 2, 16>, scalar_prefetch = 0 : i64, scratch_operands = 8 : i64, tpu.core_type = #tpu.core_type<sc_vector_subcore>, window_params = [{transform_indices = #map}, {transform_indices = #map}, {transform_indices = #map}, {transform_indices = #map}, {transform_indices = #map}, {transform_indices = #map1}, {transform_indices = #map1}, {transform_indices = #map1}]} {
    %mul3A = arith.constant 2 : i32
    %mul3A_0 = arith.muli %arg1, %mul3A : i32
    %add3A = arith.addi %mul3A_0, %arg0 : i32
    %mul3A_1 = arith.constant 5000 : i32
    %mul3A_2 = arith.muli %add3A, %mul3A_1 : i32
    "tpu.region"() ({
      %run_scoped3A = tpu.sem_alloc : memref<!tpu.dma_semaphore, #tpu.memory_space<semaphore_mem>>
      %dma_start3A = arith.constant 0 : i32
      %dma_start3A_2072 = tpu.memref_slice %arg10[%dma_start3A] : memref<5008xi32, #tpu.memory_space<vmem>> -> memref<5000xi32, #tpu.memory_space<vmem>>
      %dma_start3A_2073 = tpu.memref_slice %arg2[%mul3A_2] : memref<160000xi32, #tpu.memory_space<hbm>> -> memref<5000xi32, #tpu.memory_space<hbm>>
      %dma_start3A_2074 = arith.constant 0 : i32
      %dma_start3A_2075 = tpu.memref_slice %arg10[%dma_start3A_2074] : memref<5008xi32, #tpu.memory_space<vmem>> -> memref<5000xi32, #tpu.memory_space<vmem>>
      %dma_start3A_2076 = tpu.memref_slice %arg2[%mul3A_2] : memref<160000xi32, #tpu.memory_space<hbm>> -> memref<5000xi32, #tpu.memory_space<hbm>>
      tpu.enqueue_dma source(%dma_start3A_2076 : memref<5000xi32, #tpu.memory_space<hbm>>) target(%dma_start3A_2075 : memref<5000xi32, #tpu.memory_space<vmem>>) target_semaphore(%run_scoped3A : memref<!tpu.dma_semaphore, #tpu.memory_space<semaphore_mem>>)
      %dma_wait3A = arith.constant 0 : i32
      %dma_wait3A_2077 = tpu.memref_slice %arg10[%dma_wait3A] : memref<5008xi32, #tpu.memory_space<vmem>> -> memref<5000xi32, #tpu.memory_space<vmem>>
      %dma_wait3A_2078 = tpu.memref_slice %arg2[%mul3A_2] : memref<160000xi32, #tpu.memory_space<hbm>> -> memref<5000xi32, #tpu.memory_space<hbm>>
      %dma_wait3A_2079 = arith.constant 0 : i32
      %dma_wait3A_2080 = tpu.memref_slice %arg10[%dma_wait3A_2079] : memref<5008xi32, #tpu.memory_space<vmem>> -> memref<5000xi32, #tpu.memory_space<vmem>>
      %dma_wait3A_2081 = tpu.memref_slice %arg2[%mul3A_2] : memref<160000xi32, #tpu.memory_space<hbm>> -> memref<5000xi32, #tpu.memory_space<hbm>>
      tpu.wait_dma2 semaphore(%run_scoped3A : memref<!tpu.dma_semaphore, #tpu.memory_space<semaphore_mem>>) src(%dma_wait3A_2081 : memref<5000xi32, #tpu.memory_space<hbm>>) dst(%dma_wait3A_2080 : memref<5000xi32, #tpu.memory_space<vmem>>)
      tpu.yield
    }) : () -> ()
    "tpu.region"() ({
      %run_scoped3A = tpu.sem_alloc : memref<!tpu.dma_semaphore, #tpu.memory_space<semaphore_mem>>
      %dma_start3A = arith.constant 0 : i32
      %dma_start3A_2072 = tpu.memref_slice %arg11[%dma_start3A] : memref<5008xi32, #tpu.memory_space<vmem>> -> memref<5000xi32, #tpu.memory_space<vmem>>
      %dma_start3A_2073 = tpu.memref_slice %arg3[%mul3A_2] : memref<160000xi32, #tpu.memory_space<hbm>> -> memref<5000xi32, #tpu.memory_space<hbm>>
      %dma_start3A_2074 = arith.constant 0 : i32
      %dma_start3A_2075 = tpu.memref_slice %arg11[%dma_start3A_2074] : memref<5008xi32, #tpu.memory_space<vmem>> -> memref<5000xi32, #tpu.memory_space<vmem>>
      %dma_start3A_2076 = tpu.memref_slice %arg3[%mul3A_2] : memref<160000xi32, #tpu.memory_space<hbm>> -> memref<5000xi32, #tpu.memory_space<hbm>>
      tpu.enqueue_dma source(%dma_start3A_2076 : memref<5000xi32, #tpu.memory_space<hbm>>) target(%dma_start3A_2075 : memref<5000xi32, #tpu.memory_space<vmem>>) target_semaphore(%run_scoped3A : memref<!tpu.dma_semaphore, #tpu.memory_space<semaphore_mem>>)
      %dma_wait3A = arith.constant 0 : i32
      %dma_wait3A_2077 = tpu.memref_slice %arg11[%dma_wait3A] : memref<5008xi32, #tpu.memory_space<vmem>> -> memref<5000xi32, #tpu.memory_space<vmem>>
      %dma_wait3A_2078 = tpu.memref_slice %arg3[%mul3A_2] : memref<160000xi32, #tpu.memory_space<hbm>> -> memref<5000xi32, #tpu.memory_space<hbm>>
      %dma_wait3A_2079 = arith.constant 0 : i32
      %dma_wait3A_2080 = tpu.memref_slice %arg11[%dma_wait3A_2079] : memref<5008xi32, #tpu.memory_space<vmem>> -> memref<5000xi32, #tpu.memory_space<vmem>>
      %dma_wait3A_2081 = tpu.memref_slice %arg3[%mul3A_2] : memref<160000xi32, #tpu.memory_space<hbm>> -> memref<5000xi32, #tpu.memory_space<hbm>>
      tpu.wait_dma2 semaphore(%run_scoped3A : memref<!tpu.dma_semaphore, #tpu.memory_space<semaphore_mem>>) src(%dma_wait3A_2081 : memref<5000xi32, #tpu.memory_space<hbm>>) dst(%dma_wait3A_2080 : memref<5000xi32, #tpu.memory_space<vmem>>)
      tpu.yield
    }) : () -> ()
    "tpu.region"() ({
      %run_scoped3A = tpu.sem_alloc : memref<!tpu.dma_semaphore, #tpu.memory_space<semaphore_mem>>
      %dma_start3A = arith.constant 0 : i32
      %dma_start3A_2072 = tpu.memref_slice %arg12[%dma_start3A] : memref<5008xi32, #tpu.memory_space<vmem>> -> memref<5000xi32, #tpu.memory_space<vmem>>
      %dma_start3A_2073 = tpu.memref_slice %arg4[%mul3A_2] : memref<160000xi32, #tpu.memory_space<hbm>> -> memref<5000xi32, #tpu.memory_space<hbm>>
      %dma_start3A_2074 = arith.constant 0 : i32
      %dma_start3A_2075 = tpu.memref_slice %arg12[%dma_start3A_2074] : memref<5008xi32, #tpu.memory_space<vmem>> -> memref<5000xi32, #tpu.memory_space<vmem>>
      %dma_start3A_2076 = tpu.memref_slice %arg4[%mul3A_2] : memref<160000xi32, #tpu.memory_space<hbm>> -> memref<5000xi32, #tpu.memory_space<hbm>>
      tpu.enqueue_dma source(%dma_start3A_2076 : memref<5000xi32, #tpu.memory_space<hbm>>) target(%dma_start3A_2075 : memref<5000xi32, #tpu.memory_space<vmem>>) target_semaphore(%run_scoped3A : memref<!tpu.dma_semaphore, #tpu.memory_space<semaphore_mem>>)
      %dma_wait3A = arith.constant 0 : i32
      %dma_wait3A_2077 = tpu.memref_slice %arg12[%dma_wait3A] : memref<5008xi32, #tpu.memory_space<vmem>> -> memref<5000xi32, #tpu.memory_space<vmem>>
      %dma_wait3A_2078 = tpu.memref_slice %arg4[%mul3A_2] : memref<160000xi32, #tpu.memory_space<hbm>> -> memref<5000xi32, #tpu.memory_space<hbm>>
      %dma_wait3A_2079 = arith.constant 0 : i32
      %dma_wait3A_2080 = tpu.memref_slice %arg12[%dma_wait3A_2079] : memref<5008xi32, #tpu.memory_space<vmem>> -> memref<5000xi32, #tpu.memory_space<vmem>>
      %dma_wait3A_2081 = tpu.memref_slice %arg4[%mul3A_2] : memref<160000xi32, #tpu.memory_space<hbm>> -> memref<5000xi32, #tpu.memory_space<hbm>>
      tpu.wait_dma2 semaphore(%run_scoped3A : memref<!tpu.dma_semaphore, #tpu.memory_space<semaphore_mem>>) src(%dma_wait3A_2081 : memref<5000xi32, #tpu.memory_space<hbm>>) dst(%dma_wait3A_2080 : memref<5000xi32, #tpu.memory_space<vmem>>)
      tpu.yield
    }) : () -> ()
    "tpu.region"() ({
      %run_scoped3A = tpu.sem_alloc : memref<!tpu.dma_semaphore, #tpu.memory_space<semaphore_mem>>
      %dma_start3A = arith.constant 0 : i32
      %dma_start3A_2072 = tpu.memref_slice %arg13[%dma_start3A] : memref<5008xf32, #tpu.memory_space<vmem>> -> memref<5000xf32, #tpu.memory_space<vmem>>
      %dma_start3A_2073 = tpu.memref_slice %arg5[%mul3A_2] : memref<160000xf32, #tpu.memory_space<hbm>> -> memref<5000xf32, #tpu.memory_space<hbm>>
      %dma_start3A_2074 = arith.constant 0 : i32
      %dma_start3A_2075 = tpu.memref_slice %arg13[%dma_start3A_2074] : memref<5008xf32, #tpu.memory_space<vmem>> -> memref<5000xf32, #tpu.memory_space<vmem>>
      %dma_start3A_2076 = tpu.memref_slice %arg5[%mul3A_2] : memref<160000xf32, #tpu.memory_space<hbm>> -> memref<5000xf32, #tpu.memory_space<hbm>>
      tpu.enqueue_dma source(%dma_start3A_2076 : memref<5000xf32, #tpu.memory_space<hbm>>) target(%dma_start3A_2075 : memref<5000xf32, #tpu.memory_space<vmem>>) target_semaphore(%run_scoped3A : memref<!tpu.dma_semaphore, #tpu.memory_space<semaphore_mem>>)
      %dma_wait3A = arith.constant 0 : i32
      %dma_wait3A_2077 = tpu.memref_slice %arg13[%dma_wait3A] : memref<5008xf32, #tpu.memory_space<vmem>> -> memref<5000xf32, #tpu.memory_space<vmem>>
      %dma_wait3A_2078 = tpu.memref_slice %arg5[%mul3A_2] : memref<160000xf32, #tpu.memory_space<hbm>> -> memref<5000xf32, #tpu.memory_space<hbm>>
      %dma_wait3A_2079 = arith.constant 0 : i32
      %dma_wait3A_2080 = tpu.memref_slice %arg13[%dma_wait3A_2079] : memref<5008xf32, #tpu.memory_space<vmem>> -> memref<5000xf32, #tpu.memory_space<vmem>>
      %dma_wait3A_2081 = tpu.memref_slice %arg5[%mul3A_2] : memref<160000xf32, #tpu.memory_space<hbm>> -> memref<5000xf32, #tpu.memory_space<hbm>>
      tpu.wait_dma2 semaphore(%run_scoped3A : memref<!tpu.dma_semaphore, #tpu.memory_space<semaphore_mem>>) src(%dma_wait3A_2081 : memref<5000xf32, #tpu.memory_space<hbm>>) dst(%dma_wait3A_2080 : memref<5000xf32, #tpu.memory_space<vmem>>)
      tpu.yield
    }) : () -> ()
    "tpu.region"() ({
      %run_scoped3A = tpu.sem_alloc : memref<!tpu.dma_semaphore, #tpu.memory_space<semaphore_mem>>
      %dma_start3A = arith.constant 0 : i32
      %dma_start3A_2072 = tpu.memref_slice %arg14[%dma_start3A] : memref<5008xf32, #tpu.memory_space<vmem>> -> memref<5000xf32, #tpu.memory_space<vmem>>
      %dma_start3A_2073 = tpu.memref_slice %arg6[%mul3A_2] : memref<160000xf32, #tpu.memory_space<hbm>> -> memref<5000xf32, #tpu.memory_space<hbm>>
      %dma_start3A_2074 = arith.constant 0 : i32
      %dma_start3A_2075 = tpu.memref_slice %arg14[%dma_start3A_2074] : memref<5008xf32, #tpu.memory_space<vmem>> -> memref<5000xf32, #tpu.memory_space<vmem>>
      %dma_start3A_2076 = tpu.memref_slice %arg6[%mul3A_2] : memref<160000xf32, #tpu.memory_space<hbm>> -> memref<5000xf32, #tpu.memory_space<hbm>>
      tpu.enqueue_dma source(%dma_start3A_2076 : memref<5000xf32, #tpu.memory_space<hbm>>) target(%dma_start3A_2075 : memref<5000xf32, #tpu.memory_space<vmem>>) target_semaphore(%run_scoped3A : memref<!tpu.dma_semaphore, #tpu.memory_space<semaphore_mem>>)
      %dma_wait3A = arith.constant 0 : i32
      %dma_wait3A_2077 = tpu.memref_slice %arg14[%dma_wait3A] : memref<5008xf32, #tpu.memory_space<vmem>> -> memref<5000xf32, #tpu.memory_space<vmem>>
      %dma_wait3A_2078 = tpu.memref_slice %arg6[%mul3A_2] : memref<160000xf32, #tpu.memory_space<hbm>> -> memref<5000xf32, #tpu.memory_space<hbm>>
      %dma_wait3A_2079 = arith.constant 0 : i32
      %dma_wait3A_2080 = tpu.memref_slice %arg14[%dma_wait3A_2079] : memref<5008xf32, #tpu.memory_space<vmem>> -> memref<5000xf32, #tpu.memory_space<vmem>>
      %dma_wait3A_2081 = tpu.memref_slice %arg6[%mul3A_2] : memref<160000xf32, #tpu.memory_space<hbm>> -> memref<5000xf32, #tpu.memory_space<hbm>>
      tpu.wait_dma2 semaphore(%run_scoped3A : memref<!tpu.dma_semaphore, #tpu.memory_space<semaphore_mem>>) src(%dma_wait3A_2081 : memref<5000xf32, #tpu.memory_space<hbm>>) dst(%dma_wait3A_2080 : memref<5000xf32, #tpu.memory_space<vmem>>)
      tpu.yield
    }) : () -> ()
    %iota3A = tpu.iota {dimensions = array<i32: 0>} : vector<16xi32>
    %broadcast_in_dim3A = arith.constant 0 : i32
    %broadcast_in_dim3A_3 = vector.broadcast %broadcast_in_dim3A : i32 to vector<16xi32>
    %broadcast_in_dim3A_4 = arith.constant 0.000000e+00 : f32
    %broadcast_in_dim3A_5 = vector.broadcast %broadcast_in_dim3A_4 : f32 to vector<16xf32>
    %broadcast_in_dim3A_6 = arith.constant 0xFF800000 : f32
    %broadcast_in_dim3A_7 = vector.broadcast %broadcast_in_dim3A_6 : f32 to vector<16xf32>
    %scan3A = arith.constant 0 : i32
    %scan3A_8 = arith.constant 0 : i32
    %scan3A_9 = arith.constant 256 : i32
    %scan3A_10 = arith.addi %scan3A_8, %scan3A_9 : i32
    %scan3A_11 = arith.constant 1 : i32
    scf.for %scan3A_2072 = %scan3A_8 to %scan3A_10 step %scan3A_11  : i32 {
      %swap3A_2073 = arith.index_cast %scan3A_2072 : i32 to index
      %swap3A_2074 = arith.constant 0 : index
      %swap3A_2075 = tpu.vector_load %arg15[%swap3A_2073, %swap3A_2074] {strides = array<i32>} : memref<256x128xi32, #tpu.memory_space<vmem>>, vector<16xi32>,
      tpu.vector_store %arg15[%swap3A_2073, %swap3A_2074], %broadcast_in_dim3A_3 {strides = array<i32>} : memref<256x128xi32, #tpu.memory_space<vmem>>, vector<16xi32>,
      %swap3A_2076 = arith.index_cast %scan3A_2072 : i32 to index
      %swap3A_2077 = arith.constant 0 : index
      %swap3A_2078 = tpu.vector_load %arg16[%swap3A_2076, %swap3A_2077] {strides = array<i32>} : memref<256x128xi32, #tpu.memory_space<vmem>>, vector<16xi32>,
      tpu.vector_store %arg16[%swap3A_2076, %swap3A_2077], %broadcast_in_dim3A_3 {strides = array<i32>} : memref<256x128xi32, #tpu.memory_space<vmem>>, vector<16xi32>,
      %swap3A_2079 = arith.index_cast %scan3A_2072 : i32 to index
      %swap3A_2080 = arith.constant 16 : index
      %swap3A_2081 = tpu.vector_load %arg15[%swap3A_2079, %swap3A_2080] {strides = array<i32>} : memref<256x128xi32, #tpu.memory_space<vmem>>, vector<16xi32>,
      tpu.vector_store %arg15[%swap3A_2079, %swap3A_2080], %broadcast_in_dim3A_3 {strides = array<i32>} : memref<256x128xi32, #tpu.memory_space<vmem>>, vector<16xi32>,
      %swap3A_2082 = arith.index_cast %scan3A_2072 : i32 to index
      %swap3A_2083 = arith.constant 16 : index
      %swap3A_2084 = tpu.vector_load %arg16[%swap3A_2082, %swap3A_2083] {strides = array<i32>} : memref<256x128xi32, #tpu.memory_space<vmem>>, vector<16xi32>,
      tpu.vector_store %arg16[%swap3A_2082, %swap3A_2083], %broadcast_in_dim3A_3 {strides = array<i32>} : memref<256x128xi32, #tpu.memory_space<vmem>>, vector<16xi32>,
      %swap3A_2085 = arith.index_cast %scan3A_2072 : i32 to index
      %swap3A_2086 = arith.constant 32 : index
      %swap3A_2087 = tpu.vector_load %arg15[%swap3A_2085, %swap3A_2086] {strides = array<i32>} : memref<256x128xi32, #tpu.memory_space<vmem>>, vector<16xi32>,
      tpu.vector_store %arg15[%swap3A_2085, %swap3A_2086], %broadcast_in_dim3A_3 {strides = array<i32>} : memref<256x128xi32, #tpu.memory_space<vmem>>, vector<16xi32>,
      %swap3A_2088 = arith.index_cast %scan3A_2072 : i32 to index
      %swap3A_2089 = arith.constant 32 : index
      %swap3A_2090 = tpu.vector_load %arg16[%swap3A_2088, %swap3A_2089] {strides = array<i32>} : memref<256x128xi32, #tpu.memory_space<vmem>>, vector<16xi32>,
      tpu.vector_store %arg16[%swap3A_2088, %swap3A_2089], %broadcast_in_dim3A_3 {strides = array<i32>} : memref<256x128xi32, #tpu.memory_space<vmem>>, vector<16xi32>,
      %swap3A_2091 = arith.index_cast %scan3A_2072 : i32 to index
      %swap3A_2092 = arith.constant 48 : index
      %swap3A_2093 = tpu.vector_load %arg15[%swap3A_2091, %swap3A_2092] {strides = array<i32>} : memref<256x128xi32, #tpu.memory_space<vmem>>, vector<16xi32>,
      tpu.vector_store %arg15[%swap3A_2091, %swap3A_2092], %broadcast_in_dim3A_3 {strides = array<i32>} : memref<256x128xi32, #tpu.memory_space<vmem>>, vector<16xi32>,
      %swap3A_2094 = arith.index_cast %scan3A_2072 : i32 to index
      %swap3A_2095 = arith.constant 48 : index
      %swap3A_2096 = tpu.vector_load %arg16[%swap3A_2094, %swap3A_2095] {strides = array<i32>} : memref<256x128xi32, #tpu.memory_space<vmem>>, vector<16xi32>,
      tpu.vector_store %arg16[%swap3A_2094, %swap3A_2095], %broadcast_in_dim3A_3 {strides = array<i32>} : memref<256x128xi32, #tpu.memory_space<vmem>>, vector<16xi32>,
      %swap3A_2097 = arith.index_cast %scan3A_2072 : i32 to index
      %swap3A_2098 = arith.constant 64 : index
      %swap3A_2099 = tpu.vector_load %arg15[%swap3A_2097, %swap3A_2098] {strides = array<i32>} : memref<256x128xi32, #tpu.memory_space<vmem>>, vector<16xi32>,
      tpu.vector_store %arg15[%swap3A_2097, %swap3A_2098], %broadcast_in_dim3A_3 {strides = array<i32>} : memref<256x128xi32, #tpu.memory_space<vmem>>, vector<16xi32>,
      %swap3A_2100 = arith.index_cast %scan3A_2072 : i32 to index
      %swap3A_2101 = arith.constant 64 : index
      %swap3A_2102 = tpu.vector_load %arg16[%swap3A_2100, %swap3A_2101] {strides = array<i32>} : memref<256x128xi32, #tpu.memory_space<vmem>>, vector<16xi32>,
      tpu.vector_store %arg16[%swap3A_2100, %swap3A_2101], %broadcast_in_dim3A_3 {strides = array<i32>} : memref<256x128xi32, #tpu.memory_space<vmem>>, vector<16xi32>,
      %swap3A_2103 = arith.index_cast %scan3A_2072 : i32 to index
      %swap3A_2104 = arith.constant 80 : index
      %swap3A_2105 = tpu.vector_load %arg15[%swap3A_2103, %swap3A_2104] {strides = array<i32>} : memref<256x128xi32, #tpu.memory_space<vmem>>, vector<16xi32>,
      tpu.vector_store %arg15[%swap3A_2103, %swap3A_2104], %broadcast_in_dim3A_3 {strides = array<i32>} : memref<256x128xi32, #tpu.memory_space<vmem>>, vector<16xi32>,
      %swap3A_2106 = arith.index_cast %scan3A_2072 : i32 to index
      %swap3A_2107 = arith.constant 80 : index
      %swap3A_2108 = tpu.vector_load %arg16[%swap3A_2106, %swap3A_2107] {strides = array<i32>} : memref<256x128xi32, #tpu.memory_space<vmem>>, vector<16xi32>,
      tpu.vector_store %arg16[%swap3A_2106, %swap3A_2107], %broadcast_in_dim3A_3 {strides = array<i32>} : memref<256x128xi32, #tpu.memory_space<vmem>>, vector<16xi32>,
      %swap3A_2109 = arith.index_cast %scan3A_2072 : i32 to index
      %swap3A_2110 = arith.constant 96 : index
      %swap3A_2111 = tpu.vector_load %arg15[%swap3A_2109, %swap3A_2110] {strides = array<i32>} : memref<256x128xi32, #tpu.memory_space<vmem>>, vector<16xi32>,
      tpu.vector_store %arg15[%swap3A_2109, %swap3A_2110], %broadcast_in_dim3A_3 {strides = array<i32>} : memref<256x128xi32, #tpu.memory_space<vmem>>, vector<16xi32>,
      %swap3A_2112 = arith.index_cast %scan3A_2072 : i32 to index
      %swap3A_2113 = arith.constant 96 : index
      %swap3A_2114 = tpu.vector_load %arg16[%swap3A_2112, %swap3A_2113] {strides = array<i32>} : memref<256x128xi32, #tpu.memory_space<vmem>>, vector<16xi32>,
      tpu.vector_store %arg16[%swap3A_2112, %swap3A_2113], %broadcast_in_dim3A_3 {strides = array<i32>} : memref<256x128xi32, #tpu.memory_space<vmem>>, vector<16xi32>,
      %swap3A_2115 = arith.index_cast %scan3A_2072 : i32 to index
      %swap3A_2116 = arith.constant 112 : index
      %swap3A_2117 = tpu.vector_load %arg15[%swap3A_2115, %swap3A_2116] {strides = array<i32>} : memref<256x128xi32, #tpu.memory_space<vmem>>, vector<16xi32>,
      tpu.vector_store %arg15[%swap3A_2115, %swap3A_2116], %broadcast_in_dim3A_3 {strides = array<i32>} : memref<256x128xi32, #tpu.memory_space<vmem>>, vector<16xi32>,
      %swap3A_2118 = arith.index_cast %scan3A_2072 : i32 to index
      %swap3A_2119 = arith.constant 112 : index
      %swap3A_2120 = tpu.vector_load %arg16[%swap3A_2118, %swap3A_2119] {strides = array<i32>} : memref<256x128xi32, #tpu.memory_space<vmem>>, vector<16xi32>,
      tpu.vector_store %arg16[%swap3A_2118, %swap3A_2119], %broadcast_in_dim3A_3 {strides = array<i32>} : memref<256x128xi32, #tpu.memory_space<vmem>>, vector<16xi32>,
    }
    %scan3A_12 = arith.constant 256 : i32
    %swap3A = arith.constant 0 : i32
    %swap3A_13 = arith.index_cast %swap3A : i32 to index
    %swap3A_14 = arith.constant 0 : index
    %swap3A_15 = tpu.vector_load %arg17[%swap3A_13, %swap3A_14] {strides = array<i32>} : memref<16x512xf32, #tpu.memory_space<vmem>>, vector<16xf32>,
    tpu.vector_store %arg17[%swap3A_13, %swap3A_14], %broadcast_in_dim3A_5 {strides = array<i32>} : memref<16x512xf32, #tpu.memory_space<vmem>>, vector<16xf32>,
    %swap3A_16 = arith.constant 0 : i32
    %swap3A_17 = arith.index_cast %swap3A_16 : i32 to index
    %swap3A_18 = arith.constant 16 : index
    %swap3A_19 = tpu.vector_load %arg17[%swap3A_17, %swap3A_18] {strides = array<i32>} : memref<16x512xf32, #tpu.memory_space<vmem>>, vector<16xf32>,
    tpu.vector_store %arg17[%swap3A_17, %swap3A_18], %broadcast_in_dim3A_5 {strides = array<i32>} : memref<16x512xf32, #tpu.memory_space<vmem>>, vector<16xf32>,
    %swap3A_20 = arith.constant 0 : i32
    %swap3A_21 = arith.index_cast %swap3A_20 : i32 to index
    %swap3A_22 = arith.constant 32 : index
    %swap3A_23 = tpu.vector_load %arg17[%swap3A_21, %swap3A_22] {strides = array<i32>} : memref<16x512xf32, #tpu.memory_space<vmem>>, vector<16xf32>,
    tpu.vector_store %arg17[%swap3A_21, %swap3A_22], %broadcast_in_dim3A_5 {strides = array<i32>} : memref<16x512xf32, #tpu.memory_space<vmem>>, vector<16xf32>,
    %swap3A_24 = arith.constant 0 : i32
    %swap3A_25 = arith.index_cast %swap3A_24 : i32 to index
    %swap3A_26 = arith.constant 48 : index
    %swap3A_27 = tpu.vector_load %arg17[%swap3A_25, %swap3A_26] {strides = array<i32>} : memref<16x512xf32, #tpu.memory_space<vmem>>, vector<16xf32>,
    tpu.vector_store %arg17[%swap3A_25, %swap3A_26], %broadcast_in_dim3A_5 {strides = array<i32>} : memref<16x512xf32, #tpu.memory_space<vmem>>, vector<16xf32>,
    %swap3A_28 = arith.constant 0 : i32
    %swap3A_29 = arith.index_cast %swap3A_28 : i32 to index
    %swap3A_30 = arith.constant 64 : index
    %swap3A_31 = tpu.vector_load %arg17[%swap3A_29, %swap3A_30] {strides = array<i32>} : memref<16x512xf32, #tpu.memory_space<vmem>>, vector<16xf32>,
    tpu.vector_store %arg17[%swap3A_29, %swap3A_30], %broadcast_in_dim3A_5 {strides = array<i32>} : memref<16x512xf32, #tpu.memory_space<vmem>>, vector<16xf32>,
    %swap3A_32 = arith.constant 0 : i32
    %swap3A_33 = arith.index_cast %swap3A_32 : i32 to index
    %swap3A_34 = arith.constant 80 : index
    %swap3A_35 = tpu.vector_load %arg17[%swap3A_33, %swap3A_34] {strides = array<i32>} : memref<16x512xf32, #tpu.memory_space<vmem>>, vector<16xf32>,
    tpu.vector_store %arg17[%swap3A_33, %swap3A_34], %broadcast_in_dim3A_5 {strides = array<i32>} : memref<16x512xf32, #tpu.memory_space<vmem>>, vector<16xf32>,
    %swap3A_36 = arith.constant 0 : i32
    %swap3A_37 = arith.index_cast %swap3A_36 : i32 to index
    %swap3A_38 = arith.constant 96 : index
    %swap3A_39 = tpu.vector_load %arg17[%swap3A_37, %swap3A_38] {strides = array<i32>} : memref<16x512xf32, #tpu.memory_space<vmem>>, vector<16xf32>,
    tpu.vector_store %arg17[%swap3A_37, %swap3A_38], %broadcast_in_dim3A_5 {strides = array<i32>} : memref<16x512xf32, #tpu.memory_space<vmem>>, vector<16xf32>,
    %swap3A_40 = arith.constant 0 : i32
    %swap3A_41 = arith.index_cast %swap3A_40 : i32 to index
    %swap3A_42 = arith.constant 112 : index
    %swap3A_43 = tpu.vector_load %arg17[%swap3A_41, %swap3A_42] {strides = array<i32>} : memref<16x512xf32, #tpu.memory_space<vmem>>, vector<16xf32>,
    tpu.vector_store %arg17[%swap3A_41, %swap3A_42], %broadcast_in_dim3A_5 {strides = array<i32>} : memref<16x512xf32, #tpu.memory_space<vmem>>, vector<16xf32>,
    %swap3A_44 = arith.constant 0 : i32
    %swap3A_45 = arith.index_cast %swap3A_44 : i32 to index
    %swap3A_46 = arith.constant 128 : index
    %swap3A_47 = tpu.vector_load %arg17[%swap3A_45, %swap3A_46] {strides = array<i32>} : memref<16x512xf32, #tpu.memory_space<vmem>>, vector<16xf32>,
    tpu.vector_store %arg17[%swap3A_45, %swap3A_46], %broadcast_in_dim3A_5 {strides = array<i32>} : memref<16x512xf32, #tpu.memory_space<vmem>>, vector<16xf32>,
    %swap3A_48 = arith.constant 0 : i32
    %swap3A_49 = arith.index_cast %swap3A_48 : i32 to index
    %swap3A_50 = arith.constant 144 : index
    %swap3A_51 = tpu.vector_load %arg17[%swap3A_49, %swap3A_50] {strides = array<i32>} : memref<16x512xf32, #tpu.memory_space<vmem>>, vector<16xf32>,
    tpu.vector_store %arg17[%swap3A_49, %swap3A_50], %broadcast_in_dim3A_5 {strides = array<i32>} : memref<16x512xf32, #tpu.memory_space<vmem>>, vector<16xf32>,
    %swap3A_52 = arith.constant 0 : i32
    %swap3A_53 = arith.index_cast %swap3A_52 : i32 to index
    %swap3A_54 = arith.constant 160 : index
    %swap3A_55 = tpu.vector_load %arg17[%swap3A_53, %swap3A_54] {strides = array<i32>} : memref<16x512xf32, #tpu.memory_space<vmem>>, vector<16xf32>,
    tpu.vector_store %arg17[%swap3A_53, %swap3A_54], %broadcast_in_dim3A_5 {strides = array<i32>} : memref<16x512xf32, #tpu.memory_space<vmem>>, vector<16xf32>,
    %swap3A_56 = arith.constant 0 : i32
    %swap3A_57 = arith.index_cast %swap3A_56 : i32 to index
    %swap3A_58 = arith.constant 176 : index
    %swap3A_59 = tpu.vector_load %arg17[%swap3A_57, %swap3A_58] {strides = array<i32>} : memref<16x512xf32, #tpu.memory_space<vmem>>, vector<16xf32>,
    tpu.vector_store %arg17[%swap3A_57, %swap3A_58], %broadcast_in_dim3A_5 {strides = array<i32>} : memref<16x512xf32, #tpu.memory_space<vmem>>, vector<16xf32>,
    %swap3A_60 = arith.constant 0 : i32
    %swap3A_61 = arith.index_cast %swap3A_60 : i32 to index
    %swap3A_62 = arith.constant 192 : index
    %swap3A_63 = tpu.vector_load %arg17[%swap3A_61, %swap3A_62] {strides = array<i32>} : memref<16x512xf32, #tpu.memory_space<vmem>>, vector<16xf32>,
    tpu.vector_store %arg17[%swap3A_61, %swap3A_62], %broadcast_in_dim3A_5 {strides = array<i32>} : memref<16x512xf32, #tpu.memory_space<vmem>>, vector<16xf32>,
    %swap3A_64 = arith.constant 0 : i32
    %swap3A_65 = arith.index_cast %swap3A_64 : i32 to index
    %swap3A_66 = arith.constant 208 : index
    %swap3A_67 = tpu.vector_load %arg17[%swap3A_65, %swap3A_66] {strides = array<i32>} : memref<16x512xf32, #tpu.memory_space<vmem>>, vector<16xf32>,
    tpu.vector_store %arg17[%swap3A_65, %swap3A_66], %broadcast_in_dim3A_5 {strides = array<i32>} : memref<16x512xf32, #tpu.memory_space<vmem>>, vector<16xf32>,
    %swap3A_68 = arith.constant 0 : i32
    %swap3A_69 = arith.index_cast %swap3A_68 : i32 to index
    %swap3A_70 = arith.constant 224 : index
    %swap3A_71 = tpu.vector_load %arg17[%swap3A_69, %swap3A_70] {strides = array<i32>} : memref<16x512xf32, #tpu.memory_space<vmem>>, vector<16xf32>,
    tpu.vector_store %arg17[%swap3A_69, %swap3A_70], %broadcast_in_dim3A_5 {strides = array<i32>} : memref<16x512xf32, #tpu.memory_space<vmem>>, vector<16xf32>,
    %swap3A_72 = arith.constant 0 : i32
    %swap3A_73 = arith.index_cast %swap3A_72 : i32 to index
    %swap3A_74 = arith.constant 240 : index
    %swap3A_75 = tpu.vector_load %arg17[%swap3A_73, %swap3A_74] {strides = array<i32>} : memref<16x512xf32, #tpu.memory_space<vmem>>, vector<16xf32>,
    tpu.vector_store %arg17[%swap3A_73, %swap3A_74], %broadcast_in_dim3A_5 {strides = array<i32>} : memref<16x512xf32, #tpu.memory_space<vmem>>, vector<16xf32>,
    %swap3A_76 = arith.constant 0 : i32
    %swap3A_77 = arith.index_cast %swap3A_76 : i32 to index
    %swap3A_78 = arith.constant 256 : index
    %swap3A_79 = tpu.vector_load %arg17[%swap3A_77, %swap3A_78] {strides = array<i32>} : memref<16x512xf32, #tpu.memory_space<vmem>>, vector<16xf32>,
    tpu.vector_store %arg17[%swap3A_77, %swap3A_78], %broadcast_in_dim3A_5 {strides = array<i32>} : memref<16x512xf32, #tpu.memory_space<vmem>>, vector<16xf32>,
    %swap3A_80 = arith.constant 0 : i32
    %swap3A_81 = arith.index_cast %swap3A_80 : i32 to index
    %swap3A_82 = arith.constant 272 : index
    %swap3A_83 = tpu.vector_load %arg17[%swap3A_81, %swap3A_82] {strides = array<i32>} : memref<16x512xf32, #tpu.memory_space<vmem>>, vector<16xf32>,
    tpu.vector_store %arg17[%swap3A_81, %swap3A_82], %broadcast_in_dim3A_5 {strides = array<i32>} : memref<16x512xf32, #tpu.memory_space<vmem>>, vector<16xf32>,
    %swap3A_84 = arith.constant 0 : i32
    %swap3A_85 = arith.index_cast %swap3A_84 : i32 to index
    %swap3A_86 = arith.constant 288 : index
    %swap3A_87 = tpu.vector_load %arg17[%swap3A_85, %swap3A_86] {strides = array<i32>} : memref<16x512xf32, #tpu.memory_space<vmem>>, vector<16xf32>,
    tpu.vector_store %arg17[%swap3A_85, %swap3A_86], %broadcast_in_dim3A_5 {strides = array<i32>} : memref<16x512xf32, #tpu.memory_space<vmem>>, vector<16xf32>,
    %swap3A_88 = arith.constant 0 : i32
    %swap3A_89 = arith.index_cast %swap3A_88 : i32 to index
    %swap3A_90 = arith.constant 304 : index
    %swap3A_91 = tpu.vector_load %arg17[%swap3A_89, %swap3A_90] {strides = array<i32>} : memref<16x512xf32, #tpu.memory_space<vmem>>, vector<16xf32>,
    tpu.vector_store %arg17[%swap3A_89, %swap3A_90], %broadcast_in_dim3A_5 {strides = array<i32>} : memref<16x512xf32, #tpu.memory_space<vmem>>, vector<16xf32>,
    %swap3A_92 = arith.constant 0 : i32
    %swap3A_93 = arith.index_cast %swap3A_92 : i32 to index
    %swap3A_94 = arith.constant 320 : index
    %swap3A_95 = tpu.vector_load %arg17[%swap3A_93, %swap3A_94] {strides = array<i32>} : memref<16x512xf32, #tpu.memory_space<vmem>>, vector<16xf32>,
    tpu.vector_store %arg17[%swap3A_93, %swap3A_94], %broadcast_in_dim3A_5 {strides = array<i32>} : memref<16x512xf32, #tpu.memory_space<vmem>>, vector<16xf32>,
    %swap3A_96 = arith.constant 0 : i32
    %swap3A_97 = arith.index_cast %swap3A_96 : i32 to index
    %swap3A_98 = arith.constant 336 : index
    %swap3A_99 = tpu.vector_load %arg17[%swap3A_97, %swap3A_98] {strides = array<i32>} : memref<16x512xf32, #tpu.memory_space<vmem>>, vector<16xf32>,
    tpu.vector_store %arg17[%swap3A_97, %swap3A_98], %broadcast_in_dim3A_5 {strides = array<i32>} : memref<16x512xf32, #tpu.memory_space<vmem>>, vector<16xf32>,
    %swap3A_100 = arith.constant 0 : i32
    %swap3A_101 = arith.index_cast %swap3A_100 : i32 to index
    %swap3A_102 = arith.constant 352 : index
    %swap3A_103 = tpu.vector_load %arg17[%swap3A_101, %swap3A_102] {strides = array<i32>} : memref<16x512xf32, #tpu.memory_space<vmem>>, vector<16xf32>,
    tpu.vector_store %arg17[%swap3A_101, %swap3A_102], %broadcast_in_dim3A_5 {strides = array<i32>} : memref<16x512xf32, #tpu.memory_space<vmem>>, vector<16xf32>,
    %swap3A_104 = arith.constant 0 : i32
    %swap3A_105 = arith.index_cast %swap3A_104 : i32 to index
    %swap3A_106 = arith.constant 368 : index
    %swap3A_107 = tpu.vector_load %arg17[%swap3A_105, %swap3A_106] {strides = array<i32>} : memref<16x512xf32, #tpu.memory_space<vmem>>, vector<16xf32>,
    tpu.vector_store %arg17[%swap3A_105, %swap3A_106], %broadcast_in_dim3A_5 {strides = array<i32>} : memref<16x512xf32, #tpu.memory_space<vmem>>, vector<16xf32>,
    %swap3A_108 = arith.constant 0 : i32
    %swap3A_109 = arith.index_cast %swap3A_108 : i32 to index
    %swap3A_110 = arith.constant 384 : index
    %swap3A_111 = tpu.vector_load %arg17[%swap3A_109, %swap3A_110] {strides = array<i32>} : memref<16x512xf32, #tpu.memory_space<vmem>>, vector<16xf32>,
    tpu.vector_store %arg17[%swap3A_109, %swap3A_110], %broadcast_in_dim3A_5 {strides = array<i32>} : memref<16x512xf32, #tpu.memory_space<vmem>>, vector<16xf32>,
    %swap3A_112 = arith.constant 0 : i32
    %swap3A_113 = arith.index_cast %swap3A_112 : i32 to index
    %swap3A_114 = arith.constant 400 : index
    %swap3A_115 = tpu.vector_load %arg17[%swap3A_113, %swap3A_114] {strides = array<i32>} : memref<16x512xf32, #tpu.memory_space<vmem>>, vector<16xf32>,
    tpu.vector_store %arg17[%swap3A_113, %swap3A_114], %broadcast_in_dim3A_5 {strides = array<i32>} : memref<16x512xf32, #tpu.memory_space<vmem>>, vector<16xf32>,
    %swap3A_116 = arith.constant 0 : i32
    %swap3A_117 = arith.index_cast %swap3A_116 : i32 to index
    %swap3A_118 = arith.constant 416 : index
    %swap3A_119 = tpu.vector_load %arg17[%swap3A_117, %swap3A_118] {strides = array<i32>} : memref<16x512xf32, #tpu.memory_space<vmem>>, vector<16xf32>,
    tpu.vector_store %arg17[%swap3A_117, %swap3A_118], %broadcast_in_dim3A_5 {strides = array<i32>} : memref<16x512xf32, #tpu.memory_space<vmem>>, vector<16xf32>,
    %swap3A_120 = arith.constant 0 : i32
    %swap3A_121 = arith.index_cast %swap3A_120 : i32 to index
    %swap3A_122 = arith.constant 432 : index
    %swap3A_123 = tpu.vector_load %arg17[%swap3A_121, %swap3A_122] {strides = array<i32>} : memref<16x512xf32, #tpu.memory_space<vmem>>, vector<16xf32>,
    tpu.vector_store %arg17[%swap3A_121, %swap3A_122], %broadcast_in_dim3A_5 {strides = array<i32>} : memref<16x512xf32, #tpu.memory_space<vmem>>, vector<16xf32>,
    %swap3A_124 = arith.constant 0 : i32
    %swap3A_125 = arith.index_cast %swap3A_124 : i32 to index
    %swap3A_126 = arith.constant 448 : index
    %swap3A_127 = tpu.vector_load %arg17[%swap3A_125, %swap3A_126] {strides = array<i32>} : memref<16x512xf32, #tpu.memory_space<vmem>>, vector<16xf32>,
    tpu.vector_store %arg17[%swap3A_125, %swap3A_126], %broadcast_in_dim3A_5 {strides = array<i32>} : memref<16x512xf32, #tpu.memory_space<vmem>>, vector<16xf32>,
    %swap3A_128 = arith.constant 0 : i32
    %swap3A_129 = arith.index_cast %swap3A_128 : i32 to index
    %swap3A_130 = arith.constant 464 : index
    %swap3A_131 = tpu.vector_load %arg17[%swap3A_129, %swap3A_130] {strides = array<i32>} : memref<16x512xf32, #tpu.memory_space<vmem>>, vector<16xf32>,
    tpu.vector_store %arg17[%swap3A_129, %swap3A_130], %broadcast_in_dim3A_5 {strides = array<i32>} : memref<16x512xf32, #tpu.memory_space<vmem>>, vector<16xf32>,
    %swap3A_132 = arith.constant 0 : i32
    %swap3A_133 = arith.index_cast %swap3A_132 : i32 to index
    %swap3A_134 = arith.constant 480 : index
    %swap3A_135 = tpu.vector_load %arg17[%swap3A_133, %swap3A_134] {strides = array<i32>} : memref<16x512xf32, #tpu.memory_space<vmem>>, vector<16xf32>,
    tpu.vector_store %arg17[%swap3A_133, %swap3A_134], %broadcast_in_dim3A_5 {strides = array<i32>} : memref<16x512xf32, #tpu.memory_space<vmem>>, vector<16xf32>,
    %swap3A_136 = arith.constant 0 : i32
    %swap3A_137 = arith.index_cast %swap3A_136 : i32 to index
    %swap3A_138 = arith.constant 496 : index
    %swap3A_139 = tpu.vector_load %arg17[%swap3A_137, %swap3A_138] {strides = array<i32>} : memref<16x512xf32, #tpu.memory_space<vmem>>, vector<16xf32>,
    tpu.vector_store %arg17[%swap3A_137, %swap3A_138], %broadcast_in_dim3A_5 {strides = array<i32>} : memref<16x512xf32, #tpu.memory_space<vmem>>, vector<16xf32>,
    %swap3A_140 = arith.constant 1 : i32
    %swap3A_141 = arith.index_cast %swap3A_140 : i32 to index
    %swap3A_142 = arith.constant 0 : index
    %swap3A_143 = tpu.vector_load %arg17[%swap3A_141, %swap3A_142] {strides = array<i32>} : memref<16x512xf32, #tpu.memory_space<vmem>>, vector<16xf32>,
    tpu.vector_store %arg17[%swap3A_141, %swap3A_142], %broadcast_in_dim3A_5 {strides = array<i32>} : memref<16x512xf32, #tpu.memory_space<vmem>>, vector<16xf32>,
    %swap3A_144 = arith.constant 1 : i32
    %swap3A_145 = arith.index_cast %swap3A_144 : i32 to index
    %swap3A_146 = arith.constant 16 : index
    %swap3A_147 = tpu.vector_load %arg17[%swap3A_145, %swap3A_146] {strides = array<i32>} : memref<16x512xf32, #tpu.memory_space<vmem>>, vector<16xf32>,
    tpu.vector_store %arg17[%swap3A_145, %swap3A_146], %broadcast_in_dim3A_5 {strides = array<i32>} : memref<16x512xf32, #tpu.memory_space<vmem>>, vector<16xf32>,
    %swap3A_148 = arith.constant 1 : i32
    %swap3A_149 = arith.index_cast %swap3A_148 : i32 to index
    %swap3A_150 = arith.constant 32 : index
    %swap3A_151 = tpu.vector_load %arg17[%swap3A_149, %swap3A_150] {strides = array<i32>} : memref<16x512xf32, #tpu.memory_space<vmem>>, vector<16xf32>,
    tpu.vector_store %arg17[%swap3A_149, %swap3A_150], %broadcast_in_dim3A_5 {strides = array<i32>} : memref<16x512xf32, #tpu.memory_space<vmem>>, vector<16xf32>,
    %swap3A_152 = arith.constant 1 : i32
    %swap3A_153 = arith.index_cast %swap3A_152 : i32 to index
    %swap3A_154 = arith.constant 48 : index
    %swap3A_155 = tpu.vector_load %arg17[%swap3A_153, %swap3A_154] {strides = array<i32>} : memref<16x512xf32, #tpu.memory_space<vmem>>, vector<16xf32>,
    tpu.vector_store %arg17[%swap3A_153, %swap3A_154], %broadcast_in_dim3A_5 {strides = array<i32>} : memref<16x512xf32, #tpu.memory_space<vmem>>, vector<16xf32>,
    %swap3A_156 = arith.constant 1 : i32
    %swap3A_157 = arith.index_cast %swap3A_156 : i32 to index
    %swap3A_158 = arith.constant 64 : index
    %swap3A_159 = tpu.vector_load %arg17[%swap3A_157, %swap3A_158] {strides = array<i32>} : memref<16x512xf32, #tpu.memory_space<vmem>>, vector<16xf32>,
    tpu.vector_store %arg17[%swap3A_157, %swap3A_158], %broadcast_in_dim3A_5 {strides = array<i32>} : memref<16x512xf32, #tpu.memory_space<vmem>>, vector<16xf32>,
    %swap3A_160 = arith.constant 1 : i32
    %swap3A_161 = arith.index_cast %swap3A_160 : i32 to index
    %swap3A_162 = arith.constant 80 : index
    %swap3A_163 = tpu.vector_load %arg17[%swap3A_161, %swap3A_162] {strides = array<i32>} : memref<16x512xf32, #tpu.memory_space<vmem>>, vector<16xf32>,
    tpu.vector_store %arg17[%swap3A_161, %swap3A_162], %broadcast_in_dim3A_5 {strides = array<i32>} : memref<16x512xf32, #tpu.memory_space<vmem>>, vector<16xf32>,
    %swap3A_164 = arith.constant 1 : i32
    %swap3A_165 = arith.index_cast %swap3A_164 : i32 to index
    %swap3A_166 = arith.constant 96 : index
    %swap3A_167 = tpu.vector_load %arg17[%swap3A_165, %swap3A_166] {strides = array<i32>} : memref<16x512xf32, #tpu.memory_space<vmem>>, vector<16xf32>,
    tpu.vector_store %arg17[%swap3A_165, %swap3A_166], %broadcast_in_dim3A_5 {strides = array<i32>} : memref<16x512xf32, #tpu.memory_space<vmem>>, vector<16xf32>,
    %swap3A_168 = arith.constant 1 : i32
    %swap3A_169 = arith.index_cast %swap3A_168 : i32 to index
    %swap3A_170 = arith.constant 112 : index
    %swap3A_171 = tpu.vector_load %arg17[%swap3A_169, %swap3A_170] {strides = array<i32>} : memref<16x512xf32, #tpu.memory_space<vmem>>, vector<16xf32>,
    tpu.vector_store %arg17[%swap3A_169, %swap3A_170], %broadcast_in_dim3A_5 {strides = array<i32>} : memref<16x512xf32, #tpu.memory_space<vmem>>, vector<16xf32>,
    %swap3A_172 = arith.constant 1 : i32
    %swap3A_173 = arith.index_cast %swap3A_172 : i32 to index
    %swap3A_174 = arith.constant 128 : index
    %swap3A_175 = tpu.vector_load %arg17[%swap3A_173, %swap3A_174] {strides = array<i32>} : memref<16x512xf32, #tpu.memory_space<vmem>>, vector<16xf32>,
    tpu.vector_store %arg17[%swap3A_173, %swap3A_174], %broadcast_in_dim3A_5 {strides = array<i32>} : memref<16x512xf32, #tpu.memory_space<vmem>>, vector<16xf32>,
    %swap3A_176 = arith.constant 1 : i32
    %swap3A_177 = arith.index_cast %swap3A_176 : i32 to index
    %swap3A_178 = arith.constant 144 : index
    %swap3A_179 = tpu.vector_load %arg17[%swap3A_177, %swap3A_178] {strides = array<i32>} : memref<16x512xf32, #tpu.memory_space<vmem>>, vector<16xf32>,
    tpu.vector_store %arg17[%swap3A_177, %swap3A_178], %broadcast_in_dim3A_5 {strides = array<i32>} : memref<16x512xf32, #tpu.memory_space<vmem>>, vector<16xf32>,
    %swap3A_180 = arith.constant 1 : i32
    %swap3A_181 = arith.index_cast %swap3A_180 : i32 to index
    %swap3A_182 = arith.constant 160 : index
    %swap3A_183 = tpu.vector_load %arg17[%swap3A_181, %swap3A_182] {strides = array<i32>} : memref<16x512xf32, #tpu.memory_space<vmem>>, vector<16xf32>,
    tpu.vector_store %arg17[%swap3A_181, %swap3A_182], %broadcast_in_dim3A_5 {strides = array<i32>} : memref<16x512xf32, #tpu.memory_space<vmem>>, vector<16xf32>,
    %swap3A_184 = arith.constant 1 : i32
    %swap3A_185 = arith.index_cast %swap3A_184 : i32 to index
    %swap3A_186 = arith.constant 176 : index
    %swap3A_187 = tpu.vector_load %arg17[%swap3A_185, %swap3A_186] {strides = array<i32>} : memref<16x512xf32, #tpu.memory_space<vmem>>, vector<16xf32>,
    tpu.vector_store %arg17[%swap3A_185, %swap3A_186], %broadcast_in_dim3A_5 {strides = array<i32>} : memref<16x512xf32, #tpu.memory_space<vmem>>, vector<16xf32>,
    %swap3A_188 = arith.constant 1 : i32
    %swap3A_189 = arith.index_cast %swap3A_188 : i32 to index
    %swap3A_190 = arith.constant 192 : index
    %swap3A_191 = tpu.vector_load %arg17[%swap3A_189, %swap3A_190] {strides = array<i32>} : memref<16x512xf32, #tpu.memory_space<vmem>>, vector<16xf32>,
    tpu.vector_store %arg17[%swap3A_189, %swap3A_190], %broadcast_in_dim3A_5 {strides = array<i32>} : memref<16x512xf32, #tpu.memory_space<vmem>>, vector<16xf32>,
    %swap3A_192 = arith.constant 1 : i32
    %swap3A_193 = arith.index_cast %swap3A_192 : i32 to index
    %swap3A_194 = arith.constant 208 : index
    %swap3A_195 = tpu.vector_load %arg17[%swap3A_193, %swap3A_194] {strides = array<i32>} : memref<16x512xf32, #tpu.memory_space<vmem>>, vector<16xf32>,
    tpu.vector_store %arg17[%swap3A_193, %swap3A_194], %broadcast_in_dim3A_5 {strides = array<i32>} : memref<16x512xf32, #tpu.memory_space<vmem>>, vector<16xf32>,
    %swap3A_196 = arith.constant 1 : i32
    %swap3A_197 = arith.index_cast %swap3A_196 : i32 to index
    %swap3A_198 = arith.constant 224 : index
    %swap3A_199 = tpu.vector_load %arg17[%swap3A_197, %swap3A_198] {strides = array<i32>} : memref<16x512xf32, #tpu.memory_space<vmem>>, vector<16xf32>,
    tpu.vector_store %arg17[%swap3A_197, %swap3A_198], %broadcast_in_dim3A_5 {strides = array<i32>} : memref<16x512xf32, #tpu.memory_space<vmem>>, vector<16xf32>,
    %swap3A_200 = arith.constant 1 : i32
    %swap3A_201 = arith.index_cast %swap3A_200 : i32 to index
    %swap3A_202 = arith.constant 240 : index
    %swap3A_203 = tpu.vector_load %arg17[%swap3A_201, %swap3A_202] {strides = array<i32>} : memref<16x512xf32, #tpu.memory_space<vmem>>, vector<16xf32>,
    tpu.vector_store %arg17[%swap3A_201, %swap3A_202], %broadcast_in_dim3A_5 {strides = array<i32>} : memref<16x512xf32, #tpu.memory_space<vmem>>, vector<16xf32>,
    %swap3A_204 = arith.constant 1 : i32
    %swap3A_205 = arith.index_cast %swap3A_204 : i32 to index
    %swap3A_206 = arith.constant 256 : index
    %swap3A_207 = tpu.vector_load %arg17[%swap3A_205, %swap3A_206] {strides = array<i32>} : memref<16x512xf32, #tpu.memory_space<vmem>>, vector<16xf32>,
    tpu.vector_store %arg17[%swap3A_205, %swap3A_206], %broadcast_in_dim3A_5 {strides = array<i32>} : memref<16x512xf32, #tpu.memory_space<vmem>>, vector<16xf32>,
    %swap3A_208 = arith.constant 1 : i32
    %swap3A_209 = arith.index_cast %swap3A_208 : i32 to index
    %swap3A_210 = arith.constant 272 : index
    %swap3A_211 = tpu.vector_load %arg17[%swap3A_209, %swap3A_210] {strides = array<i32>} : memref<16x512xf32, #tpu.memory_space<vmem>>, vector<16xf32>,
    tpu.vector_store %arg17[%swap3A_209, %swap3A_210], %broadcast_in_dim3A_5 {strides = array<i32>} : memref<16x512xf32, #tpu.memory_space<vmem>>, vector<16xf32>,
    %swap3A_212 = arith.constant 1 : i32
    %swap3A_213 = arith.index_cast %swap3A_212 : i32 to index
    %swap3A_214 = arith.constant 288 : index
    %swap3A_215 = tpu.vector_load %arg17[%swap3A_213, %swap3A_214] {strides = array<i32>} : memref<16x512xf32, #tpu.memory_space<vmem>>, vector<16xf32>,
    tpu.vector_store %arg17[%swap3A_213, %swap3A_214], %broadcast_in_dim3A_5 {strides = array<i32>} : memref<16x512xf32, #tpu.memory_space<vmem>>, vector<16xf32>,
    %swap3A_216 = arith.constant 1 : i32
    %swap3A_217 = arith.index_cast %swap3A_216 : i32 to index
    %swap3A_218 = arith.constant 304 : index
    %swap3A_219 = tpu.vector_load %arg17[%swap3A_217, %swap3A_218] {strides = array<i32>} : memref<16x512xf32, #tpu.memory_space<vmem>>, vector<16xf32>,
    tpu.vector_store %arg17[%swap3A_217, %swap3A_218], %broadcast_in_dim3A_5 {strides = array<i32>} : memref<16x512xf32, #tpu.memory_space<vmem>>, vector<16xf32>,
    %swap3A_220 = arith.constant 1 : i32
    %swap3A_221 = arith.index_cast %swap3A_220 : i32 to index
    %swap3A_222 = arith.constant 320 : index
    %swap3A_223 = tpu.vector_load %arg17[%swap3A_221, %swap3A_222] {strides = array<i32>} : memref<16x512xf32, #tpu.memory_space<vmem>>, vector<16xf32>,
    tpu.vector_store %arg17[%swap3A_221, %swap3A_222], %broadcast_in_dim3A_5 {strides = array<i32>} : memref<16x512xf32, #tpu.memory_space<vmem>>, vector<16xf32>,
    %swap3A_224 = arith.constant 1 : i32
    %swap3A_225 = arith.index_cast %swap3A_224 : i32 to index
    %swap3A_226 = arith.constant 336 : index
    %swap3A_227 = tpu.vector_load %arg17[%swap3A_225, %swap3A_226] {strides = array<i32>} : memref<16x512xf32, #tpu.memory_space<vmem>>, vector<16xf32>,
    tpu.vector_store %arg17[%swap3A_225, %swap3A_226], %broadcast_in_dim3A_5 {strides = array<i32>} : memref<16x512xf32, #tpu.memory_space<vmem>>, vector<16xf32>,
    %swap3A_228 = arith.constant 1 : i32
    %swap3A_229 = arith.index_cast %swap3A_228 : i32 to index
    %swap3A_230 = arith.constant 352 : index
    %swap3A_231 = tpu.vector_load %arg17[%swap3A_229, %swap3A_230] {strides = array<i32>} : memref<16x512xf32, #tpu.memory_space<vmem>>, vector<16xf32>,
    tpu.vector_store %arg17[%swap3A_229, %swap3A_230], %broadcast_in_dim3A_5 {strides = array<i32>} : memref<16x512xf32, #tpu.memory_space<vmem>>, vector<16xf32>,
    %swap3A_232 = arith.constant 1 : i32
    %swap3A_233 = arith.index_cast %swap3A_232 : i32 to index
    %swap3A_234 = arith.constant 368 : index
    %swap3A_235 = tpu.vector_load %arg17[%swap3A_233, %swap3A_234] {strides = array<i32>} : memref<16x512xf32, #tpu.memory_space<vmem>>, vector<16xf32>,
    tpu.vector_store %arg17[%swap3A_233, %swap3A_234], %broadcast_in_dim3A_5 {strides = array<i32>} : memref<16x512xf32, #tpu.memory_space<vmem>>, vector<16xf32>,
    %swap3A_236 = arith.constant 1 : i32
    %swap3A_237 = arith.index_cast %swap3A_236 : i32 to index
    %swap3A_238 = arith.constant 384 : index
    %swap3A_239 = tpu.vector_load %arg17[%swap3A_237, %swap3A_238] {strides = array<i32>} : memref<16x512xf32, #tpu.memory_space<vmem>>, vector<16xf32>,
    tpu.vector_store %arg17[%swap3A_237, %swap3A_238], %broadcast_in_dim3A_5 {strides = array<i32>} : memref<16x512xf32, #tpu.memory_space<vmem>>, vector<16xf32>,
    %swap3A_240 = arith.constant 1 : i32
    %swap3A_241 = arith.index_cast %swap3A_240 : i32 to index
    %swap3A_242 = arith.constant 400 : index
    %swap3A_243 = tpu.vector_load %arg17[%swap3A_241, %swap3A_242] {strides = array<i32>} : memref<16x512xf32, #tpu.memory_space<vmem>>, vector<16xf32>,
    tpu.vector_store %arg17[%swap3A_241, %swap3A_242], %broadcast_in_dim3A_5 {strides = array<i32>} : memref<16x512xf32, #tpu.memory_space<vmem>>, vector<16xf32>,
    %swap3A_244 = arith.constant 1 : i32
    %swap3A_245 = arith.index_cast %swap3A_244 : i32 to index
    %swap3A_246 = arith.constant 416 : index
    %swap3A_247 = tpu.vector_load %arg17[%swap3A_245, %swap3A_246] {strides = array<i32>} : memref<16x512xf32, #tpu.memory_space<vmem>>, vector<16xf32>,
    tpu.vector_store %arg17[%swap3A_245, %swap3A_246], %broadcast_in_dim3A_5 {strides = array<i32>} : memref<16x512xf32, #tpu.memory_space<vmem>>, vector<16xf32>,
    %swap3A_248 = arith.constant 1 : i32
    %swap3A_249 = arith.index_cast %swap3A_248 : i32 to index
    %swap3A_250 = arith.constant 432 : index
    %swap3A_251 = tpu.vector_load %arg17[%swap3A_249, %swap3A_250] {strides = array<i32>} : memref<16x512xf32, #tpu.memory_space<vmem>>, vector<16xf32>,
    tpu.vector_store %arg17[%swap3A_249, %swap3A_250], %broadcast_in_dim3A_5 {strides = array<i32>} : memref<16x512xf32, #tpu.memory_space<vmem>>, vector<16xf32>,
    %swap3A_252 = arith.constant 1 : i32
    %swap3A_253 = arith.index_cast %swap3A_252 : i32 to index
    %swap3A_254 = arith.constant 448 : index
    %swap3A_255 = tpu.vector_load %arg17[%swap3A_253, %swap3A_254] {strides = array<i32>} : memref<16x512xf32, #tpu.memory_space<vmem>>, vector<16xf32>,
    tpu.vector_store %arg17[%swap3A_253, %swap3A_254], %broadcast_in_dim3A_5 {strides = array<i32>} : memref<16x512xf32, #tpu.memory_space<vmem>>, vector<16xf32>,
    %swap3A_256 = arith.constant 1 : i32
    %swap3A_257 = arith.index_cast %swap3A_256 : i32 to index
    %swap3A_258 = arith.constant 464 : index
    %swap3A_259 = tpu.vector_load %arg17[%swap3A_257, %swap3A_258] {strides = array<i32>} : memref<16x512xf32, #tpu.memory_space<vmem>>, vector<16xf32>,
    tpu.vector_store %arg17[%swap3A_257, %swap3A_258], %broadcast_in_dim3A_5 {strides = array<i32>} : memref<16x512xf32, #tpu.memory_space<vmem>>, vector<16xf32>,
    %swap3A_260 = arith.constant 1 : i32
    %swap3A_261 = arith.index_cast %swap3A_260 : i32 to index
    %swap3A_262 = arith.constant 480 : index
    %swap3A_263 = tpu.vector_load %arg17[%swap3A_261, %swap3A_262] {strides = array<i32>} : memref<16x512xf32, #tpu.memory_space<vmem>>, vector<16xf32>,
    tpu.vector_store %arg17[%swap3A_261, %swap3A_262], %broadcast_in_dim3A_5 {strides = array<i32>} : memref<16x512xf32, #tpu.memory_space<vmem>>, vector<16xf32>,
    %swap3A_264 = arith.constant 1 : i32
    %swap3A_265 = arith.index_cast %swap3A_264 : i32 to index
    %swap3A_266 = arith.constant 496 : index
    %swap3A_267 = tpu.vector_load %arg17[%swap3A_265, %swap3A_266] {strides = array<i32>} : memref<16x512xf32, #tpu.memory_space<vmem>>, vector<16xf32>,
    tpu.vector_store %arg17[%swap3A_265, %swap3A_266], %broadcast_in_dim3A_5 {strides = array<i32>} : memref<16x512xf32, #tpu.memory_space<vmem>>, vector<16xf32>,
    %swap3A_268 = arith.constant 2 : i32
    %swap3A_269 = arith.index_cast %swap3A_268 : i32 to index
    %swap3A_270 = arith.constant 0 : index
    %swap3A_271 = tpu.vector_load %arg17[%swap3A_269, %swap3A_270] {strides = array<i32>} : memref<16x512xf32, #tpu.memory_space<vmem>>, vector<16xf32>,
    tpu.vector_store %arg17[%swap3A_269, %swap3A_270], %broadcast_in_dim3A_5 {strides = array<i32>} : memref<16x512xf32, #tpu.memory_space<vmem>>, vector<16xf32>,
    %swap3A_272 = arith.constant 2 : i32
    %swap3A_273 = arith.index_cast %swap3A_272 : i32 to index
    %swap3A_274 = arith.constant 16 : index
    %swap3A_275 = tpu.vector_load %arg17[%swap3A_273, %swap3A_274] {strides = array<i32>} : memref<16x512xf32, #tpu.memory_space<vmem>>, vector<16xf32>,
    tpu.vector_store %arg17[%swap3A_273, %swap3A_274], %broadcast_in_dim3A_5 {strides = array<i32>} : memref<16x512xf32, #tpu.memory_space<vmem>>, vector<16xf32>,
    %swap3A_276 = arith.constant 2 : i32
    %swap3A_277 = arith.index_cast %swap3A_276 : i32 to index
    %swap3A_278 = arith.constant 32 : index
    %swap3A_279 = tpu.vector_load %arg17[%swap3A_277, %swap3A_278] {strides = array<i32>} : memref<16x512xf32, #tpu.memory_space<vmem>>, vector<16xf32>,
    tpu.vector_store %arg17[%swap3A_277, %swap3A_278], %broadcast_in_dim3A_5 {strides = array<i32>} : memref<16x512xf32, #tpu.memory_space<vmem>>, vector<16xf32>,
    %swap3A_280 = arith.constant 2 : i32
    %swap3A_281 = arith.index_cast %swap3A_280 : i32 to index
    %swap3A_282 = arith.constant 48 : index
    %swap3A_283 = tpu.vector_load %arg17[%swap3A_281, %swap3A_282] {strides = array<i32>} : memref<16x512xf32, #tpu.memory_space<vmem>>, vector<16xf32>,
    tpu.vector_store %arg17[%swap3A_281, %swap3A_282], %broadcast_in_dim3A_5 {strides = array<i32>} : memref<16x512xf32, #tpu.memory_space<vmem>>, vector<16xf32>,
    %swap3A_284 = arith.constant 2 : i32
    %swap3A_285 = arith.index_cast %swap3A_284 : i32 to index
    %swap3A_286 = arith.constant 64 : index
    %swap3A_287 = tpu.vector_load %arg17[%swap3A_285, %swap3A_286] {strides = array<i32>} : memref<16x512xf32, #tpu.memory_space<vmem>>, vector<16xf32>,
    tpu.vector_store %arg17[%swap3A_285, %swap3A_286], %broadcast_in_dim3A_5 {strides = array<i32>} : memref<16x512xf32, #tpu.memory_space<vmem>>, vector<16xf32>,
    %swap3A_288 = arith.constant 2 : i32
    %swap3A_289 = arith.index_cast %swap3A_288 : i32 to index
    %swap3A_290 = arith.constant 80 : index
    %swap3A_291 = tpu.vector_load %arg17[%swap3A_289, %swap3A_290] {strides = array<i32>} : memref<16x512xf32, #tpu.memory_space<vmem>>, vector<16xf32>,
    tpu.vector_store %arg17[%swap3A_289, %swap3A_290], %broadcast_in_dim3A_5 {strides = array<i32>} : memref<16x512xf32, #tpu.memory_space<vmem>>, vector<16xf32>,
    %swap3A_292 = arith.constant 2 : i32
    %swap3A_293 = arith.index_cast %swap3A_292 : i32 to index
    %swap3A_294 = arith.constant 96 : index
    %swap3A_295 = tpu.vector_load %arg17[%swap3A_293, %swap3A_294] {strides = array<i32>} : memref<16x512xf32, #tpu.memory_space<vmem>>, vector<16xf32>,
    tpu.vector_store %arg17[%swap3A_293, %swap3A_294], %broadcast_in_dim3A_5 {strides = array<i32>} : memref<16x512xf32, #tpu.memory_space<vmem>>, vector<16xf32>,
    %swap3A_296 = arith.constant 2 : i32
    %swap3A_297 = arith.index_cast %swap3A_296 : i32 to index
    %swap3A_298 = arith.constant 112 : index
    %swap3A_299 = tpu.vector_load %arg17[%swap3A_297, %swap3A_298] {strides = array<i32>} : memref<16x512xf32, #tpu.memory_space<vmem>>, vector<16xf32>,
    tpu.vector_store %arg17[%swap3A_297, %swap3A_298], %broadcast_in_dim3A_5 {strides = array<i32>} : memref<16x512xf32, #tpu.memory_space<vmem>>, vector<16xf32>,
    %swap3A_300 = arith.constant 2 : i32
    %swap3A_301 = arith.index_cast %swap3A_300 : i32 to index
    %swap3A_302 = arith.constant 128 : index
    %swap3A_303 = tpu.vector_load %arg17[%swap3A_301, %swap3A_302] {strides = array<i32>} : memref<16x512xf32, #tpu.memory_space<vmem>>, vector<16xf32>,
    tpu.vector_store %arg17[%swap3A_301, %swap3A_302], %broadcast_in_dim3A_5 {strides = array<i32>} : memref<16x512xf32, #tpu.memory_space<vmem>>, vector<16xf32>,
    %swap3A_304 = arith.constant 2 : i32
    %swap3A_305 = arith.index_cast %swap3A_304 : i32 to index
    %swap3A_306 = arith.constant 144 : index
    %swap3A_307 = tpu.vector_load %arg17[%swap3A_305, %swap3A_306] {strides = array<i32>} : memref<16x512xf32, #tpu.memory_space<vmem>>, vector<16xf32>,
    tpu.vector_store %arg17[%swap3A_305, %swap3A_306], %broadcast_in_dim3A_5 {strides = array<i32>} : memref<16x512xf32, #tpu.memory_space<vmem>>, vector<16xf32>,
    %swap3A_308 = arith.constant 2 : i32
    %swap3A_309 = arith.index_cast %swap3A_308 : i32 to index
    %swap3A_310 = arith.constant 160 : index
    %swap3A_311 = tpu.vector_load %arg17[%swap3A_309, %swap3A_310] {strides = array<i32>} : memref<16x512xf32, #tpu.memory_space<vmem>>, vector<16xf32>,
    tpu.vector_store %arg17[%swap3A_309, %swap3A_310], %broadcast_in_dim3A_5 {strides = array<i32>} : memref<16x512xf32, #tpu.memory_space<vmem>>, vector<16xf32>,
    %swap3A_312 = arith.constant 2 : i32
    %swap3A_313 = arith.index_cast %swap3A_312 : i32 to index
    %swap3A_314 = arith.constant 176 : index
    %swap3A_315 = tpu.vector_load %arg17[%swap3A_313, %swap3A_314] {strides = array<i32>} : memref<16x512xf32, #tpu.memory_space<vmem>>, vector<16xf32>,
    tpu.vector_store %arg17[%swap3A_313, %swap3A_314], %broadcast_in_dim3A_5 {strides = array<i32>} : memref<16x512xf32, #tpu.memory_space<vmem>>, vector<16xf32>,
    %swap3A_316 = arith.constant 2 : i32
    %swap3A_317 = arith.index_cast %swap3A_316 : i32 to index
    %swap3A_318 = arith.constant 192 : index
    %swap3A_319 = tpu.vector_load %arg17[%swap3A_317, %swap3A_318] {strides = array<i32>} : memref<16x512xf32, #tpu.memory_space<vmem>>, vector<16xf32>,
    tpu.vector_store %arg17[%swap3A_317, %swap3A_318], %broadcast_in_dim3A_5 {strides = array<i32>} : memref<16x512xf32, #tpu.memory_space<vmem>>, vector<16xf32>,
    %swap3A_320 = arith.constant 2 : i32
    %swap3A_321 = arith.index_cast %swap3A_320 : i32 to index
    %swap3A_322 = arith.constant 208 : index
    %swap3A_323 = tpu.vector_load %arg17[%swap3A_321, %swap3A_322] {strides = array<i32>} : memref<16x512xf32, #tpu.memory_space<vmem>>, vector<16xf32>,
    tpu.vector_store %arg17[%swap3A_321, %swap3A_322], %broadcast_in_dim3A_5 {strides = array<i32>} : memref<16x512xf32, #tpu.memory_space<vmem>>, vector<16xf32>,
    %swap3A_324 = arith.constant 2 : i32
    %swap3A_325 = arith.index_cast %swap3A_324 : i32 to index
    %swap3A_326 = arith.constant 224 : index
    %swap3A_327 = tpu.vector_load %arg17[%swap3A_325, %swap3A_326] {strides = array<i32>} : memref<16x512xf32, #tpu.memory_space<vmem>>, vector<16xf32>,
    tpu.vector_store %arg17[%swap3A_325, %swap3A_326], %broadcast_in_dim3A_5 {strides = array<i32>} : memref<16x512xf32, #tpu.memory_space<vmem>>, vector<16xf32>,
    %swap3A_328 = arith.constant 2 : i32
    %swap3A_329 = arith.index_cast %swap3A_328 : i32 to index
    %swap3A_330 = arith.constant 240 : index
    %swap3A_331 = tpu.vector_load %arg17[%swap3A_329, %swap3A_330] {strides = array<i32>} : memref<16x512xf32, #tpu.memory_space<vmem>>, vector<16xf32>,
    tpu.vector_store %arg17[%swap3A_329, %swap3A_330], %broadcast_in_dim3A_5 {strides = array<i32>} : memref<16x512xf32, #tpu.memory_space<vmem>>, vector<16xf32>,
    %swap3A_332 = arith.constant 2 : i32
    %swap3A_333 = arith.index_cast %swap3A_332 : i32 to index
    %swap3A_334 = arith.constant 256 : index
    %swap3A_335 = tpu.vector_load %arg17[%swap3A_333, %swap3A_334] {strides = array<i32>} : memref<16x512xf32, #tpu.memory_space<vmem>>, vector<16xf32>,
    tpu.vector_store %arg17[%swap3A_333, %swap3A_334], %broadcast_in_dim3A_5 {strides = array<i32>} : memref<16x512xf32, #tpu.memory_space<vmem>>, vector<16xf32>,
    %swap3A_336 = arith.constant 2 : i32
    %swap3A_337 = arith.index_cast %swap3A_336 : i32 to index
    %swap3A_338 = arith.constant 272 : index
    %swap3A_339 = tpu.vector_load %arg17[%swap3A_337, %swap3A_338] {strides = array<i32>} : memref<16x512xf32, #tpu.memory_space<vmem>>, vector<16xf32>,
    tpu.vector_store %arg17[%swap3A_337, %swap3A_338], %broadcast_in_dim3A_5 {strides = array<i32>} : memref<16x512xf32, #tpu.memory_space<vmem>>, vector<16xf32>,
    %swap3A_340 = arith.constant 2 : i32
    %swap3A_341 = arith.index_cast %swap3A_340 : i32 to index
    %swap3A_342 = arith.constant 288 : index
    %swap3A_343 = tpu.vector_load %arg17[%swap3A_341, %swap3A_342] {strides = array<i32>} : memref<16x512xf32, #tpu.memory_space<vmem>>, vector<16xf32>,
    tpu.vector_store %arg17[%swap3A_341, %swap3A_342], %broadcast_in_dim3A_5 {strides = array<i32>} : memref<16x512xf32, #tpu.memory_space<vmem>>, vector<16xf32>,
    %swap3A_344 = arith.constant 2 : i32
    %swap3A_345 = arith.index_cast %swap3A_344 : i32 to index
    %swap3A_346 = arith.constant 304 : index
    %swap3A_347 = tpu.vector_load %arg17[%swap3A_345, %swap3A_346] {strides = array<i32>} : memref<16x512xf32, #tpu.memory_space<vmem>>, vector<16xf32>,
    tpu.vector_store %arg17[%swap3A_345, %swap3A_346], %broadcast_in_dim3A_5 {strides = array<i32>} : memref<16x512xf32, #tpu.memory_space<vmem>>, vector<16xf32>,
    %swap3A_348 = arith.constant 2 : i32
    %swap3A_349 = arith.index_cast %swap3A_348 : i32 to index
    %swap3A_350 = arith.constant 320 : index
    %swap3A_351 = tpu.vector_load %arg17[%swap3A_349, %swap3A_350] {strides = array<i32>} : memref<16x512xf32, #tpu.memory_space<vmem>>, vector<16xf32>,
    tpu.vector_store %arg17[%swap3A_349, %swap3A_350], %broadcast_in_dim3A_5 {strides = array<i32>} : memref<16x512xf32, #tpu.memory_space<vmem>>, vector<16xf32>,
    %swap3A_352 = arith.constant 2 : i32
    %swap3A_353 = arith.index_cast %swap3A_352 : i32 to index
    %swap3A_354 = arith.constant 336 : index
    %swap3A_355 = tpu.vector_load %arg17[%swap3A_353, %swap3A_354] {strides = array<i32>} : memref<16x512xf32, #tpu.memory_space<vmem>>, vector<16xf32>,
    tpu.vector_store %arg17[%swap3A_353, %swap3A_354], %broadcast_in_dim3A_5 {strides = array<i32>} : memref<16x512xf32, #tpu.memory_space<vmem>>, vector<16xf32>,
    %swap3A_356 = arith.constant 2 : i32
    %swap3A_357 = arith.index_cast %swap3A_356 : i32 to index
    %swap3A_358 = arith.constant 352 : index
    %swap3A_359 = tpu.vector_load %arg17[%swap3A_357, %swap3A_358] {strides = array<i32>} : memref<16x512xf32, #tpu.memory_space<vmem>>, vector<16xf32>,
    tpu.vector_store %arg17[%swap3A_357, %swap3A_358], %broadcast_in_dim3A_5 {strides = array<i32>} : memref<16x512xf32, #tpu.memory_space<vmem>>, vector<16xf32>,
    %swap3A_360 = arith.constant 2 : i32
    %swap3A_361 = arith.index_cast %swap3A_360 : i32 to index
    %swap3A_362 = arith.constant 368 : index
    %swap3A_363 = tpu.vector_load %arg17[%swap3A_361, %swap3A_362] {strides = array<i32>} : memref<16x512xf32, #tpu.memory_space<vmem>>, vector<16xf32>,
    tpu.vector_store %arg17[%swap3A_361, %swap3A_362], %broadcast_in_dim3A_5 {strides = array<i32>} : memref<16x512xf32, #tpu.memory_space<vmem>>, vector<16xf32>,
    %swap3A_364 = arith.constant 2 : i32
    %swap3A_365 = arith.index_cast %swap3A_364 : i32 to index
    %swap3A_366 = arith.constant 384 : index
    %swap3A_367 = tpu.vector_load %arg17[%swap3A_365, %swap3A_366] {strides = array<i32>} : memref<16x512xf32, #tpu.memory_space<vmem>>, vector<16xf32>,
    tpu.vector_store %arg17[%swap3A_365, %swap3A_366], %broadcast_in_dim3A_5 {strides = array<i32>} : memref<16x512xf32, #tpu.memory_space<vmem>>, vector<16xf32>,
    %swap3A_368 = arith.constant 2 : i32
    %swap3A_369 = arith.index_cast %swap3A_368 : i32 to index
    %swap3A_370 = arith.constant 400 : index
    %swap3A_371 = tpu.vector_load %arg17[%swap3A_369, %swap3A_370] {strides = array<i32>} : memref<16x512xf32, #tpu.memory_space<vmem>>, vector<16xf32>,
    tpu.vector_store %arg17[%swap3A_369, %swap3A_370], %broadcast_in_dim3A_5 {strides = array<i32>} : memref<16x512xf32, #tpu.memory_space<vmem>>, vector<16xf32>,
    %swap3A_372 = arith.constant 2 : i32
    %swap3A_373 = arith.index_cast %swap3A_372 : i32 to index
    %swap3A_374 = arith.constant 416 : index
    %swap3A_375 = tpu.vector_load %arg17[%swap3A_373, %swap3A_374] {strides = array<i32>} : memref<16x512xf32, #tpu.memory_space<vmem>>, vector<16xf32>,
    tpu.vector_store %arg17[%swap3A_373, %swap3A_374], %broadcast_in_dim3A_5 {strides = array<i32>} : memref<16x512xf32, #tpu.memory_space<vmem>>, vector<16xf32>,
    %swap3A_376 = arith.constant 2 : i32
    %swap3A_377 = arith.index_cast %swap3A_376 : i32 to index
    %swap3A_378 = arith.constant 432 : index
    %swap3A_379 = tpu.vector_load %arg17[%swap3A_377, %swap3A_378] {strides = array<i32>} : memref<16x512xf32, #tpu.memory_space<vmem>>, vector<16xf32>,
    tpu.vector_store %arg17[%swap3A_377, %swap3A_378], %broadcast_in_dim3A_5 {strides = array<i32>} : memref<16x512xf32, #tpu.memory_space<vmem>>, vector<16xf32>,
    %swap3A_380 = arith.constant 2 : i32
    %swap3A_381 = arith.index_cast %swap3A_380 : i32 to index
    %swap3A_382 = arith.constant 448 : index
    %swap3A_383 = tpu.vector_load %arg17[%swap3A_381, %swap3A_382] {strides = array<i32>} : memref<16x512xf32, #tpu.memory_space<vmem>>, vector<16xf32>,
    tpu.vector_store %arg17[%swap3A_381, %swap3A_382], %broadcast_in_dim3A_5 {strides = array<i32>} : memref<16x512xf32, #tpu.memory_space<vmem>>, vector<16xf32>,
    %swap3A_384 = arith.constant 2 : i32
    %swap3A_385 = arith.index_cast %swap3A_384 : i32 to index
    %swap3A_386 = arith.constant 464 : index
    %swap3A_387 = tpu.vector_load %arg17[%swap3A_385, %swap3A_386] {strides = array<i32>} : memref<16x512xf32, #tpu.memory_space<vmem>>, vector<16xf32>,
    tpu.vector_store %arg17[%swap3A_385, %swap3A_386], %broadcast_in_dim3A_5 {strides = array<i32>} : memref<16x512xf32, #tpu.memory_space<vmem>>, vector<16xf32>,
    %swap3A_388 = arith.constant 2 : i32
    %swap3A_389 = arith.index_cast %swap3A_388 : i32 to index
    %swap3A_390 = arith.constant 480 : index
    %swap3A_391 = tpu.vector_load %arg17[%swap3A_389, %swap3A_390] {strides = array<i32>} : memref<16x512xf32, #tpu.memory_space<vmem>>, vector<16xf32>,
    tpu.vector_store %arg17[%swap3A_389, %swap3A_390], %broadcast_in_dim3A_5 {strides = array<i32>} : memref<16x512xf32, #tpu.memory_space<vmem>>, vector<16xf32>,
    %swap3A_392 = arith.constant 2 : i32
    %swap3A_393 = arith.index_cast %swap3A_392 : i32 to index
    %swap3A_394 = arith.constant 496 : index
    %swap3A_395 = tpu.vector_load %arg17[%swap3A_393, %swap3A_394] {strides = array<i32>} : memref<16x512xf32, #tpu.memory_space<vmem>>, vector<16xf32>,
    tpu.vector_store %arg17[%swap3A_393, %swap3A_394], %broadcast_in_dim3A_5 {strides = array<i32>} : memref<16x512xf32, #tpu.memory_space<vmem>>, vector<16xf32>,
    %swap3A_396 = arith.constant 3 : i32
    %swap3A_397 = arith.index_cast %swap3A_396 : i32 to index
    %swap3A_398 = arith.constant 0 : index
    %swap3A_399 = tpu.vector_load %arg17[%swap3A_397, %swap3A_398] {strides = array<i32>} : memref<16x512xf32, #tpu.memory_space<vmem>>, vector<16xf32>,
    tpu.vector_store %arg17[%swap3A_397, %swap3A_398], %broadcast_in_dim3A_5 {strides = array<i32>} : memref<16x512xf32, #tpu.memory_space<vmem>>, vector<16xf32>,
    %swap3A_400 = arith.constant 3 : i32
    %swap3A_401 = arith.index_cast %swap3A_400 : i32 to index
    %swap3A_402 = arith.constant 16 : index
    %swap3A_403 = tpu.vector_load %arg17[%swap3A_401, %swap3A_402] {strides = array<i32>} : memref<16x512xf32, #tpu.memory_space<vmem>>, vector<16xf32>,
    tpu.vector_store %arg17[%swap3A_401, %swap3A_402], %broadcast_in_dim3A_5 {strides = array<i32>} : memref<16x512xf32, #tpu.memory_space<vmem>>, vector<16xf32>,
    %swap3A_404 = arith.constant 3 : i32
    %swap3A_405 = arith.index_cast %swap3A_404 : i32 to index
    %swap3A_406 = arith.constant 32 : index
    %swap3A_407 = tpu.vector_load %arg17[%swap3A_405, %swap3A_406] {strides = array<i32>} : memref<16x512xf32, #tpu.memory_space<vmem>>, vector<16xf32>,
    tpu.vector_store %arg17[%swap3A_405, %swap3A_406], %broadcast_in_dim3A_5 {strides = array<i32>} : memref<16x512xf32, #tpu.memory_space<vmem>>, vector<16xf32>,
    %swap3A_408 = arith.constant 3 : i32
    %swap3A_409 = arith.index_cast %swap3A_408 : i32 to index
    %swap3A_410 = arith.constant 48 : index
    %swap3A_411 = tpu.vector_load %arg17[%swap3A_409, %swap3A_410] {strides = array<i32>} : memref<16x512xf32, #tpu.memory_space<vmem>>, vector<16xf32>,
    tpu.vector_store %arg17[%swap3A_409, %swap3A_410], %broadcast_in_dim3A_5 {strides = array<i32>} : memref<16x512xf32, #tpu.memory_space<vmem>>, vector<16xf32>,
    %swap3A_412 = arith.constant 3 : i32
    %swap3A_413 = arith.index_cast %swap3A_412 : i32 to index
    %swap3A_414 = arith.constant 64 : index
    %swap3A_415 = tpu.vector_load %arg17[%swap3A_413, %swap3A_414] {strides = array<i32>} : memref<16x512xf32, #tpu.memory_space<vmem>>, vector<16xf32>,
    tpu.vector_store %arg17[%swap3A_413, %swap3A_414], %broadcast_in_dim3A_5 {strides = array<i32>} : memref<16x512xf32, #tpu.memory_space<vmem>>, vector<16xf32>,
    %swap3A_416 = arith.constant 3 : i32
    %swap3A_417 = arith.index_cast %swap3A_416 : i32 to index
    %swap3A_418 = arith.constant 80 : index
    %swap3A_419 = tpu.vector_load %arg17[%swap3A_417, %swap3A_418] {strides = array<i32>} : memref<16x512xf32, #tpu.memory_space<vmem>>, vector<16xf32>,
    tpu.vector_store %arg17[%swap3A_417, %swap3A_418], %broadcast_in_dim3A_5 {strides = array<i32>} : memref<16x512xf32, #tpu.memory_space<vmem>>, vector<16xf32>,
    %swap3A_420 = arith.constant 3 : i32
    %swap3A_421 = arith.index_cast %swap3A_420 : i32 to index
    %swap3A_422 = arith.constant 96 : index
    %swap3A_423 = tpu.vector_load %arg17[%swap3A_421, %swap3A_422] {strides = array<i32>} : memref<16x512xf32, #tpu.memory_space<vmem>>, vector<16xf32>,
    tpu.vector_store %arg17[%swap3A_421, %swap3A_422], %broadcast_in_dim3A_5 {strides = array<i32>} : memref<16x512xf32, #tpu.memory_space<vmem>>, vector<16xf32>,
    %swap3A_424 = arith.constant 3 : i32
    %swap3A_425 = arith.index_cast %swap3A_424 : i32 to index
    %swap3A_426 = arith.constant 112 : index
    %swap3A_427 = tpu.vector_load %arg17[%swap3A_425, %swap3A_426] {strides = array<i32>} : memref<16x512xf32, #tpu.memory_space<vmem>>, vector<16xf32>,
    tpu.vector_store %arg17[%swap3A_425, %swap3A_426], %broadcast_in_dim3A_5 {strides = array<i32>} : memref<16x512xf32, #tpu.memory_space<vmem>>, vector<16xf32>,
    %swap3A_428 = arith.constant 3 : i32
    %swap3A_429 = arith.index_cast %swap3A_428 : i32 to index
    %swap3A_430 = arith.constant 128 : index
    %swap3A_431 = tpu.vector_load %arg17[%swap3A_429, %swap3A_430] {strides = array<i32>} : memref<16x512xf32, #tpu.memory_space<vmem>>, vector<16xf32>,
    tpu.vector_store %arg17[%swap3A_429, %swap3A_430], %broadcast_in_dim3A_5 {strides = array<i32>} : memref<16x512xf32, #tpu.memory_space<vmem>>, vector<16xf32>,
    %swap3A_432 = arith.constant 3 : i32
    %swap3A_433 = arith.index_cast %swap3A_432 : i32 to index
    %swap3A_434 = arith.constant 144 : index
    %swap3A_435 = tpu.vector_load %arg17[%swap3A_433, %swap3A_434] {strides = array<i32>} : memref<16x512xf32, #tpu.memory_space<vmem>>, vector<16xf32>,
    tpu.vector_store %arg17[%swap3A_433, %swap3A_434], %broadcast_in_dim3A_5 {strides = array<i32>} : memref<16x512xf32, #tpu.memory_space<vmem>>, vector<16xf32>,
    %swap3A_436 = arith.constant 3 : i32
    %swap3A_437 = arith.index_cast %swap3A_436 : i32 to index
    %swap3A_438 = arith.constant 160 : index
    %swap3A_439 = tpu.vector_load %arg17[%swap3A_437, %swap3A_438] {strides = array<i32>} : memref<16x512xf32, #tpu.memory_space<vmem>>, vector<16xf32>,
    tpu.vector_store %arg17[%swap3A_437, %swap3A_438], %broadcast_in_dim3A_5 {strides = array<i32>} : memref<16x512xf32, #tpu.memory_space<vmem>>, vector<16xf32>,
    %swap3A_440 = arith.constant 3 : i32
    %swap3A_441 = arith.index_cast %swap3A_440 : i32 to index
    %swap3A_442 = arith.constant 176 : index
    %swap3A_443 = tpu.vector_load %arg17[%swap3A_441, %swap3A_442] {strides = array<i32>} : memref<16x512xf32, #tpu.memory_space<vmem>>, vector<16xf32>,
    tpu.vector_store %arg17[%swap3A_441, %swap3A_442], %broadcast_in_dim3A_5 {strides = array<i32>} : memref<16x512xf32, #tpu.memory_space<vmem>>, vector<16xf32>,
    %swap3A_444 = arith.constant 3 : i32
    %swap3A_445 = arith.index_cast %swap3A_444 : i32 to index
    %swap3A_446 = arith.constant 192 : index
    %swap3A_447 = tpu.vector_load %arg17[%swap3A_445, %swap3A_446] {strides = array<i32>} : memref<16x512xf32, #tpu.memory_space<vmem>>, vector<16xf32>,
    tpu.vector_store %arg17[%swap3A_445, %swap3A_446], %broadcast_in_dim3A_5 {strides = array<i32>} : memref<16x512xf32, #tpu.memory_space<vmem>>, vector<16xf32>,
    %swap3A_448 = arith.constant 3 : i32
    %swap3A_449 = arith.index_cast %swap3A_448 : i32 to index
    %swap3A_450 = arith.constant 208 : index
    %swap3A_451 = tpu.vector_load %arg17[%swap3A_449, %swap3A_450] {strides = array<i32>} : memref<16x512xf32, #tpu.memory_space<vmem>>, vector<16xf32>,
    tpu.vector_store %arg17[%swap3A_449, %swap3A_450], %broadcast_in_dim3A_5 {strides = array<i32>} : memref<16x512xf32, #tpu.memory_space<vmem>>, vector<16xf32>,
    %swap3A_452 = arith.constant 3 : i32
    %swap3A_453 = arith.index_cast %swap3A_452 : i32 to index
    %swap3A_454 = arith.constant 224 : index
    %swap3A_455 = tpu.vector_load %arg17[%swap3A_453, %swap3A_454] {strides = array<i32>} : memref<16x512xf32, #tpu.memory_space<vmem>>, vector<16xf32>,
    tpu.vector_store %arg17[%swap3A_453, %swap3A_454], %broadcast_in_dim3A_5 {strides = array<i32>} : memref<16x512xf32, #tpu.memory_space<vmem>>, vector<16xf32>,
    %swap3A_456 = arith.constant 3 : i32
    %swap3A_457 = arith.index_cast %swap3A_456 : i32 to index
    %swap3A_458 = arith.constant 240 : index
    %swap3A_459 = tpu.vector_load %arg17[%swap3A_457, %swap3A_458] {strides = array<i32>} : memref<16x512xf32, #tpu.memory_space<vmem>>, vector<16xf32>,
    tpu.vector_store %arg17[%swap3A_457, %swap3A_458], %broadcast_in_dim3A_5 {strides = array<i32>} : memref<16x512xf32, #tpu.memory_space<vmem>>, vector<16xf32>,
    %swap3A_460 = arith.constant 3 : i32
    %swap3A_461 = arith.index_cast %swap3A_460 : i32 to index
    %swap3A_462 = arith.constant 256 : index
    %swap3A_463 = tpu.vector_load %arg17[%swap3A_461, %swap3A_462] {strides = array<i32>} : memref<16x512xf32, #tpu.memory_space<vmem>>, vector<16xf32>,
    tpu.vector_store %arg17[%swap3A_461, %swap3A_462], %broadcast_in_dim3A_5 {strides = array<i32>} : memref<16x512xf32, #tpu.memory_space<vmem>>, vector<16xf32>,
    %swap3A_464 = arith.constant 3 : i32
    %swap3A_465 = arith.index_cast %swap3A_464 : i32 to index
    %swap3A_466 = arith.constant 272 : index
    %swap3A_467 = tpu.vector_load %arg17[%swap3A_465, %swap3A_466] {strides = array<i32>} : memref<16x512xf32, #tpu.memory_space<vmem>>, vector<16xf32>,
    tpu.vector_store %arg17[%swap3A_465, %swap3A_466], %broadcast_in_dim3A_5 {strides = array<i32>} : memref<16x512xf32, #tpu.memory_space<vmem>>, vector<16xf32>,
    %swap3A_468 = arith.constant 3 : i32
    %swap3A_469 = arith.index_cast %swap3A_468 : i32 to index
    %swap3A_470 = arith.constant 288 : index
    %swap3A_471 = tpu.vector_load %arg17[%swap3A_469, %swap3A_470] {strides = array<i32>} : memref<16x512xf32, #tpu.memory_space<vmem>>, vector<16xf32>,
    tpu.vector_store %arg17[%swap3A_469, %swap3A_470], %broadcast_in_dim3A_5 {strides = array<i32>} : memref<16x512xf32, #tpu.memory_space<vmem>>, vector<16xf32>,
    %swap3A_472 = arith.constant 3 : i32
    %swap3A_473 = arith.index_cast %swap3A_472 : i32 to index
    %swap3A_474 = arith.constant 304 : index
    %swap3A_475 = tpu.vector_load %arg17[%swap3A_473, %swap3A_474] {strides = array<i32>} : memref<16x512xf32, #tpu.memory_space<vmem>>, vector<16xf32>,
    tpu.vector_store %arg17[%swap3A_473, %swap3A_474], %broadcast_in_dim3A_5 {strides = array<i32>} : memref<16x512xf32, #tpu.memory_space<vmem>>, vector<16xf32>,
    %swap3A_476 = arith.constant 3 : i32
    %swap3A_477 = arith.index_cast %swap3A_476 : i32 to index
    %swap3A_478 = arith.constant 320 : index
    %swap3A_479 = tpu.vector_load %arg17[%swap3A_477, %swap3A_478] {strides = array<i32>} : memref<16x512xf32, #tpu.memory_space<vmem>>, vector<16xf32>,
    tpu.vector_store %arg17[%swap3A_477, %swap3A_478], %broadcast_in_dim3A_5 {strides = array<i32>} : memref<16x512xf32, #tpu.memory_space<vmem>>, vector<16xf32>,
    %swap3A_480 = arith.constant 3 : i32
    %swap3A_481 = arith.index_cast %swap3A_480 : i32 to index
    %swap3A_482 = arith.constant 336 : index
    %swap3A_483 = tpu.vector_load %arg17[%swap3A_481, %swap3A_482] {strides = array<i32>} : memref<16x512xf32, #tpu.memory_space<vmem>>, vector<16xf32>,
    tpu.vector_store %arg17[%swap3A_481, %swap3A_482], %broadcast_in_dim3A_5 {strides = array<i32>} : memref<16x512xf32, #tpu.memory_space<vmem>>, vector<16xf32>,
    %swap3A_484 = arith.constant 3 : i32
    %swap3A_485 = arith.index_cast %swap3A_484 : i32 to index
    %swap3A_486 = arith.constant 352 : index
    %swap3A_487 = tpu.vector_load %arg17[%swap3A_485, %swap3A_486] {strides = array<i32>} : memref<16x512xf32, #tpu.memory_space<vmem>>, vector<16xf32>,
    tpu.vector_store %arg17[%swap3A_485, %swap3A_486], %broadcast_in_dim3A_5 {strides = array<i32>} : memref<16x512xf32, #tpu.memory_space<vmem>>, vector<16xf32>,
    %swap3A_488 = arith.constant 3 : i32
    %swap3A_489 = arith.index_cast %swap3A_488 : i32 to index
    %swap3A_490 = arith.constant 368 : index
    %swap3A_491 = tpu.vector_load %arg17[%swap3A_489, %swap3A_490] {strides = array<i32>} : memref<16x512xf32, #tpu.memory_space<vmem>>, vector<16xf32>,
    tpu.vector_store %arg17[%swap3A_489, %swap3A_490], %broadcast_in_dim3A_5 {strides = array<i32>} : memref<16x512xf32, #tpu.memory_space<vmem>>, vector<16xf32>,
    %swap3A_492 = arith.constant 3 : i32
    %swap3A_493 = arith.index_cast %swap3A_492 : i32 to index
    %swap3A_494 = arith.constant 384 : index
    %swap3A_495 = tpu.vector_load %arg17[%swap3A_493, %swap3A_494] {strides = array<i32>} : memref<16x512xf32, #tpu.memory_space<vmem>>, vector<16xf32>,
    tpu.vector_store %arg17[%swap3A_493, %swap3A_494], %broadcast_in_dim3A_5 {strides = array<i32>} : memref<16x512xf32, #tpu.memory_space<vmem>>, vector<16xf32>,
    %swap3A_496 = arith.constant 3 : i32
    %swap3A_497 = arith.index_cast %swap3A_496 : i32 to index
    %swap3A_498 = arith.constant 400 : index
    %swap3A_499 = tpu.vector_load %arg17[%swap3A_497, %swap3A_498] {strides = array<i32>} : memref<16x512xf32, #tpu.memory_space<vmem>>, vector<16xf32>,
    tpu.vector_store %arg17[%swap3A_497, %swap3A_498], %broadcast_in_dim3A_5 {strides = array<i32>} : memref<16x512xf32, #tpu.memory_space<vmem>>, vector<16xf32>,
    %swap3A_500 = arith.constant 3 : i32
    %swap3A_501 = arith.index_cast %swap3A_500 : i32 to index
    %swap3A_502 = arith.constant 416 : index
    %swap3A_503 = tpu.vector_load %arg17[%swap3A_501, %swap3A_502] {strides = array<i32>} : memref<16x512xf32, #tpu.memory_space<vmem>>, vector<16xf32>,
    tpu.vector_store %arg17[%swap3A_501, %swap3A_502], %broadcast_in_dim3A_5 {strides = array<i32>} : memref<16x512xf32, #tpu.memory_space<vmem>>, vector<16xf32>,
    %swap3A_504 = arith.constant 3 : i32
    %swap3A_505 = arith.index_cast %swap3A_504 : i32 to index
    %swap3A_506 = arith.constant 432 : index
    %swap3A_507 = tpu.vector_load %arg17[%swap3A_505, %swap3A_506] {strides = array<i32>} : memref<16x512xf32, #tpu.memory_space<vmem>>, vector<16xf32>,
    tpu.vector_store %arg17[%swap3A_505, %swap3A_506], %broadcast_in_dim3A_5 {strides = array<i32>} : memref<16x512xf32, #tpu.memory_space<vmem>>, vector<16xf32>,
    %swap3A_508 = arith.constant 3 : i32
    %swap3A_509 = arith.index_cast %swap3A_508 : i32 to index
    %swap3A_510 = arith.constant 448 : index
    %swap3A_511 = tpu.vector_load %arg17[%swap3A_509, %swap3A_510] {strides = array<i32>} : memref<16x512xf32, #tpu.memory_space<vmem>>, vector<16xf32>,
    tpu.vector_store %arg17[%swap3A_509, %swap3A_510], %broadcast_in_dim3A_5 {strides = array<i32>} : memref<16x512xf32, #tpu.memory_space<vmem>>, vector<16xf32>,
    %swap3A_512 = arith.constant 3 : i32
    %swap3A_513 = arith.index_cast %swap3A_512 : i32 to index
    %swap3A_514 = arith.constant 464 : index
    %swap3A_515 = tpu.vector_load %arg17[%swap3A_513, %swap3A_514] {strides = array<i32>} : memref<16x512xf32, #tpu.memory_space<vmem>>, vector<16xf32>,
    tpu.vector_store %arg17[%swap3A_513, %swap3A_514], %broadcast_in_dim3A_5 {strides = array<i32>} : memref<16x512xf32, #tpu.memory_space<vmem>>, vector<16xf32>,
    %swap3A_516 = arith.constant 3 : i32
    %swap3A_517 = arith.index_cast %swap3A_516 : i32 to index
    %swap3A_518 = arith.constant 480 : index
    %swap3A_519 = tpu.vector_load %arg17[%swap3A_517, %swap3A_518] {strides = array<i32>} : memref<16x512xf32, #tpu.memory_space<vmem>>, vector<16xf32>,
    tpu.vector_store %arg17[%swap3A_517, %swap3A_518], %broadcast_in_dim3A_5 {strides = array<i32>} : memref<16x512xf32, #tpu.memory_space<vmem>>, vector<16xf32>,
    %swap3A_520 = arith.constant 3 : i32
    %swap3A_521 = arith.index_cast %swap3A_520 : i32 to index
    %swap3A_522 = arith.constant 496 : index
    %swap3A_523 = tpu.vector_load %arg17[%swap3A_521, %swap3A_522] {strides = array<i32>} : memref<16x512xf32, #tpu.memory_space<vmem>>, vector<16xf32>,
    tpu.vector_store %arg17[%swap3A_521, %swap3A_522], %broadcast_in_dim3A_5 {strides = array<i32>} : memref<16x512xf32, #tpu.memory_space<vmem>>, vector<16xf32>,
    %swap3A_524 = arith.constant 4 : i32
    %swap3A_525 = arith.index_cast %swap3A_524 : i32 to index
    %swap3A_526 = arith.constant 0 : index
    %swap3A_527 = tpu.vector_load %arg17[%swap3A_525, %swap3A_526] {strides = array<i32>} : memref<16x512xf32, #tpu.memory_space<vmem>>, vector<16xf32>,
    tpu.vector_store %arg17[%swap3A_525, %swap3A_526], %broadcast_in_dim3A_7 {strides = array<i32>} : memref<16x512xf32, #tpu.memory_space<vmem>>, vector<16xf32>,
    %swap3A_528 = arith.constant 4 : i32
    %swap3A_529 = arith.index_cast %swap3A_528 : i32 to index
    %swap3A_530 = arith.constant 16 : index
    %swap3A_531 = tpu.vector_load %arg17[%swap3A_529, %swap3A_530] {strides = array<i32>} : memref<16x512xf32, #tpu.memory_space<vmem>>, vector<16xf32>,
    tpu.vector_store %arg17[%swap3A_529, %swap3A_530], %broadcast_in_dim3A_7 {strides = array<i32>} : memref<16x512xf32, #tpu.memory_space<vmem>>, vector<16xf32>,
    %swap3A_532 = arith.constant 4 : i32
    %swap3A_533 = arith.index_cast %swap3A_532 : i32 to index
    %swap3A_534 = arith.constant 32 : index
    %swap3A_535 = tpu.vector_load %arg17[%swap3A_533, %swap3A_534] {strides = array<i32>} : memref<16x512xf32, #tpu.memory_space<vmem>>, vector<16xf32>,
    tpu.vector_store %arg17[%swap3A_533, %swap3A_534], %broadcast_in_dim3A_7 {strides = array<i32>} : memref<16x512xf32, #tpu.memory_space<vmem>>, vector<16xf32>,
    %swap3A_536 = arith.constant 4 : i32
    %swap3A_537 = arith.index_cast %swap3A_536 : i32 to index
    %swap3A_538 = arith.constant 48 : index
    %swap3A_539 = tpu.vector_load %arg17[%swap3A_537, %swap3A_538] {strides = array<i32>} : memref<16x512xf32, #tpu.memory_space<vmem>>, vector<16xf32>,
    tpu.vector_store %arg17[%swap3A_537, %swap3A_538], %broadcast_in_dim3A_7 {strides = array<i32>} : memref<16x512xf32, #tpu.memory_space<vmem>>, vector<16xf32>,
    %swap3A_540 = arith.constant 4 : i32
    %swap3A_541 = arith.index_cast %swap3A_540 : i32 to index
    %swap3A_542 = arith.constant 64 : index
    %swap3A_543 = tpu.vector_load %arg17[%swap3A_541, %swap3A_542] {strides = array<i32>} : memref<16x512xf32, #tpu.memory_space<vmem>>, vector<16xf32>,
    tpu.vector_store %arg17[%swap3A_541, %swap3A_542], %broadcast_in_dim3A_7 {strides = array<i32>} : memref<16x512xf32, #tpu.memory_space<vmem>>, vector<16xf32>,
    %swap3A_544 = arith.constant 4 : i32
    %swap3A_545 = arith.index_cast %swap3A_544 : i32 to index
    %swap3A_546 = arith.constant 80 : index
    %swap3A_547 = tpu.vector_load %arg17[%swap3A_545, %swap3A_546] {strides = array<i32>} : memref<16x512xf32, #tpu.memory_space<vmem>>, vector<16xf32>,
    tpu.vector_store %arg17[%swap3A_545, %swap3A_546], %broadcast_in_dim3A_7 {strides = array<i32>} : memref<16x512xf32, #tpu.memory_space<vmem>>, vector<16xf32>,
    %swap3A_548 = arith.constant 4 : i32
    %swap3A_549 = arith.index_cast %swap3A_548 : i32 to index
    %swap3A_550 = arith.constant 96 : index
    %swap3A_551 = tpu.vector_load %arg17[%swap3A_549, %swap3A_550] {strides = array<i32>} : memref<16x512xf32, #tpu.memory_space<vmem>>, vector<16xf32>,
    tpu.vector_store %arg17[%swap3A_549, %swap3A_550], %broadcast_in_dim3A_7 {strides = array<i32>} : memref<16x512xf32, #tpu.memory_space<vmem>>, vector<16xf32>,
    %swap3A_552 = arith.constant 4 : i32
    %swap3A_553 = arith.index_cast %swap3A_552 : i32 to index
    %swap3A_554 = arith.constant 112 : index
    %swap3A_555 = tpu.vector_load %arg17[%swap3A_553, %swap3A_554] {strides = array<i32>} : memref<16x512xf32, #tpu.memory_space<vmem>>, vector<16xf32>,
    tpu.vector_store %arg17[%swap3A_553, %swap3A_554], %broadcast_in_dim3A_7 {strides = array<i32>} : memref<16x512xf32, #tpu.memory_space<vmem>>, vector<16xf32>,
    %swap3A_556 = arith.constant 4 : i32
    %swap3A_557 = arith.index_cast %swap3A_556 : i32 to index
    %swap3A_558 = arith.constant 128 : index
    %swap3A_559 = tpu.vector_load %arg17[%swap3A_557, %swap3A_558] {strides = array<i32>} : memref<16x512xf32, #tpu.memory_space<vmem>>, vector<16xf32>,
    tpu.vector_store %arg17[%swap3A_557, %swap3A_558], %broadcast_in_dim3A_7 {strides = array<i32>} : memref<16x512xf32, #tpu.memory_space<vmem>>, vector<16xf32>,
    %swap3A_560 = arith.constant 4 : i32
    %swap3A_561 = arith.index_cast %swap3A_560 : i32 to index
    %swap3A_562 = arith.constant 144 : index
    %swap3A_563 = tpu.vector_load %arg17[%swap3A_561, %swap3A_562] {strides = array<i32>} : memref<16x512xf32, #tpu.memory_space<vmem>>, vector<16xf32>,
    tpu.vector_store %arg17[%swap3A_561, %swap3A_562], %broadcast_in_dim3A_7 {strides = array<i32>} : memref<16x512xf32, #tpu.memory_space<vmem>>, vector<16xf32>,
    %swap3A_564 = arith.constant 4 : i32
    %swap3A_565 = arith.index_cast %swap3A_564 : i32 to index
    %swap3A_566 = arith.constant 160 : index
    %swap3A_567 = tpu.vector_load %arg17[%swap3A_565, %swap3A_566] {strides = array<i32>} : memref<16x512xf32, #tpu.memory_space<vmem>>, vector<16xf32>,
    tpu.vector_store %arg17[%swap3A_565, %swap3A_566], %broadcast_in_dim3A_7 {strides = array<i32>} : memref<16x512xf32, #tpu.memory_space<vmem>>, vector<16xf32>,
    %swap3A_568 = arith.constant 4 : i32
    %swap3A_569 = arith.index_cast %swap3A_568 : i32 to index
    %swap3A_570 = arith.constant 176 : index
    %swap3A_571 = tpu.vector_load %arg17[%swap3A_569, %swap3A_570] {strides = array<i32>} : memref<16x512xf32, #tpu.memory_space<vmem>>, vector<16xf32>,
    tpu.vector_store %arg17[%swap3A_569, %swap3A_570], %broadcast_in_dim3A_7 {strides = array<i32>} : memref<16x512xf32, #tpu.memory_space<vmem>>, vector<16xf32>,
    %swap3A_572 = arith.constant 4 : i32
    %swap3A_573 = arith.index_cast %swap3A_572 : i32 to index
    %swap3A_574 = arith.constant 192 : index
    %swap3A_575 = tpu.vector_load %arg17[%swap3A_573, %swap3A_574] {strides = array<i32>} : memref<16x512xf32, #tpu.memory_space<vmem>>, vector<16xf32>,
    tpu.vector_store %arg17[%swap3A_573, %swap3A_574], %broadcast_in_dim3A_7 {strides = array<i32>} : memref<16x512xf32, #tpu.memory_space<vmem>>, vector<16xf32>,
    %swap3A_576 = arith.constant 4 : i32
    %swap3A_577 = arith.index_cast %swap3A_576 : i32 to index
    %swap3A_578 = arith.constant 208 : index
    %swap3A_579 = tpu.vector_load %arg17[%swap3A_577, %swap3A_578] {strides = array<i32>} : memref<16x512xf32, #tpu.memory_space<vmem>>, vector<16xf32>,
    tpu.vector_store %arg17[%swap3A_577, %swap3A_578], %broadcast_in_dim3A_7 {strides = array<i32>} : memref<16x512xf32, #tpu.memory_space<vmem>>, vector<16xf32>,
    %swap3A_580 = arith.constant 4 : i32
    %swap3A_581 = arith.index_cast %swap3A_580 : i32 to index
    %swap3A_582 = arith.constant 224 : index
    %swap3A_583 = tpu.vector_load %arg17[%swap3A_581, %swap3A_582] {strides = array<i32>} : memref<16x512xf32, #tpu.memory_space<vmem>>, vector<16xf32>,
    tpu.vector_store %arg17[%swap3A_581, %swap3A_582], %broadcast_in_dim3A_7 {strides = array<i32>} : memref<16x512xf32, #tpu.memory_space<vmem>>, vector<16xf32>,
    %swap3A_584 = arith.constant 4 : i32
    %swap3A_585 = arith.index_cast %swap3A_584 : i32 to index
    %swap3A_586 = arith.constant 240 : index
    %swap3A_587 = tpu.vector_load %arg17[%swap3A_585, %swap3A_586] {strides = array<i32>} : memref<16x512xf32, #tpu.memory_space<vmem>>, vector<16xf32>,
    tpu.vector_store %arg17[%swap3A_585, %swap3A_586], %broadcast_in_dim3A_7 {strides = array<i32>} : memref<16x512xf32, #tpu.memory_space<vmem>>, vector<16xf32>,
    %swap3A_588 = arith.constant 4 : i32
    %swap3A_589 = arith.index_cast %swap3A_588 : i32 to index
    %swap3A_590 = arith.constant 256 : index
    %swap3A_591 = tpu.vector_load %arg17[%swap3A_589, %swap3A_590] {strides = array<i32>} : memref<16x512xf32, #tpu.memory_space<vmem>>, vector<16xf32>,
    tpu.vector_store %arg17[%swap3A_589, %swap3A_590], %broadcast_in_dim3A_7 {strides = array<i32>} : memref<16x512xf32, #tpu.memory_space<vmem>>, vector<16xf32>,
    %swap3A_592 = arith.constant 4 : i32
    %swap3A_593 = arith.index_cast %swap3A_592 : i32 to index
    %swap3A_594 = arith.constant 272 : index
    %swap3A_595 = tpu.vector_load %arg17[%swap3A_593, %swap3A_594] {strides = array<i32>} : memref<16x512xf32, #tpu.memory_space<vmem>>, vector<16xf32>,
    tpu.vector_store %arg17[%swap3A_593, %swap3A_594], %broadcast_in_dim3A_7 {strides = array<i32>} : memref<16x512xf32, #tpu.memory_space<vmem>>, vector<16xf32>,
    %swap3A_596 = arith.constant 4 : i32
    %swap3A_597 = arith.index_cast %swap3A_596 : i32 to index
    %swap3A_598 = arith.constant 288 : index
    %swap3A_599 = tpu.vector_load %arg17[%swap3A_597, %swap3A_598] {strides = array<i32>} : memref<16x512xf32, #tpu.memory_space<vmem>>, vector<16xf32>,
    tpu.vector_store %arg17[%swap3A_597, %swap3A_598], %broadcast_in_dim3A_7 {strides = array<i32>} : memref<16x512xf32, #tpu.memory_space<vmem>>, vector<16xf32>,
    %swap3A_600 = arith.constant 4 : i32
    %swap3A_601 = arith.index_cast %swap3A_600 : i32 to index
    %swap3A_602 = arith.constant 304 : index
    %swap3A_603 = tpu.vector_load %arg17[%swap3A_601, %swap3A_602] {strides = array<i32>} : memref<16x512xf32, #tpu.memory_space<vmem>>, vector<16xf32>,
    tpu.vector_store %arg17[%swap3A_601, %swap3A_602], %broadcast_in_dim3A_7 {strides = array<i32>} : memref<16x512xf32, #tpu.memory_space<vmem>>, vector<16xf32>,
    %swap3A_604 = arith.constant 4 : i32
    %swap3A_605 = arith.index_cast %swap3A_604 : i32 to index
    %swap3A_606 = arith.constant 320 : index
    %swap3A_607 = tpu.vector_load %arg17[%swap3A_605, %swap3A_606] {strides = array<i32>} : memref<16x512xf32, #tpu.memory_space<vmem>>, vector<16xf32>,
    tpu.vector_store %arg17[%swap3A_605, %swap3A_606], %broadcast_in_dim3A_7 {strides = array<i32>} : memref<16x512xf32, #tpu.memory_space<vmem>>, vector<16xf32>,
    %swap3A_608 = arith.constant 4 : i32
    %swap3A_609 = arith.index_cast %swap3A_608 : i32 to index
    %swap3A_610 = arith.constant 336 : index
    %swap3A_611 = tpu.vector_load %arg17[%swap3A_609, %swap3A_610] {strides = array<i32>} : memref<16x512xf32, #tpu.memory_space<vmem>>, vector<16xf32>,
    tpu.vector_store %arg17[%swap3A_609, %swap3A_610], %broadcast_in_dim3A_7 {strides = array<i32>} : memref<16x512xf32, #tpu.memory_space<vmem>>, vector<16xf32>,
    %swap3A_612 = arith.constant 4 : i32
    %swap3A_613 = arith.index_cast %swap3A_612 : i32 to index
    %swap3A_614 = arith.constant 352 : index
    %swap3A_615 = tpu.vector_load %arg17[%swap3A_613, %swap3A_614] {strides = array<i32>} : memref<16x512xf32, #tpu.memory_space<vmem>>, vector<16xf32>,
    tpu.vector_store %arg17[%swap3A_613, %swap3A_614], %broadcast_in_dim3A_7 {strides = array<i32>} : memref<16x512xf32, #tpu.memory_space<vmem>>, vector<16xf32>,
    %swap3A_616 = arith.constant 4 : i32
    %swap3A_617 = arith.index_cast %swap3A_616 : i32 to index
    %swap3A_618 = arith.constant 368 : index
    %swap3A_619 = tpu.vector_load %arg17[%swap3A_617, %swap3A_618] {strides = array<i32>} : memref<16x512xf32, #tpu.memory_space<vmem>>, vector<16xf32>,
    tpu.vector_store %arg17[%swap3A_617, %swap3A_618], %broadcast_in_dim3A_7 {strides = array<i32>} : memref<16x512xf32, #tpu.memory_space<vmem>>, vector<16xf32>,
    %swap3A_620 = arith.constant 4 : i32
    %swap3A_621 = arith.index_cast %swap3A_620 : i32 to index
    %swap3A_622 = arith.constant 384 : index
    %swap3A_623 = tpu.vector_load %arg17[%swap3A_621, %swap3A_622] {strides = array<i32>} : memref<16x512xf32, #tpu.memory_space<vmem>>, vector<16xf32>,
    tpu.vector_store %arg17[%swap3A_621, %swap3A_622], %broadcast_in_dim3A_7 {strides = array<i32>} : memref<16x512xf32, #tpu.memory_space<vmem>>, vector<16xf32>,
    %swap3A_624 = arith.constant 4 : i32
    %swap3A_625 = arith.index_cast %swap3A_624 : i32 to index
    %swap3A_626 = arith.constant 400 : index
    %swap3A_627 = tpu.vector_load %arg17[%swap3A_625, %swap3A_626] {strides = array<i32>} : memref<16x512xf32, #tpu.memory_space<vmem>>, vector<16xf32>,
    tpu.vector_store %arg17[%swap3A_625, %swap3A_626], %broadcast_in_dim3A_7 {strides = array<i32>} : memref<16x512xf32, #tpu.memory_space<vmem>>, vector<16xf32>,
    %swap3A_628 = arith.constant 4 : i32
    %swap3A_629 = arith.index_cast %swap3A_628 : i32 to index
    %swap3A_630 = arith.constant 416 : index
    %swap3A_631 = tpu.vector_load %arg17[%swap3A_629, %swap3A_630] {strides = array<i32>} : memref<16x512xf32, #tpu.memory_space<vmem>>, vector<16xf32>,
    tpu.vector_store %arg17[%swap3A_629, %swap3A_630], %broadcast_in_dim3A_7 {strides = array<i32>} : memref<16x512xf32, #tpu.memory_space<vmem>>, vector<16xf32>,
    %swap3A_632 = arith.constant 4 : i32
    %swap3A_633 = arith.index_cast %swap3A_632 : i32 to index
    %swap3A_634 = arith.constant 432 : index
    %swap3A_635 = tpu.vector_load %arg17[%swap3A_633, %swap3A_634] {strides = array<i32>} : memref<16x512xf32, #tpu.memory_space<vmem>>, vector<16xf32>,
    tpu.vector_store %arg17[%swap3A_633, %swap3A_634], %broadcast_in_dim3A_7 {strides = array<i32>} : memref<16x512xf32, #tpu.memory_space<vmem>>, vector<16xf32>,
    %swap3A_636 = arith.constant 4 : i32
    %swap3A_637 = arith.index_cast %swap3A_636 : i32 to index
    %swap3A_638 = arith.constant 448 : index
    %swap3A_639 = tpu.vector_load %arg17[%swap3A_637, %swap3A_638] {strides = array<i32>} : memref<16x512xf32, #tpu.memory_space<vmem>>, vector<16xf32>,
    tpu.vector_store %arg17[%swap3A_637, %swap3A_638], %broadcast_in_dim3A_7 {strides = array<i32>} : memref<16x512xf32, #tpu.memory_space<vmem>>, vector<16xf32>,
    %swap3A_640 = arith.constant 4 : i32
    %swap3A_641 = arith.index_cast %swap3A_640 : i32 to index
    %swap3A_642 = arith.constant 464 : index
    %swap3A_643 = tpu.vector_load %arg17[%swap3A_641, %swap3A_642] {strides = array<i32>} : memref<16x512xf32, #tpu.memory_space<vmem>>, vector<16xf32>,
    tpu.vector_store %arg17[%swap3A_641, %swap3A_642], %broadcast_in_dim3A_7 {strides = array<i32>} : memref<16x512xf32, #tpu.memory_space<vmem>>, vector<16xf32>,
    %swap3A_644 = arith.constant 4 : i32
    %swap3A_645 = arith.index_cast %swap3A_644 : i32 to index
    %swap3A_646 = arith.constant 480 : index
    %swap3A_647 = tpu.vector_load %arg17[%swap3A_645, %swap3A_646] {strides = array<i32>} : memref<16x512xf32, #tpu.memory_space<vmem>>, vector<16xf32>,
    tpu.vector_store %arg17[%swap3A_645, %swap3A_646], %broadcast_in_dim3A_7 {strides = array<i32>} : memref<16x512xf32, #tpu.memory_space<vmem>>, vector<16xf32>,
    %swap3A_648 = arith.constant 4 : i32
    %swap3A_649 = arith.index_cast %swap3A_648 : i32 to index
    %swap3A_650 = arith.constant 496 : index
    %swap3A_651 = tpu.vector_load %arg17[%swap3A_649, %swap3A_650] {strides = array<i32>} : memref<16x512xf32, #tpu.memory_space<vmem>>, vector<16xf32>,
    tpu.vector_store %arg17[%swap3A_649, %swap3A_650], %broadcast_in_dim3A_7 {strides = array<i32>} : memref<16x512xf32, #tpu.memory_space<vmem>>, vector<16xf32>,
    %swap3A_652 = arith.constant 5 : i32
    %swap3A_653 = arith.index_cast %swap3A_652 : i32 to index
    %swap3A_654 = arith.constant 0 : index
    %swap3A_655 = tpu.vector_load %arg17[%swap3A_653, %swap3A_654] {strides = array<i32>} : memref<16x512xf32, #tpu.memory_space<vmem>>, vector<16xf32>,
    tpu.vector_store %arg17[%swap3A_653, %swap3A_654], %broadcast_in_dim3A_7 {strides = array<i32>} : memref<16x512xf32, #tpu.memory_space<vmem>>, vector<16xf32>,
    %swap3A_656 = arith.constant 5 : i32
    %swap3A_657 = arith.index_cast %swap3A_656 : i32 to index
    %swap3A_658 = arith.constant 16 : index
    %swap3A_659 = tpu.vector_load %arg17[%swap3A_657, %swap3A_658] {strides = array<i32>} : memref<16x512xf32, #tpu.memory_space<vmem>>, vector<16xf32>,
    tpu.vector_store %arg17[%swap3A_657, %swap3A_658], %broadcast_in_dim3A_7 {strides = array<i32>} : memref<16x512xf32, #tpu.memory_space<vmem>>, vector<16xf32>,
    %swap3A_660 = arith.constant 5 : i32
    %swap3A_661 = arith.index_cast %swap3A_660 : i32 to index
    %swap3A_662 = arith.constant 32 : index
    %swap3A_663 = tpu.vector_load %arg17[%swap3A_661, %swap3A_662] {strides = array<i32>} : memref<16x512xf32, #tpu.memory_space<vmem>>, vector<16xf32>,
    tpu.vector_store %arg17[%swap3A_661, %swap3A_662], %broadcast_in_dim3A_7 {strides = array<i32>} : memref<16x512xf32, #tpu.memory_space<vmem>>, vector<16xf32>,
    %swap3A_664 = arith.constant 5 : i32
    %swap3A_665 = arith.index_cast %swap3A_664 : i32 to index
    %swap3A_666 = arith.constant 48 : index
    %swap3A_667 = tpu.vector_load %arg17[%swap3A_665, %swap3A_666] {strides = array<i32>} : memref<16x512xf32, #tpu.memory_space<vmem>>, vector<16xf32>,
    tpu.vector_store %arg17[%swap3A_665, %swap3A_666], %broadcast_in_dim3A_7 {strides = array<i32>} : memref<16x512xf32, #tpu.memory_space<vmem>>, vector<16xf32>,
    %swap3A_668 = arith.constant 5 : i32
    %swap3A_669 = arith.index_cast %swap3A_668 : i32 to index
    %swap3A_670 = arith.constant 64 : index
    %swap3A_671 = tpu.vector_load %arg17[%swap3A_669, %swap3A_670] {strides = array<i32>} : memref<16x512xf32, #tpu.memory_space<vmem>>, vector<16xf32>,
    tpu.vector_store %arg17[%swap3A_669, %swap3A_670], %broadcast_in_dim3A_7 {strides = array<i32>} : memref<16x512xf32, #tpu.memory_space<vmem>>, vector<16xf32>,
    %swap3A_672 = arith.constant 5 : i32
    %swap3A_673 = arith.index_cast %swap3A_672 : i32 to index
    %swap3A_674 = arith.constant 80 : index
    %swap3A_675 = tpu.vector_load %arg17[%swap3A_673, %swap3A_674] {strides = array<i32>} : memref<16x512xf32, #tpu.memory_space<vmem>>, vector<16xf32>,
    tpu.vector_store %arg17[%swap3A_673, %swap3A_674], %broadcast_in_dim3A_7 {strides = array<i32>} : memref<16x512xf32, #tpu.memory_space<vmem>>, vector<16xf32>,
    %swap3A_676 = arith.constant 5 : i32
    %swap3A_677 = arith.index_cast %swap3A_676 : i32 to index
    %swap3A_678 = arith.constant 96 : index
    %swap3A_679 = tpu.vector_load %arg17[%swap3A_677, %swap3A_678] {strides = array<i32>} : memref<16x512xf32, #tpu.memory_space<vmem>>, vector<16xf32>,
    tpu.vector_store %arg17[%swap3A_677, %swap3A_678], %broadcast_in_dim3A_7 {strides = array<i32>} : memref<16x512xf32, #tpu.memory_space<vmem>>, vector<16xf32>,
    %swap3A_680 = arith.constant 5 : i32
    %swap3A_681 = arith.index_cast %swap3A_680 : i32 to index
    %swap3A_682 = arith.constant 112 : index
    %swap3A_683 = tpu.vector_load %arg17[%swap3A_681, %swap3A_682] {strides = array<i32>} : memref<16x512xf32, #tpu.memory_space<vmem>>, vector<16xf32>,
    tpu.vector_store %arg17[%swap3A_681, %swap3A_682], %broadcast_in_dim3A_7 {strides = array<i32>} : memref<16x512xf32, #tpu.memory_space<vmem>>, vector<16xf32>,
    %swap3A_684 = arith.constant 5 : i32
    %swap3A_685 = arith.index_cast %swap3A_684 : i32 to index
    %swap3A_686 = arith.constant 128 : index
    %swap3A_687 = tpu.vector_load %arg17[%swap3A_685, %swap3A_686] {strides = array<i32>} : memref<16x512xf32, #tpu.memory_space<vmem>>, vector<16xf32>,
    tpu.vector_store %arg17[%swap3A_685, %swap3A_686], %broadcast_in_dim3A_7 {strides = array<i32>} : memref<16x512xf32, #tpu.memory_space<vmem>>, vector<16xf32>,
    %swap3A_688 = arith.constant 5 : i32
    %swap3A_689 = arith.index_cast %swap3A_688 : i32 to index
    %swap3A_690 = arith.constant 144 : index
    %swap3A_691 = tpu.vector_load %arg17[%swap3A_689, %swap3A_690] {strides = array<i32>} : memref<16x512xf32, #tpu.memory_space<vmem>>, vector<16xf32>,
    tpu.vector_store %arg17[%swap3A_689, %swap3A_690], %broadcast_in_dim3A_7 {strides = array<i32>} : memref<16x512xf32, #tpu.memory_space<vmem>>, vector<16xf32>,
    %swap3A_692 = arith.constant 5 : i32
    %swap3A_693 = arith.index_cast %swap3A_692 : i32 to index
    %swap3A_694 = arith.constant 160 : index
    %swap3A_695 = tpu.vector_load %arg17[%swap3A_693, %swap3A_694] {strides = array<i32>} : memref<16x512xf32, #tpu.memory_space<vmem>>, vector<16xf32>,
    tpu.vector_store %arg17[%swap3A_693, %swap3A_694], %broadcast_in_dim3A_7 {strides = array<i32>} : memref<16x512xf32, #tpu.memory_space<vmem>>, vector<16xf32>,
    %swap3A_696 = arith.constant 5 : i32
    %swap3A_697 = arith.index_cast %swap3A_696 : i32 to index
    %swap3A_698 = arith.constant 176 : index
    %swap3A_699 = tpu.vector_load %arg17[%swap3A_697, %swap3A_698] {strides = array<i32>} : memref<16x512xf32, #tpu.memory_space<vmem>>, vector<16xf32>,
    tpu.vector_store %arg17[%swap3A_697, %swap3A_698], %broadcast_in_dim3A_7 {strides = array<i32>} : memref<16x512xf32, #tpu.memory_space<vmem>>, vector<16xf32>,
    %swap3A_700 = arith.constant 5 : i32
    %swap3A_701 = arith.index_cast %swap3A_700 : i32 to index
    %swap3A_702 = arith.constant 192 : index
    %swap3A_703 = tpu.vector_load %arg17[%swap3A_701, %swap3A_702] {strides = array<i32>} : memref<16x512xf32, #tpu.memory_space<vmem>>, vector<16xf32>,
    tpu.vector_store %arg17[%swap3A_701, %swap3A_702], %broadcast_in_dim3A_7 {strides = array<i32>} : memref<16x512xf32, #tpu.memory_space<vmem>>, vector<16xf32>,
    %swap3A_704 = arith.constant 5 : i32
    %swap3A_705 = arith.index_cast %swap3A_704 : i32 to index
    %swap3A_706 = arith.constant 208 : index
    %swap3A_707 = tpu.vector_load %arg17[%swap3A_705, %swap3A_706] {strides = array<i32>} : memref<16x512xf32, #tpu.memory_space<vmem>>, vector<16xf32>,
    tpu.vector_store %arg17[%swap3A_705, %swap3A_706], %broadcast_in_dim3A_7 {strides = array<i32>} : memref<16x512xf32, #tpu.memory_space<vmem>>, vector<16xf32>,
    %swap3A_708 = arith.constant 5 : i32
    %swap3A_709 = arith.index_cast %swap3A_708 : i32 to index
    %swap3A_710 = arith.constant 224 : index
    %swap3A_711 = tpu.vector_load %arg17[%swap3A_709, %swap3A_710] {strides = array<i32>} : memref<16x512xf32, #tpu.memory_space<vmem>>, vector<16xf32>,
    tpu.vector_store %arg17[%swap3A_709, %swap3A_710], %broadcast_in_dim3A_7 {strides = array<i32>} : memref<16x512xf32, #tpu.memory_space<vmem>>, vector<16xf32>,
    %swap3A_712 = arith.constant 5 : i32
    %swap3A_713 = arith.index_cast %swap3A_712 : i32 to index
    %swap3A_714 = arith.constant 240 : index
    %swap3A_715 = tpu.vector_load %arg17[%swap3A_713, %swap3A_714] {strides = array<i32>} : memref<16x512xf32, #tpu.memory_space<vmem>>, vector<16xf32>,
    tpu.vector_store %arg17[%swap3A_713, %swap3A_714], %broadcast_in_dim3A_7 {strides = array<i32>} : memref<16x512xf32, #tpu.memory_space<vmem>>, vector<16xf32>,
    %swap3A_716 = arith.constant 5 : i32
    %swap3A_717 = arith.index_cast %swap3A_716 : i32 to index
    %swap3A_718 = arith.constant 256 : index
    %swap3A_719 = tpu.vector_load %arg17[%swap3A_717, %swap3A_718] {strides = array<i32>} : memref<16x512xf32, #tpu.memory_space<vmem>>, vector<16xf32>,
    tpu.vector_store %arg17[%swap3A_717, %swap3A_718], %broadcast_in_dim3A_7 {strides = array<i32>} : memref<16x512xf32, #tpu.memory_space<vmem>>, vector<16xf32>,
    %swap3A_720 = arith.constant 5 : i32
    %swap3A_721 = arith.index_cast %swap3A_720 : i32 to index
    %swap3A_722 = arith.constant 272 : index
    %swap3A_723 = tpu.vector_load %arg17[%swap3A_721, %swap3A_722] {strides = array<i32>} : memref<16x512xf32, #tpu.memory_space<vmem>>, vector<16xf32>,
    tpu.vector_store %arg17[%swap3A_721, %swap3A_722], %broadcast_in_dim3A_7 {strides = array<i32>} : memref<16x512xf32, #tpu.memory_space<vmem>>, vector<16xf32>,
    %swap3A_724 = arith.constant 5 : i32
    %swap3A_725 = arith.index_cast %swap3A_724 : i32 to index
    %swap3A_726 = arith.constant 288 : index
    %swap3A_727 = tpu.vector_load %arg17[%swap3A_725, %swap3A_726] {strides = array<i32>} : memref<16x512xf32, #tpu.memory_space<vmem>>, vector<16xf32>,
    tpu.vector_store %arg17[%swap3A_725, %swap3A_726], %broadcast_in_dim3A_7 {strides = array<i32>} : memref<16x512xf32, #tpu.memory_space<vmem>>, vector<16xf32>,
    %swap3A_728 = arith.constant 5 : i32
    %swap3A_729 = arith.index_cast %swap3A_728 : i32 to index
    %swap3A_730 = arith.constant 304 : index
    %swap3A_731 = tpu.vector_load %arg17[%swap3A_729, %swap3A_730] {strides = array<i32>} : memref<16x512xf32, #tpu.memory_space<vmem>>, vector<16xf32>,
    tpu.vector_store %arg17[%swap3A_729, %swap3A_730], %broadcast_in_dim3A_7 {strides = array<i32>} : memref<16x512xf32, #tpu.memory_space<vmem>>, vector<16xf32>,
    %swap3A_732 = arith.constant 5 : i32
    %swap3A_733 = arith.index_cast %swap3A_732 : i32 to index
    %swap3A_734 = arith.constant 320 : index
    %swap3A_735 = tpu.vector_load %arg17[%swap3A_733, %swap3A_734] {strides = array<i32>} : memref<16x512xf32, #tpu.memory_space<vmem>>, vector<16xf32>,
    tpu.vector_store %arg17[%swap3A_733, %swap3A_734], %broadcast_in_dim3A_7 {strides = array<i32>} : memref<16x512xf32, #tpu.memory_space<vmem>>, vector<16xf32>,
    %swap3A_736 = arith.constant 5 : i32
    %swap3A_737 = arith.index_cast %swap3A_736 : i32 to index
    %swap3A_738 = arith.constant 336 : index
    %swap3A_739 = tpu.vector_load %arg17[%swap3A_737, %swap3A_738] {strides = array<i32>} : memref<16x512xf32, #tpu.memory_space<vmem>>, vector<16xf32>,
    tpu.vector_store %arg17[%swap3A_737, %swap3A_738], %broadcast_in_dim3A_7 {strides = array<i32>} : memref<16x512xf32, #tpu.memory_space<vmem>>, vector<16xf32>,
    %swap3A_740 = arith.constant 5 : i32
    %swap3A_741 = arith.index_cast %swap3A_740 : i32 to index
    %swap3A_742 = arith.constant 352 : index
    %swap3A_743 = tpu.vector_load %arg17[%swap3A_741, %swap3A_742] {strides = array<i32>} : memref<16x512xf32, #tpu.memory_space<vmem>>, vector<16xf32>,
    tpu.vector_store %arg17[%swap3A_741, %swap3A_742], %broadcast_in_dim3A_7 {strides = array<i32>} : memref<16x512xf32, #tpu.memory_space<vmem>>, vector<16xf32>,
    %swap3A_744 = arith.constant 5 : i32
    %swap3A_745 = arith.index_cast %swap3A_744 : i32 to index
    %swap3A_746 = arith.constant 368 : index
    %swap3A_747 = tpu.vector_load %arg17[%swap3A_745, %swap3A_746] {strides = array<i32>} : memref<16x512xf32, #tpu.memory_space<vmem>>, vector<16xf32>,
    tpu.vector_store %arg17[%swap3A_745, %swap3A_746], %broadcast_in_dim3A_7 {strides = array<i32>} : memref<16x512xf32, #tpu.memory_space<vmem>>, vector<16xf32>,
    %swap3A_748 = arith.constant 5 : i32
    %swap3A_749 = arith.index_cast %swap3A_748 : i32 to index
    %swap3A_750 = arith.constant 384 : index
    %swap3A_751 = tpu.vector_load %arg17[%swap3A_749, %swap3A_750] {strides = array<i32>} : memref<16x512xf32, #tpu.memory_space<vmem>>, vector<16xf32>,
    tpu.vector_store %arg17[%swap3A_749, %swap3A_750], %broadcast_in_dim3A_7 {strides = array<i32>} : memref<16x512xf32, #tpu.memory_space<vmem>>, vector<16xf32>,
    %swap3A_752 = arith.constant 5 : i32
    %swap3A_753 = arith.index_cast %swap3A_752 : i32 to index
    %swap3A_754 = arith.constant 400 : index
    %swap3A_755 = tpu.vector_load %arg17[%swap3A_753, %swap3A_754] {strides = array<i32>} : memref<16x512xf32, #tpu.memory_space<vmem>>, vector<16xf32>,
    tpu.vector_store %arg17[%swap3A_753, %swap3A_754], %broadcast_in_dim3A_7 {strides = array<i32>} : memref<16x512xf32, #tpu.memory_space<vmem>>, vector<16xf32>,
    %swap3A_756 = arith.constant 5 : i32
    %swap3A_757 = arith.index_cast %swap3A_756 : i32 to index
    %swap3A_758 = arith.constant 416 : index
    %swap3A_759 = tpu.vector_load %arg17[%swap3A_757, %swap3A_758] {strides = array<i32>} : memref<16x512xf32, #tpu.memory_space<vmem>>, vector<16xf32>,
    tpu.vector_store %arg17[%swap3A_757, %swap3A_758], %broadcast_in_dim3A_7 {strides = array<i32>} : memref<16x512xf32, #tpu.memory_space<vmem>>, vector<16xf32>,
    %swap3A_760 = arith.constant 5 : i32
    %swap3A_761 = arith.index_cast %swap3A_760 : i32 to index
    %swap3A_762 = arith.constant 432 : index
    %swap3A_763 = tpu.vector_load %arg17[%swap3A_761, %swap3A_762] {strides = array<i32>} : memref<16x512xf32, #tpu.memory_space<vmem>>, vector<16xf32>,
    tpu.vector_store %arg17[%swap3A_761, %swap3A_762], %broadcast_in_dim3A_7 {strides = array<i32>} : memref<16x512xf32, #tpu.memory_space<vmem>>, vector<16xf32>,
    %swap3A_764 = arith.constant 5 : i32
    %swap3A_765 = arith.index_cast %swap3A_764 : i32 to index
    %swap3A_766 = arith.constant 448 : index
    %swap3A_767 = tpu.vector_load %arg17[%swap3A_765, %swap3A_766] {strides = array<i32>} : memref<16x512xf32, #tpu.memory_space<vmem>>, vector<16xf32>,
    tpu.vector_store %arg17[%swap3A_765, %swap3A_766], %broadcast_in_dim3A_7 {strides = array<i32>} : memref<16x512xf32, #tpu.memory_space<vmem>>, vector<16xf32>,
    %swap3A_768 = arith.constant 5 : i32
    %swap3A_769 = arith.index_cast %swap3A_768 : i32 to index
    %swap3A_770 = arith.constant 464 : index
    %swap3A_771 = tpu.vector_load %arg17[%swap3A_769, %swap3A_770] {strides = array<i32>} : memref<16x512xf32, #tpu.memory_space<vmem>>, vector<16xf32>,
    tpu.vector_store %arg17[%swap3A_769, %swap3A_770], %broadcast_in_dim3A_7 {strides = array<i32>} : memref<16x512xf32, #tpu.memory_space<vmem>>, vector<16xf32>,
    %swap3A_772 = arith.constant 5 : i32
    %swap3A_773 = arith.index_cast %swap3A_772 : i32 to index
    %swap3A_774 = arith.constant 480 : index
    %swap3A_775 = tpu.vector_load %arg17[%swap3A_773, %swap3A_774] {strides = array<i32>} : memref<16x512xf32, #tpu.memory_space<vmem>>, vector<16xf32>,
    tpu.vector_store %arg17[%swap3A_773, %swap3A_774], %broadcast_in_dim3A_7 {strides = array<i32>} : memref<16x512xf32, #tpu.memory_space<vmem>>, vector<16xf32>,
    %swap3A_776 = arith.constant 5 : i32
    %swap3A_777 = arith.index_cast %swap3A_776 : i32 to index
    %swap3A_778 = arith.constant 496 : index
    %swap3A_779 = tpu.vector_load %arg17[%swap3A_777, %swap3A_778] {strides = array<i32>} : memref<16x512xf32, #tpu.memory_space<vmem>>, vector<16xf32>,
    tpu.vector_store %arg17[%swap3A_777, %swap3A_778], %broadcast_in_dim3A_7 {strides = array<i32>} : memref<16x512xf32, #tpu.memory_space<vmem>>, vector<16xf32>,
    %swap3A_780 = arith.constant 6 : i32
    %swap3A_781 = arith.index_cast %swap3A_780 : i32 to index
    %swap3A_782 = arith.constant 0 : index
    %swap3A_783 = tpu.vector_load %arg17[%swap3A_781, %swap3A_782] {strides = array<i32>} : memref<16x512xf32, #tpu.memory_space<vmem>>, vector<16xf32>,
    tpu.vector_store %arg17[%swap3A_781, %swap3A_782], %broadcast_in_dim3A_5 {strides = array<i32>} : memref<16x512xf32, #tpu.memory_space<vmem>>, vector<16xf32>,
    %swap3A_784 = arith.constant 6 : i32
    %swap3A_785 = arith.index_cast %swap3A_784 : i32 to index
    %swap3A_786 = arith.constant 16 : index
    %swap3A_787 = tpu.vector_load %arg17[%swap3A_785, %swap3A_786] {strides = array<i32>} : memref<16x512xf32, #tpu.memory_space<vmem>>, vector<16xf32>,
    tpu.vector_store %arg17[%swap3A_785, %swap3A_786], %broadcast_in_dim3A_5 {strides = array<i32>} : memref<16x512xf32, #tpu.memory_space<vmem>>, vector<16xf32>,
    %swap3A_788 = arith.constant 6 : i32
    %swap3A_789 = arith.index_cast %swap3A_788 : i32 to index
    %swap3A_790 = arith.constant 32 : index
    %swap3A_791 = tpu.vector_load %arg17[%swap3A_789, %swap3A_790] {strides = array<i32>} : memref<16x512xf32, #tpu.memory_space<vmem>>, vector<16xf32>,
    tpu.vector_store %arg17[%swap3A_789, %swap3A_790], %broadcast_in_dim3A_5 {strides = array<i32>} : memref<16x512xf32, #tpu.memory_space<vmem>>, vector<16xf32>,
    %swap3A_792 = arith.constant 6 : i32
    %swap3A_793 = arith.index_cast %swap3A_792 : i32 to index
    %swap3A_794 = arith.constant 48 : index
    %swap3A_795 = tpu.vector_load %arg17[%swap3A_793, %swap3A_794] {strides = array<i32>} : memref<16x512xf32, #tpu.memory_space<vmem>>, vector<16xf32>,
    tpu.vector_store %arg17[%swap3A_793, %swap3A_794], %broadcast_in_dim3A_5 {strides = array<i32>} : memref<16x512xf32, #tpu.memory_space<vmem>>, vector<16xf32>,
    %swap3A_796 = arith.constant 6 : i32
    %swap3A_797 = arith.index_cast %swap3A_796 : i32 to index
    %swap3A_798 = arith.constant 64 : index
    %swap3A_799 = tpu.vector_load %arg17[%swap3A_797, %swap3A_798] {strides = array<i32>} : memref<16x512xf32, #tpu.memory_space<vmem>>, vector<16xf32>,
    tpu.vector_store %arg17[%swap3A_797, %swap3A_798], %broadcast_in_dim3A_5 {strides = array<i32>} : memref<16x512xf32, #tpu.memory_space<vmem>>, vector<16xf32>,
    %swap3A_800 = arith.constant 6 : i32
    %swap3A_801 = arith.index_cast %swap3A_800 : i32 to index
    %swap3A_802 = arith.constant 80 : index
    %swap3A_803 = tpu.vector_load %arg17[%swap3A_801, %swap3A_802] {strides = array<i32>} : memref<16x512xf32, #tpu.memory_space<vmem>>, vector<16xf32>,
    tpu.vector_store %arg17[%swap3A_801, %swap3A_802], %broadcast_in_dim3A_5 {strides = array<i32>} : memref<16x512xf32, #tpu.memory_space<vmem>>, vector<16xf32>,
    %swap3A_804 = arith.constant 6 : i32
    %swap3A_805 = arith.index_cast %swap3A_804 : i32 to index
    %swap3A_806 = arith.constant 96 : index
    %swap3A_807 = tpu.vector_load %arg17[%swap3A_805, %swap3A_806] {strides = array<i32>} : memref<16x512xf32, #tpu.memory_space<vmem>>, vector<16xf32>,
    tpu.vector_store %arg17[%swap3A_805, %swap3A_806], %broadcast_in_dim3A_5 {strides = array<i32>} : memref<16x512xf32, #tpu.memory_space<vmem>>, vector<16xf32>,
    %swap3A_808 = arith.constant 6 : i32
    %swap3A_809 = arith.index_cast %swap3A_808 : i32 to index
    %swap3A_810 = arith.constant 112 : index
    %swap3A_811 = tpu.vector_load %arg17[%swap3A_809, %swap3A_810] {strides = array<i32>} : memref<16x512xf32, #tpu.memory_space<vmem>>, vector<16xf32>,
    tpu.vector_store %arg17[%swap3A_809, %swap3A_810], %broadcast_in_dim3A_5 {strides = array<i32>} : memref<16x512xf32, #tpu.memory_space<vmem>>, vector<16xf32>,
    %swap3A_812 = arith.constant 6 : i32
    %swap3A_813 = arith.index_cast %swap3A_812 : i32 to index
    %swap3A_814 = arith.constant 128 : index
    %swap3A_815 = tpu.vector_load %arg17[%swap3A_813, %swap3A_814] {strides = array<i32>} : memref<16x512xf32, #tpu.memory_space<vmem>>, vector<16xf32>,
    tpu.vector_store %arg17[%swap3A_813, %swap3A_814], %broadcast_in_dim3A_5 {strides = array<i32>} : memref<16x512xf32, #tpu.memory_space<vmem>>, vector<16xf32>,
    %swap3A_816 = arith.constant 6 : i32
    %swap3A_817 = arith.index_cast %swap3A_816 : i32 to index
    %swap3A_818 = arith.constant 144 : index
    %swap3A_819 = tpu.vector_load %arg17[%swap3A_817, %swap3A_818] {strides = array<i32>} : memref<16x512xf32, #tpu.memory_space<vmem>>, vector<16xf32>,
    tpu.vector_store %arg17[%swap3A_817, %swap3A_818], %broadcast_in_dim3A_5 {strides = array<i32>} : memref<16x512xf32, #tpu.memory_space<vmem>>, vector<16xf32>,
    %swap3A_820 = arith.constant 6 : i32
    %swap3A_821 = arith.index_cast %swap3A_820 : i32 to index
    %swap3A_822 = arith.constant 160 : index
    %swap3A_823 = tpu.vector_load %arg17[%swap3A_821, %swap3A_822] {strides = array<i32>} : memref<16x512xf32, #tpu.memory_space<vmem>>, vector<16xf32>,
    tpu.vector_store %arg17[%swap3A_821, %swap3A_822], %broadcast_in_dim3A_5 {strides = array<i32>} : memref<16x512xf32, #tpu.memory_space<vmem>>, vector<16xf32>,
    %swap3A_824 = arith.constant 6 : i32
    %swap3A_825 = arith.index_cast %swap3A_824 : i32 to index
    %swap3A_826 = arith.constant 176 : index
    %swap3A_827 = tpu.vector_load %arg17[%swap3A_825, %swap3A_826] {strides = array<i32>} : memref<16x512xf32, #tpu.memory_space<vmem>>, vector<16xf32>,
    tpu.vector_store %arg17[%swap3A_825, %swap3A_826], %broadcast_in_dim3A_5 {strides = array<i32>} : memref<16x512xf32, #tpu.memory_space<vmem>>, vector<16xf32>,
    %swap3A_828 = arith.constant 6 : i32
    %swap3A_829 = arith.index_cast %swap3A_828 : i32 to index
    %swap3A_830 = arith.constant 192 : index
    %swap3A_831 = tpu.vector_load %arg17[%swap3A_829, %swap3A_830] {strides = array<i32>} : memref<16x512xf32, #tpu.memory_space<vmem>>, vector<16xf32>,
    tpu.vector_store %arg17[%swap3A_829, %swap3A_830], %broadcast_in_dim3A_5 {strides = array<i32>} : memref<16x512xf32, #tpu.memory_space<vmem>>, vector<16xf32>,
    %swap3A_832 = arith.constant 6 : i32
    %swap3A_833 = arith.index_cast %swap3A_832 : i32 to index
    %swap3A_834 = arith.constant 208 : index
    %swap3A_835 = tpu.vector_load %arg17[%swap3A_833, %swap3A_834] {strides = array<i32>} : memref<16x512xf32, #tpu.memory_space<vmem>>, vector<16xf32>,
    tpu.vector_store %arg17[%swap3A_833, %swap3A_834], %broadcast_in_dim3A_5 {strides = array<i32>} : memref<16x512xf32, #tpu.memory_space<vmem>>, vector<16xf32>,
    %swap3A_836 = arith.constant 6 : i32
    %swap3A_837 = arith.index_cast %swap3A_836 : i32 to index
    %swap3A_838 = arith.constant 224 : index
    %swap3A_839 = tpu.vector_load %arg17[%swap3A_837, %swap3A_838] {strides = array<i32>} : memref<16x512xf32, #tpu.memory_space<vmem>>, vector<16xf32>,
    tpu.vector_store %arg17[%swap3A_837, %swap3A_838], %broadcast_in_dim3A_5 {strides = array<i32>} : memref<16x512xf32, #tpu.memory_space<vmem>>, vector<16xf32>,
    %swap3A_840 = arith.constant 6 : i32
    %swap3A_841 = arith.index_cast %swap3A_840 : i32 to index
    %swap3A_842 = arith.constant 240 : index
    %swap3A_843 = tpu.vector_load %arg17[%swap3A_841, %swap3A_842] {strides = array<i32>} : memref<16x512xf32, #tpu.memory_space<vmem>>, vector<16xf32>,
    tpu.vector_store %arg17[%swap3A_841, %swap3A_842], %broadcast_in_dim3A_5 {strides = array<i32>} : memref<16x512xf32, #tpu.memory_space<vmem>>, vector<16xf32>,
    %swap3A_844 = arith.constant 6 : i32
    %swap3A_845 = arith.index_cast %swap3A_844 : i32 to index
    %swap3A_846 = arith.constant 256 : index
    %swap3A_847 = tpu.vector_load %arg17[%swap3A_845, %swap3A_846] {strides = array<i32>} : memref<16x512xf32, #tpu.memory_space<vmem>>, vector<16xf32>,
    tpu.vector_store %arg17[%swap3A_845, %swap3A_846], %broadcast_in_dim3A_5 {strides = array<i32>} : memref<16x512xf32, #tpu.memory_space<vmem>>, vector<16xf32>,
    %swap3A_848 = arith.constant 6 : i32
    %swap3A_849 = arith.index_cast %swap3A_848 : i32 to index
    %swap3A_850 = arith.constant 272 : index
    %swap3A_851 = tpu.vector_load %arg17[%swap3A_849, %swap3A_850] {strides = array<i32>} : memref<16x512xf32, #tpu.memory_space<vmem>>, vector<16xf32>,
    tpu.vector_store %arg17[%swap3A_849, %swap3A_850], %broadcast_in_dim3A_5 {strides = array<i32>} : memref<16x512xf32, #tpu.memory_space<vmem>>, vector<16xf32>,
    %swap3A_852 = arith.constant 6 : i32
    %swap3A_853 = arith.index_cast %swap3A_852 : i32 to index
    %swap3A_854 = arith.constant 288 : index
    %swap3A_855 = tpu.vector_load %arg17[%swap3A_853, %swap3A_854] {strides = array<i32>} : memref<16x512xf32, #tpu.memory_space<vmem>>, vector<16xf32>,
    tpu.vector_store %arg17[%swap3A_853, %swap3A_854], %broadcast_in_dim3A_5 {strides = array<i32>} : memref<16x512xf32, #tpu.memory_space<vmem>>, vector<16xf32>,
    %swap3A_856 = arith.constant 6 : i32
    %swap3A_857 = arith.index_cast %swap3A_856 : i32 to index
    %swap3A_858 = arith.constant 304 : index
    %swap3A_859 = tpu.vector_load %arg17[%swap3A_857, %swap3A_858] {strides = array<i32>} : memref<16x512xf32, #tpu.memory_space<vmem>>, vector<16xf32>,
    tpu.vector_store %arg17[%swap3A_857, %swap3A_858], %broadcast_in_dim3A_5 {strides = array<i32>} : memref<16x512xf32, #tpu.memory_space<vmem>>, vector<16xf32>,
    %swap3A_860 = arith.constant 6 : i32
    %swap3A_861 = arith.index_cast %swap3A_860 : i32 to index
    %swap3A_862 = arith.constant 320 : index
    %swap3A_863 = tpu.vector_load %arg17[%swap3A_861, %swap3A_862] {strides = array<i32>} : memref<16x512xf32, #tpu.memory_space<vmem>>, vector<16xf32>,
    tpu.vector_store %arg17[%swap3A_861, %swap3A_862], %broadcast_in_dim3A_5 {strides = array<i32>} : memref<16x512xf32, #tpu.memory_space<vmem>>, vector<16xf32>,
    %swap3A_864 = arith.constant 6 : i32
    %swap3A_865 = arith.index_cast %swap3A_864 : i32 to index
    %swap3A_866 = arith.constant 336 : index
    %swap3A_867 = tpu.vector_load %arg17[%swap3A_865, %swap3A_866] {strides = array<i32>} : memref<16x512xf32, #tpu.memory_space<vmem>>, vector<16xf32>,
    tpu.vector_store %arg17[%swap3A_865, %swap3A_866], %broadcast_in_dim3A_5 {strides = array<i32>} : memref<16x512xf32, #tpu.memory_space<vmem>>, vector<16xf32>,
    %swap3A_868 = arith.constant 6 : i32
    %swap3A_869 = arith.index_cast %swap3A_868 : i32 to index
    %swap3A_870 = arith.constant 352 : index
    %swap3A_871 = tpu.vector_load %arg17[%swap3A_869, %swap3A_870] {strides = array<i32>} : memref<16x512xf32, #tpu.memory_space<vmem>>, vector<16xf32>,
    tpu.vector_store %arg17[%swap3A_869, %swap3A_870], %broadcast_in_dim3A_5 {strides = array<i32>} : memref<16x512xf32, #tpu.memory_space<vmem>>, vector<16xf32>,
    %swap3A_872 = arith.constant 6 : i32
    %swap3A_873 = arith.index_cast %swap3A_872 : i32 to index
    %swap3A_874 = arith.constant 368 : index
    %swap3A_875 = tpu.vector_load %arg17[%swap3A_873, %swap3A_874] {strides = array<i32>} : memref<16x512xf32, #tpu.memory_space<vmem>>, vector<16xf32>,
    tpu.vector_store %arg17[%swap3A_873, %swap3A_874], %broadcast_in_dim3A_5 {strides = array<i32>} : memref<16x512xf32, #tpu.memory_space<vmem>>, vector<16xf32>,
    %swap3A_876 = arith.constant 6 : i32
    %swap3A_877 = arith.index_cast %swap3A_876 : i32 to index
    %swap3A_878 = arith.constant 384 : index
    %swap3A_879 = tpu.vector_load %arg17[%swap3A_877, %swap3A_878] {strides = array<i32>} : memref<16x512xf32, #tpu.memory_space<vmem>>, vector<16xf32>,
    tpu.vector_store %arg17[%swap3A_877, %swap3A_878], %broadcast_in_dim3A_5 {strides = array<i32>} : memref<16x512xf32, #tpu.memory_space<vmem>>, vector<16xf32>,
    %swap3A_880 = arith.constant 6 : i32
    %swap3A_881 = arith.index_cast %swap3A_880 : i32 to index
    %swap3A_882 = arith.constant 400 : index
    %swap3A_883 = tpu.vector_load %arg17[%swap3A_881, %swap3A_882] {strides = array<i32>} : memref<16x512xf32, #tpu.memory_space<vmem>>, vector<16xf32>,
    tpu.vector_store %arg17[%swap3A_881, %swap3A_882], %broadcast_in_dim3A_5 {strides = array<i32>} : memref<16x512xf32, #tpu.memory_space<vmem>>, vector<16xf32>,
    %swap3A_884 = arith.constant 6 : i32
    %swap3A_885 = arith.index_cast %swap3A_884 : i32 to index
    %swap3A_886 = arith.constant 416 : index
    %swap3A_887 = tpu.vector_load %arg17[%swap3A_885, %swap3A_886] {strides = array<i32>} : memref<16x512xf32, #tpu.memory_space<vmem>>, vector<16xf32>,
    tpu.vector_store %arg17[%swap3A_885, %swap3A_886], %broadcast_in_dim3A_5 {strides = array<i32>} : memref<16x512xf32, #tpu.memory_space<vmem>>, vector<16xf32>,
    %swap3A_888 = arith.constant 6 : i32
    %swap3A_889 = arith.index_cast %swap3A_888 : i32 to index
    %swap3A_890 = arith.constant 432 : index
    %swap3A_891 = tpu.vector_load %arg17[%swap3A_889, %swap3A_890] {strides = array<i32>} : memref<16x512xf32, #tpu.memory_space<vmem>>, vector<16xf32>,
    tpu.vector_store %arg17[%swap3A_889, %swap3A_890], %broadcast_in_dim3A_5 {strides = array<i32>} : memref<16x512xf32, #tpu.memory_space<vmem>>, vector<16xf32>,
    %swap3A_892 = arith.constant 6 : i32
    %swap3A_893 = arith.index_cast %swap3A_892 : i32 to index
    %swap3A_894 = arith.constant 448 : index
    %swap3A_895 = tpu.vector_load %arg17[%swap3A_893, %swap3A_894] {strides = array<i32>} : memref<16x512xf32, #tpu.memory_space<vmem>>, vector<16xf32>,
    tpu.vector_store %arg17[%swap3A_893, %swap3A_894], %broadcast_in_dim3A_5 {strides = array<i32>} : memref<16x512xf32, #tpu.memory_space<vmem>>, vector<16xf32>,
    %swap3A_896 = arith.constant 6 : i32
    %swap3A_897 = arith.index_cast %swap3A_896 : i32 to index
    %swap3A_898 = arith.constant 464 : index
    %swap3A_899 = tpu.vector_load %arg17[%swap3A_897, %swap3A_898] {strides = array<i32>} : memref<16x512xf32, #tpu.memory_space<vmem>>, vector<16xf32>,
    tpu.vector_store %arg17[%swap3A_897, %swap3A_898], %broadcast_in_dim3A_5 {strides = array<i32>} : memref<16x512xf32, #tpu.memory_space<vmem>>, vector<16xf32>,
    %swap3A_900 = arith.constant 6 : i32
    %swap3A_901 = arith.index_cast %swap3A_900 : i32 to index
    %swap3A_902 = arith.constant 480 : index
    %swap3A_903 = tpu.vector_load %arg17[%swap3A_901, %swap3A_902] {strides = array<i32>} : memref<16x512xf32, #tpu.memory_space<vmem>>, vector<16xf32>,
    tpu.vector_store %arg17[%swap3A_901, %swap3A_902], %broadcast_in_dim3A_5 {strides = array<i32>} : memref<16x512xf32, #tpu.memory_space<vmem>>, vector<16xf32>,
    %swap3A_904 = arith.constant 6 : i32
    %swap3A_905 = arith.index_cast %swap3A_904 : i32 to index
    %swap3A_906 = arith.constant 496 : index
    %swap3A_907 = tpu.vector_load %arg17[%swap3A_905, %swap3A_906] {strides = array<i32>} : memref<16x512xf32, #tpu.memory_space<vmem>>, vector<16xf32>,
    tpu.vector_store %arg17[%swap3A_905, %swap3A_906], %broadcast_in_dim3A_5 {strides = array<i32>} : memref<16x512xf32, #tpu.memory_space<vmem>>, vector<16xf32>,
    %swap3A_908 = arith.constant 7 : i32
    %swap3A_909 = arith.index_cast %swap3A_908 : i32 to index
    %swap3A_910 = arith.constant 0 : index
    %swap3A_911 = tpu.vector_load %arg17[%swap3A_909, %swap3A_910] {strides = array<i32>} : memref<16x512xf32, #tpu.memory_space<vmem>>, vector<16xf32>,
    tpu.vector_store %arg17[%swap3A_909, %swap3A_910], %broadcast_in_dim3A_5 {strides = array<i32>} : memref<16x512xf32, #tpu.memory_space<vmem>>, vector<16xf32>,
    %swap3A_912 = arith.constant 7 : i32
    %swap3A_913 = arith.index_cast %swap3A_912 : i32 to index
    %swap3A_914 = arith.constant 16 : index
    %swap3A_915 = tpu.vector_load %arg17[%swap3A_913, %swap3A_914] {strides = array<i32>} : memref<16x512xf32, #tpu.memory_space<vmem>>, vector<16xf32>,
    tpu.vector_store %arg17[%swap3A_913, %swap3A_914], %broadcast_in_dim3A_5 {strides = array<i32>} : memref<16x512xf32, #tpu.memory_space<vmem>>, vector<16xf32>,
    %swap3A_916 = arith.constant 7 : i32
    %swap3A_917 = arith.index_cast %swap3A_916 : i32 to index
    %swap3A_918 = arith.constant 32 : index
    %swap3A_919 = tpu.vector_load %arg17[%swap3A_917, %swap3A_918] {strides = array<i32>} : memref<16x512xf32, #tpu.memory_space<vmem>>, vector<16xf32>,
    tpu.vector_store %arg17[%swap3A_917, %swap3A_918], %broadcast_in_dim3A_5 {strides = array<i32>} : memref<16x512xf32, #tpu.memory_space<vmem>>, vector<16xf32>,
    %swap3A_920 = arith.constant 7 : i32
    %swap3A_921 = arith.index_cast %swap3A_920 : i32 to index
    %swap3A_922 = arith.constant 48 : index
    %swap3A_923 = tpu.vector_load %arg17[%swap3A_921, %swap3A_922] {strides = array<i32>} : memref<16x512xf32, #tpu.memory_space<vmem>>, vector<16xf32>,
    tpu.vector_store %arg17[%swap3A_921, %swap3A_922], %broadcast_in_dim3A_5 {strides = array<i32>} : memref<16x512xf32, #tpu.memory_space<vmem>>, vector<16xf32>,
    %swap3A_924 = arith.constant 7 : i32
    %swap3A_925 = arith.index_cast %swap3A_924 : i32 to index
    %swap3A_926 = arith.constant 64 : index
    %swap3A_927 = tpu.vector_load %arg17[%swap3A_925, %swap3A_926] {strides = array<i32>} : memref<16x512xf32, #tpu.memory_space<vmem>>, vector<16xf32>,
    tpu.vector_store %arg17[%swap3A_925, %swap3A_926], %broadcast_in_dim3A_5 {strides = array<i32>} : memref<16x512xf32, #tpu.memory_space<vmem>>, vector<16xf32>,
    %swap3A_928 = arith.constant 7 : i32
    %swap3A_929 = arith.index_cast %swap3A_928 : i32 to index
    %swap3A_930 = arith.constant 80 : index
    %swap3A_931 = tpu.vector_load %arg17[%swap3A_929, %swap3A_930] {strides = array<i32>} : memref<16x512xf32, #tpu.memory_space<vmem>>, vector<16xf32>,
    tpu.vector_store %arg17[%swap3A_929, %swap3A_930], %broadcast_in_dim3A_5 {strides = array<i32>} : memref<16x512xf32, #tpu.memory_space<vmem>>, vector<16xf32>,
    %swap3A_932 = arith.constant 7 : i32
    %swap3A_933 = arith.index_cast %swap3A_932 : i32 to index
    %swap3A_934 = arith.constant 96 : index
    %swap3A_935 = tpu.vector_load %arg17[%swap3A_933, %swap3A_934] {strides = array<i32>} : memref<16x512xf32, #tpu.memory_space<vmem>>, vector<16xf32>,
    tpu.vector_store %arg17[%swap3A_933, %swap3A_934], %broadcast_in_dim3A_5 {strides = array<i32>} : memref<16x512xf32, #tpu.memory_space<vmem>>, vector<16xf32>,
    %swap3A_936 = arith.constant 7 : i32
    %swap3A_937 = arith.index_cast %swap3A_936 : i32 to index
    %swap3A_938 = arith.constant 112 : index
    %swap3A_939 = tpu.vector_load %arg17[%swap3A_937, %swap3A_938] {strides = array<i32>} : memref<16x512xf32, #tpu.memory_space<vmem>>, vector<16xf32>,
    tpu.vector_store %arg17[%swap3A_937, %swap3A_938], %broadcast_in_dim3A_5 {strides = array<i32>} : memref<16x512xf32, #tpu.memory_space<vmem>>, vector<16xf32>,
    %swap3A_940 = arith.constant 7 : i32
    %swap3A_941 = arith.index_cast %swap3A_940 : i32 to index
    %swap3A_942 = arith.constant 128 : index
    %swap3A_943 = tpu.vector_load %arg17[%swap3A_941, %swap3A_942] {strides = array<i32>} : memref<16x512xf32, #tpu.memory_space<vmem>>, vector<16xf32>,
    tpu.vector_store %arg17[%swap3A_941, %swap3A_942], %broadcast_in_dim3A_5 {strides = array<i32>} : memref<16x512xf32, #tpu.memory_space<vmem>>, vector<16xf32>,
    %swap3A_944 = arith.constant 7 : i32
    %swap3A_945 = arith.index_cast %swap3A_944 : i32 to index
    %swap3A_946 = arith.constant 144 : index
    %swap3A_947 = tpu.vector_load %arg17[%swap3A_945, %swap3A_946] {strides = array<i32>} : memref<16x512xf32, #tpu.memory_space<vmem>>, vector<16xf32>,
    tpu.vector_store %arg17[%swap3A_945, %swap3A_946], %broadcast_in_dim3A_5 {strides = array<i32>} : memref<16x512xf32, #tpu.memory_space<vmem>>, vector<16xf32>,
    %swap3A_948 = arith.constant 7 : i32
    %swap3A_949 = arith.index_cast %swap3A_948 : i32 to index
    %swap3A_950 = arith.constant 160 : index
    %swap3A_951 = tpu.vector_load %arg17[%swap3A_949, %swap3A_950] {strides = array<i32>} : memref<16x512xf32, #tpu.memory_space<vmem>>, vector<16xf32>,
    tpu.vector_store %arg17[%swap3A_949, %swap3A_950], %broadcast_in_dim3A_5 {strides = array<i32>} : memref<16x512xf32, #tpu.memory_space<vmem>>, vector<16xf32>,
    %swap3A_952 = arith.constant 7 : i32
    %swap3A_953 = arith.index_cast %swap3A_952 : i32 to index
    %swap3A_954 = arith.constant 176 : index
    %swap3A_955 = tpu.vector_load %arg17[%swap3A_953, %swap3A_954] {strides = array<i32>} : memref<16x512xf32, #tpu.memory_space<vmem>>, vector<16xf32>,
    tpu.vector_store %arg17[%swap3A_953, %swap3A_954], %broadcast_in_dim3A_5 {strides = array<i32>} : memref<16x512xf32, #tpu.memory_space<vmem>>, vector<16xf32>,
    %swap3A_956 = arith.constant 7 : i32
    %swap3A_957 = arith.index_cast %swap3A_956 : i32 to index
    %swap3A_958 = arith.constant 192 : index
    %swap3A_959 = tpu.vector_load %arg17[%swap3A_957, %swap3A_958] {strides = array<i32>} : memref<16x512xf32, #tpu.memory_space<vmem>>, vector<16xf32>,
    tpu.vector_store %arg17[%swap3A_957, %swap3A_958], %broadcast_in_dim3A_5 {strides = array<i32>} : memref<16x512xf32, #tpu.memory_space<vmem>>, vector<16xf32>,
    %swap3A_960 = arith.constant 7 : i32
    %swap3A_961 = arith.index_cast %swap3A_960 : i32 to index
    %swap3A_962 = arith.constant 208 : index
    %swap3A_963 = tpu.vector_load %arg17[%swap3A_961, %swap3A_962] {strides = array<i32>} : memref<16x512xf32, #tpu.memory_space<vmem>>, vector<16xf32>,
    tpu.vector_store %arg17[%swap3A_961, %swap3A_962], %broadcast_in_dim3A_5 {strides = array<i32>} : memref<16x512xf32, #tpu.memory_space<vmem>>, vector<16xf32>,
    %swap3A_964 = arith.constant 7 : i32
    %swap3A_965 = arith.index_cast %swap3A_964 : i32 to index
    %swap3A_966 = arith.constant 224 : index
    %swap3A_967 = tpu.vector_load %arg17[%swap3A_965, %swap3A_966] {strides = array<i32>} : memref<16x512xf32, #tpu.memory_space<vmem>>, vector<16xf32>,
    tpu.vector_store %arg17[%swap3A_965, %swap3A_966], %broadcast_in_dim3A_5 {strides = array<i32>} : memref<16x512xf32, #tpu.memory_space<vmem>>, vector<16xf32>,
    %swap3A_968 = arith.constant 7 : i32
    %swap3A_969 = arith.index_cast %swap3A_968 : i32 to index
    %swap3A_970 = arith.constant 240 : index
    %swap3A_971 = tpu.vector_load %arg17[%swap3A_969, %swap3A_970] {strides = array<i32>} : memref<16x512xf32, #tpu.memory_space<vmem>>, vector<16xf32>,
    tpu.vector_store %arg17[%swap3A_969, %swap3A_970], %broadcast_in_dim3A_5 {strides = array<i32>} : memref<16x512xf32, #tpu.memory_space<vmem>>, vector<16xf32>,
    %swap3A_972 = arith.constant 7 : i32
    %swap3A_973 = arith.index_cast %swap3A_972 : i32 to index
    %swap3A_974 = arith.constant 256 : index
    %swap3A_975 = tpu.vector_load %arg17[%swap3A_973, %swap3A_974] {strides = array<i32>} : memref<16x512xf32, #tpu.memory_space<vmem>>, vector<16xf32>,
    tpu.vector_store %arg17[%swap3A_973, %swap3A_974], %broadcast_in_dim3A_5 {strides = array<i32>} : memref<16x512xf32, #tpu.memory_space<vmem>>, vector<16xf32>,
    %swap3A_976 = arith.constant 7 : i32
    %swap3A_977 = arith.index_cast %swap3A_976 : i32 to index
    %swap3A_978 = arith.constant 272 : index
    %swap3A_979 = tpu.vector_load %arg17[%swap3A_977, %swap3A_978] {strides = array<i32>} : memref<16x512xf32, #tpu.memory_space<vmem>>, vector<16xf32>,
    tpu.vector_store %arg17[%swap3A_977, %swap3A_978], %broadcast_in_dim3A_5 {strides = array<i32>} : memref<16x512xf32, #tpu.memory_space<vmem>>, vector<16xf32>,
    %swap3A_980 = arith.constant 7 : i32
    %swap3A_981 = arith.index_cast %swap3A_980 : i32 to index
    %swap3A_982 = arith.constant 288 : index
    %swap3A_983 = tpu.vector_load %arg17[%swap3A_981, %swap3A_982] {strides = array<i32>} : memref<16x512xf32, #tpu.memory_space<vmem>>, vector<16xf32>,
    tpu.vector_store %arg17[%swap3A_981, %swap3A_982], %broadcast_in_dim3A_5 {strides = array<i32>} : memref<16x512xf32, #tpu.memory_space<vmem>>, vector<16xf32>,
    %swap3A_984 = arith.constant 7 : i32
    %swap3A_985 = arith.index_cast %swap3A_984 : i32 to index
    %swap3A_986 = arith.constant 304 : index
    %swap3A_987 = tpu.vector_load %arg17[%swap3A_985, %swap3A_986] {strides = array<i32>} : memref<16x512xf32, #tpu.memory_space<vmem>>, vector<16xf32>,
    tpu.vector_store %arg17[%swap3A_985, %swap3A_986], %broadcast_in_dim3A_5 {strides = array<i32>} : memref<16x512xf32, #tpu.memory_space<vmem>>, vector<16xf32>,
    %swap3A_988 = arith.constant 7 : i32
    %swap3A_989 = arith.index_cast %swap3A_988 : i32 to index
    %swap3A_990 = arith.constant 320 : index
    %swap3A_991 = tpu.vector_load %arg17[%swap3A_989, %swap3A_990] {strides = array<i32>} : memref<16x512xf32, #tpu.memory_space<vmem>>, vector<16xf32>,
    tpu.vector_store %arg17[%swap3A_989, %swap3A_990], %broadcast_in_dim3A_5 {strides = array<i32>} : memref<16x512xf32, #tpu.memory_space<vmem>>, vector<16xf32>,
    %swap3A_992 = arith.constant 7 : i32
    %swap3A_993 = arith.index_cast %swap3A_992 : i32 to index
    %swap3A_994 = arith.constant 336 : index
    %swap3A_995 = tpu.vector_load %arg17[%swap3A_993, %swap3A_994] {strides = array<i32>} : memref<16x512xf32, #tpu.memory_space<vmem>>, vector<16xf32>,
    tpu.vector_store %arg17[%swap3A_993, %swap3A_994], %broadcast_in_dim3A_5 {strides = array<i32>} : memref<16x512xf32, #tpu.memory_space<vmem>>, vector<16xf32>,
    %swap3A_996 = arith.constant 7 : i32
    %swap3A_997 = arith.index_cast %swap3A_996 : i32 to index
    %swap3A_998 = arith.constant 352 : index
    %swap3A_999 = tpu.vector_load %arg17[%swap3A_997, %swap3A_998] {strides = array<i32>} : memref<16x512xf32, #tpu.memory_space<vmem>>, vector<16xf32>,
    tpu.vector_store %arg17[%swap3A_997, %swap3A_998], %broadcast_in_dim3A_5 {strides = array<i32>} : memref<16x512xf32, #tpu.memory_space<vmem>>, vector<16xf32>,
    %swap3A_1000 = arith.constant 7 : i32
    %swap3A_1001 = arith.index_cast %swap3A_1000 : i32 to index
    %swap3A_1002 = arith.constant 368 : index
    %swap3A_1003 = tpu.vector_load %arg17[%swap3A_1001, %swap3A_1002] {strides = array<i32>} : memref<16x512xf32, #tpu.memory_space<vmem>>, vector<16xf32>,
    tpu.vector_store %arg17[%swap3A_1001, %swap3A_1002], %broadcast_in_dim3A_5 {strides = array<i32>} : memref<16x512xf32, #tpu.memory_space<vmem>>, vector<16xf32>,
    %swap3A_1004 = arith.constant 7 : i32
    %swap3A_1005 = arith.index_cast %swap3A_1004 : i32 to index
    %swap3A_1006 = arith.constant 384 : index
    %swap3A_1007 = tpu.vector_load %arg17[%swap3A_1005, %swap3A_1006] {strides = array<i32>} : memref<16x512xf32, #tpu.memory_space<vmem>>, vector<16xf32>,
    tpu.vector_store %arg17[%swap3A_1005, %swap3A_1006], %broadcast_in_dim3A_5 {strides = array<i32>} : memref<16x512xf32, #tpu.memory_space<vmem>>, vector<16xf32>,
    %swap3A_1008 = arith.constant 7 : i32
    %swap3A_1009 = arith.index_cast %swap3A_1008 : i32 to index
    %swap3A_1010 = arith.constant 400 : index
    %swap3A_1011 = tpu.vector_load %arg17[%swap3A_1009, %swap3A_1010] {strides = array<i32>} : memref<16x512xf32, #tpu.memory_space<vmem>>, vector<16xf32>,
    tpu.vector_store %arg17[%swap3A_1009, %swap3A_1010], %broadcast_in_dim3A_5 {strides = array<i32>} : memref<16x512xf32, #tpu.memory_space<vmem>>, vector<16xf32>,
    %swap3A_1012 = arith.constant 7 : i32
    %swap3A_1013 = arith.index_cast %swap3A_1012 : i32 to index
    %swap3A_1014 = arith.constant 416 : index
    %swap3A_1015 = tpu.vector_load %arg17[%swap3A_1013, %swap3A_1014] {strides = array<i32>} : memref<16x512xf32, #tpu.memory_space<vmem>>, vector<16xf32>,
    tpu.vector_store %arg17[%swap3A_1013, %swap3A_1014], %broadcast_in_dim3A_5 {strides = array<i32>} : memref<16x512xf32, #tpu.memory_space<vmem>>, vector<16xf32>,
    %swap3A_1016 = arith.constant 7 : i32
    %swap3A_1017 = arith.index_cast %swap3A_1016 : i32 to index
    %swap3A_1018 = arith.constant 432 : index
    %swap3A_1019 = tpu.vector_load %arg17[%swap3A_1017, %swap3A_1018] {strides = array<i32>} : memref<16x512xf32, #tpu.memory_space<vmem>>, vector<16xf32>,
    tpu.vector_store %arg17[%swap3A_1017, %swap3A_1018], %broadcast_in_dim3A_5 {strides = array<i32>} : memref<16x512xf32, #tpu.memory_space<vmem>>, vector<16xf32>,
    %swap3A_1020 = arith.constant 7 : i32
    %swap3A_1021 = arith.index_cast %swap3A_1020 : i32 to index
    %swap3A_1022 = arith.constant 448 : index
    %swap3A_1023 = tpu.vector_load %arg17[%swap3A_1021, %swap3A_1022] {strides = array<i32>} : memref<16x512xf32, #tpu.memory_space<vmem>>, vector<16xf32>,
    tpu.vector_store %arg17[%swap3A_1021, %swap3A_1022], %broadcast_in_dim3A_5 {strides = array<i32>} : memref<16x512xf32, #tpu.memory_space<vmem>>, vector<16xf32>,
    %swap3A_1024 = arith.constant 7 : i32
    %swap3A_1025 = arith.index_cast %swap3A_1024 : i32 to index
    %swap3A_1026 = arith.constant 464 : index
    %swap3A_1027 = tpu.vector_load %arg17[%swap3A_1025, %swap3A_1026] {strides = array<i32>} : memref<16x512xf32, #tpu.memory_space<vmem>>, vector<16xf32>,
    tpu.vector_store %arg17[%swap3A_1025, %swap3A_1026], %broadcast_in_dim3A_5 {strides = array<i32>} : memref<16x512xf32, #tpu.memory_space<vmem>>, vector<16xf32>,
    %swap3A_1028 = arith.constant 7 : i32
    %swap3A_1029 = arith.index_cast %swap3A_1028 : i32 to index
    %swap3A_1030 = arith.constant 480 : index
    %swap3A_1031 = tpu.vector_load %arg17[%swap3A_1029, %swap3A_1030] {strides = array<i32>} : memref<16x512xf32, #tpu.memory_space<vmem>>, vector<16xf32>,
    tpu.vector_store %arg17[%swap3A_1029, %swap3A_1030], %broadcast_in_dim3A_5 {strides = array<i32>} : memref<16x512xf32, #tpu.memory_space<vmem>>, vector<16xf32>,
    %swap3A_1032 = arith.constant 7 : i32
    %swap3A_1033 = arith.index_cast %swap3A_1032 : i32 to index
    %swap3A_1034 = arith.constant 496 : index
    %swap3A_1035 = tpu.vector_load %arg17[%swap3A_1033, %swap3A_1034] {strides = array<i32>} : memref<16x512xf32, #tpu.memory_space<vmem>>, vector<16xf32>,
    tpu.vector_store %arg17[%swap3A_1033, %swap3A_1034], %broadcast_in_dim3A_5 {strides = array<i32>} : memref<16x512xf32, #tpu.memory_space<vmem>>, vector<16xf32>,
    %swap3A_1036 = arith.constant 8 : i32
    %swap3A_1037 = arith.index_cast %swap3A_1036 : i32 to index
    %swap3A_1038 = arith.constant 0 : index
    %swap3A_1039 = tpu.vector_load %arg17[%swap3A_1037, %swap3A_1038] {strides = array<i32>} : memref<16x512xf32, #tpu.memory_space<vmem>>, vector<16xf32>,
    tpu.vector_store %arg17[%swap3A_1037, %swap3A_1038], %broadcast_in_dim3A_5 {strides = array<i32>} : memref<16x512xf32, #tpu.memory_space<vmem>>, vector<16xf32>,
    %swap3A_1040 = arith.constant 8 : i32
    %swap3A_1041 = arith.index_cast %swap3A_1040 : i32 to index
    %swap3A_1042 = arith.constant 16 : index
    %swap3A_1043 = tpu.vector_load %arg17[%swap3A_1041, %swap3A_1042] {strides = array<i32>} : memref<16x512xf32, #tpu.memory_space<vmem>>, vector<16xf32>,
    tpu.vector_store %arg17[%swap3A_1041, %swap3A_1042], %broadcast_in_dim3A_5 {strides = array<i32>} : memref<16x512xf32, #tpu.memory_space<vmem>>, vector<16xf32>,
    %swap3A_1044 = arith.constant 8 : i32
    %swap3A_1045 = arith.index_cast %swap3A_1044 : i32 to index
    %swap3A_1046 = arith.constant 32 : index
    %swap3A_1047 = tpu.vector_load %arg17[%swap3A_1045, %swap3A_1046] {strides = array<i32>} : memref<16x512xf32, #tpu.memory_space<vmem>>, vector<16xf32>,
    tpu.vector_store %arg17[%swap3A_1045, %swap3A_1046], %broadcast_in_dim3A_5 {strides = array<i32>} : memref<16x512xf32, #tpu.memory_space<vmem>>, vector<16xf32>,
    %swap3A_1048 = arith.constant 8 : i32
    %swap3A_1049 = arith.index_cast %swap3A_1048 : i32 to index
    %swap3A_1050 = arith.constant 48 : index
    %swap3A_1051 = tpu.vector_load %arg17[%swap3A_1049, %swap3A_1050] {strides = array<i32>} : memref<16x512xf32, #tpu.memory_space<vmem>>, vector<16xf32>,
    tpu.vector_store %arg17[%swap3A_1049, %swap3A_1050], %broadcast_in_dim3A_5 {strides = array<i32>} : memref<16x512xf32, #tpu.memory_space<vmem>>, vector<16xf32>,
    %swap3A_1052 = arith.constant 8 : i32
    %swap3A_1053 = arith.index_cast %swap3A_1052 : i32 to index
    %swap3A_1054 = arith.constant 64 : index
    %swap3A_1055 = tpu.vector_load %arg17[%swap3A_1053, %swap3A_1054] {strides = array<i32>} : memref<16x512xf32, #tpu.memory_space<vmem>>, vector<16xf32>,
    tpu.vector_store %arg17[%swap3A_1053, %swap3A_1054], %broadcast_in_dim3A_5 {strides = array<i32>} : memref<16x512xf32, #tpu.memory_space<vmem>>, vector<16xf32>,
    %swap3A_1056 = arith.constant 8 : i32
    %swap3A_1057 = arith.index_cast %swap3A_1056 : i32 to index
    %swap3A_1058 = arith.constant 80 : index
    %swap3A_1059 = tpu.vector_load %arg17[%swap3A_1057, %swap3A_1058] {strides = array<i32>} : memref<16x512xf32, #tpu.memory_space<vmem>>, vector<16xf32>,
    tpu.vector_store %arg17[%swap3A_1057, %swap3A_1058], %broadcast_in_dim3A_5 {strides = array<i32>} : memref<16x512xf32, #tpu.memory_space<vmem>>, vector<16xf32>,
    %swap3A_1060 = arith.constant 8 : i32
    %swap3A_1061 = arith.index_cast %swap3A_1060 : i32 to index
    %swap3A_1062 = arith.constant 96 : index
    %swap3A_1063 = tpu.vector_load %arg17[%swap3A_1061, %swap3A_1062] {strides = array<i32>} : memref<16x512xf32, #tpu.memory_space<vmem>>, vector<16xf32>,
    tpu.vector_store %arg17[%swap3A_1061, %swap3A_1062], %broadcast_in_dim3A_5 {strides = array<i32>} : memref<16x512xf32, #tpu.memory_space<vmem>>, vector<16xf32>,
    %swap3A_1064 = arith.constant 8 : i32
    %swap3A_1065 = arith.index_cast %swap3A_1064 : i32 to index
    %swap3A_1066 = arith.constant 112 : index
    %swap3A_1067 = tpu.vector_load %arg17[%swap3A_1065, %swap3A_1066] {strides = array<i32>} : memref<16x512xf32, #tpu.memory_space<vmem>>, vector<16xf32>,
    tpu.vector_store %arg17[%swap3A_1065, %swap3A_1066], %broadcast_in_dim3A_5 {strides = array<i32>} : memref<16x512xf32, #tpu.memory_space<vmem>>, vector<16xf32>,
    %swap3A_1068 = arith.constant 8 : i32
    %swap3A_1069 = arith.index_cast %swap3A_1068 : i32 to index
    %swap3A_1070 = arith.constant 128 : index
    %swap3A_1071 = tpu.vector_load %arg17[%swap3A_1069, %swap3A_1070] {strides = array<i32>} : memref<16x512xf32, #tpu.memory_space<vmem>>, vector<16xf32>,
    tpu.vector_store %arg17[%swap3A_1069, %swap3A_1070], %broadcast_in_dim3A_5 {strides = array<i32>} : memref<16x512xf32, #tpu.memory_space<vmem>>, vector<16xf32>,
    %swap3A_1072 = arith.constant 8 : i32
    %swap3A_1073 = arith.index_cast %swap3A_1072 : i32 to index
    %swap3A_1074 = arith.constant 144 : index
    %swap3A_1075 = tpu.vector_load %arg17[%swap3A_1073, %swap3A_1074] {strides = array<i32>} : memref<16x512xf32, #tpu.memory_space<vmem>>, vector<16xf32>,
    tpu.vector_store %arg17[%swap3A_1073, %swap3A_1074], %broadcast_in_dim3A_5 {strides = array<i32>} : memref<16x512xf32, #tpu.memory_space<vmem>>, vector<16xf32>,
    %swap3A_1076 = arith.constant 8 : i32
    %swap3A_1077 = arith.index_cast %swap3A_1076 : i32 to index
    %swap3A_1078 = arith.constant 160 : index
    %swap3A_1079 = tpu.vector_load %arg17[%swap3A_1077, %swap3A_1078] {strides = array<i32>} : memref<16x512xf32, #tpu.memory_space<vmem>>, vector<16xf32>,
    tpu.vector_store %arg17[%swap3A_1077, %swap3A_1078], %broadcast_in_dim3A_5 {strides = array<i32>} : memref<16x512xf32, #tpu.memory_space<vmem>>, vector<16xf32>,
    %swap3A_1080 = arith.constant 8 : i32
    %swap3A_1081 = arith.index_cast %swap3A_1080 : i32 to index
    %swap3A_1082 = arith.constant 176 : index
    %swap3A_1083 = tpu.vector_load %arg17[%swap3A_1081, %swap3A_1082] {strides = array<i32>} : memref<16x512xf32, #tpu.memory_space<vmem>>, vector<16xf32>,
    tpu.vector_store %arg17[%swap3A_1081, %swap3A_1082], %broadcast_in_dim3A_5 {strides = array<i32>} : memref<16x512xf32, #tpu.memory_space<vmem>>, vector<16xf32>,
    %swap3A_1084 = arith.constant 8 : i32
    %swap3A_1085 = arith.index_cast %swap3A_1084 : i32 to index
    %swap3A_1086 = arith.constant 192 : index
    %swap3A_1087 = tpu.vector_load %arg17[%swap3A_1085, %swap3A_1086] {strides = array<i32>} : memref<16x512xf32, #tpu.memory_space<vmem>>, vector<16xf32>,
    tpu.vector_store %arg17[%swap3A_1085, %swap3A_1086], %broadcast_in_dim3A_5 {strides = array<i32>} : memref<16x512xf32, #tpu.memory_space<vmem>>, vector<16xf32>,
    %swap3A_1088 = arith.constant 8 : i32
    %swap3A_1089 = arith.index_cast %swap3A_1088 : i32 to index
    %swap3A_1090 = arith.constant 208 : index
    %swap3A_1091 = tpu.vector_load %arg17[%swap3A_1089, %swap3A_1090] {strides = array<i32>} : memref<16x512xf32, #tpu.memory_space<vmem>>, vector<16xf32>,
    tpu.vector_store %arg17[%swap3A_1089, %swap3A_1090], %broadcast_in_dim3A_5 {strides = array<i32>} : memref<16x512xf32, #tpu.memory_space<vmem>>, vector<16xf32>,
    %swap3A_1092 = arith.constant 8 : i32
    %swap3A_1093 = arith.index_cast %swap3A_1092 : i32 to index
    %swap3A_1094 = arith.constant 224 : index
    %swap3A_1095 = tpu.vector_load %arg17[%swap3A_1093, %swap3A_1094] {strides = array<i32>} : memref<16x512xf32, #tpu.memory_space<vmem>>, vector<16xf32>,
    tpu.vector_store %arg17[%swap3A_1093, %swap3A_1094], %broadcast_in_dim3A_5 {strides = array<i32>} : memref<16x512xf32, #tpu.memory_space<vmem>>, vector<16xf32>,
    %swap3A_1096 = arith.constant 8 : i32
    %swap3A_1097 = arith.index_cast %swap3A_1096 : i32 to index
    %swap3A_1098 = arith.constant 240 : index
    %swap3A_1099 = tpu.vector_load %arg17[%swap3A_1097, %swap3A_1098] {strides = array<i32>} : memref<16x512xf32, #tpu.memory_space<vmem>>, vector<16xf32>,
    tpu.vector_store %arg17[%swap3A_1097, %swap3A_1098], %broadcast_in_dim3A_5 {strides = array<i32>} : memref<16x512xf32, #tpu.memory_space<vmem>>, vector<16xf32>,
    %swap3A_1100 = arith.constant 8 : i32
    %swap3A_1101 = arith.index_cast %swap3A_1100 : i32 to index
    %swap3A_1102 = arith.constant 256 : index
    %swap3A_1103 = tpu.vector_load %arg17[%swap3A_1101, %swap3A_1102] {strides = array<i32>} : memref<16x512xf32, #tpu.memory_space<vmem>>, vector<16xf32>,
    tpu.vector_store %arg17[%swap3A_1101, %swap3A_1102], %broadcast_in_dim3A_5 {strides = array<i32>} : memref<16x512xf32, #tpu.memory_space<vmem>>, vector<16xf32>,
    %swap3A_1104 = arith.constant 8 : i32
    %swap3A_1105 = arith.index_cast %swap3A_1104 : i32 to index
    %swap3A_1106 = arith.constant 272 : index
    %swap3A_1107 = tpu.vector_load %arg17[%swap3A_1105, %swap3A_1106] {strides = array<i32>} : memref<16x512xf32, #tpu.memory_space<vmem>>, vector<16xf32>,
    tpu.vector_store %arg17[%swap3A_1105, %swap3A_1106], %broadcast_in_dim3A_5 {strides = array<i32>} : memref<16x512xf32, #tpu.memory_space<vmem>>, vector<16xf32>,
    %swap3A_1108 = arith.constant 8 : i32
    %swap3A_1109 = arith.index_cast %swap3A_1108 : i32 to index
    %swap3A_1110 = arith.constant 288 : index
    %swap3A_1111 = tpu.vector_load %arg17[%swap3A_1109, %swap3A_1110] {strides = array<i32>} : memref<16x512xf32, #tpu.memory_space<vmem>>, vector<16xf32>,
    tpu.vector_store %arg17[%swap3A_1109, %swap3A_1110], %broadcast_in_dim3A_5 {strides = array<i32>} : memref<16x512xf32, #tpu.memory_space<vmem>>, vector<16xf32>,
    %swap3A_1112 = arith.constant 8 : i32
    %swap3A_1113 = arith.index_cast %swap3A_1112 : i32 to index
    %swap3A_1114 = arith.constant 304 : index
    %swap3A_1115 = tpu.vector_load %arg17[%swap3A_1113, %swap3A_1114] {strides = array<i32>} : memref<16x512xf32, #tpu.memory_space<vmem>>, vector<16xf32>,
    tpu.vector_store %arg17[%swap3A_1113, %swap3A_1114], %broadcast_in_dim3A_5 {strides = array<i32>} : memref<16x512xf32, #tpu.memory_space<vmem>>, vector<16xf32>,
    %swap3A_1116 = arith.constant 8 : i32
    %swap3A_1117 = arith.index_cast %swap3A_1116 : i32 to index
    %swap3A_1118 = arith.constant 320 : index
    %swap3A_1119 = tpu.vector_load %arg17[%swap3A_1117, %swap3A_1118] {strides = array<i32>} : memref<16x512xf32, #tpu.memory_space<vmem>>, vector<16xf32>,
    tpu.vector_store %arg17[%swap3A_1117, %swap3A_1118], %broadcast_in_dim3A_5 {strides = array<i32>} : memref<16x512xf32, #tpu.memory_space<vmem>>, vector<16xf32>,
    %swap3A_1120 = arith.constant 8 : i32
    %swap3A_1121 = arith.index_cast %swap3A_1120 : i32 to index
    %swap3A_1122 = arith.constant 336 : index
    %swap3A_1123 = tpu.vector_load %arg17[%swap3A_1121, %swap3A_1122] {strides = array<i32>} : memref<16x512xf32, #tpu.memory_space<vmem>>, vector<16xf32>,
    tpu.vector_store %arg17[%swap3A_1121, %swap3A_1122], %broadcast_in_dim3A_5 {strides = array<i32>} : memref<16x512xf32, #tpu.memory_space<vmem>>, vector<16xf32>,
    %swap3A_1124 = arith.constant 8 : i32
    %swap3A_1125 = arith.index_cast %swap3A_1124 : i32 to index
    %swap3A_1126 = arith.constant 352 : index
    %swap3A_1127 = tpu.vector_load %arg17[%swap3A_1125, %swap3A_1126] {strides = array<i32>} : memref<16x512xf32, #tpu.memory_space<vmem>>, vector<16xf32>,
    tpu.vector_store %arg17[%swap3A_1125, %swap3A_1126], %broadcast_in_dim3A_5 {strides = array<i32>} : memref<16x512xf32, #tpu.memory_space<vmem>>, vector<16xf32>,
    %swap3A_1128 = arith.constant 8 : i32
    %swap3A_1129 = arith.index_cast %swap3A_1128 : i32 to index
    %swap3A_1130 = arith.constant 368 : index
    %swap3A_1131 = tpu.vector_load %arg17[%swap3A_1129, %swap3A_1130] {strides = array<i32>} : memref<16x512xf32, #tpu.memory_space<vmem>>, vector<16xf32>,
    tpu.vector_store %arg17[%swap3A_1129, %swap3A_1130], %broadcast_in_dim3A_5 {strides = array<i32>} : memref<16x512xf32, #tpu.memory_space<vmem>>, vector<16xf32>,
    %swap3A_1132 = arith.constant 8 : i32
    %swap3A_1133 = arith.index_cast %swap3A_1132 : i32 to index
    %swap3A_1134 = arith.constant 384 : index
    %swap3A_1135 = tpu.vector_load %arg17[%swap3A_1133, %swap3A_1134] {strides = array<i32>} : memref<16x512xf32, #tpu.memory_space<vmem>>, vector<16xf32>,
    tpu.vector_store %arg17[%swap3A_1133, %swap3A_1134], %broadcast_in_dim3A_5 {strides = array<i32>} : memref<16x512xf32, #tpu.memory_space<vmem>>, vector<16xf32>,
    %swap3A_1136 = arith.constant 8 : i32
    %swap3A_1137 = arith.index_cast %swap3A_1136 : i32 to index
    %swap3A_1138 = arith.constant 400 : index
    %swap3A_1139 = tpu.vector_load %arg17[%swap3A_1137, %swap3A_1138] {strides = array<i32>} : memref<16x512xf32, #tpu.memory_space<vmem>>, vector<16xf32>,
    tpu.vector_store %arg17[%swap3A_1137, %swap3A_1138], %broadcast_in_dim3A_5 {strides = array<i32>} : memref<16x512xf32, #tpu.memory_space<vmem>>, vector<16xf32>,
    %swap3A_1140 = arith.constant 8 : i32
    %swap3A_1141 = arith.index_cast %swap3A_1140 : i32 to index
    %swap3A_1142 = arith.constant 416 : index
    %swap3A_1143 = tpu.vector_load %arg17[%swap3A_1141, %swap3A_1142] {strides = array<i32>} : memref<16x512xf32, #tpu.memory_space<vmem>>, vector<16xf32>,
    tpu.vector_store %arg17[%swap3A_1141, %swap3A_1142], %broadcast_in_dim3A_5 {strides = array<i32>} : memref<16x512xf32, #tpu.memory_space<vmem>>, vector<16xf32>,
    %swap3A_1144 = arith.constant 8 : i32
    %swap3A_1145 = arith.index_cast %swap3A_1144 : i32 to index
    %swap3A_1146 = arith.constant 432 : index
    %swap3A_1147 = tpu.vector_load %arg17[%swap3A_1145, %swap3A_1146] {strides = array<i32>} : memref<16x512xf32, #tpu.memory_space<vmem>>, vector<16xf32>,
    tpu.vector_store %arg17[%swap3A_1145, %swap3A_1146], %broadcast_in_dim3A_5 {strides = array<i32>} : memref<16x512xf32, #tpu.memory_space<vmem>>, vector<16xf32>,
    %swap3A_1148 = arith.constant 8 : i32
    %swap3A_1149 = arith.index_cast %swap3A_1148 : i32 to index
    %swap3A_1150 = arith.constant 448 : index
    %swap3A_1151 = tpu.vector_load %arg17[%swap3A_1149, %swap3A_1150] {strides = array<i32>} : memref<16x512xf32, #tpu.memory_space<vmem>>, vector<16xf32>,
    tpu.vector_store %arg17[%swap3A_1149, %swap3A_1150], %broadcast_in_dim3A_5 {strides = array<i32>} : memref<16x512xf32, #tpu.memory_space<vmem>>, vector<16xf32>,
    %swap3A_1152 = arith.constant 8 : i32
    %swap3A_1153 = arith.index_cast %swap3A_1152 : i32 to index
    %swap3A_1154 = arith.constant 464 : index
    %swap3A_1155 = tpu.vector_load %arg17[%swap3A_1153, %swap3A_1154] {strides = array<i32>} : memref<16x512xf32, #tpu.memory_space<vmem>>, vector<16xf32>,
    tpu.vector_store %arg17[%swap3A_1153, %swap3A_1154], %broadcast_in_dim3A_5 {strides = array<i32>} : memref<16x512xf32, #tpu.memory_space<vmem>>, vector<16xf32>,
    %swap3A_1156 = arith.constant 8 : i32
    %swap3A_1157 = arith.index_cast %swap3A_1156 : i32 to index
    %swap3A_1158 = arith.constant 480 : index
    %swap3A_1159 = tpu.vector_load %arg17[%swap3A_1157, %swap3A_1158] {strides = array<i32>} : memref<16x512xf32, #tpu.memory_space<vmem>>, vector<16xf32>,
    tpu.vector_store %arg17[%swap3A_1157, %swap3A_1158], %broadcast_in_dim3A_5 {strides = array<i32>} : memref<16x512xf32, #tpu.memory_space<vmem>>, vector<16xf32>,
    %swap3A_1160 = arith.constant 8 : i32
    %swap3A_1161 = arith.index_cast %swap3A_1160 : i32 to index
    %swap3A_1162 = arith.constant 496 : index
    %swap3A_1163 = tpu.vector_load %arg17[%swap3A_1161, %swap3A_1162] {strides = array<i32>} : memref<16x512xf32, #tpu.memory_space<vmem>>, vector<16xf32>,
    tpu.vector_store %arg17[%swap3A_1161, %swap3A_1162], %broadcast_in_dim3A_5 {strides = array<i32>} : memref<16x512xf32, #tpu.memory_space<vmem>>, vector<16xf32>,
    %swap3A_1164 = arith.constant 9 : i32
    %swap3A_1165 = arith.index_cast %swap3A_1164 : i32 to index
    %swap3A_1166 = arith.constant 0 : index
    %swap3A_1167 = tpu.vector_load %arg17[%swap3A_1165, %swap3A_1166] {strides = array<i32>} : memref<16x512xf32, #tpu.memory_space<vmem>>, vector<16xf32>,
    tpu.vector_store %arg17[%swap3A_1165, %swap3A_1166], %broadcast_in_dim3A_5 {strides = array<i32>} : memref<16x512xf32, #tpu.memory_space<vmem>>, vector<16xf32>,
    %swap3A_1168 = arith.constant 9 : i32
    %swap3A_1169 = arith.index_cast %swap3A_1168 : i32 to index
    %swap3A_1170 = arith.constant 16 : index
    %swap3A_1171 = tpu.vector_load %arg17[%swap3A_1169, %swap3A_1170] {strides = array<i32>} : memref<16x512xf32, #tpu.memory_space<vmem>>, vector<16xf32>,
    tpu.vector_store %arg17[%swap3A_1169, %swap3A_1170], %broadcast_in_dim3A_5 {strides = array<i32>} : memref<16x512xf32, #tpu.memory_space<vmem>>, vector<16xf32>,
    %swap3A_1172 = arith.constant 9 : i32
    %swap3A_1173 = arith.index_cast %swap3A_1172 : i32 to index
    %swap3A_1174 = arith.constant 32 : index
    %swap3A_1175 = tpu.vector_load %arg17[%swap3A_1173, %swap3A_1174] {strides = array<i32>} : memref<16x512xf32, #tpu.memory_space<vmem>>, vector<16xf32>,
    tpu.vector_store %arg17[%swap3A_1173, %swap3A_1174], %broadcast_in_dim3A_5 {strides = array<i32>} : memref<16x512xf32, #tpu.memory_space<vmem>>, vector<16xf32>,
    %swap3A_1176 = arith.constant 9 : i32
    %swap3A_1177 = arith.index_cast %swap3A_1176 : i32 to index
    %swap3A_1178 = arith.constant 48 : index
    %swap3A_1179 = tpu.vector_load %arg17[%swap3A_1177, %swap3A_1178] {strides = array<i32>} : memref<16x512xf32, #tpu.memory_space<vmem>>, vector<16xf32>,
    tpu.vector_store %arg17[%swap3A_1177, %swap3A_1178], %broadcast_in_dim3A_5 {strides = array<i32>} : memref<16x512xf32, #tpu.memory_space<vmem>>, vector<16xf32>,
    %swap3A_1180 = arith.constant 9 : i32
    %swap3A_1181 = arith.index_cast %swap3A_1180 : i32 to index
    %swap3A_1182 = arith.constant 64 : index
    %swap3A_1183 = tpu.vector_load %arg17[%swap3A_1181, %swap3A_1182] {strides = array<i32>} : memref<16x512xf32, #tpu.memory_space<vmem>>, vector<16xf32>,
    tpu.vector_store %arg17[%swap3A_1181, %swap3A_1182], %broadcast_in_dim3A_5 {strides = array<i32>} : memref<16x512xf32, #tpu.memory_space<vmem>>, vector<16xf32>,
    %swap3A_1184 = arith.constant 9 : i32
    %swap3A_1185 = arith.index_cast %swap3A_1184 : i32 to index
    %swap3A_1186 = arith.constant 80 : index
    %swap3A_1187 = tpu.vector_load %arg17[%swap3A_1185, %swap3A_1186] {strides = array<i32>} : memref<16x512xf32, #tpu.memory_space<vmem>>, vector<16xf32>,
    tpu.vector_store %arg17[%swap3A_1185, %swap3A_1186], %broadcast_in_dim3A_5 {strides = array<i32>} : memref<16x512xf32, #tpu.memory_space<vmem>>, vector<16xf32>,
    %swap3A_1188 = arith.constant 9 : i32
    %swap3A_1189 = arith.index_cast %swap3A_1188 : i32 to index
    %swap3A_1190 = arith.constant 96 : index
    %swap3A_1191 = tpu.vector_load %arg17[%swap3A_1189, %swap3A_1190] {strides = array<i32>} : memref<16x512xf32, #tpu.memory_space<vmem>>, vector<16xf32>,
    tpu.vector_store %arg17[%swap3A_1189, %swap3A_1190], %broadcast_in_dim3A_5 {strides = array<i32>} : memref<16x512xf32, #tpu.memory_space<vmem>>, vector<16xf32>,
    %swap3A_1192 = arith.constant 9 : i32
    %swap3A_1193 = arith.index_cast %swap3A_1192 : i32 to index
    %swap3A_1194 = arith.constant 112 : index
    %swap3A_1195 = tpu.vector_load %arg17[%swap3A_1193, %swap3A_1194] {strides = array<i32>} : memref<16x512xf32, #tpu.memory_space<vmem>>, vector<16xf32>,
    tpu.vector_store %arg17[%swap3A_1193, %swap3A_1194], %broadcast_in_dim3A_5 {strides = array<i32>} : memref<16x512xf32, #tpu.memory_space<vmem>>, vector<16xf32>,
    %swap3A_1196 = arith.constant 9 : i32
    %swap3A_1197 = arith.index_cast %swap3A_1196 : i32 to index
    %swap3A_1198 = arith.constant 128 : index
    %swap3A_1199 = tpu.vector_load %arg17[%swap3A_1197, %swap3A_1198] {strides = array<i32>} : memref<16x512xf32, #tpu.memory_space<vmem>>, vector<16xf32>,
    tpu.vector_store %arg17[%swap3A_1197, %swap3A_1198], %broadcast_in_dim3A_5 {strides = array<i32>} : memref<16x512xf32, #tpu.memory_space<vmem>>, vector<16xf32>,
    %swap3A_1200 = arith.constant 9 : i32
    %swap3A_1201 = arith.index_cast %swap3A_1200 : i32 to index
    %swap3A_1202 = arith.constant 144 : index
    %swap3A_1203 = tpu.vector_load %arg17[%swap3A_1201, %swap3A_1202] {strides = array<i32>} : memref<16x512xf32, #tpu.memory_space<vmem>>, vector<16xf32>,
    tpu.vector_store %arg17[%swap3A_1201, %swap3A_1202], %broadcast_in_dim3A_5 {strides = array<i32>} : memref<16x512xf32, #tpu.memory_space<vmem>>, vector<16xf32>,
    %swap3A_1204 = arith.constant 9 : i32
    %swap3A_1205 = arith.index_cast %swap3A_1204 : i32 to index
    %swap3A_1206 = arith.constant 160 : index
    %swap3A_1207 = tpu.vector_load %arg17[%swap3A_1205, %swap3A_1206] {strides = array<i32>} : memref<16x512xf32, #tpu.memory_space<vmem>>, vector<16xf32>,
    tpu.vector_store %arg17[%swap3A_1205, %swap3A_1206], %broadcast_in_dim3A_5 {strides = array<i32>} : memref<16x512xf32, #tpu.memory_space<vmem>>, vector<16xf32>,
    %swap3A_1208 = arith.constant 9 : i32
    %swap3A_1209 = arith.index_cast %swap3A_1208 : i32 to index
    %swap3A_1210 = arith.constant 176 : index
    %swap3A_1211 = tpu.vector_load %arg17[%swap3A_1209, %swap3A_1210] {strides = array<i32>} : memref<16x512xf32, #tpu.memory_space<vmem>>, vector<16xf32>,
    tpu.vector_store %arg17[%swap3A_1209, %swap3A_1210], %broadcast_in_dim3A_5 {strides = array<i32>} : memref<16x512xf32, #tpu.memory_space<vmem>>, vector<16xf32>,
    %swap3A_1212 = arith.constant 9 : i32
    %swap3A_1213 = arith.index_cast %swap3A_1212 : i32 to index
    %swap3A_1214 = arith.constant 192 : index
    %swap3A_1215 = tpu.vector_load %arg17[%swap3A_1213, %swap3A_1214] {strides = array<i32>} : memref<16x512xf32, #tpu.memory_space<vmem>>, vector<16xf32>,
    tpu.vector_store %arg17[%swap3A_1213, %swap3A_1214], %broadcast_in_dim3A_5 {strides = array<i32>} : memref<16x512xf32, #tpu.memory_space<vmem>>, vector<16xf32>,
    %swap3A_1216 = arith.constant 9 : i32
    %swap3A_1217 = arith.index_cast %swap3A_1216 : i32 to index
    %swap3A_1218 = arith.constant 208 : index
    %swap3A_1219 = tpu.vector_load %arg17[%swap3A_1217, %swap3A_1218] {strides = array<i32>} : memref<16x512xf32, #tpu.memory_space<vmem>>, vector<16xf32>,
    tpu.vector_store %arg17[%swap3A_1217, %swap3A_1218], %broadcast_in_dim3A_5 {strides = array<i32>} : memref<16x512xf32, #tpu.memory_space<vmem>>, vector<16xf32>,
    %swap3A_1220 = arith.constant 9 : i32
    %swap3A_1221 = arith.index_cast %swap3A_1220 : i32 to index
    %swap3A_1222 = arith.constant 224 : index
    %swap3A_1223 = tpu.vector_load %arg17[%swap3A_1221, %swap3A_1222] {strides = array<i32>} : memref<16x512xf32, #tpu.memory_space<vmem>>, vector<16xf32>,
    tpu.vector_store %arg17[%swap3A_1221, %swap3A_1222], %broadcast_in_dim3A_5 {strides = array<i32>} : memref<16x512xf32, #tpu.memory_space<vmem>>, vector<16xf32>,
    %swap3A_1224 = arith.constant 9 : i32
    %swap3A_1225 = arith.index_cast %swap3A_1224 : i32 to index
    %swap3A_1226 = arith.constant 240 : index
    %swap3A_1227 = tpu.vector_load %arg17[%swap3A_1225, %swap3A_1226] {strides = array<i32>} : memref<16x512xf32, #tpu.memory_space<vmem>>, vector<16xf32>,
    tpu.vector_store %arg17[%swap3A_1225, %swap3A_1226], %broadcast_in_dim3A_5 {strides = array<i32>} : memref<16x512xf32, #tpu.memory_space<vmem>>, vector<16xf32>,
    %swap3A_1228 = arith.constant 9 : i32
    %swap3A_1229 = arith.index_cast %swap3A_1228 : i32 to index
    %swap3A_1230 = arith.constant 256 : index
    %swap3A_1231 = tpu.vector_load %arg17[%swap3A_1229, %swap3A_1230] {strides = array<i32>} : memref<16x512xf32, #tpu.memory_space<vmem>>, vector<16xf32>,
    tpu.vector_store %arg17[%swap3A_1229, %swap3A_1230], %broadcast_in_dim3A_5 {strides = array<i32>} : memref<16x512xf32, #tpu.memory_space<vmem>>, vector<16xf32>,
    %swap3A_1232 = arith.constant 9 : i32
    %swap3A_1233 = arith.index_cast %swap3A_1232 : i32 to index
    %swap3A_1234 = arith.constant 272 : index
    %swap3A_1235 = tpu.vector_load %arg17[%swap3A_1233, %swap3A_1234] {strides = array<i32>} : memref<16x512xf32, #tpu.memory_space<vmem>>, vector<16xf32>,
    tpu.vector_store %arg17[%swap3A_1233, %swap3A_1234], %broadcast_in_dim3A_5 {strides = array<i32>} : memref<16x512xf32, #tpu.memory_space<vmem>>, vector<16xf32>,
    %swap3A_1236 = arith.constant 9 : i32
    %swap3A_1237 = arith.index_cast %swap3A_1236 : i32 to index
    %swap3A_1238 = arith.constant 288 : index
    %swap3A_1239 = tpu.vector_load %arg17[%swap3A_1237, %swap3A_1238] {strides = array<i32>} : memref<16x512xf32, #tpu.memory_space<vmem>>, vector<16xf32>,
    tpu.vector_store %arg17[%swap3A_1237, %swap3A_1238], %broadcast_in_dim3A_5 {strides = array<i32>} : memref<16x512xf32, #tpu.memory_space<vmem>>, vector<16xf32>,
    %swap3A_1240 = arith.constant 9 : i32
    %swap3A_1241 = arith.index_cast %swap3A_1240 : i32 to index
    %swap3A_1242 = arith.constant 304 : index
    %swap3A_1243 = tpu.vector_load %arg17[%swap3A_1241, %swap3A_1242] {strides = array<i32>} : memref<16x512xf32, #tpu.memory_space<vmem>>, vector<16xf32>,
    tpu.vector_store %arg17[%swap3A_1241, %swap3A_1242], %broadcast_in_dim3A_5 {strides = array<i32>} : memref<16x512xf32, #tpu.memory_space<vmem>>, vector<16xf32>,
    %swap3A_1244 = arith.constant 9 : i32
    %swap3A_1245 = arith.index_cast %swap3A_1244 : i32 to index
    %swap3A_1246 = arith.constant 320 : index
    %swap3A_1247 = tpu.vector_load %arg17[%swap3A_1245, %swap3A_1246] {strides = array<i32>} : memref<16x512xf32, #tpu.memory_space<vmem>>, vector<16xf32>,
    tpu.vector_store %arg17[%swap3A_1245, %swap3A_1246], %broadcast_in_dim3A_5 {strides = array<i32>} : memref<16x512xf32, #tpu.memory_space<vmem>>, vector<16xf32>,
    %swap3A_1248 = arith.constant 9 : i32
    %swap3A_1249 = arith.index_cast %swap3A_1248 : i32 to index
    %swap3A_1250 = arith.constant 336 : index
    %swap3A_1251 = tpu.vector_load %arg17[%swap3A_1249, %swap3A_1250] {strides = array<i32>} : memref<16x512xf32, #tpu.memory_space<vmem>>, vector<16xf32>,
    tpu.vector_store %arg17[%swap3A_1249, %swap3A_1250], %broadcast_in_dim3A_5 {strides = array<i32>} : memref<16x512xf32, #tpu.memory_space<vmem>>, vector<16xf32>,
    %swap3A_1252 = arith.constant 9 : i32
    %swap3A_1253 = arith.index_cast %swap3A_1252 : i32 to index
    %swap3A_1254 = arith.constant 352 : index
    %swap3A_1255 = tpu.vector_load %arg17[%swap3A_1253, %swap3A_1254] {strides = array<i32>} : memref<16x512xf32, #tpu.memory_space<vmem>>, vector<16xf32>,
    tpu.vector_store %arg17[%swap3A_1253, %swap3A_1254], %broadcast_in_dim3A_5 {strides = array<i32>} : memref<16x512xf32, #tpu.memory_space<vmem>>, vector<16xf32>,
    %swap3A_1256 = arith.constant 9 : i32
    %swap3A_1257 = arith.index_cast %swap3A_1256 : i32 to index
    %swap3A_1258 = arith.constant 368 : index
    %swap3A_1259 = tpu.vector_load %arg17[%swap3A_1257, %swap3A_1258] {strides = array<i32>} : memref<16x512xf32, #tpu.memory_space<vmem>>, vector<16xf32>,
    tpu.vector_store %arg17[%swap3A_1257, %swap3A_1258], %broadcast_in_dim3A_5 {strides = array<i32>} : memref<16x512xf32, #tpu.memory_space<vmem>>, vector<16xf32>,
    %swap3A_1260 = arith.constant 9 : i32
    %swap3A_1261 = arith.index_cast %swap3A_1260 : i32 to index
    %swap3A_1262 = arith.constant 384 : index
    %swap3A_1263 = tpu.vector_load %arg17[%swap3A_1261, %swap3A_1262] {strides = array<i32>} : memref<16x512xf32, #tpu.memory_space<vmem>>, vector<16xf32>,
    tpu.vector_store %arg17[%swap3A_1261, %swap3A_1262], %broadcast_in_dim3A_5 {strides = array<i32>} : memref<16x512xf32, #tpu.memory_space<vmem>>, vector<16xf32>,
    %swap3A_1264 = arith.constant 9 : i32
    %swap3A_1265 = arith.index_cast %swap3A_1264 : i32 to index
    %swap3A_1266 = arith.constant 400 : index
    %swap3A_1267 = tpu.vector_load %arg17[%swap3A_1265, %swap3A_1266] {strides = array<i32>} : memref<16x512xf32, #tpu.memory_space<vmem>>, vector<16xf32>,
    tpu.vector_store %arg17[%swap3A_1265, %swap3A_1266], %broadcast_in_dim3A_5 {strides = array<i32>} : memref<16x512xf32, #tpu.memory_space<vmem>>, vector<16xf32>,
    %swap3A_1268 = arith.constant 9 : i32
    %swap3A_1269 = arith.index_cast %swap3A_1268 : i32 to index
    %swap3A_1270 = arith.constant 416 : index
    %swap3A_1271 = tpu.vector_load %arg17[%swap3A_1269, %swap3A_1270] {strides = array<i32>} : memref<16x512xf32, #tpu.memory_space<vmem>>, vector<16xf32>,
    tpu.vector_store %arg17[%swap3A_1269, %swap3A_1270], %broadcast_in_dim3A_5 {strides = array<i32>} : memref<16x512xf32, #tpu.memory_space<vmem>>, vector<16xf32>,
    %swap3A_1272 = arith.constant 9 : i32
    %swap3A_1273 = arith.index_cast %swap3A_1272 : i32 to index
    %swap3A_1274 = arith.constant 432 : index
    %swap3A_1275 = tpu.vector_load %arg17[%swap3A_1273, %swap3A_1274] {strides = array<i32>} : memref<16x512xf32, #tpu.memory_space<vmem>>, vector<16xf32>,
    tpu.vector_store %arg17[%swap3A_1273, %swap3A_1274], %broadcast_in_dim3A_5 {strides = array<i32>} : memref<16x512xf32, #tpu.memory_space<vmem>>, vector<16xf32>,
    %swap3A_1276 = arith.constant 9 : i32
    %swap3A_1277 = arith.index_cast %swap3A_1276 : i32 to index
    %swap3A_1278 = arith.constant 448 : index
    %swap3A_1279 = tpu.vector_load %arg17[%swap3A_1277, %swap3A_1278] {strides = array<i32>} : memref<16x512xf32, #tpu.memory_space<vmem>>, vector<16xf32>,
    tpu.vector_store %arg17[%swap3A_1277, %swap3A_1278], %broadcast_in_dim3A_5 {strides = array<i32>} : memref<16x512xf32, #tpu.memory_space<vmem>>, vector<16xf32>,
    %swap3A_1280 = arith.constant 9 : i32
    %swap3A_1281 = arith.index_cast %swap3A_1280 : i32 to index
    %swap3A_1282 = arith.constant 464 : index
    %swap3A_1283 = tpu.vector_load %arg17[%swap3A_1281, %swap3A_1282] {strides = array<i32>} : memref<16x512xf32, #tpu.memory_space<vmem>>, vector<16xf32>,
    tpu.vector_store %arg17[%swap3A_1281, %swap3A_1282], %broadcast_in_dim3A_5 {strides = array<i32>} : memref<16x512xf32, #tpu.memory_space<vmem>>, vector<16xf32>,
    %swap3A_1284 = arith.constant 9 : i32
    %swap3A_1285 = arith.index_cast %swap3A_1284 : i32 to index
    %swap3A_1286 = arith.constant 480 : index
    %swap3A_1287 = tpu.vector_load %arg17[%swap3A_1285, %swap3A_1286] {strides = array<i32>} : memref<16x512xf32, #tpu.memory_space<vmem>>, vector<16xf32>,
    tpu.vector_store %arg17[%swap3A_1285, %swap3A_1286], %broadcast_in_dim3A_5 {strides = array<i32>} : memref<16x512xf32, #tpu.memory_space<vmem>>, vector<16xf32>,
    %swap3A_1288 = arith.constant 9 : i32
    %swap3A_1289 = arith.index_cast %swap3A_1288 : i32 to index
    %swap3A_1290 = arith.constant 496 : index
    %swap3A_1291 = tpu.vector_load %arg17[%swap3A_1289, %swap3A_1290] {strides = array<i32>} : memref<16x512xf32, #tpu.memory_space<vmem>>, vector<16xf32>,
    tpu.vector_store %arg17[%swap3A_1289, %swap3A_1290], %broadcast_in_dim3A_5 {strides = array<i32>} : memref<16x512xf32, #tpu.memory_space<vmem>>, vector<16xf32>,
    %swap3A_1292 = arith.constant 10 : i32
    %swap3A_1293 = arith.index_cast %swap3A_1292 : i32 to index
    %swap3A_1294 = arith.constant 0 : index
    %swap3A_1295 = tpu.vector_load %arg17[%swap3A_1293, %swap3A_1294] {strides = array<i32>} : memref<16x512xf32, #tpu.memory_space<vmem>>, vector<16xf32>,
    tpu.vector_store %arg17[%swap3A_1293, %swap3A_1294], %broadcast_in_dim3A_5 {strides = array<i32>} : memref<16x512xf32, #tpu.memory_space<vmem>>, vector<16xf32>,
    %swap3A_1296 = arith.constant 10 : i32
    %swap3A_1297 = arith.index_cast %swap3A_1296 : i32 to index
    %swap3A_1298 = arith.constant 16 : index
    %swap3A_1299 = tpu.vector_load %arg17[%swap3A_1297, %swap3A_1298] {strides = array<i32>} : memref<16x512xf32, #tpu.memory_space<vmem>>, vector<16xf32>,
    tpu.vector_store %arg17[%swap3A_1297, %swap3A_1298], %broadcast_in_dim3A_5 {strides = array<i32>} : memref<16x512xf32, #tpu.memory_space<vmem>>, vector<16xf32>,
    %swap3A_1300 = arith.constant 10 : i32
    %swap3A_1301 = arith.index_cast %swap3A_1300 : i32 to index
    %swap3A_1302 = arith.constant 32 : index
    %swap3A_1303 = tpu.vector_load %arg17[%swap3A_1301, %swap3A_1302] {strides = array<i32>} : memref<16x512xf32, #tpu.memory_space<vmem>>, vector<16xf32>,
    tpu.vector_store %arg17[%swap3A_1301, %swap3A_1302], %broadcast_in_dim3A_5 {strides = array<i32>} : memref<16x512xf32, #tpu.memory_space<vmem>>, vector<16xf32>,
    %swap3A_1304 = arith.constant 10 : i32
    %swap3A_1305 = arith.index_cast %swap3A_1304 : i32 to index
    %swap3A_1306 = arith.constant 48 : index
    %swap3A_1307 = tpu.vector_load %arg17[%swap3A_1305, %swap3A_1306] {strides = array<i32>} : memref<16x512xf32, #tpu.memory_space<vmem>>, vector<16xf32>,
    tpu.vector_store %arg17[%swap3A_1305, %swap3A_1306], %broadcast_in_dim3A_5 {strides = array<i32>} : memref<16x512xf32, #tpu.memory_space<vmem>>, vector<16xf32>,
    %swap3A_1308 = arith.constant 10 : i32
    %swap3A_1309 = arith.index_cast %swap3A_1308 : i32 to index
    %swap3A_1310 = arith.constant 64 : index
    %swap3A_1311 = tpu.vector_load %arg17[%swap3A_1309, %swap3A_1310] {strides = array<i32>} : memref<16x512xf32, #tpu.memory_space<vmem>>, vector<16xf32>,
    tpu.vector_store %arg17[%swap3A_1309, %swap3A_1310], %broadcast_in_dim3A_5 {strides = array<i32>} : memref<16x512xf32, #tpu.memory_space<vmem>>, vector<16xf32>,
    %swap3A_1312 = arith.constant 10 : i32
    %swap3A_1313 = arith.index_cast %swap3A_1312 : i32 to index
    %swap3A_1314 = arith.constant 80 : index
    %swap3A_1315 = tpu.vector_load %arg17[%swap3A_1313, %swap3A_1314] {strides = array<i32>} : memref<16x512xf32, #tpu.memory_space<vmem>>, vector<16xf32>,
    tpu.vector_store %arg17[%swap3A_1313, %swap3A_1314], %broadcast_in_dim3A_5 {strides = array<i32>} : memref<16x512xf32, #tpu.memory_space<vmem>>, vector<16xf32>,
    %swap3A_1316 = arith.constant 10 : i32
    %swap3A_1317 = arith.index_cast %swap3A_1316 : i32 to index
    %swap3A_1318 = arith.constant 96 : index
    %swap3A_1319 = tpu.vector_load %arg17[%swap3A_1317, %swap3A_1318] {strides = array<i32>} : memref<16x512xf32, #tpu.memory_space<vmem>>, vector<16xf32>,
    tpu.vector_store %arg17[%swap3A_1317, %swap3A_1318], %broadcast_in_dim3A_5 {strides = array<i32>} : memref<16x512xf32, #tpu.memory_space<vmem>>, vector<16xf32>,
    %swap3A_1320 = arith.constant 10 : i32
    %swap3A_1321 = arith.index_cast %swap3A_1320 : i32 to index
    %swap3A_1322 = arith.constant 112 : index
    %swap3A_1323 = tpu.vector_load %arg17[%swap3A_1321, %swap3A_1322] {strides = array<i32>} : memref<16x512xf32, #tpu.memory_space<vmem>>, vector<16xf32>,
    tpu.vector_store %arg17[%swap3A_1321, %swap3A_1322], %broadcast_in_dim3A_5 {strides = array<i32>} : memref<16x512xf32, #tpu.memory_space<vmem>>, vector<16xf32>,
    %swap3A_1324 = arith.constant 10 : i32
    %swap3A_1325 = arith.index_cast %swap3A_1324 : i32 to index
    %swap3A_1326 = arith.constant 128 : index
    %swap3A_1327 = tpu.vector_load %arg17[%swap3A_1325, %swap3A_1326] {strides = array<i32>} : memref<16x512xf32, #tpu.memory_space<vmem>>, vector<16xf32>,
    tpu.vector_store %arg17[%swap3A_1325, %swap3A_1326], %broadcast_in_dim3A_5 {strides = array<i32>} : memref<16x512xf32, #tpu.memory_space<vmem>>, vector<16xf32>,
    %swap3A_1328 = arith.constant 10 : i32
    %swap3A_1329 = arith.index_cast %swap3A_1328 : i32 to index
    %swap3A_1330 = arith.constant 144 : index
    %swap3A_1331 = tpu.vector_load %arg17[%swap3A_1329, %swap3A_1330] {strides = array<i32>} : memref<16x512xf32, #tpu.memory_space<vmem>>, vector<16xf32>,
    tpu.vector_store %arg17[%swap3A_1329, %swap3A_1330], %broadcast_in_dim3A_5 {strides = array<i32>} : memref<16x512xf32, #tpu.memory_space<vmem>>, vector<16xf32>,
    %swap3A_1332 = arith.constant 10 : i32
    %swap3A_1333 = arith.index_cast %swap3A_1332 : i32 to index
    %swap3A_1334 = arith.constant 160 : index
    %swap3A_1335 = tpu.vector_load %arg17[%swap3A_1333, %swap3A_1334] {strides = array<i32>} : memref<16x512xf32, #tpu.memory_space<vmem>>, vector<16xf32>,
    tpu.vector_store %arg17[%swap3A_1333, %swap3A_1334], %broadcast_in_dim3A_5 {strides = array<i32>} : memref<16x512xf32, #tpu.memory_space<vmem>>, vector<16xf32>,
    %swap3A_1336 = arith.constant 10 : i32
    %swap3A_1337 = arith.index_cast %swap3A_1336 : i32 to index
    %swap3A_1338 = arith.constant 176 : index
    %swap3A_1339 = tpu.vector_load %arg17[%swap3A_1337, %swap3A_1338] {strides = array<i32>} : memref<16x512xf32, #tpu.memory_space<vmem>>, vector<16xf32>,
    tpu.vector_store %arg17[%swap3A_1337, %swap3A_1338], %broadcast_in_dim3A_5 {strides = array<i32>} : memref<16x512xf32, #tpu.memory_space<vmem>>, vector<16xf32>,
    %swap3A_1340 = arith.constant 10 : i32
    %swap3A_1341 = arith.index_cast %swap3A_1340 : i32 to index
    %swap3A_1342 = arith.constant 192 : index
    %swap3A_1343 = tpu.vector_load %arg17[%swap3A_1341, %swap3A_1342] {strides = array<i32>} : memref<16x512xf32, #tpu.memory_space<vmem>>, vector<16xf32>,
    tpu.vector_store %arg17[%swap3A_1341, %swap3A_1342], %broadcast_in_dim3A_5 {strides = array<i32>} : memref<16x512xf32, #tpu.memory_space<vmem>>, vector<16xf32>,
    %swap3A_1344 = arith.constant 10 : i32
    %swap3A_1345 = arith.index_cast %swap3A_1344 : i32 to index
    %swap3A_1346 = arith.constant 208 : index
    %swap3A_1347 = tpu.vector_load %arg17[%swap3A_1345, %swap3A_1346] {strides = array<i32>} : memref<16x512xf32, #tpu.memory_space<vmem>>, vector<16xf32>,
    tpu.vector_store %arg17[%swap3A_1345, %swap3A_1346], %broadcast_in_dim3A_5 {strides = array<i32>} : memref<16x512xf32, #tpu.memory_space<vmem>>, vector<16xf32>,
    %swap3A_1348 = arith.constant 10 : i32
    %swap3A_1349 = arith.index_cast %swap3A_1348 : i32 to index
    %swap3A_1350 = arith.constant 224 : index
    %swap3A_1351 = tpu.vector_load %arg17[%swap3A_1349, %swap3A_1350] {strides = array<i32>} : memref<16x512xf32, #tpu.memory_space<vmem>>, vector<16xf32>,
    tpu.vector_store %arg17[%swap3A_1349, %swap3A_1350], %broadcast_in_dim3A_5 {strides = array<i32>} : memref<16x512xf32, #tpu.memory_space<vmem>>, vector<16xf32>,
    %swap3A_1352 = arith.constant 10 : i32
    %swap3A_1353 = arith.index_cast %swap3A_1352 : i32 to index
    %swap3A_1354 = arith.constant 240 : index
    %swap3A_1355 = tpu.vector_load %arg17[%swap3A_1353, %swap3A_1354] {strides = array<i32>} : memref<16x512xf32, #tpu.memory_space<vmem>>, vector<16xf32>,
    tpu.vector_store %arg17[%swap3A_1353, %swap3A_1354], %broadcast_in_dim3A_5 {strides = array<i32>} : memref<16x512xf32, #tpu.memory_space<vmem>>, vector<16xf32>,
    %swap3A_1356 = arith.constant 10 : i32
    %swap3A_1357 = arith.index_cast %swap3A_1356 : i32 to index
    %swap3A_1358 = arith.constant 256 : index
    %swap3A_1359 = tpu.vector_load %arg17[%swap3A_1357, %swap3A_1358] {strides = array<i32>} : memref<16x512xf32, #tpu.memory_space<vmem>>, vector<16xf32>,
    tpu.vector_store %arg17[%swap3A_1357, %swap3A_1358], %broadcast_in_dim3A_5 {strides = array<i32>} : memref<16x512xf32, #tpu.memory_space<vmem>>, vector<16xf32>,
    %swap3A_1360 = arith.constant 10 : i32
    %swap3A_1361 = arith.index_cast %swap3A_1360 : i32 to index
    %swap3A_1362 = arith.constant 272 : index
    %swap3A_1363 = tpu.vector_load %arg17[%swap3A_1361, %swap3A_1362] {strides = array<i32>} : memref<16x512xf32, #tpu.memory_space<vmem>>, vector<16xf32>,
    tpu.vector_store %arg17[%swap3A_1361, %swap3A_1362], %broadcast_in_dim3A_5 {strides = array<i32>} : memref<16x512xf32, #tpu.memory_space<vmem>>, vector<16xf32>,
    %swap3A_1364 = arith.constant 10 : i32
    %swap3A_1365 = arith.index_cast %swap3A_1364 : i32 to index
    %swap3A_1366 = arith.constant 288 : index
    %swap3A_1367 = tpu.vector_load %arg17[%swap3A_1365, %swap3A_1366] {strides = array<i32>} : memref<16x512xf32, #tpu.memory_space<vmem>>, vector<16xf32>,
    tpu.vector_store %arg17[%swap3A_1365, %swap3A_1366], %broadcast_in_dim3A_5 {strides = array<i32>} : memref<16x512xf32, #tpu.memory_space<vmem>>, vector<16xf32>,
    %swap3A_1368 = arith.constant 10 : i32
    %swap3A_1369 = arith.index_cast %swap3A_1368 : i32 to index
    %swap3A_1370 = arith.constant 304 : index
    %swap3A_1371 = tpu.vector_load %arg17[%swap3A_1369, %swap3A_1370] {strides = array<i32>} : memref<16x512xf32, #tpu.memory_space<vmem>>, vector<16xf32>,
    tpu.vector_store %arg17[%swap3A_1369, %swap3A_1370], %broadcast_in_dim3A_5 {strides = array<i32>} : memref<16x512xf32, #tpu.memory_space<vmem>>, vector<16xf32>,
    %swap3A_1372 = arith.constant 10 : i32
    %swap3A_1373 = arith.index_cast %swap3A_1372 : i32 to index
    %swap3A_1374 = arith.constant 320 : index
    %swap3A_1375 = tpu.vector_load %arg17[%swap3A_1373, %swap3A_1374] {strides = array<i32>} : memref<16x512xf32, #tpu.memory_space<vmem>>, vector<16xf32>,
    tpu.vector_store %arg17[%swap3A_1373, %swap3A_1374], %broadcast_in_dim3A_5 {strides = array<i32>} : memref<16x512xf32, #tpu.memory_space<vmem>>, vector<16xf32>,
    %swap3A_1376 = arith.constant 10 : i32
    %swap3A_1377 = arith.index_cast %swap3A_1376 : i32 to index
    %swap3A_1378 = arith.constant 336 : index
    %swap3A_1379 = tpu.vector_load %arg17[%swap3A_1377, %swap3A_1378] {strides = array<i32>} : memref<16x512xf32, #tpu.memory_space<vmem>>, vector<16xf32>,
    tpu.vector_store %arg17[%swap3A_1377, %swap3A_1378], %broadcast_in_dim3A_5 {strides = array<i32>} : memref<16x512xf32, #tpu.memory_space<vmem>>, vector<16xf32>,
    %swap3A_1380 = arith.constant 10 : i32
    %swap3A_1381 = arith.index_cast %swap3A_1380 : i32 to index
    %swap3A_1382 = arith.constant 352 : index
    %swap3A_1383 = tpu.vector_load %arg17[%swap3A_1381, %swap3A_1382] {strides = array<i32>} : memref<16x512xf32, #tpu.memory_space<vmem>>, vector<16xf32>,
    tpu.vector_store %arg17[%swap3A_1381, %swap3A_1382], %broadcast_in_dim3A_5 {strides = array<i32>} : memref<16x512xf32, #tpu.memory_space<vmem>>, vector<16xf32>,
    %swap3A_1384 = arith.constant 10 : i32
    %swap3A_1385 = arith.index_cast %swap3A_1384 : i32 to index
    %swap3A_1386 = arith.constant 368 : index
    %swap3A_1387 = tpu.vector_load %arg17[%swap3A_1385, %swap3A_1386] {strides = array<i32>} : memref<16x512xf32, #tpu.memory_space<vmem>>, vector<16xf32>,
    tpu.vector_store %arg17[%swap3A_1385, %swap3A_1386], %broadcast_in_dim3A_5 {strides = array<i32>} : memref<16x512xf32, #tpu.memory_space<vmem>>, vector<16xf32>,
    %swap3A_1388 = arith.constant 10 : i32
    %swap3A_1389 = arith.index_cast %swap3A_1388 : i32 to index
    %swap3A_1390 = arith.constant 384 : index
    %swap3A_1391 = tpu.vector_load %arg17[%swap3A_1389, %swap3A_1390] {strides = array<i32>} : memref<16x512xf32, #tpu.memory_space<vmem>>, vector<16xf32>,
    tpu.vector_store %arg17[%swap3A_1389, %swap3A_1390], %broadcast_in_dim3A_5 {strides = array<i32>} : memref<16x512xf32, #tpu.memory_space<vmem>>, vector<16xf32>,
    %swap3A_1392 = arith.constant 10 : i32
    %swap3A_1393 = arith.index_cast %swap3A_1392 : i32 to index
    %swap3A_1394 = arith.constant 400 : index
    %swap3A_1395 = tpu.vector_load %arg17[%swap3A_1393, %swap3A_1394] {strides = array<i32>} : memref<16x512xf32, #tpu.memory_space<vmem>>, vector<16xf32>,
    tpu.vector_store %arg17[%swap3A_1393, %swap3A_1394], %broadcast_in_dim3A_5 {strides = array<i32>} : memref<16x512xf32, #tpu.memory_space<vmem>>, vector<16xf32>,
    %swap3A_1396 = arith.constant 10 : i32
    %swap3A_1397 = arith.index_cast %swap3A_1396 : i32 to index
    %swap3A_1398 = arith.constant 416 : index
    %swap3A_1399 = tpu.vector_load %arg17[%swap3A_1397, %swap3A_1398] {strides = array<i32>} : memref<16x512xf32, #tpu.memory_space<vmem>>, vector<16xf32>,
    tpu.vector_store %arg17[%swap3A_1397, %swap3A_1398], %broadcast_in_dim3A_5 {strides = array<i32>} : memref<16x512xf32, #tpu.memory_space<vmem>>, vector<16xf32>,
    %swap3A_1400 = arith.constant 10 : i32
    %swap3A_1401 = arith.index_cast %swap3A_1400 : i32 to index
    %swap3A_1402 = arith.constant 432 : index
    %swap3A_1403 = tpu.vector_load %arg17[%swap3A_1401, %swap3A_1402] {strides = array<i32>} : memref<16x512xf32, #tpu.memory_space<vmem>>, vector<16xf32>,
    tpu.vector_store %arg17[%swap3A_1401, %swap3A_1402], %broadcast_in_dim3A_5 {strides = array<i32>} : memref<16x512xf32, #tpu.memory_space<vmem>>, vector<16xf32>,
    %swap3A_1404 = arith.constant 10 : i32
    %swap3A_1405 = arith.index_cast %swap3A_1404 : i32 to index
    %swap3A_1406 = arith.constant 448 : index
    %swap3A_1407 = tpu.vector_load %arg17[%swap3A_1405, %swap3A_1406] {strides = array<i32>} : memref<16x512xf32, #tpu.memory_space<vmem>>, vector<16xf32>,
    tpu.vector_store %arg17[%swap3A_1405, %swap3A_1406], %broadcast_in_dim3A_5 {strides = array<i32>} : memref<16x512xf32, #tpu.memory_space<vmem>>, vector<16xf32>,
    %swap3A_1408 = arith.constant 10 : i32
    %swap3A_1409 = arith.index_cast %swap3A_1408 : i32 to index
    %swap3A_1410 = arith.constant 464 : index
    %swap3A_1411 = tpu.vector_load %arg17[%swap3A_1409, %swap3A_1410] {strides = array<i32>} : memref<16x512xf32, #tpu.memory_space<vmem>>, vector<16xf32>,
    tpu.vector_store %arg17[%swap3A_1409, %swap3A_1410], %broadcast_in_dim3A_5 {strides = array<i32>} : memref<16x512xf32, #tpu.memory_space<vmem>>, vector<16xf32>,
    %swap3A_1412 = arith.constant 10 : i32
    %swap3A_1413 = arith.index_cast %swap3A_1412 : i32 to index
    %swap3A_1414 = arith.constant 480 : index
    %swap3A_1415 = tpu.vector_load %arg17[%swap3A_1413, %swap3A_1414] {strides = array<i32>} : memref<16x512xf32, #tpu.memory_space<vmem>>, vector<16xf32>,
    tpu.vector_store %arg17[%swap3A_1413, %swap3A_1414], %broadcast_in_dim3A_5 {strides = array<i32>} : memref<16x512xf32, #tpu.memory_space<vmem>>, vector<16xf32>,
    %swap3A_1416 = arith.constant 10 : i32
    %swap3A_1417 = arith.index_cast %swap3A_1416 : i32 to index
    %swap3A_1418 = arith.constant 496 : index
    %swap3A_1419 = tpu.vector_load %arg17[%swap3A_1417, %swap3A_1418] {strides = array<i32>} : memref<16x512xf32, #tpu.memory_space<vmem>>, vector<16xf32>,
    tpu.vector_store %arg17[%swap3A_1417, %swap3A_1418], %broadcast_in_dim3A_5 {strides = array<i32>} : memref<16x512xf32, #tpu.memory_space<vmem>>, vector<16xf32>,
    %swap3A_1420 = arith.constant 11 : i32
    %swap3A_1421 = arith.index_cast %swap3A_1420 : i32 to index
    %swap3A_1422 = arith.constant 0 : index
    %swap3A_1423 = tpu.vector_load %arg17[%swap3A_1421, %swap3A_1422] {strides = array<i32>} : memref<16x512xf32, #tpu.memory_space<vmem>>, vector<16xf32>,
    tpu.vector_store %arg17[%swap3A_1421, %swap3A_1422], %broadcast_in_dim3A_5 {strides = array<i32>} : memref<16x512xf32, #tpu.memory_space<vmem>>, vector<16xf32>,
    %swap3A_1424 = arith.constant 11 : i32
    %swap3A_1425 = arith.index_cast %swap3A_1424 : i32 to index
    %swap3A_1426 = arith.constant 16 : index
    %swap3A_1427 = tpu.vector_load %arg17[%swap3A_1425, %swap3A_1426] {strides = array<i32>} : memref<16x512xf32, #tpu.memory_space<vmem>>, vector<16xf32>,
    tpu.vector_store %arg17[%swap3A_1425, %swap3A_1426], %broadcast_in_dim3A_5 {strides = array<i32>} : memref<16x512xf32, #tpu.memory_space<vmem>>, vector<16xf32>,
    %swap3A_1428 = arith.constant 11 : i32
    %swap3A_1429 = arith.index_cast %swap3A_1428 : i32 to index
    %swap3A_1430 = arith.constant 32 : index
    %swap3A_1431 = tpu.vector_load %arg17[%swap3A_1429, %swap3A_1430] {strides = array<i32>} : memref<16x512xf32, #tpu.memory_space<vmem>>, vector<16xf32>,
    tpu.vector_store %arg17[%swap3A_1429, %swap3A_1430], %broadcast_in_dim3A_5 {strides = array<i32>} : memref<16x512xf32, #tpu.memory_space<vmem>>, vector<16xf32>,
    %swap3A_1432 = arith.constant 11 : i32
    %swap3A_1433 = arith.index_cast %swap3A_1432 : i32 to index
    %swap3A_1434 = arith.constant 48 : index
    %swap3A_1435 = tpu.vector_load %arg17[%swap3A_1433, %swap3A_1434] {strides = array<i32>} : memref<16x512xf32, #tpu.memory_space<vmem>>, vector<16xf32>,
    tpu.vector_store %arg17[%swap3A_1433, %swap3A_1434], %broadcast_in_dim3A_5 {strides = array<i32>} : memref<16x512xf32, #tpu.memory_space<vmem>>, vector<16xf32>,
    %swap3A_1436 = arith.constant 11 : i32
    %swap3A_1437 = arith.index_cast %swap3A_1436 : i32 to index
    %swap3A_1438 = arith.constant 64 : index
    %swap3A_1439 = tpu.vector_load %arg17[%swap3A_1437, %swap3A_1438] {strides = array<i32>} : memref<16x512xf32, #tpu.memory_space<vmem>>, vector<16xf32>,
    tpu.vector_store %arg17[%swap3A_1437, %swap3A_1438], %broadcast_in_dim3A_5 {strides = array<i32>} : memref<16x512xf32, #tpu.memory_space<vmem>>, vector<16xf32>,
    %swap3A_1440 = arith.constant 11 : i32
    %swap3A_1441 = arith.index_cast %swap3A_1440 : i32 to index
    %swap3A_1442 = arith.constant 80 : index
    %swap3A_1443 = tpu.vector_load %arg17[%swap3A_1441, %swap3A_1442] {strides = array<i32>} : memref<16x512xf32, #tpu.memory_space<vmem>>, vector<16xf32>,
    tpu.vector_store %arg17[%swap3A_1441, %swap3A_1442], %broadcast_in_dim3A_5 {strides = array<i32>} : memref<16x512xf32, #tpu.memory_space<vmem>>, vector<16xf32>,
    %swap3A_1444 = arith.constant 11 : i32
    %swap3A_1445 = arith.index_cast %swap3A_1444 : i32 to index
    %swap3A_1446 = arith.constant 96 : index
    %swap3A_1447 = tpu.vector_load %arg17[%swap3A_1445, %swap3A_1446] {strides = array<i32>} : memref<16x512xf32, #tpu.memory_space<vmem>>, vector<16xf32>,
    tpu.vector_store %arg17[%swap3A_1445, %swap3A_1446], %broadcast_in_dim3A_5 {strides = array<i32>} : memref<16x512xf32, #tpu.memory_space<vmem>>, vector<16xf32>,
    %swap3A_1448 = arith.constant 11 : i32
    %swap3A_1449 = arith.index_cast %swap3A_1448 : i32 to index
    %swap3A_1450 = arith.constant 112 : index
    %swap3A_1451 = tpu.vector_load %arg17[%swap3A_1449, %swap3A_1450] {strides = array<i32>} : memref<16x512xf32, #tpu.memory_space<vmem>>, vector<16xf32>,
    tpu.vector_store %arg17[%swap3A_1449, %swap3A_1450], %broadcast_in_dim3A_5 {strides = array<i32>} : memref<16x512xf32, #tpu.memory_space<vmem>>, vector<16xf32>,
    %swap3A_1452 = arith.constant 11 : i32
    %swap3A_1453 = arith.index_cast %swap3A_1452 : i32 to index
    %swap3A_1454 = arith.constant 128 : index
    %swap3A_1455 = tpu.vector_load %arg17[%swap3A_1453, %swap3A_1454] {strides = array<i32>} : memref<16x512xf32, #tpu.memory_space<vmem>>, vector<16xf32>,
    tpu.vector_store %arg17[%swap3A_1453, %swap3A_1454], %broadcast_in_dim3A_5 {strides = array<i32>} : memref<16x512xf32, #tpu.memory_space<vmem>>, vector<16xf32>,
    %swap3A_1456 = arith.constant 11 : i32
    %swap3A_1457 = arith.index_cast %swap3A_1456 : i32 to index
    %swap3A_1458 = arith.constant 144 : index
    %swap3A_1459 = tpu.vector_load %arg17[%swap3A_1457, %swap3A_1458] {strides = array<i32>} : memref<16x512xf32, #tpu.memory_space<vmem>>, vector<16xf32>,
    tpu.vector_store %arg17[%swap3A_1457, %swap3A_1458], %broadcast_in_dim3A_5 {strides = array<i32>} : memref<16x512xf32, #tpu.memory_space<vmem>>, vector<16xf32>,
    %swap3A_1460 = arith.constant 11 : i32
    %swap3A_1461 = arith.index_cast %swap3A_1460 : i32 to index
    %swap3A_1462 = arith.constant 160 : index
    %swap3A_1463 = tpu.vector_load %arg17[%swap3A_1461, %swap3A_1462] {strides = array<i32>} : memref<16x512xf32, #tpu.memory_space<vmem>>, vector<16xf32>,
    tpu.vector_store %arg17[%swap3A_1461, %swap3A_1462], %broadcast_in_dim3A_5 {strides = array<i32>} : memref<16x512xf32, #tpu.memory_space<vmem>>, vector<16xf32>,
    %swap3A_1464 = arith.constant 11 : i32
    %swap3A_1465 = arith.index_cast %swap3A_1464 : i32 to index
    %swap3A_1466 = arith.constant 176 : index
    %swap3A_1467 = tpu.vector_load %arg17[%swap3A_1465, %swap3A_1466] {strides = array<i32>} : memref<16x512xf32, #tpu.memory_space<vmem>>, vector<16xf32>,
    tpu.vector_store %arg17[%swap3A_1465, %swap3A_1466], %broadcast_in_dim3A_5 {strides = array<i32>} : memref<16x512xf32, #tpu.memory_space<vmem>>, vector<16xf32>,
    %swap3A_1468 = arith.constant 11 : i32
    %swap3A_1469 = arith.index_cast %swap3A_1468 : i32 to index
    %swap3A_1470 = arith.constant 192 : index
    %swap3A_1471 = tpu.vector_load %arg17[%swap3A_1469, %swap3A_1470] {strides = array<i32>} : memref<16x512xf32, #tpu.memory_space<vmem>>, vector<16xf32>,
    tpu.vector_store %arg17[%swap3A_1469, %swap3A_1470], %broadcast_in_dim3A_5 {strides = array<i32>} : memref<16x512xf32, #tpu.memory_space<vmem>>, vector<16xf32>,
    %swap3A_1472 = arith.constant 11 : i32
    %swap3A_1473 = arith.index_cast %swap3A_1472 : i32 to index
    %swap3A_1474 = arith.constant 208 : index
    %swap3A_1475 = tpu.vector_load %arg17[%swap3A_1473, %swap3A_1474] {strides = array<i32>} : memref<16x512xf32, #tpu.memory_space<vmem>>, vector<16xf32>,
    tpu.vector_store %arg17[%swap3A_1473, %swap3A_1474], %broadcast_in_dim3A_5 {strides = array<i32>} : memref<16x512xf32, #tpu.memory_space<vmem>>, vector<16xf32>,
    %swap3A_1476 = arith.constant 11 : i32
    %swap3A_1477 = arith.index_cast %swap3A_1476 : i32 to index
    %swap3A_1478 = arith.constant 224 : index
    %swap3A_1479 = tpu.vector_load %arg17[%swap3A_1477, %swap3A_1478] {strides = array<i32>} : memref<16x512xf32, #tpu.memory_space<vmem>>, vector<16xf32>,
    tpu.vector_store %arg17[%swap3A_1477, %swap3A_1478], %broadcast_in_dim3A_5 {strides = array<i32>} : memref<16x512xf32, #tpu.memory_space<vmem>>, vector<16xf32>,
    %swap3A_1480 = arith.constant 11 : i32
    %swap3A_1481 = arith.index_cast %swap3A_1480 : i32 to index
    %swap3A_1482 = arith.constant 240 : index
    %swap3A_1483 = tpu.vector_load %arg17[%swap3A_1481, %swap3A_1482] {strides = array<i32>} : memref<16x512xf32, #tpu.memory_space<vmem>>, vector<16xf32>,
    tpu.vector_store %arg17[%swap3A_1481, %swap3A_1482], %broadcast_in_dim3A_5 {strides = array<i32>} : memref<16x512xf32, #tpu.memory_space<vmem>>, vector<16xf32>,
    %swap3A_1484 = arith.constant 11 : i32
    %swap3A_1485 = arith.index_cast %swap3A_1484 : i32 to index
    %swap3A_1486 = arith.constant 256 : index
    %swap3A_1487 = tpu.vector_load %arg17[%swap3A_1485, %swap3A_1486] {strides = array<i32>} : memref<16x512xf32, #tpu.memory_space<vmem>>, vector<16xf32>,
    tpu.vector_store %arg17[%swap3A_1485, %swap3A_1486], %broadcast_in_dim3A_5 {strides = array<i32>} : memref<16x512xf32, #tpu.memory_space<vmem>>, vector<16xf32>,
    %swap3A_1488 = arith.constant 11 : i32
    %swap3A_1489 = arith.index_cast %swap3A_1488 : i32 to index
    %swap3A_1490 = arith.constant 272 : index
    %swap3A_1491 = tpu.vector_load %arg17[%swap3A_1489, %swap3A_1490] {strides = array<i32>} : memref<16x512xf32, #tpu.memory_space<vmem>>, vector<16xf32>,
    tpu.vector_store %arg17[%swap3A_1489, %swap3A_1490], %broadcast_in_dim3A_5 {strides = array<i32>} : memref<16x512xf32, #tpu.memory_space<vmem>>, vector<16xf32>,
    %swap3A_1492 = arith.constant 11 : i32
    %swap3A_1493 = arith.index_cast %swap3A_1492 : i32 to index
    %swap3A_1494 = arith.constant 288 : index
    %swap3A_1495 = tpu.vector_load %arg17[%swap3A_1493, %swap3A_1494] {strides = array<i32>} : memref<16x512xf32, #tpu.memory_space<vmem>>, vector<16xf32>,
    tpu.vector_store %arg17[%swap3A_1493, %swap3A_1494], %broadcast_in_dim3A_5 {strides = array<i32>} : memref<16x512xf32, #tpu.memory_space<vmem>>, vector<16xf32>,
    %swap3A_1496 = arith.constant 11 : i32
    %swap3A_1497 = arith.index_cast %swap3A_1496 : i32 to index
    %swap3A_1498 = arith.constant 304 : index
    %swap3A_1499 = tpu.vector_load %arg17[%swap3A_1497, %swap3A_1498] {strides = array<i32>} : memref<16x512xf32, #tpu.memory_space<vmem>>, vector<16xf32>,
    tpu.vector_store %arg17[%swap3A_1497, %swap3A_1498], %broadcast_in_dim3A_5 {strides = array<i32>} : memref<16x512xf32, #tpu.memory_space<vmem>>, vector<16xf32>,
    %swap3A_1500 = arith.constant 11 : i32
    %swap3A_1501 = arith.index_cast %swap3A_1500 : i32 to index
    %swap3A_1502 = arith.constant 320 : index
    %swap3A_1503 = tpu.vector_load %arg17[%swap3A_1501, %swap3A_1502] {strides = array<i32>} : memref<16x512xf32, #tpu.memory_space<vmem>>, vector<16xf32>,
    tpu.vector_store %arg17[%swap3A_1501, %swap3A_1502], %broadcast_in_dim3A_5 {strides = array<i32>} : memref<16x512xf32, #tpu.memory_space<vmem>>, vector<16xf32>,
    %swap3A_1504 = arith.constant 11 : i32
    %swap3A_1505 = arith.index_cast %swap3A_1504 : i32 to index
    %swap3A_1506 = arith.constant 336 : index
    %swap3A_1507 = tpu.vector_load %arg17[%swap3A_1505, %swap3A_1506] {strides = array<i32>} : memref<16x512xf32, #tpu.memory_space<vmem>>, vector<16xf32>,
    tpu.vector_store %arg17[%swap3A_1505, %swap3A_1506], %broadcast_in_dim3A_5 {strides = array<i32>} : memref<16x512xf32, #tpu.memory_space<vmem>>, vector<16xf32>,
    %swap3A_1508 = arith.constant 11 : i32
    %swap3A_1509 = arith.index_cast %swap3A_1508 : i32 to index
    %swap3A_1510 = arith.constant 352 : index
    %swap3A_1511 = tpu.vector_load %arg17[%swap3A_1509, %swap3A_1510] {strides = array<i32>} : memref<16x512xf32, #tpu.memory_space<vmem>>, vector<16xf32>,
    tpu.vector_store %arg17[%swap3A_1509, %swap3A_1510], %broadcast_in_dim3A_5 {strides = array<i32>} : memref<16x512xf32, #tpu.memory_space<vmem>>, vector<16xf32>,
    %swap3A_1512 = arith.constant 11 : i32
    %swap3A_1513 = arith.index_cast %swap3A_1512 : i32 to index
    %swap3A_1514 = arith.constant 368 : index
    %swap3A_1515 = tpu.vector_load %arg17[%swap3A_1513, %swap3A_1514] {strides = array<i32>} : memref<16x512xf32, #tpu.memory_space<vmem>>, vector<16xf32>,
    tpu.vector_store %arg17[%swap3A_1513, %swap3A_1514], %broadcast_in_dim3A_5 {strides = array<i32>} : memref<16x512xf32, #tpu.memory_space<vmem>>, vector<16xf32>,
    %swap3A_1516 = arith.constant 11 : i32
    %swap3A_1517 = arith.index_cast %swap3A_1516 : i32 to index
    %swap3A_1518 = arith.constant 384 : index
    %swap3A_1519 = tpu.vector_load %arg17[%swap3A_1517, %swap3A_1518] {strides = array<i32>} : memref<16x512xf32, #tpu.memory_space<vmem>>, vector<16xf32>,
    tpu.vector_store %arg17[%swap3A_1517, %swap3A_1518], %broadcast_in_dim3A_5 {strides = array<i32>} : memref<16x512xf32, #tpu.memory_space<vmem>>, vector<16xf32>,
    %swap3A_1520 = arith.constant 11 : i32
    %swap3A_1521 = arith.index_cast %swap3A_1520 : i32 to index
    %swap3A_1522 = arith.constant 400 : index
    %swap3A_1523 = tpu.vector_load %arg17[%swap3A_1521, %swap3A_1522] {strides = array<i32>} : memref<16x512xf32, #tpu.memory_space<vmem>>, vector<16xf32>,
    tpu.vector_store %arg17[%swap3A_1521, %swap3A_1522], %broadcast_in_dim3A_5 {strides = array<i32>} : memref<16x512xf32, #tpu.memory_space<vmem>>, vector<16xf32>,
    %swap3A_1524 = arith.constant 11 : i32
    %swap3A_1525 = arith.index_cast %swap3A_1524 : i32 to index
    %swap3A_1526 = arith.constant 416 : index
    %swap3A_1527 = tpu.vector_load %arg17[%swap3A_1525, %swap3A_1526] {strides = array<i32>} : memref<16x512xf32, #tpu.memory_space<vmem>>, vector<16xf32>,
    tpu.vector_store %arg17[%swap3A_1525, %swap3A_1526], %broadcast_in_dim3A_5 {strides = array<i32>} : memref<16x512xf32, #tpu.memory_space<vmem>>, vector<16xf32>,
    %swap3A_1528 = arith.constant 11 : i32
    %swap3A_1529 = arith.index_cast %swap3A_1528 : i32 to index
    %swap3A_1530 = arith.constant 432 : index
    %swap3A_1531 = tpu.vector_load %arg17[%swap3A_1529, %swap3A_1530] {strides = array<i32>} : memref<16x512xf32, #tpu.memory_space<vmem>>, vector<16xf32>,
    tpu.vector_store %arg17[%swap3A_1529, %swap3A_1530], %broadcast_in_dim3A_5 {strides = array<i32>} : memref<16x512xf32, #tpu.memory_space<vmem>>, vector<16xf32>,
    %swap3A_1532 = arith.constant 11 : i32
    %swap3A_1533 = arith.index_cast %swap3A_1532 : i32 to index
    %swap3A_1534 = arith.constant 448 : index
    %swap3A_1535 = tpu.vector_load %arg17[%swap3A_1533, %swap3A_1534] {strides = array<i32>} : memref<16x512xf32, #tpu.memory_space<vmem>>, vector<16xf32>,
    tpu.vector_store %arg17[%swap3A_1533, %swap3A_1534], %broadcast_in_dim3A_5 {strides = array<i32>} : memref<16x512xf32, #tpu.memory_space<vmem>>, vector<16xf32>,
    %swap3A_1536 = arith.constant 11 : i32
    %swap3A_1537 = arith.index_cast %swap3A_1536 : i32 to index
    %swap3A_1538 = arith.constant 464 : index
    %swap3A_1539 = tpu.vector_load %arg17[%swap3A_1537, %swap3A_1538] {strides = array<i32>} : memref<16x512xf32, #tpu.memory_space<vmem>>, vector<16xf32>,
    tpu.vector_store %arg17[%swap3A_1537, %swap3A_1538], %broadcast_in_dim3A_5 {strides = array<i32>} : memref<16x512xf32, #tpu.memory_space<vmem>>, vector<16xf32>,
    %swap3A_1540 = arith.constant 11 : i32
    %swap3A_1541 = arith.index_cast %swap3A_1540 : i32 to index
    %swap3A_1542 = arith.constant 480 : index
    %swap3A_1543 = tpu.vector_load %arg17[%swap3A_1541, %swap3A_1542] {strides = array<i32>} : memref<16x512xf32, #tpu.memory_space<vmem>>, vector<16xf32>,
    tpu.vector_store %arg17[%swap3A_1541, %swap3A_1542], %broadcast_in_dim3A_5 {strides = array<i32>} : memref<16x512xf32, #tpu.memory_space<vmem>>, vector<16xf32>,
    %swap3A_1544 = arith.constant 11 : i32
    %swap3A_1545 = arith.index_cast %swap3A_1544 : i32 to index
    %swap3A_1546 = arith.constant 496 : index
    %swap3A_1547 = tpu.vector_load %arg17[%swap3A_1545, %swap3A_1546] {strides = array<i32>} : memref<16x512xf32, #tpu.memory_space<vmem>>, vector<16xf32>,
    tpu.vector_store %arg17[%swap3A_1545, %swap3A_1546], %broadcast_in_dim3A_5 {strides = array<i32>} : memref<16x512xf32, #tpu.memory_space<vmem>>, vector<16xf32>,
    %swap3A_1548 = arith.constant 12 : i32
    %swap3A_1549 = arith.index_cast %swap3A_1548 : i32 to index
    %swap3A_1550 = arith.constant 0 : index
    %swap3A_1551 = tpu.vector_load %arg17[%swap3A_1549, %swap3A_1550] {strides = array<i32>} : memref<16x512xf32, #tpu.memory_space<vmem>>, vector<16xf32>,
    tpu.vector_store %arg17[%swap3A_1549, %swap3A_1550], %broadcast_in_dim3A_5 {strides = array<i32>} : memref<16x512xf32, #tpu.memory_space<vmem>>, vector<16xf32>,
    %swap3A_1552 = arith.constant 12 : i32
    %swap3A_1553 = arith.index_cast %swap3A_1552 : i32 to index
    %swap3A_1554 = arith.constant 16 : index
    %swap3A_1555 = tpu.vector_load %arg17[%swap3A_1553, %swap3A_1554] {strides = array<i32>} : memref<16x512xf32, #tpu.memory_space<vmem>>, vector<16xf32>,
    tpu.vector_store %arg17[%swap3A_1553, %swap3A_1554], %broadcast_in_dim3A_5 {strides = array<i32>} : memref<16x512xf32, #tpu.memory_space<vmem>>, vector<16xf32>,
    %swap3A_1556 = arith.constant 12 : i32
    %swap3A_1557 = arith.index_cast %swap3A_1556 : i32 to index
    %swap3A_1558 = arith.constant 32 : index
    %swap3A_1559 = tpu.vector_load %arg17[%swap3A_1557, %swap3A_1558] {strides = array<i32>} : memref<16x512xf32, #tpu.memory_space<vmem>>, vector<16xf32>,
    tpu.vector_store %arg17[%swap3A_1557, %swap3A_1558], %broadcast_in_dim3A_5 {strides = array<i32>} : memref<16x512xf32, #tpu.memory_space<vmem>>, vector<16xf32>,
    %swap3A_1560 = arith.constant 12 : i32
    %swap3A_1561 = arith.index_cast %swap3A_1560 : i32 to index
    %swap3A_1562 = arith.constant 48 : index
    %swap3A_1563 = tpu.vector_load %arg17[%swap3A_1561, %swap3A_1562] {strides = array<i32>} : memref<16x512xf32, #tpu.memory_space<vmem>>, vector<16xf32>,
    tpu.vector_store %arg17[%swap3A_1561, %swap3A_1562], %broadcast_in_dim3A_5 {strides = array<i32>} : memref<16x512xf32, #tpu.memory_space<vmem>>, vector<16xf32>,
    %swap3A_1564 = arith.constant 12 : i32
    %swap3A_1565 = arith.index_cast %swap3A_1564 : i32 to index
    %swap3A_1566 = arith.constant 64 : index
    %swap3A_1567 = tpu.vector_load %arg17[%swap3A_1565, %swap3A_1566] {strides = array<i32>} : memref<16x512xf32, #tpu.memory_space<vmem>>, vector<16xf32>,
    tpu.vector_store %arg17[%swap3A_1565, %swap3A_1566], %broadcast_in_dim3A_5 {strides = array<i32>} : memref<16x512xf32, #tpu.memory_space<vmem>>, vector<16xf32>,
    %swap3A_1568 = arith.constant 12 : i32
    %swap3A_1569 = arith.index_cast %swap3A_1568 : i32 to index
    %swap3A_1570 = arith.constant 80 : index
    %swap3A_1571 = tpu.vector_load %arg17[%swap3A_1569, %swap3A_1570] {strides = array<i32>} : memref<16x512xf32, #tpu.memory_space<vmem>>, vector<16xf32>,
    tpu.vector_store %arg17[%swap3A_1569, %swap3A_1570], %broadcast_in_dim3A_5 {strides = array<i32>} : memref<16x512xf32, #tpu.memory_space<vmem>>, vector<16xf32>,
    %swap3A_1572 = arith.constant 12 : i32
    %swap3A_1573 = arith.index_cast %swap3A_1572 : i32 to index
    %swap3A_1574 = arith.constant 96 : index
    %swap3A_1575 = tpu.vector_load %arg17[%swap3A_1573, %swap3A_1574] {strides = array<i32>} : memref<16x512xf32, #tpu.memory_space<vmem>>, vector<16xf32>,
    tpu.vector_store %arg17[%swap3A_1573, %swap3A_1574], %broadcast_in_dim3A_5 {strides = array<i32>} : memref<16x512xf32, #tpu.memory_space<vmem>>, vector<16xf32>,
    %swap3A_1576 = arith.constant 12 : i32
    %swap3A_1577 = arith.index_cast %swap3A_1576 : i32 to index
    %swap3A_1578 = arith.constant 112 : index
    %swap3A_1579 = tpu.vector_load %arg17[%swap3A_1577, %swap3A_1578] {strides = array<i32>} : memref<16x512xf32, #tpu.memory_space<vmem>>, vector<16xf32>,
    tpu.vector_store %arg17[%swap3A_1577, %swap3A_1578], %broadcast_in_dim3A_5 {strides = array<i32>} : memref<16x512xf32, #tpu.memory_space<vmem>>, vector<16xf32>,
    %swap3A_1580 = arith.constant 12 : i32
    %swap3A_1581 = arith.index_cast %swap3A_1580 : i32 to index
    %swap3A_1582 = arith.constant 128 : index
    %swap3A_1583 = tpu.vector_load %arg17[%swap3A_1581, %swap3A_1582] {strides = array<i32>} : memref<16x512xf32, #tpu.memory_space<vmem>>, vector<16xf32>,
    tpu.vector_store %arg17[%swap3A_1581, %swap3A_1582], %broadcast_in_dim3A_5 {strides = array<i32>} : memref<16x512xf32, #tpu.memory_space<vmem>>, vector<16xf32>,
    %swap3A_1584 = arith.constant 12 : i32
    %swap3A_1585 = arith.index_cast %swap3A_1584 : i32 to index
    %swap3A_1586 = arith.constant 144 : index
    %swap3A_1587 = tpu.vector_load %arg17[%swap3A_1585, %swap3A_1586] {strides = array<i32>} : memref<16x512xf32, #tpu.memory_space<vmem>>, vector<16xf32>,
    tpu.vector_store %arg17[%swap3A_1585, %swap3A_1586], %broadcast_in_dim3A_5 {strides = array<i32>} : memref<16x512xf32, #tpu.memory_space<vmem>>, vector<16xf32>,
    %swap3A_1588 = arith.constant 12 : i32
    %swap3A_1589 = arith.index_cast %swap3A_1588 : i32 to index
    %swap3A_1590 = arith.constant 160 : index
    %swap3A_1591 = tpu.vector_load %arg17[%swap3A_1589, %swap3A_1590] {strides = array<i32>} : memref<16x512xf32, #tpu.memory_space<vmem>>, vector<16xf32>,
    tpu.vector_store %arg17[%swap3A_1589, %swap3A_1590], %broadcast_in_dim3A_5 {strides = array<i32>} : memref<16x512xf32, #tpu.memory_space<vmem>>, vector<16xf32>,
    %swap3A_1592 = arith.constant 12 : i32
    %swap3A_1593 = arith.index_cast %swap3A_1592 : i32 to index
    %swap3A_1594 = arith.constant 176 : index
    %swap3A_1595 = tpu.vector_load %arg17[%swap3A_1593, %swap3A_1594] {strides = array<i32>} : memref<16x512xf32, #tpu.memory_space<vmem>>, vector<16xf32>,
    tpu.vector_store %arg17[%swap3A_1593, %swap3A_1594], %broadcast_in_dim3A_5 {strides = array<i32>} : memref<16x512xf32, #tpu.memory_space<vmem>>, vector<16xf32>,
    %swap3A_1596 = arith.constant 12 : i32
    %swap3A_1597 = arith.index_cast %swap3A_1596 : i32 to index
    %swap3A_1598 = arith.constant 192 : index
    %swap3A_1599 = tpu.vector_load %arg17[%swap3A_1597, %swap3A_1598] {strides = array<i32>} : memref<16x512xf32, #tpu.memory_space<vmem>>, vector<16xf32>,
    tpu.vector_store %arg17[%swap3A_1597, %swap3A_1598], %broadcast_in_dim3A_5 {strides = array<i32>} : memref<16x512xf32, #tpu.memory_space<vmem>>, vector<16xf32>,
    %swap3A_1600 = arith.constant 12 : i32
    %swap3A_1601 = arith.index_cast %swap3A_1600 : i32 to index
    %swap3A_1602 = arith.constant 208 : index
    %swap3A_1603 = tpu.vector_load %arg17[%swap3A_1601, %swap3A_1602] {strides = array<i32>} : memref<16x512xf32, #tpu.memory_space<vmem>>, vector<16xf32>,
    tpu.vector_store %arg17[%swap3A_1601, %swap3A_1602], %broadcast_in_dim3A_5 {strides = array<i32>} : memref<16x512xf32, #tpu.memory_space<vmem>>, vector<16xf32>,
    %swap3A_1604 = arith.constant 12 : i32
    %swap3A_1605 = arith.index_cast %swap3A_1604 : i32 to index
    %swap3A_1606 = arith.constant 224 : index
    %swap3A_1607 = tpu.vector_load %arg17[%swap3A_1605, %swap3A_1606] {strides = array<i32>} : memref<16x512xf32, #tpu.memory_space<vmem>>, vector<16xf32>,
    tpu.vector_store %arg17[%swap3A_1605, %swap3A_1606], %broadcast_in_dim3A_5 {strides = array<i32>} : memref<16x512xf32, #tpu.memory_space<vmem>>, vector<16xf32>,
    %swap3A_1608 = arith.constant 12 : i32
    %swap3A_1609 = arith.index_cast %swap3A_1608 : i32 to index
    %swap3A_1610 = arith.constant 240 : index
    %swap3A_1611 = tpu.vector_load %arg17[%swap3A_1609, %swap3A_1610] {strides = array<i32>} : memref<16x512xf32, #tpu.memory_space<vmem>>, vector<16xf32>,
    tpu.vector_store %arg17[%swap3A_1609, %swap3A_1610], %broadcast_in_dim3A_5 {strides = array<i32>} : memref<16x512xf32, #tpu.memory_space<vmem>>, vector<16xf32>,
    %swap3A_1612 = arith.constant 12 : i32
    %swap3A_1613 = arith.index_cast %swap3A_1612 : i32 to index
    %swap3A_1614 = arith.constant 256 : index
    %swap3A_1615 = tpu.vector_load %arg17[%swap3A_1613, %swap3A_1614] {strides = array<i32>} : memref<16x512xf32, #tpu.memory_space<vmem>>, vector<16xf32>,
    tpu.vector_store %arg17[%swap3A_1613, %swap3A_1614], %broadcast_in_dim3A_5 {strides = array<i32>} : memref<16x512xf32, #tpu.memory_space<vmem>>, vector<16xf32>,
    %swap3A_1616 = arith.constant 12 : i32
    %swap3A_1617 = arith.index_cast %swap3A_1616 : i32 to index
    %swap3A_1618 = arith.constant 272 : index
    %swap3A_1619 = tpu.vector_load %arg17[%swap3A_1617, %swap3A_1618] {strides = array<i32>} : memref<16x512xf32, #tpu.memory_space<vmem>>, vector<16xf32>,
    tpu.vector_store %arg17[%swap3A_1617, %swap3A_1618], %broadcast_in_dim3A_5 {strides = array<i32>} : memref<16x512xf32, #tpu.memory_space<vmem>>, vector<16xf32>,
    %swap3A_1620 = arith.constant 12 : i32
    %swap3A_1621 = arith.index_cast %swap3A_1620 : i32 to index
    %swap3A_1622 = arith.constant 288 : index
    %swap3A_1623 = tpu.vector_load %arg17[%swap3A_1621, %swap3A_1622] {strides = array<i32>} : memref<16x512xf32, #tpu.memory_space<vmem>>, vector<16xf32>,
    tpu.vector_store %arg17[%swap3A_1621, %swap3A_1622], %broadcast_in_dim3A_5 {strides = array<i32>} : memref<16x512xf32, #tpu.memory_space<vmem>>, vector<16xf32>,
    %swap3A_1624 = arith.constant 12 : i32
    %swap3A_1625 = arith.index_cast %swap3A_1624 : i32 to index
    %swap3A_1626 = arith.constant 304 : index
    %swap3A_1627 = tpu.vector_load %arg17[%swap3A_1625, %swap3A_1626] {strides = array<i32>} : memref<16x512xf32, #tpu.memory_space<vmem>>, vector<16xf32>,
    tpu.vector_store %arg17[%swap3A_1625, %swap3A_1626], %broadcast_in_dim3A_5 {strides = array<i32>} : memref<16x512xf32, #tpu.memory_space<vmem>>, vector<16xf32>,
    %swap3A_1628 = arith.constant 12 : i32
    %swap3A_1629 = arith.index_cast %swap3A_1628 : i32 to index
    %swap3A_1630 = arith.constant 320 : index
    %swap3A_1631 = tpu.vector_load %arg17[%swap3A_1629, %swap3A_1630] {strides = array<i32>} : memref<16x512xf32, #tpu.memory_space<vmem>>, vector<16xf32>,
    tpu.vector_store %arg17[%swap3A_1629, %swap3A_1630], %broadcast_in_dim3A_5 {strides = array<i32>} : memref<16x512xf32, #tpu.memory_space<vmem>>, vector<16xf32>,
    %swap3A_1632 = arith.constant 12 : i32
    %swap3A_1633 = arith.index_cast %swap3A_1632 : i32 to index
    %swap3A_1634 = arith.constant 336 : index
    %swap3A_1635 = tpu.vector_load %arg17[%swap3A_1633, %swap3A_1634] {strides = array<i32>} : memref<16x512xf32, #tpu.memory_space<vmem>>, vector<16xf32>,
    tpu.vector_store %arg17[%swap3A_1633, %swap3A_1634], %broadcast_in_dim3A_5 {strides = array<i32>} : memref<16x512xf32, #tpu.memory_space<vmem>>, vector<16xf32>,
    %swap3A_1636 = arith.constant 12 : i32
    %swap3A_1637 = arith.index_cast %swap3A_1636 : i32 to index
    %swap3A_1638 = arith.constant 352 : index
    %swap3A_1639 = tpu.vector_load %arg17[%swap3A_1637, %swap3A_1638] {strides = array<i32>} : memref<16x512xf32, #tpu.memory_space<vmem>>, vector<16xf32>,
    tpu.vector_store %arg17[%swap3A_1637, %swap3A_1638], %broadcast_in_dim3A_5 {strides = array<i32>} : memref<16x512xf32, #tpu.memory_space<vmem>>, vector<16xf32>,
    %swap3A_1640 = arith.constant 12 : i32
    %swap3A_1641 = arith.index_cast %swap3A_1640 : i32 to index
    %swap3A_1642 = arith.constant 368 : index
    %swap3A_1643 = tpu.vector_load %arg17[%swap3A_1641, %swap3A_1642] {strides = array<i32>} : memref<16x512xf32, #tpu.memory_space<vmem>>, vector<16xf32>,
    tpu.vector_store %arg17[%swap3A_1641, %swap3A_1642], %broadcast_in_dim3A_5 {strides = array<i32>} : memref<16x512xf32, #tpu.memory_space<vmem>>, vector<16xf32>,
    %swap3A_1644 = arith.constant 12 : i32
    %swap3A_1645 = arith.index_cast %swap3A_1644 : i32 to index
    %swap3A_1646 = arith.constant 384 : index
    %swap3A_1647 = tpu.vector_load %arg17[%swap3A_1645, %swap3A_1646] {strides = array<i32>} : memref<16x512xf32, #tpu.memory_space<vmem>>, vector<16xf32>,
    tpu.vector_store %arg17[%swap3A_1645, %swap3A_1646], %broadcast_in_dim3A_5 {strides = array<i32>} : memref<16x512xf32, #tpu.memory_space<vmem>>, vector<16xf32>,
    %swap3A_1648 = arith.constant 12 : i32
    %swap3A_1649 = arith.index_cast %swap3A_1648 : i32 to index
    %swap3A_1650 = arith.constant 400 : index
    %swap3A_1651 = tpu.vector_load %arg17[%swap3A_1649, %swap3A_1650] {strides = array<i32>} : memref<16x512xf32, #tpu.memory_space<vmem>>, vector<16xf32>,
    tpu.vector_store %arg17[%swap3A_1649, %swap3A_1650], %broadcast_in_dim3A_5 {strides = array<i32>} : memref<16x512xf32, #tpu.memory_space<vmem>>, vector<16xf32>,
    %swap3A_1652 = arith.constant 12 : i32
    %swap3A_1653 = arith.index_cast %swap3A_1652 : i32 to index
    %swap3A_1654 = arith.constant 416 : index
    %swap3A_1655 = tpu.vector_load %arg17[%swap3A_1653, %swap3A_1654] {strides = array<i32>} : memref<16x512xf32, #tpu.memory_space<vmem>>, vector<16xf32>,
    tpu.vector_store %arg17[%swap3A_1653, %swap3A_1654], %broadcast_in_dim3A_5 {strides = array<i32>} : memref<16x512xf32, #tpu.memory_space<vmem>>, vector<16xf32>,
    %swap3A_1656 = arith.constant 12 : i32
    %swap3A_1657 = arith.index_cast %swap3A_1656 : i32 to index
    %swap3A_1658 = arith.constant 432 : index
    %swap3A_1659 = tpu.vector_load %arg17[%swap3A_1657, %swap3A_1658] {strides = array<i32>} : memref<16x512xf32, #tpu.memory_space<vmem>>, vector<16xf32>,
    tpu.vector_store %arg17[%swap3A_1657, %swap3A_1658], %broadcast_in_dim3A_5 {strides = array<i32>} : memref<16x512xf32, #tpu.memory_space<vmem>>, vector<16xf32>,
    %swap3A_1660 = arith.constant 12 : i32
    %swap3A_1661 = arith.index_cast %swap3A_1660 : i32 to index
    %swap3A_1662 = arith.constant 448 : index
    %swap3A_1663 = tpu.vector_load %arg17[%swap3A_1661, %swap3A_1662] {strides = array<i32>} : memref<16x512xf32, #tpu.memory_space<vmem>>, vector<16xf32>,
    tpu.vector_store %arg17[%swap3A_1661, %swap3A_1662], %broadcast_in_dim3A_5 {strides = array<i32>} : memref<16x512xf32, #tpu.memory_space<vmem>>, vector<16xf32>,
    %swap3A_1664 = arith.constant 12 : i32
    %swap3A_1665 = arith.index_cast %swap3A_1664 : i32 to index
    %swap3A_1666 = arith.constant 464 : index
    %swap3A_1667 = tpu.vector_load %arg17[%swap3A_1665, %swap3A_1666] {strides = array<i32>} : memref<16x512xf32, #tpu.memory_space<vmem>>, vector<16xf32>,
    tpu.vector_store %arg17[%swap3A_1665, %swap3A_1666], %broadcast_in_dim3A_5 {strides = array<i32>} : memref<16x512xf32, #tpu.memory_space<vmem>>, vector<16xf32>,
    %swap3A_1668 = arith.constant 12 : i32
    %swap3A_1669 = arith.index_cast %swap3A_1668 : i32 to index
    %swap3A_1670 = arith.constant 480 : index
    %swap3A_1671 = tpu.vector_load %arg17[%swap3A_1669, %swap3A_1670] {strides = array<i32>} : memref<16x512xf32, #tpu.memory_space<vmem>>, vector<16xf32>,
    tpu.vector_store %arg17[%swap3A_1669, %swap3A_1670], %broadcast_in_dim3A_5 {strides = array<i32>} : memref<16x512xf32, #tpu.memory_space<vmem>>, vector<16xf32>,
    %swap3A_1672 = arith.constant 12 : i32
    %swap3A_1673 = arith.index_cast %swap3A_1672 : i32 to index
    %swap3A_1674 = arith.constant 496 : index
    %swap3A_1675 = tpu.vector_load %arg17[%swap3A_1673, %swap3A_1674] {strides = array<i32>} : memref<16x512xf32, #tpu.memory_space<vmem>>, vector<16xf32>,
    tpu.vector_store %arg17[%swap3A_1673, %swap3A_1674], %broadcast_in_dim3A_5 {strides = array<i32>} : memref<16x512xf32, #tpu.memory_space<vmem>>, vector<16xf32>,
    %swap3A_1676 = arith.constant 13 : i32
    %swap3A_1677 = arith.index_cast %swap3A_1676 : i32 to index
    %swap3A_1678 = arith.constant 0 : index
    %swap3A_1679 = tpu.vector_load %arg17[%swap3A_1677, %swap3A_1678] {strides = array<i32>} : memref<16x512xf32, #tpu.memory_space<vmem>>, vector<16xf32>,
    tpu.vector_store %arg17[%swap3A_1677, %swap3A_1678], %broadcast_in_dim3A_5 {strides = array<i32>} : memref<16x512xf32, #tpu.memory_space<vmem>>, vector<16xf32>,
    %swap3A_1680 = arith.constant 13 : i32
    %swap3A_1681 = arith.index_cast %swap3A_1680 : i32 to index
    %swap3A_1682 = arith.constant 16 : index
    %swap3A_1683 = tpu.vector_load %arg17[%swap3A_1681, %swap3A_1682] {strides = array<i32>} : memref<16x512xf32, #tpu.memory_space<vmem>>, vector<16xf32>,
    tpu.vector_store %arg17[%swap3A_1681, %swap3A_1682], %broadcast_in_dim3A_5 {strides = array<i32>} : memref<16x512xf32, #tpu.memory_space<vmem>>, vector<16xf32>,
    %swap3A_1684 = arith.constant 13 : i32
    %swap3A_1685 = arith.index_cast %swap3A_1684 : i32 to index
    %swap3A_1686 = arith.constant 32 : index
    %swap3A_1687 = tpu.vector_load %arg17[%swap3A_1685, %swap3A_1686] {strides = array<i32>} : memref<16x512xf32, #tpu.memory_space<vmem>>, vector<16xf32>,
    tpu.vector_store %arg17[%swap3A_1685, %swap3A_1686], %broadcast_in_dim3A_5 {strides = array<i32>} : memref<16x512xf32, #tpu.memory_space<vmem>>, vector<16xf32>,
    %swap3A_1688 = arith.constant 13 : i32
    %swap3A_1689 = arith.index_cast %swap3A_1688 : i32 to index
    %swap3A_1690 = arith.constant 48 : index
    %swap3A_1691 = tpu.vector_load %arg17[%swap3A_1689, %swap3A_1690] {strides = array<i32>} : memref<16x512xf32, #tpu.memory_space<vmem>>, vector<16xf32>,
    tpu.vector_store %arg17[%swap3A_1689, %swap3A_1690], %broadcast_in_dim3A_5 {strides = array<i32>} : memref<16x512xf32, #tpu.memory_space<vmem>>, vector<16xf32>,
    %swap3A_1692 = arith.constant 13 : i32
    %swap3A_1693 = arith.index_cast %swap3A_1692 : i32 to index
    %swap3A_1694 = arith.constant 64 : index
    %swap3A_1695 = tpu.vector_load %arg17[%swap3A_1693, %swap3A_1694] {strides = array<i32>} : memref<16x512xf32, #tpu.memory_space<vmem>>, vector<16xf32>,
    tpu.vector_store %arg17[%swap3A_1693, %swap3A_1694], %broadcast_in_dim3A_5 {strides = array<i32>} : memref<16x512xf32, #tpu.memory_space<vmem>>, vector<16xf32>,
    %swap3A_1696 = arith.constant 13 : i32
    %swap3A_1697 = arith.index_cast %swap3A_1696 : i32 to index
    %swap3A_1698 = arith.constant 80 : index
    %swap3A_1699 = tpu.vector_load %arg17[%swap3A_1697, %swap3A_1698] {strides = array<i32>} : memref<16x512xf32, #tpu.memory_space<vmem>>, vector<16xf32>,
    tpu.vector_store %arg17[%swap3A_1697, %swap3A_1698], %broadcast_in_dim3A_5 {strides = array<i32>} : memref<16x512xf32, #tpu.memory_space<vmem>>, vector<16xf32>,
    %swap3A_1700 = arith.constant 13 : i32
    %swap3A_1701 = arith.index_cast %swap3A_1700 : i32 to index
    %swap3A_1702 = arith.constant 96 : index
    %swap3A_1703 = tpu.vector_load %arg17[%swap3A_1701, %swap3A_1702] {strides = array<i32>} : memref<16x512xf32, #tpu.memory_space<vmem>>, vector<16xf32>,
    tpu.vector_store %arg17[%swap3A_1701, %swap3A_1702], %broadcast_in_dim3A_5 {strides = array<i32>} : memref<16x512xf32, #tpu.memory_space<vmem>>, vector<16xf32>,
    %swap3A_1704 = arith.constant 13 : i32
    %swap3A_1705 = arith.index_cast %swap3A_1704 : i32 to index
    %swap3A_1706 = arith.constant 112 : index
    %swap3A_1707 = tpu.vector_load %arg17[%swap3A_1705, %swap3A_1706] {strides = array<i32>} : memref<16x512xf32, #tpu.memory_space<vmem>>, vector<16xf32>,
    tpu.vector_store %arg17[%swap3A_1705, %swap3A_1706], %broadcast_in_dim3A_5 {strides = array<i32>} : memref<16x512xf32, #tpu.memory_space<vmem>>, vector<16xf32>,
    %swap3A_1708 = arith.constant 13 : i32
    %swap3A_1709 = arith.index_cast %swap3A_1708 : i32 to index
    %swap3A_1710 = arith.constant 128 : index
    %swap3A_1711 = tpu.vector_load %arg17[%swap3A_1709, %swap3A_1710] {strides = array<i32>} : memref<16x512xf32, #tpu.memory_space<vmem>>, vector<16xf32>,
    tpu.vector_store %arg17[%swap3A_1709, %swap3A_1710], %broadcast_in_dim3A_5 {strides = array<i32>} : memref<16x512xf32, #tpu.memory_space<vmem>>, vector<16xf32>,
    %swap3A_1712 = arith.constant 13 : i32
    %swap3A_1713 = arith.index_cast %swap3A_1712 : i32 to index
    %swap3A_1714 = arith.constant 144 : index
    %swap3A_1715 = tpu.vector_load %arg17[%swap3A_1713, %swap3A_1714] {strides = array<i32>} : memref<16x512xf32, #tpu.memory_space<vmem>>, vector<16xf32>,
    tpu.vector_store %arg17[%swap3A_1713, %swap3A_1714], %broadcast_in_dim3A_5 {strides = array<i32>} : memref<16x512xf32, #tpu.memory_space<vmem>>, vector<16xf32>,
    %swap3A_1716 = arith.constant 13 : i32
    %swap3A_1717 = arith.index_cast %swap3A_1716 : i32 to index
    %swap3A_1718 = arith.constant 160 : index
    %swap3A_1719 = tpu.vector_load %arg17[%swap3A_1717, %swap3A_1718] {strides = array<i32>} : memref<16x512xf32, #tpu.memory_space<vmem>>, vector<16xf32>,
    tpu.vector_store %arg17[%swap3A_1717, %swap3A_1718], %broadcast_in_dim3A_5 {strides = array<i32>} : memref<16x512xf32, #tpu.memory_space<vmem>>, vector<16xf32>,
    %swap3A_1720 = arith.constant 13 : i32
    %swap3A_1721 = arith.index_cast %swap3A_1720 : i32 to index
    %swap3A_1722 = arith.constant 176 : index
    %swap3A_1723 = tpu.vector_load %arg17[%swap3A_1721, %swap3A_1722] {strides = array<i32>} : memref<16x512xf32, #tpu.memory_space<vmem>>, vector<16xf32>,
    tpu.vector_store %arg17[%swap3A_1721, %swap3A_1722], %broadcast_in_dim3A_5 {strides = array<i32>} : memref<16x512xf32, #tpu.memory_space<vmem>>, vector<16xf32>,
    %swap3A_1724 = arith.constant 13 : i32
    %swap3A_1725 = arith.index_cast %swap3A_1724 : i32 to index
    %swap3A_1726 = arith.constant 192 : index
    %swap3A_1727 = tpu.vector_load %arg17[%swap3A_1725, %swap3A_1726] {strides = array<i32>} : memref<16x512xf32, #tpu.memory_space<vmem>>, vector<16xf32>,
    tpu.vector_store %arg17[%swap3A_1725, %swap3A_1726], %broadcast_in_dim3A_5 {strides = array<i32>} : memref<16x512xf32, #tpu.memory_space<vmem>>, vector<16xf32>,
    %swap3A_1728 = arith.constant 13 : i32
    %swap3A_1729 = arith.index_cast %swap3A_1728 : i32 to index
    %swap3A_1730 = arith.constant 208 : index
    %swap3A_1731 = tpu.vector_load %arg17[%swap3A_1729, %swap3A_1730] {strides = array<i32>} : memref<16x512xf32, #tpu.memory_space<vmem>>, vector<16xf32>,
    tpu.vector_store %arg17[%swap3A_1729, %swap3A_1730], %broadcast_in_dim3A_5 {strides = array<i32>} : memref<16x512xf32, #tpu.memory_space<vmem>>, vector<16xf32>,
    %swap3A_1732 = arith.constant 13 : i32
    %swap3A_1733 = arith.index_cast %swap3A_1732 : i32 to index
    %swap3A_1734 = arith.constant 224 : index
    %swap3A_1735 = tpu.vector_load %arg17[%swap3A_1733, %swap3A_1734] {strides = array<i32>} : memref<16x512xf32, #tpu.memory_space<vmem>>, vector<16xf32>,
    tpu.vector_store %arg17[%swap3A_1733, %swap3A_1734], %broadcast_in_dim3A_5 {strides = array<i32>} : memref<16x512xf32, #tpu.memory_space<vmem>>, vector<16xf32>,
    %swap3A_1736 = arith.constant 13 : i32
    %swap3A_1737 = arith.index_cast %swap3A_1736 : i32 to index
    %swap3A_1738 = arith.constant 240 : index
    %swap3A_1739 = tpu.vector_load %arg17[%swap3A_1737, %swap3A_1738] {strides = array<i32>} : memref<16x512xf32, #tpu.memory_space<vmem>>, vector<16xf32>,
    tpu.vector_store %arg17[%swap3A_1737, %swap3A_1738], %broadcast_in_dim3A_5 {strides = array<i32>} : memref<16x512xf32, #tpu.memory_space<vmem>>, vector<16xf32>,
    %swap3A_1740 = arith.constant 13 : i32
    %swap3A_1741 = arith.index_cast %swap3A_1740 : i32 to index
    %swap3A_1742 = arith.constant 256 : index
    %swap3A_1743 = tpu.vector_load %arg17[%swap3A_1741, %swap3A_1742] {strides = array<i32>} : memref<16x512xf32, #tpu.memory_space<vmem>>, vector<16xf32>,
    tpu.vector_store %arg17[%swap3A_1741, %swap3A_1742], %broadcast_in_dim3A_5 {strides = array<i32>} : memref<16x512xf32, #tpu.memory_space<vmem>>, vector<16xf32>,
    %swap3A_1744 = arith.constant 13 : i32
    %swap3A_1745 = arith.index_cast %swap3A_1744 : i32 to index
    %swap3A_1746 = arith.constant 272 : index
    %swap3A_1747 = tpu.vector_load %arg17[%swap3A_1745, %swap3A_1746] {strides = array<i32>} : memref<16x512xf32, #tpu.memory_space<vmem>>, vector<16xf32>,
    tpu.vector_store %arg17[%swap3A_1745, %swap3A_1746], %broadcast_in_dim3A_5 {strides = array<i32>} : memref<16x512xf32, #tpu.memory_space<vmem>>, vector<16xf32>,
    %swap3A_1748 = arith.constant 13 : i32
    %swap3A_1749 = arith.index_cast %swap3A_1748 : i32 to index
    %swap3A_1750 = arith.constant 288 : index
    %swap3A_1751 = tpu.vector_load %arg17[%swap3A_1749, %swap3A_1750] {strides = array<i32>} : memref<16x512xf32, #tpu.memory_space<vmem>>, vector<16xf32>,
    tpu.vector_store %arg17[%swap3A_1749, %swap3A_1750], %broadcast_in_dim3A_5 {strides = array<i32>} : memref<16x512xf32, #tpu.memory_space<vmem>>, vector<16xf32>,
    %swap3A_1752 = arith.constant 13 : i32
    %swap3A_1753 = arith.index_cast %swap3A_1752 : i32 to index
    %swap3A_1754 = arith.constant 304 : index
    %swap3A_1755 = tpu.vector_load %arg17[%swap3A_1753, %swap3A_1754] {strides = array<i32>} : memref<16x512xf32, #tpu.memory_space<vmem>>, vector<16xf32>,
    tpu.vector_store %arg17[%swap3A_1753, %swap3A_1754], %broadcast_in_dim3A_5 {strides = array<i32>} : memref<16x512xf32, #tpu.memory_space<vmem>>, vector<16xf32>,
    %swap3A_1756 = arith.constant 13 : i32
    %swap3A_1757 = arith.index_cast %swap3A_1756 : i32 to index
    %swap3A_1758 = arith.constant 320 : index
    %swap3A_1759 = tpu.vector_load %arg17[%swap3A_1757, %swap3A_1758] {strides = array<i32>} : memref<16x512xf32, #tpu.memory_space<vmem>>, vector<16xf32>,
    tpu.vector_store %arg17[%swap3A_1757, %swap3A_1758], %broadcast_in_dim3A_5 {strides = array<i32>} : memref<16x512xf32, #tpu.memory_space<vmem>>, vector<16xf32>,
    %swap3A_1760 = arith.constant 13 : i32
    %swap3A_1761 = arith.index_cast %swap3A_1760 : i32 to index
    %swap3A_1762 = arith.constant 336 : index
    %swap3A_1763 = tpu.vector_load %arg17[%swap3A_1761, %swap3A_1762] {strides = array<i32>} : memref<16x512xf32, #tpu.memory_space<vmem>>, vector<16xf32>,
    tpu.vector_store %arg17[%swap3A_1761, %swap3A_1762], %broadcast_in_dim3A_5 {strides = array<i32>} : memref<16x512xf32, #tpu.memory_space<vmem>>, vector<16xf32>,
    %swap3A_1764 = arith.constant 13 : i32
    %swap3A_1765 = arith.index_cast %swap3A_1764 : i32 to index
    %swap3A_1766 = arith.constant 352 : index
    %swap3A_1767 = tpu.vector_load %arg17[%swap3A_1765, %swap3A_1766] {strides = array<i32>} : memref<16x512xf32, #tpu.memory_space<vmem>>, vector<16xf32>,
    tpu.vector_store %arg17[%swap3A_1765, %swap3A_1766], %broadcast_in_dim3A_5 {strides = array<i32>} : memref<16x512xf32, #tpu.memory_space<vmem>>, vector<16xf32>,
    %swap3A_1768 = arith.constant 13 : i32
    %swap3A_1769 = arith.index_cast %swap3A_1768 : i32 to index
    %swap3A_1770 = arith.constant 368 : index
    %swap3A_1771 = tpu.vector_load %arg17[%swap3A_1769, %swap3A_1770] {strides = array<i32>} : memref<16x512xf32, #tpu.memory_space<vmem>>, vector<16xf32>,
    tpu.vector_store %arg17[%swap3A_1769, %swap3A_1770], %broadcast_in_dim3A_5 {strides = array<i32>} : memref<16x512xf32, #tpu.memory_space<vmem>>, vector<16xf32>,
    %swap3A_1772 = arith.constant 13 : i32
    %swap3A_1773 = arith.index_cast %swap3A_1772 : i32 to index
    %swap3A_1774 = arith.constant 384 : index
    %swap3A_1775 = tpu.vector_load %arg17[%swap3A_1773, %swap3A_1774] {strides = array<i32>} : memref<16x512xf32, #tpu.memory_space<vmem>>, vector<16xf32>,
    tpu.vector_store %arg17[%swap3A_1773, %swap3A_1774], %broadcast_in_dim3A_5 {strides = array<i32>} : memref<16x512xf32, #tpu.memory_space<vmem>>, vector<16xf32>,
    %swap3A_1776 = arith.constant 13 : i32
    %swap3A_1777 = arith.index_cast %swap3A_1776 : i32 to index
    %swap3A_1778 = arith.constant 400 : index
    %swap3A_1779 = tpu.vector_load %arg17[%swap3A_1777, %swap3A_1778] {strides = array<i32>} : memref<16x512xf32, #tpu.memory_space<vmem>>, vector<16xf32>,
    tpu.vector_store %arg17[%swap3A_1777, %swap3A_1778], %broadcast_in_dim3A_5 {strides = array<i32>} : memref<16x512xf32, #tpu.memory_space<vmem>>, vector<16xf32>,
    %swap3A_1780 = arith.constant 13 : i32
    %swap3A_1781 = arith.index_cast %swap3A_1780 : i32 to index
    %swap3A_1782 = arith.constant 416 : index
    %swap3A_1783 = tpu.vector_load %arg17[%swap3A_1781, %swap3A_1782] {strides = array<i32>} : memref<16x512xf32, #tpu.memory_space<vmem>>, vector<16xf32>,
    tpu.vector_store %arg17[%swap3A_1781, %swap3A_1782], %broadcast_in_dim3A_5 {strides = array<i32>} : memref<16x512xf32, #tpu.memory_space<vmem>>, vector<16xf32>,
    %swap3A_1784 = arith.constant 13 : i32
    %swap3A_1785 = arith.index_cast %swap3A_1784 : i32 to index
    %swap3A_1786 = arith.constant 432 : index
    %swap3A_1787 = tpu.vector_load %arg17[%swap3A_1785, %swap3A_1786] {strides = array<i32>} : memref<16x512xf32, #tpu.memory_space<vmem>>, vector<16xf32>,
    tpu.vector_store %arg17[%swap3A_1785, %swap3A_1786], %broadcast_in_dim3A_5 {strides = array<i32>} : memref<16x512xf32, #tpu.memory_space<vmem>>, vector<16xf32>,
    %swap3A_1788 = arith.constant 13 : i32
    %swap3A_1789 = arith.index_cast %swap3A_1788 : i32 to index
    %swap3A_1790 = arith.constant 448 : index
    %swap3A_1791 = tpu.vector_load %arg17[%swap3A_1789, %swap3A_1790] {strides = array<i32>} : memref<16x512xf32, #tpu.memory_space<vmem>>, vector<16xf32>,
    tpu.vector_store %arg17[%swap3A_1789, %swap3A_1790], %broadcast_in_dim3A_5 {strides = array<i32>} : memref<16x512xf32, #tpu.memory_space<vmem>>, vector<16xf32>,
    %swap3A_1792 = arith.constant 13 : i32
    %swap3A_1793 = arith.index_cast %swap3A_1792 : i32 to index
    %swap3A_1794 = arith.constant 464 : index
    %swap3A_1795 = tpu.vector_load %arg17[%swap3A_1793, %swap3A_1794] {strides = array<i32>} : memref<16x512xf32, #tpu.memory_space<vmem>>, vector<16xf32>,
    tpu.vector_store %arg17[%swap3A_1793, %swap3A_1794], %broadcast_in_dim3A_5 {strides = array<i32>} : memref<16x512xf32, #tpu.memory_space<vmem>>, vector<16xf32>,
    %swap3A_1796 = arith.constant 13 : i32
    %swap3A_1797 = arith.index_cast %swap3A_1796 : i32 to index
    %swap3A_1798 = arith.constant 480 : index
    %swap3A_1799 = tpu.vector_load %arg17[%swap3A_1797, %swap3A_1798] {strides = array<i32>} : memref<16x512xf32, #tpu.memory_space<vmem>>, vector<16xf32>,
    tpu.vector_store %arg17[%swap3A_1797, %swap3A_1798], %broadcast_in_dim3A_5 {strides = array<i32>} : memref<16x512xf32, #tpu.memory_space<vmem>>, vector<16xf32>,
    %swap3A_1800 = arith.constant 13 : i32
    %swap3A_1801 = arith.index_cast %swap3A_1800 : i32 to index
    %swap3A_1802 = arith.constant 496 : index
    %swap3A_1803 = tpu.vector_load %arg17[%swap3A_1801, %swap3A_1802] {strides = array<i32>} : memref<16x512xf32, #tpu.memory_space<vmem>>, vector<16xf32>,
    tpu.vector_store %arg17[%swap3A_1801, %swap3A_1802], %broadcast_in_dim3A_5 {strides = array<i32>} : memref<16x512xf32, #tpu.memory_space<vmem>>, vector<16xf32>,
    %swap3A_1804 = arith.constant 14 : i32
    %swap3A_1805 = arith.index_cast %swap3A_1804 : i32 to index
    %swap3A_1806 = arith.constant 0 : index
    %swap3A_1807 = tpu.vector_load %arg17[%swap3A_1805, %swap3A_1806] {strides = array<i32>} : memref<16x512xf32, #tpu.memory_space<vmem>>, vector<16xf32>,
    tpu.vector_store %arg17[%swap3A_1805, %swap3A_1806], %broadcast_in_dim3A_5 {strides = array<i32>} : memref<16x512xf32, #tpu.memory_space<vmem>>, vector<16xf32>,
    %swap3A_1808 = arith.constant 14 : i32
    %swap3A_1809 = arith.index_cast %swap3A_1808 : i32 to index
    %swap3A_1810 = arith.constant 16 : index
    %swap3A_1811 = tpu.vector_load %arg17[%swap3A_1809, %swap3A_1810] {strides = array<i32>} : memref<16x512xf32, #tpu.memory_space<vmem>>, vector<16xf32>,
    tpu.vector_store %arg17[%swap3A_1809, %swap3A_1810], %broadcast_in_dim3A_5 {strides = array<i32>} : memref<16x512xf32, #tpu.memory_space<vmem>>, vector<16xf32>,
    %swap3A_1812 = arith.constant 14 : i32
    %swap3A_1813 = arith.index_cast %swap3A_1812 : i32 to index
    %swap3A_1814 = arith.constant 32 : index
    %swap3A_1815 = tpu.vector_load %arg17[%swap3A_1813, %swap3A_1814] {strides = array<i32>} : memref<16x512xf32, #tpu.memory_space<vmem>>, vector<16xf32>,
    tpu.vector_store %arg17[%swap3A_1813, %swap3A_1814], %broadcast_in_dim3A_5 {strides = array<i32>} : memref<16x512xf32, #tpu.memory_space<vmem>>, vector<16xf32>,
    %swap3A_1816 = arith.constant 14 : i32
    %swap3A_1817 = arith.index_cast %swap3A_1816 : i32 to index
    %swap3A_1818 = arith.constant 48 : index
    %swap3A_1819 = tpu.vector_load %arg17[%swap3A_1817, %swap3A_1818] {strides = array<i32>} : memref<16x512xf32, #tpu.memory_space<vmem>>, vector<16xf32>,
    tpu.vector_store %arg17[%swap3A_1817, %swap3A_1818], %broadcast_in_dim3A_5 {strides = array<i32>} : memref<16x512xf32, #tpu.memory_space<vmem>>, vector<16xf32>,
    %swap3A_1820 = arith.constant 14 : i32
    %swap3A_1821 = arith.index_cast %swap3A_1820 : i32 to index
    %swap3A_1822 = arith.constant 64 : index
    %swap3A_1823 = tpu.vector_load %arg17[%swap3A_1821, %swap3A_1822] {strides = array<i32>} : memref<16x512xf32, #tpu.memory_space<vmem>>, vector<16xf32>,
    tpu.vector_store %arg17[%swap3A_1821, %swap3A_1822], %broadcast_in_dim3A_5 {strides = array<i32>} : memref<16x512xf32, #tpu.memory_space<vmem>>, vector<16xf32>,
    %swap3A_1824 = arith.constant 14 : i32
    %swap3A_1825 = arith.index_cast %swap3A_1824 : i32 to index
    %swap3A_1826 = arith.constant 80 : index
    %swap3A_1827 = tpu.vector_load %arg17[%swap3A_1825, %swap3A_1826] {strides = array<i32>} : memref<16x512xf32, #tpu.memory_space<vmem>>, vector<16xf32>,
    tpu.vector_store %arg17[%swap3A_1825, %swap3A_1826], %broadcast_in_dim3A_5 {strides = array<i32>} : memref<16x512xf32, #tpu.memory_space<vmem>>, vector<16xf32>,
    %swap3A_1828 = arith.constant 14 : i32
    %swap3A_1829 = arith.index_cast %swap3A_1828 : i32 to index
    %swap3A_1830 = arith.constant 96 : index
    %swap3A_1831 = tpu.vector_load %arg17[%swap3A_1829, %swap3A_1830] {strides = array<i32>} : memref<16x512xf32, #tpu.memory_space<vmem>>, vector<16xf32>,
    tpu.vector_store %arg17[%swap3A_1829, %swap3A_1830], %broadcast_in_dim3A_5 {strides = array<i32>} : memref<16x512xf32, #tpu.memory_space<vmem>>, vector<16xf32>,
    %swap3A_1832 = arith.constant 14 : i32
    %swap3A_1833 = arith.index_cast %swap3A_1832 : i32 to index
    %swap3A_1834 = arith.constant 112 : index
    %swap3A_1835 = tpu.vector_load %arg17[%swap3A_1833, %swap3A_1834] {strides = array<i32>} : memref<16x512xf32, #tpu.memory_space<vmem>>, vector<16xf32>,
    tpu.vector_store %arg17[%swap3A_1833, %swap3A_1834], %broadcast_in_dim3A_5 {strides = array<i32>} : memref<16x512xf32, #tpu.memory_space<vmem>>, vector<16xf32>,
    %swap3A_1836 = arith.constant 14 : i32
    %swap3A_1837 = arith.index_cast %swap3A_1836 : i32 to index
    %swap3A_1838 = arith.constant 128 : index
    %swap3A_1839 = tpu.vector_load %arg17[%swap3A_1837, %swap3A_1838] {strides = array<i32>} : memref<16x512xf32, #tpu.memory_space<vmem>>, vector<16xf32>,
    tpu.vector_store %arg17[%swap3A_1837, %swap3A_1838], %broadcast_in_dim3A_5 {strides = array<i32>} : memref<16x512xf32, #tpu.memory_space<vmem>>, vector<16xf32>,
    %swap3A_1840 = arith.constant 14 : i32
    %swap3A_1841 = arith.index_cast %swap3A_1840 : i32 to index
    %swap3A_1842 = arith.constant 144 : index
    %swap3A_1843 = tpu.vector_load %arg17[%swap3A_1841, %swap3A_1842] {strides = array<i32>} : memref<16x512xf32, #tpu.memory_space<vmem>>, vector<16xf32>,
    tpu.vector_store %arg17[%swap3A_1841, %swap3A_1842], %broadcast_in_dim3A_5 {strides = array<i32>} : memref<16x512xf32, #tpu.memory_space<vmem>>, vector<16xf32>,
    %swap3A_1844 = arith.constant 14 : i32
    %swap3A_1845 = arith.index_cast %swap3A_1844 : i32 to index
    %swap3A_1846 = arith.constant 160 : index
    %swap3A_1847 = tpu.vector_load %arg17[%swap3A_1845, %swap3A_1846] {strides = array<i32>} : memref<16x512xf32, #tpu.memory_space<vmem>>, vector<16xf32>,
    tpu.vector_store %arg17[%swap3A_1845, %swap3A_1846], %broadcast_in_dim3A_5 {strides = array<i32>} : memref<16x512xf32, #tpu.memory_space<vmem>>, vector<16xf32>,
    %swap3A_1848 = arith.constant 14 : i32
    %swap3A_1849 = arith.index_cast %swap3A_1848 : i32 to index
    %swap3A_1850 = arith.constant 176 : index
    %swap3A_1851 = tpu.vector_load %arg17[%swap3A_1849, %swap3A_1850] {strides = array<i32>} : memref<16x512xf32, #tpu.memory_space<vmem>>, vector<16xf32>,
    tpu.vector_store %arg17[%swap3A_1849, %swap3A_1850], %broadcast_in_dim3A_5 {strides = array<i32>} : memref<16x512xf32, #tpu.memory_space<vmem>>, vector<16xf32>,
    %swap3A_1852 = arith.constant 14 : i32
    %swap3A_1853 = arith.index_cast %swap3A_1852 : i32 to index
    %swap3A_1854 = arith.constant 192 : index
    %swap3A_1855 = tpu.vector_load %arg17[%swap3A_1853, %swap3A_1854] {strides = array<i32>} : memref<16x512xf32, #tpu.memory_space<vmem>>, vector<16xf32>,
    tpu.vector_store %arg17[%swap3A_1853, %swap3A_1854], %broadcast_in_dim3A_5 {strides = array<i32>} : memref<16x512xf32, #tpu.memory_space<vmem>>, vector<16xf32>,
    %swap3A_1856 = arith.constant 14 : i32
    %swap3A_1857 = arith.index_cast %swap3A_1856 : i32 to index
    %swap3A_1858 = arith.constant 208 : index
    %swap3A_1859 = tpu.vector_load %arg17[%swap3A_1857, %swap3A_1858] {strides = array<i32>} : memref<16x512xf32, #tpu.memory_space<vmem>>, vector<16xf32>,
    tpu.vector_store %arg17[%swap3A_1857, %swap3A_1858], %broadcast_in_dim3A_5 {strides = array<i32>} : memref<16x512xf32, #tpu.memory_space<vmem>>, vector<16xf32>,
    %swap3A_1860 = arith.constant 14 : i32
    %swap3A_1861 = arith.index_cast %swap3A_1860 : i32 to index
    %swap3A_1862 = arith.constant 224 : index
    %swap3A_1863 = tpu.vector_load %arg17[%swap3A_1861, %swap3A_1862] {strides = array<i32>} : memref<16x512xf32, #tpu.memory_space<vmem>>, vector<16xf32>,
    tpu.vector_store %arg17[%swap3A_1861, %swap3A_1862], %broadcast_in_dim3A_5 {strides = array<i32>} : memref<16x512xf32, #tpu.memory_space<vmem>>, vector<16xf32>,
    %swap3A_1864 = arith.constant 14 : i32
    %swap3A_1865 = arith.index_cast %swap3A_1864 : i32 to index
    %swap3A_1866 = arith.constant 240 : index
    %swap3A_1867 = tpu.vector_load %arg17[%swap3A_1865, %swap3A_1866] {strides = array<i32>} : memref<16x512xf32, #tpu.memory_space<vmem>>, vector<16xf32>,
    tpu.vector_store %arg17[%swap3A_1865, %swap3A_1866], %broadcast_in_dim3A_5 {strides = array<i32>} : memref<16x512xf32, #tpu.memory_space<vmem>>, vector<16xf32>,
    %swap3A_1868 = arith.constant 14 : i32
    %swap3A_1869 = arith.index_cast %swap3A_1868 : i32 to index
    %swap3A_1870 = arith.constant 256 : index
    %swap3A_1871 = tpu.vector_load %arg17[%swap3A_1869, %swap3A_1870] {strides = array<i32>} : memref<16x512xf32, #tpu.memory_space<vmem>>, vector<16xf32>,
    tpu.vector_store %arg17[%swap3A_1869, %swap3A_1870], %broadcast_in_dim3A_5 {strides = array<i32>} : memref<16x512xf32, #tpu.memory_space<vmem>>, vector<16xf32>,
    %swap3A_1872 = arith.constant 14 : i32
    %swap3A_1873 = arith.index_cast %swap3A_1872 : i32 to index
    %swap3A_1874 = arith.constant 272 : index
    %swap3A_1875 = tpu.vector_load %arg17[%swap3A_1873, %swap3A_1874] {strides = array<i32>} : memref<16x512xf32, #tpu.memory_space<vmem>>, vector<16xf32>,
    tpu.vector_store %arg17[%swap3A_1873, %swap3A_1874], %broadcast_in_dim3A_5 {strides = array<i32>} : memref<16x512xf32, #tpu.memory_space<vmem>>, vector<16xf32>,
    %swap3A_1876 = arith.constant 14 : i32
    %swap3A_1877 = arith.index_cast %swap3A_1876 : i32 to index
    %swap3A_1878 = arith.constant 288 : index
    %swap3A_1879 = tpu.vector_load %arg17[%swap3A_1877, %swap3A_1878] {strides = array<i32>} : memref<16x512xf32, #tpu.memory_space<vmem>>, vector<16xf32>,
    tpu.vector_store %arg17[%swap3A_1877, %swap3A_1878], %broadcast_in_dim3A_5 {strides = array<i32>} : memref<16x512xf32, #tpu.memory_space<vmem>>, vector<16xf32>,
    %swap3A_1880 = arith.constant 14 : i32
    %swap3A_1881 = arith.index_cast %swap3A_1880 : i32 to index
    %swap3A_1882 = arith.constant 304 : index
    %swap3A_1883 = tpu.vector_load %arg17[%swap3A_1881, %swap3A_1882] {strides = array<i32>} : memref<16x512xf32, #tpu.memory_space<vmem>>, vector<16xf32>,
    tpu.vector_store %arg17[%swap3A_1881, %swap3A_1882], %broadcast_in_dim3A_5 {strides = array<i32>} : memref<16x512xf32, #tpu.memory_space<vmem>>, vector<16xf32>,
    %swap3A_1884 = arith.constant 14 : i32
    %swap3A_1885 = arith.index_cast %swap3A_1884 : i32 to index
    %swap3A_1886 = arith.constant 320 : index
    %swap3A_1887 = tpu.vector_load %arg17[%swap3A_1885, %swap3A_1886] {strides = array<i32>} : memref<16x512xf32, #tpu.memory_space<vmem>>, vector<16xf32>,
    tpu.vector_store %arg17[%swap3A_1885, %swap3A_1886], %broadcast_in_dim3A_5 {strides = array<i32>} : memref<16x512xf32, #tpu.memory_space<vmem>>, vector<16xf32>,
    %swap3A_1888 = arith.constant 14 : i32
    %swap3A_1889 = arith.index_cast %swap3A_1888 : i32 to index
    %swap3A_1890 = arith.constant 336 : index
    %swap3A_1891 = tpu.vector_load %arg17[%swap3A_1889, %swap3A_1890] {strides = array<i32>} : memref<16x512xf32, #tpu.memory_space<vmem>>, vector<16xf32>,
    tpu.vector_store %arg17[%swap3A_1889, %swap3A_1890], %broadcast_in_dim3A_5 {strides = array<i32>} : memref<16x512xf32, #tpu.memory_space<vmem>>, vector<16xf32>,
    %swap3A_1892 = arith.constant 14 : i32
    %swap3A_1893 = arith.index_cast %swap3A_1892 : i32 to index
    %swap3A_1894 = arith.constant 352 : index
    %swap3A_1895 = tpu.vector_load %arg17[%swap3A_1893, %swap3A_1894] {strides = array<i32>} : memref<16x512xf32, #tpu.memory_space<vmem>>, vector<16xf32>,
    tpu.vector_store %arg17[%swap3A_1893, %swap3A_1894], %broadcast_in_dim3A_5 {strides = array<i32>} : memref<16x512xf32, #tpu.memory_space<vmem>>, vector<16xf32>,
    %swap3A_1896 = arith.constant 14 : i32
    %swap3A_1897 = arith.index_cast %swap3A_1896 : i32 to index
    %swap3A_1898 = arith.constant 368 : index
    %swap3A_1899 = tpu.vector_load %arg17[%swap3A_1897, %swap3A_1898] {strides = array<i32>} : memref<16x512xf32, #tpu.memory_space<vmem>>, vector<16xf32>,
    tpu.vector_store %arg17[%swap3A_1897, %swap3A_1898], %broadcast_in_dim3A_5 {strides = array<i32>} : memref<16x512xf32, #tpu.memory_space<vmem>>, vector<16xf32>,
    %swap3A_1900 = arith.constant 14 : i32
    %swap3A_1901 = arith.index_cast %swap3A_1900 : i32 to index
    %swap3A_1902 = arith.constant 384 : index
    %swap3A_1903 = tpu.vector_load %arg17[%swap3A_1901, %swap3A_1902] {strides = array<i32>} : memref<16x512xf32, #tpu.memory_space<vmem>>, vector<16xf32>,
    tpu.vector_store %arg17[%swap3A_1901, %swap3A_1902], %broadcast_in_dim3A_5 {strides = array<i32>} : memref<16x512xf32, #tpu.memory_space<vmem>>, vector<16xf32>,
    %swap3A_1904 = arith.constant 14 : i32
    %swap3A_1905 = arith.index_cast %swap3A_1904 : i32 to index
    %swap3A_1906 = arith.constant 400 : index
    %swap3A_1907 = tpu.vector_load %arg17[%swap3A_1905, %swap3A_1906] {strides = array<i32>} : memref<16x512xf32, #tpu.memory_space<vmem>>, vector<16xf32>,
    tpu.vector_store %arg17[%swap3A_1905, %swap3A_1906], %broadcast_in_dim3A_5 {strides = array<i32>} : memref<16x512xf32, #tpu.memory_space<vmem>>, vector<16xf32>,
    %swap3A_1908 = arith.constant 14 : i32
    %swap3A_1909 = arith.index_cast %swap3A_1908 : i32 to index
    %swap3A_1910 = arith.constant 416 : index
    %swap3A_1911 = tpu.vector_load %arg17[%swap3A_1909, %swap3A_1910] {strides = array<i32>} : memref<16x512xf32, #tpu.memory_space<vmem>>, vector<16xf32>,
    tpu.vector_store %arg17[%swap3A_1909, %swap3A_1910], %broadcast_in_dim3A_5 {strides = array<i32>} : memref<16x512xf32, #tpu.memory_space<vmem>>, vector<16xf32>,
    %swap3A_1912 = arith.constant 14 : i32
    %swap3A_1913 = arith.index_cast %swap3A_1912 : i32 to index
    %swap3A_1914 = arith.constant 432 : index
    %swap3A_1915 = tpu.vector_load %arg17[%swap3A_1913, %swap3A_1914] {strides = array<i32>} : memref<16x512xf32, #tpu.memory_space<vmem>>, vector<16xf32>,
    tpu.vector_store %arg17[%swap3A_1913, %swap3A_1914], %broadcast_in_dim3A_5 {strides = array<i32>} : memref<16x512xf32, #tpu.memory_space<vmem>>, vector<16xf32>,
    %swap3A_1916 = arith.constant 14 : i32
    %swap3A_1917 = arith.index_cast %swap3A_1916 : i32 to index
    %swap3A_1918 = arith.constant 448 : index
    %swap3A_1919 = tpu.vector_load %arg17[%swap3A_1917, %swap3A_1918] {strides = array<i32>} : memref<16x512xf32, #tpu.memory_space<vmem>>, vector<16xf32>,
    tpu.vector_store %arg17[%swap3A_1917, %swap3A_1918], %broadcast_in_dim3A_5 {strides = array<i32>} : memref<16x512xf32, #tpu.memory_space<vmem>>, vector<16xf32>,
    %swap3A_1920 = arith.constant 14 : i32
    %swap3A_1921 = arith.index_cast %swap3A_1920 : i32 to index
    %swap3A_1922 = arith.constant 464 : index
    %swap3A_1923 = tpu.vector_load %arg17[%swap3A_1921, %swap3A_1922] {strides = array<i32>} : memref<16x512xf32, #tpu.memory_space<vmem>>, vector<16xf32>,
    tpu.vector_store %arg17[%swap3A_1921, %swap3A_1922], %broadcast_in_dim3A_5 {strides = array<i32>} : memref<16x512xf32, #tpu.memory_space<vmem>>, vector<16xf32>,
    %swap3A_1924 = arith.constant 14 : i32
    %swap3A_1925 = arith.index_cast %swap3A_1924 : i32 to index
    %swap3A_1926 = arith.constant 480 : index
    %swap3A_1927 = tpu.vector_load %arg17[%swap3A_1925, %swap3A_1926] {strides = array<i32>} : memref<16x512xf32, #tpu.memory_space<vmem>>, vector<16xf32>,
    tpu.vector_store %arg17[%swap3A_1925, %swap3A_1926], %broadcast_in_dim3A_5 {strides = array<i32>} : memref<16x512xf32, #tpu.memory_space<vmem>>, vector<16xf32>,
    %swap3A_1928 = arith.constant 14 : i32
    %swap3A_1929 = arith.index_cast %swap3A_1928 : i32 to index
    %swap3A_1930 = arith.constant 496 : index
    %swap3A_1931 = tpu.vector_load %arg17[%swap3A_1929, %swap3A_1930] {strides = array<i32>} : memref<16x512xf32, #tpu.memory_space<vmem>>, vector<16xf32>,
    tpu.vector_store %arg17[%swap3A_1929, %swap3A_1930], %broadcast_in_dim3A_5 {strides = array<i32>} : memref<16x512xf32, #tpu.memory_space<vmem>>, vector<16xf32>,
    %swap3A_1932 = arith.constant 15 : i32
    %swap3A_1933 = arith.index_cast %swap3A_1932 : i32 to index
    %swap3A_1934 = arith.constant 0 : index
    %swap3A_1935 = tpu.vector_load %arg17[%swap3A_1933, %swap3A_1934] {strides = array<i32>} : memref<16x512xf32, #tpu.memory_space<vmem>>, vector<16xf32>,
    tpu.vector_store %arg17[%swap3A_1933, %swap3A_1934], %broadcast_in_dim3A_5 {strides = array<i32>} : memref<16x512xf32, #tpu.memory_space<vmem>>, vector<16xf32>,
    %swap3A_1936 = arith.constant 15 : i32
    %swap3A_1937 = arith.index_cast %swap3A_1936 : i32 to index
    %swap3A_1938 = arith.constant 16 : index
    %swap3A_1939 = tpu.vector_load %arg17[%swap3A_1937, %swap3A_1938] {strides = array<i32>} : memref<16x512xf32, #tpu.memory_space<vmem>>, vector<16xf32>,
    tpu.vector_store %arg17[%swap3A_1937, %swap3A_1938], %broadcast_in_dim3A_5 {strides = array<i32>} : memref<16x512xf32, #tpu.memory_space<vmem>>, vector<16xf32>,
    %swap3A_1940 = arith.constant 15 : i32
    %swap3A_1941 = arith.index_cast %swap3A_1940 : i32 to index
    %swap3A_1942 = arith.constant 32 : index
    %swap3A_1943 = tpu.vector_load %arg17[%swap3A_1941, %swap3A_1942] {strides = array<i32>} : memref<16x512xf32, #tpu.memory_space<vmem>>, vector<16xf32>,
    tpu.vector_store %arg17[%swap3A_1941, %swap3A_1942], %broadcast_in_dim3A_5 {strides = array<i32>} : memref<16x512xf32, #tpu.memory_space<vmem>>, vector<16xf32>,
    %swap3A_1944 = arith.constant 15 : i32
    %swap3A_1945 = arith.index_cast %swap3A_1944 : i32 to index
    %swap3A_1946 = arith.constant 48 : index
    %swap3A_1947 = tpu.vector_load %arg17[%swap3A_1945, %swap3A_1946] {strides = array<i32>} : memref<16x512xf32, #tpu.memory_space<vmem>>, vector<16xf32>,
    tpu.vector_store %arg17[%swap3A_1945, %swap3A_1946], %broadcast_in_dim3A_5 {strides = array<i32>} : memref<16x512xf32, #tpu.memory_space<vmem>>, vector<16xf32>,
    %swap3A_1948 = arith.constant 15 : i32
    %swap3A_1949 = arith.index_cast %swap3A_1948 : i32 to index
    %swap3A_1950 = arith.constant 64 : index
    %swap3A_1951 = tpu.vector_load %arg17[%swap3A_1949, %swap3A_1950] {strides = array<i32>} : memref<16x512xf32, #tpu.memory_space<vmem>>, vector<16xf32>,
    tpu.vector_store %arg17[%swap3A_1949, %swap3A_1950], %broadcast_in_dim3A_5 {strides = array<i32>} : memref<16x512xf32, #tpu.memory_space<vmem>>, vector<16xf32>,
    %swap3A_1952 = arith.constant 15 : i32
    %swap3A_1953 = arith.index_cast %swap3A_1952 : i32 to index
    %swap3A_1954 = arith.constant 80 : index
    %swap3A_1955 = tpu.vector_load %arg17[%swap3A_1953, %swap3A_1954] {strides = array<i32>} : memref<16x512xf32, #tpu.memory_space<vmem>>, vector<16xf32>,
    tpu.vector_store %arg17[%swap3A_1953, %swap3A_1954], %broadcast_in_dim3A_5 {strides = array<i32>} : memref<16x512xf32, #tpu.memory_space<vmem>>, vector<16xf32>,
    %swap3A_1956 = arith.constant 15 : i32
    %swap3A_1957 = arith.index_cast %swap3A_1956 : i32 to index
    %swap3A_1958 = arith.constant 96 : index
    %swap3A_1959 = tpu.vector_load %arg17[%swap3A_1957, %swap3A_1958] {strides = array<i32>} : memref<16x512xf32, #tpu.memory_space<vmem>>, vector<16xf32>,
    tpu.vector_store %arg17[%swap3A_1957, %swap3A_1958], %broadcast_in_dim3A_5 {strides = array<i32>} : memref<16x512xf32, #tpu.memory_space<vmem>>, vector<16xf32>,
    %swap3A_1960 = arith.constant 15 : i32
    %swap3A_1961 = arith.index_cast %swap3A_1960 : i32 to index
    %swap3A_1962 = arith.constant 112 : index
    %swap3A_1963 = tpu.vector_load %arg17[%swap3A_1961, %swap3A_1962] {strides = array<i32>} : memref<16x512xf32, #tpu.memory_space<vmem>>, vector<16xf32>,
    tpu.vector_store %arg17[%swap3A_1961, %swap3A_1962], %broadcast_in_dim3A_5 {strides = array<i32>} : memref<16x512xf32, #tpu.memory_space<vmem>>, vector<16xf32>,
    %swap3A_1964 = arith.constant 15 : i32
    %swap3A_1965 = arith.index_cast %swap3A_1964 : i32 to index
    %swap3A_1966 = arith.constant 128 : index
    %swap3A_1967 = tpu.vector_load %arg17[%swap3A_1965, %swap3A_1966] {strides = array<i32>} : memref<16x512xf32, #tpu.memory_space<vmem>>, vector<16xf32>,
    tpu.vector_store %arg17[%swap3A_1965, %swap3A_1966], %broadcast_in_dim3A_5 {strides = array<i32>} : memref<16x512xf32, #tpu.memory_space<vmem>>, vector<16xf32>,
    %swap3A_1968 = arith.constant 15 : i32
    %swap3A_1969 = arith.index_cast %swap3A_1968 : i32 to index
    %swap3A_1970 = arith.constant 144 : index
    %swap3A_1971 = tpu.vector_load %arg17[%swap3A_1969, %swap3A_1970] {strides = array<i32>} : memref<16x512xf32, #tpu.memory_space<vmem>>, vector<16xf32>,
    tpu.vector_store %arg17[%swap3A_1969, %swap3A_1970], %broadcast_in_dim3A_5 {strides = array<i32>} : memref<16x512xf32, #tpu.memory_space<vmem>>, vector<16xf32>,
    %swap3A_1972 = arith.constant 15 : i32
    %swap3A_1973 = arith.index_cast %swap3A_1972 : i32 to index
    %swap3A_1974 = arith.constant 160 : index
    %swap3A_1975 = tpu.vector_load %arg17[%swap3A_1973, %swap3A_1974] {strides = array<i32>} : memref<16x512xf32, #tpu.memory_space<vmem>>, vector<16xf32>,
    tpu.vector_store %arg17[%swap3A_1973, %swap3A_1974], %broadcast_in_dim3A_5 {strides = array<i32>} : memref<16x512xf32, #tpu.memory_space<vmem>>, vector<16xf32>,
    %swap3A_1976 = arith.constant 15 : i32
    %swap3A_1977 = arith.index_cast %swap3A_1976 : i32 to index
    %swap3A_1978 = arith.constant 176 : index
    %swap3A_1979 = tpu.vector_load %arg17[%swap3A_1977, %swap3A_1978] {strides = array<i32>} : memref<16x512xf32, #tpu.memory_space<vmem>>, vector<16xf32>,
    tpu.vector_store %arg17[%swap3A_1977, %swap3A_1978], %broadcast_in_dim3A_5 {strides = array<i32>} : memref<16x512xf32, #tpu.memory_space<vmem>>, vector<16xf32>,
    %swap3A_1980 = arith.constant 15 : i32
    %swap3A_1981 = arith.index_cast %swap3A_1980 : i32 to index
    %swap3A_1982 = arith.constant 192 : index
    %swap3A_1983 = tpu.vector_load %arg17[%swap3A_1981, %swap3A_1982] {strides = array<i32>} : memref<16x512xf32, #tpu.memory_space<vmem>>, vector<16xf32>,
    tpu.vector_store %arg17[%swap3A_1981, %swap3A_1982], %broadcast_in_dim3A_5 {strides = array<i32>} : memref<16x512xf32, #tpu.memory_space<vmem>>, vector<16xf32>,
    %swap3A_1984 = arith.constant 15 : i32
    %swap3A_1985 = arith.index_cast %swap3A_1984 : i32 to index
    %swap3A_1986 = arith.constant 208 : index
    %swap3A_1987 = tpu.vector_load %arg17[%swap3A_1985, %swap3A_1986] {strides = array<i32>} : memref<16x512xf32, #tpu.memory_space<vmem>>, vector<16xf32>,
    tpu.vector_store %arg17[%swap3A_1985, %swap3A_1986], %broadcast_in_dim3A_5 {strides = array<i32>} : memref<16x512xf32, #tpu.memory_space<vmem>>, vector<16xf32>,
    %swap3A_1988 = arith.constant 15 : i32
    %swap3A_1989 = arith.index_cast %swap3A_1988 : i32 to index
    %swap3A_1990 = arith.constant 224 : index
    %swap3A_1991 = tpu.vector_load %arg17[%swap3A_1989, %swap3A_1990] {strides = array<i32>} : memref<16x512xf32, #tpu.memory_space<vmem>>, vector<16xf32>,
    tpu.vector_store %arg17[%swap3A_1989, %swap3A_1990], %broadcast_in_dim3A_5 {strides = array<i32>} : memref<16x512xf32, #tpu.memory_space<vmem>>, vector<16xf32>,
    %swap3A_1992 = arith.constant 15 : i32
    %swap3A_1993 = arith.index_cast %swap3A_1992 : i32 to index
    %swap3A_1994 = arith.constant 240 : index
    %swap3A_1995 = tpu.vector_load %arg17[%swap3A_1993, %swap3A_1994] {strides = array<i32>} : memref<16x512xf32, #tpu.memory_space<vmem>>, vector<16xf32>,
    tpu.vector_store %arg17[%swap3A_1993, %swap3A_1994], %broadcast_in_dim3A_5 {strides = array<i32>} : memref<16x512xf32, #tpu.memory_space<vmem>>, vector<16xf32>,
    %swap3A_1996 = arith.constant 15 : i32
    %swap3A_1997 = arith.index_cast %swap3A_1996 : i32 to index
    %swap3A_1998 = arith.constant 256 : index
    %swap3A_1999 = tpu.vector_load %arg17[%swap3A_1997, %swap3A_1998] {strides = array<i32>} : memref<16x512xf32, #tpu.memory_space<vmem>>, vector<16xf32>,
    tpu.vector_store %arg17[%swap3A_1997, %swap3A_1998], %broadcast_in_dim3A_5 {strides = array<i32>} : memref<16x512xf32, #tpu.memory_space<vmem>>, vector<16xf32>,
    %swap3A_2000 = arith.constant 15 : i32
    %swap3A_2001 = arith.index_cast %swap3A_2000 : i32 to index
    %swap3A_2002 = arith.constant 272 : index
    %swap3A_2003 = tpu.vector_load %arg17[%swap3A_2001, %swap3A_2002] {strides = array<i32>} : memref<16x512xf32, #tpu.memory_space<vmem>>, vector<16xf32>,
    tpu.vector_store %arg17[%swap3A_2001, %swap3A_2002], %broadcast_in_dim3A_5 {strides = array<i32>} : memref<16x512xf32, #tpu.memory_space<vmem>>, vector<16xf32>,
    %swap3A_2004 = arith.constant 15 : i32
    %swap3A_2005 = arith.index_cast %swap3A_2004 : i32 to index
    %swap3A_2006 = arith.constant 288 : index
    %swap3A_2007 = tpu.vector_load %arg17[%swap3A_2005, %swap3A_2006] {strides = array<i32>} : memref<16x512xf32, #tpu.memory_space<vmem>>, vector<16xf32>,
    tpu.vector_store %arg17[%swap3A_2005, %swap3A_2006], %broadcast_in_dim3A_5 {strides = array<i32>} : memref<16x512xf32, #tpu.memory_space<vmem>>, vector<16xf32>,
    %swap3A_2008 = arith.constant 15 : i32
    %swap3A_2009 = arith.index_cast %swap3A_2008 : i32 to index
    %swap3A_2010 = arith.constant 304 : index
    %swap3A_2011 = tpu.vector_load %arg17[%swap3A_2009, %swap3A_2010] {strides = array<i32>} : memref<16x512xf32, #tpu.memory_space<vmem>>, vector<16xf32>,
    tpu.vector_store %arg17[%swap3A_2009, %swap3A_2010], %broadcast_in_dim3A_5 {strides = array<i32>} : memref<16x512xf32, #tpu.memory_space<vmem>>, vector<16xf32>,
    %swap3A_2012 = arith.constant 15 : i32
    %swap3A_2013 = arith.index_cast %swap3A_2012 : i32 to index
    %swap3A_2014 = arith.constant 320 : index
    %swap3A_2015 = tpu.vector_load %arg17[%swap3A_2013, %swap3A_2014] {strides = array<i32>} : memref<16x512xf32, #tpu.memory_space<vmem>>, vector<16xf32>,
    tpu.vector_store %arg17[%swap3A_2013, %swap3A_2014], %broadcast_in_dim3A_5 {strides = array<i32>} : memref<16x512xf32, #tpu.memory_space<vmem>>, vector<16xf32>,
    %swap3A_2016 = arith.constant 15 : i32
    %swap3A_2017 = arith.index_cast %swap3A_2016 : i32 to index
    %swap3A_2018 = arith.constant 336 : index
    %swap3A_2019 = tpu.vector_load %arg17[%swap3A_2017, %swap3A_2018] {strides = array<i32>} : memref<16x512xf32, #tpu.memory_space<vmem>>, vector<16xf32>,
    tpu.vector_store %arg17[%swap3A_2017, %swap3A_2018], %broadcast_in_dim3A_5 {strides = array<i32>} : memref<16x512xf32, #tpu.memory_space<vmem>>, vector<16xf32>,
    %swap3A_2020 = arith.constant 15 : i32
    %swap3A_2021 = arith.index_cast %swap3A_2020 : i32 to index
    %swap3A_2022 = arith.constant 352 : index
    %swap3A_2023 = tpu.vector_load %arg17[%swap3A_2021, %swap3A_2022] {strides = array<i32>} : memref<16x512xf32, #tpu.memory_space<vmem>>, vector<16xf32>,
    tpu.vector_store %arg17[%swap3A_2021, %swap3A_2022], %broadcast_in_dim3A_5 {strides = array<i32>} : memref<16x512xf32, #tpu.memory_space<vmem>>, vector<16xf32>,
    %swap3A_2024 = arith.constant 15 : i32
    %swap3A_2025 = arith.index_cast %swap3A_2024 : i32 to index
    %swap3A_2026 = arith.constant 368 : index
    %swap3A_2027 = tpu.vector_load %arg17[%swap3A_2025, %swap3A_2026] {strides = array<i32>} : memref<16x512xf32, #tpu.memory_space<vmem>>, vector<16xf32>,
    tpu.vector_store %arg17[%swap3A_2025, %swap3A_2026], %broadcast_in_dim3A_5 {strides = array<i32>} : memref<16x512xf32, #tpu.memory_space<vmem>>, vector<16xf32>,
    %swap3A_2028 = arith.constant 15 : i32
    %swap3A_2029 = arith.index_cast %swap3A_2028 : i32 to index
    %swap3A_2030 = arith.constant 384 : index
    %swap3A_2031 = tpu.vector_load %arg17[%swap3A_2029, %swap3A_2030] {strides = array<i32>} : memref<16x512xf32, #tpu.memory_space<vmem>>, vector<16xf32>,
    tpu.vector_store %arg17[%swap3A_2029, %swap3A_2030], %broadcast_in_dim3A_5 {strides = array<i32>} : memref<16x512xf32, #tpu.memory_space<vmem>>, vector<16xf32>,
    %swap3A_2032 = arith.constant 15 : i32
    %swap3A_2033 = arith.index_cast %swap3A_2032 : i32 to index
    %swap3A_2034 = arith.constant 400 : index
    %swap3A_2035 = tpu.vector_load %arg17[%swap3A_2033, %swap3A_2034] {strides = array<i32>} : memref<16x512xf32, #tpu.memory_space<vmem>>, vector<16xf32>,
    tpu.vector_store %arg17[%swap3A_2033, %swap3A_2034], %broadcast_in_dim3A_5 {strides = array<i32>} : memref<16x512xf32, #tpu.memory_space<vmem>>, vector<16xf32>,
    %swap3A_2036 = arith.constant 15 : i32
    %swap3A_2037 = arith.index_cast %swap3A_2036 : i32 to index
    %swap3A_2038 = arith.constant 416 : index
    %swap3A_2039 = tpu.vector_load %arg17[%swap3A_2037, %swap3A_2038] {strides = array<i32>} : memref<16x512xf32, #tpu.memory_space<vmem>>, vector<16xf32>,
    tpu.vector_store %arg17[%swap3A_2037, %swap3A_2038], %broadcast_in_dim3A_5 {strides = array<i32>} : memref<16x512xf32, #tpu.memory_space<vmem>>, vector<16xf32>,
    %swap3A_2040 = arith.constant 15 : i32
    %swap3A_2041 = arith.index_cast %swap3A_2040 : i32 to index
    %swap3A_2042 = arith.constant 432 : index
    %swap3A_2043 = tpu.vector_load %arg17[%swap3A_2041, %swap3A_2042] {strides = array<i32>} : memref<16x512xf32, #tpu.memory_space<vmem>>, vector<16xf32>,
    tpu.vector_store %arg17[%swap3A_2041, %swap3A_2042], %broadcast_in_dim3A_5 {strides = array<i32>} : memref<16x512xf32, #tpu.memory_space<vmem>>, vector<16xf32>,
    %swap3A_2044 = arith.constant 15 : i32
    %swap3A_2045 = arith.index_cast %swap3A_2044 : i32 to index
    %swap3A_2046 = arith.constant 448 : index
    %swap3A_2047 = tpu.vector_load %arg17[%swap3A_2045, %swap3A_2046] {strides = array<i32>} : memref<16x512xf32, #tpu.memory_space<vmem>>, vector<16xf32>,
    tpu.vector_store %arg17[%swap3A_2045, %swap3A_2046], %broadcast_in_dim3A_5 {strides = array<i32>} : memref<16x512xf32, #tpu.memory_space<vmem>>, vector<16xf32>,
    %swap3A_2048 = arith.constant 15 : i32
    %swap3A_2049 = arith.index_cast %swap3A_2048 : i32 to index
    %swap3A_2050 = arith.constant 464 : index
    %swap3A_2051 = tpu.vector_load %arg17[%swap3A_2049, %swap3A_2050] {strides = array<i32>} : memref<16x512xf32, #tpu.memory_space<vmem>>, vector<16xf32>,
    tpu.vector_store %arg17[%swap3A_2049, %swap3A_2050], %broadcast_in_dim3A_5 {strides = array<i32>} : memref<16x512xf32, #tpu.memory_space<vmem>>, vector<16xf32>,
    %swap3A_2052 = arith.constant 15 : i32
    %swap3A_2053 = arith.index_cast %swap3A_2052 : i32 to index
    %swap3A_2054 = arith.constant 480 : index
    %swap3A_2055 = tpu.vector_load %arg17[%swap3A_2053, %swap3A_2054] {strides = array<i32>} : memref<16x512xf32, #tpu.memory_space<vmem>>, vector<16xf32>,
    tpu.vector_store %arg17[%swap3A_2053, %swap3A_2054], %broadcast_in_dim3A_5 {strides = array<i32>} : memref<16x512xf32, #tpu.memory_space<vmem>>, vector<16xf32>,
    %swap3A_2056 = arith.constant 15 : i32
    %swap3A_2057 = arith.index_cast %swap3A_2056 : i32 to index
    %swap3A_2058 = arith.constant 496 : index
    %swap3A_2059 = tpu.vector_load %arg17[%swap3A_2057, %swap3A_2058] {strides = array<i32>} : memref<16x512xf32, #tpu.memory_space<vmem>>, vector<16xf32>,
    tpu.vector_store %arg17[%swap3A_2057, %swap3A_2058], %broadcast_in_dim3A_5 {strides = array<i32>} : memref<16x512xf32, #tpu.memory_space<vmem>>, vector<16xf32>,
    %scan3A_2060 = arith.constant 0 : i32
    %scan3A_2061 = arith.constant 0 : i32
    %scan3A_2062 = arith.constant 313 : i32
    %scan3A_2063 = arith.addi %scan3A_2061, %scan3A_2062 : i32
    %scan3A_2064 = arith.constant 1 : i32
    scf.for %scan3A_2072 = %scan3A_2061 to %scan3A_2063 step %scan3A_2064  : i32 {
      %mul3A_2073 = arith.constant 16 : i32
      %mul3A_2074 = arith.muli %scan3A_2072, %mul3A_2073 : i32
      %add3A_2075 = vector.broadcast %mul3A_2074 : i32 to vector<16xi32>
      %add3A_2076 = arith.addi %add3A_2075, %iota3A : vector<16xi32>
      %lt3A = arith.constant 5000 : i32
      %lt3A_2077 = vector.broadcast %lt3A : i32 to vector<16xi32>
      %lt3A_2078 = arith.cmpi slt, %add3A_2076, %lt3A_2077 : vector<16xi32>
      %get3A = arith.index_cast %mul3A_2074 : i32 to index
      %get3A_2079 = tpu.vector_load %arg10[%get3A] {strides = array<i32>} : memref<5008xi32, #tpu.memory_space<vmem>>, vector<16xi32>,
      %jit3A = arith.constant -1 : i32
      %broadcast_in_dim3A_2080 = vector.broadcast %jit3A : i32 to vector<16xi32>
      %select_n3A = arith.select %lt3A_2078, %get3A_2079, %broadcast_in_dim3A_2080 : vector<16xi1>, vector<16xi32>
      %get3A_2081 = arith.index_cast %mul3A_2074 : i32 to index
      %get3A_2082 = tpu.vector_load %arg11[%get3A_2081] {strides = array<i32>} : memref<5008xi32, #tpu.memory_space<vmem>>, vector<16xi32>,
      %get3A_2083 = arith.index_cast %mul3A_2074 : i32 to index
      %get3A_2084 = tpu.vector_load %arg12[%get3A_2083] {strides = array<i32>} : memref<5008xi32, #tpu.memory_space<vmem>>, vector<16xi32>,
      %jit3A_2085 = arith.constant 0 : i32
      %jit3A_2086 = arith.constant 128 : i32
      %max3A = vector.broadcast %jit3A_2085 : i32 to vector<16xi32>
      %max3A_2087 = arith.maxsi %max3A, %get3A_2084 : vector<16xi32>
      %min3A = vector.broadcast %jit3A_2086 : i32 to vector<16xi32>
      %min3A_2088 = arith.minsi %min3A, %max3A_2087 : vector<16xi32>
      %and3A = arith.constant 1 : i32
      %and3A_2089 = vector.broadcast %and3A : i32 to vector<16xi32>
      %and3A_2090 = arith.andi %select_n3A, %and3A_2089 : vector<16xi32>
      %eq3A = arith.constant 1 : i32
      %eq3A_2091 = vector.broadcast %eq3A : i32 to vector<16xi32>
      %eq3A_2092 = arith.cmpi eq, %and3A_2090, %eq3A_2091 : vector<16xi32>
      %not3A = arith.constant dense<true> : vector<16xi1>
      %not3A_2093 = arith.xori %eq3A_2092, %not3A : vector<16xi1>
      %and3A_2094 = arith.andi %lt3A_2078, %not3A_2093 : vector<16xi1>
      %and3A_2095 = arith.andi %lt3A_2078, %eq3A_2092 : vector<16xi1>
      %shift_right_logical3A = arith.constant 1 : i32
      %shift_right_logical3A_2096 = vector.broadcast %shift_right_logical3A : i32 to vector<16xi32>
      %shift_right_logical3A_2097 = arith.shrui %select_n3A, %shift_right_logical3A_2096 : vector<16xi32>
      %mul3A_2098 = arith.constant 0 : i32
      %mul3A_2099 = vector.broadcast %mul3A_2098 : i32 to vector<16xi32>
      %mul3A_2100 = arith.muli %iota3A, %mul3A_2099 : vector<16xi32>
      %add3A_2101 = arith.constant 1 : i32
      %add3A_2102 = vector.broadcast %add3A_2101 : i32 to vector<16xi32>
      %add3A_2103 = arith.addi %mul3A_2100, %add3A_2102 : vector<16xi32>
      %shift_left3A = arith.constant 16 : i32
      %shift_left3A_2104 = vector.broadcast %shift_left3A : i32 to vector<16xi32>
      %shift_left3A_2105 = arith.shli %add3A_2103, %shift_left3A_2104 : vector<16xi32>
      tpu.vector_store_idx %arg15[%shift_right_logical3A_2097, %get3A_2082], %add3A_2103 masked %and3A_2094 {add = true} : memref<256x128xi32, #tpu.memory_space<vmem>>[vector<16xi32>, vector<16xi32>], vector<16xi32>, vector<16xi1>
      tpu.vector_store_idx %arg15[%shift_right_logical3A_2097, %get3A_2082], %shift_left3A_2105 masked %and3A_2095 {add = true} : memref<256x128xi32, #tpu.memory_space<vmem>>[vector<16xi32>, vector<16xi32>], vector<16xi32>, vector<16xi1>
      %lt3A_2106 = arith.constant 128 : i32
      %lt3A_2107 = vector.broadcast %lt3A_2106 : i32 to vector<16xi32>
      %lt3A_2108 = arith.cmpi slt, %min3A_2088, %lt3A_2107 : vector<16xi32>
      %and3A_2109 = arith.andi %and3A_2094, %lt3A_2108 : vector<16xi1>
      tpu.vector_store_idx %arg16[%shift_right_logical3A_2097, %min3A_2088], %add3A_2103 masked %and3A_2109 {add = true} : memref<256x128xi32, #tpu.memory_space<vmem>>[vector<16xi32>, vector<16xi32>], vector<16xi32>, vector<16xi1>
      %and3A_2110 = arith.andi %and3A_2095, %lt3A_2108 : vector<16xi1>
      tpu.vector_store_idx %arg16[%shift_right_logical3A_2097, %min3A_2088], %shift_left3A_2105 masked %and3A_2110 {add = true} : memref<256x128xi32, #tpu.memory_space<vmem>>[vector<16xi32>, vector<16xi32>], vector<16xi32>, vector<16xi1>
    }
    %scan3A_2065 = arith.constant 313 : i32
    "tpu.region"() ({
      %run_scoped3A = tpu.sem_alloc : memref<!tpu.dma_semaphore, #tpu.memory_space<semaphore_mem>>
      %dma_start3A = arith.constant 0 : i32
      %dma_start3A_2072 = arith.constant 0 : i32
      %dma_start3A_2073 = tpu.memref_slice %arg7[%add3A, %dma_start3A, %dma_start3A_2072] : memref<32x256x128xi32, #tpu.memory_space<hbm>> -> memref<1x256x128xi32, #tpu.memory_space<hbm>>
      %dma_start3A_2074 = tpu.memref_squeeze %dma_start3A_2073 : memref<1x256x128xi32, #tpu.memory_space<hbm>> -> memref<256x128xi32, #tpu.memory_space<hbm>>
      %dma_start3A_2075 = arith.constant 0 : i32
      %dma_start3A_2076 = arith.constant 0 : i32
      %dma_start3A_2077 = tpu.memref_slice %arg7[%add3A, %dma_start3A_2075, %dma_start3A_2076] : memref<32x256x128xi32, #tpu.memory_space<hbm>> -> memref<1x256x128xi32, #tpu.memory_space<hbm>>
      %dma_start3A_2078 = tpu.memref_squeeze %dma_start3A_2077 : memref<1x256x128xi32, #tpu.memory_space<hbm>> -> memref<256x128xi32, #tpu.memory_space<hbm>>
      tpu.enqueue_dma source(%arg15 : memref<256x128xi32, #tpu.memory_space<vmem>>) target(%dma_start3A_2078 : memref<256x128xi32, #tpu.memory_space<hbm>>) target_semaphore(%run_scoped3A : memref<!tpu.dma_semaphore, #tpu.memory_space<semaphore_mem>>)
      %dma_wait3A = arith.constant 0 : i32
      %dma_wait3A_2079 = arith.constant 0 : i32
      %dma_wait3A_2080 = tpu.memref_slice %arg7[%add3A, %dma_wait3A, %dma_wait3A_2079] : memref<32x256x128xi32, #tpu.memory_space<hbm>> -> memref<1x256x128xi32, #tpu.memory_space<hbm>>
      %dma_wait3A_2081 = tpu.memref_squeeze %dma_wait3A_2080 : memref<1x256x128xi32, #tpu.memory_space<hbm>> -> memref<256x128xi32, #tpu.memory_space<hbm>>
      %dma_wait3A_2082 = arith.constant 0 : i32
      %dma_wait3A_2083 = arith.constant 0 : i32
      %dma_wait3A_2084 = tpu.memref_slice %arg7[%add3A, %dma_wait3A_2082, %dma_wait3A_2083] : memref<32x256x128xi32, #tpu.memory_space<hbm>> -> memref<1x256x128xi32, #tpu.memory_space<hbm>>
      %dma_wait3A_2085 = tpu.memref_squeeze %dma_wait3A_2084 : memref<1x256x128xi32, #tpu.memory_space<hbm>> -> memref<256x128xi32, #tpu.memory_space<hbm>>
      tpu.wait_dma2 semaphore(%run_scoped3A : memref<!tpu.dma_semaphore, #tpu.memory_space<semaphore_mem>>) src(%arg15 : memref<256x128xi32, #tpu.memory_space<vmem>>) dst(%dma_wait3A_2085 : memref<256x128xi32, #tpu.memory_space<hbm>>)
      tpu.yield
    }) : () -> ()
    "tpu.region"() ({
      %run_scoped3A = tpu.sem_alloc : memref<!tpu.dma_semaphore, #tpu.memory_space<semaphore_mem>>
      %dma_start3A = arith.constant 0 : i32
      %dma_start3A_2072 = arith.constant 0 : i32
      %dma_start3A_2073 = tpu.memref_slice %arg8[%add3A, %dma_start3A, %dma_start3A_2072] : memref<32x256x128xi32, #tpu.memory_space<hbm>> -> memref<1x256x128xi32, #tpu.memory_space<hbm>>
      %dma_start3A_2074 = tpu.memref_squeeze %dma_start3A_2073 : memref<1x256x128xi32, #tpu.memory_space<hbm>> -> memref<256x128xi32, #tpu.memory_space<hbm>>
      %dma_start3A_2075 = arith.constant 0 : i32
      %dma_start3A_2076 = arith.constant 0 : i32
      %dma_start3A_2077 = tpu.memref_slice %arg8[%add3A, %dma_start3A_2075, %dma_start3A_2076] : memref<32x256x128xi32, #tpu.memory_space<hbm>> -> memref<1x256x128xi32, #tpu.memory_space<hbm>>
      %dma_start3A_2078 = tpu.memref_squeeze %dma_start3A_2077 : memref<1x256x128xi32, #tpu.memory_space<hbm>> -> memref<256x128xi32, #tpu.memory_space<hbm>>
      tpu.enqueue_dma source(%arg16 : memref<256x128xi32, #tpu.memory_space<vmem>>) target(%dma_start3A_2078 : memref<256x128xi32, #tpu.memory_space<hbm>>) target_semaphore(%run_scoped3A : memref<!tpu.dma_semaphore, #tpu.memory_space<semaphore_mem>>)
      %dma_wait3A = arith.constant 0 : i32
      %dma_wait3A_2079 = arith.constant 0 : i32
      %dma_wait3A_2080 = tpu.memref_slice %arg8[%add3A, %dma_wait3A, %dma_wait3A_2079] : memref<32x256x128xi32, #tpu.memory_space<hbm>> -> memref<1x256x128xi32, #tpu.memory_space<hbm>>
      %dma_wait3A_2081 = tpu.memref_squeeze %dma_wait3A_2080 : memref<1x256x128xi32, #tpu.memory_space<hbm>> -> memref<256x128xi32, #tpu.memory_space<hbm>>
      %dma_wait3A_2082 = arith.constant 0 : i32
      %dma_wait3A_2083 = arith.constant 0 : i32
      %dma_wait3A_2084 = tpu.memref_slice %arg8[%add3A, %dma_wait3A_2082, %dma_wait3A_2083] : memref<32x256x128xi32, #tpu.memory_space<hbm>> -> memref<1x256x128xi32, #tpu.memory_space<hbm>>
      %dma_wait3A_2085 = tpu.memref_squeeze %dma_wait3A_2084 : memref<1x256x128xi32, #tpu.memory_space<hbm>> -> memref<256x128xi32, #tpu.memory_space<hbm>>
      tpu.wait_dma2 semaphore(%run_scoped3A : memref<!tpu.dma_semaphore, #tpu.memory_space<semaphore_mem>>) src(%arg16 : memref<256x128xi32, #tpu.memory_space<vmem>>) dst(%dma_wait3A_2085 : memref<256x128xi32, #tpu.memory_space<hbm>>)
      tpu.yield
    }) : () -> ()
    %scan3A_2066 = arith.constant 0 : i32
    %scan3A_2067 = arith.constant 0 : i32
    %scan3A_2068 = arith.constant 313 : i32
    %scan3A_2069 = arith.addi %scan3A_2067, %scan3A_2068 : i32
    %scan3A_2070 = arith.constant 1 : i32
    scf.for %scan3A_2072 = %scan3A_2067 to %scan3A_2069 step %scan3A_2070  : i32 {
      %mul3A_2073 = arith.constant 16 : i32
      %mul3A_2074 = arith.muli %scan3A_2072, %mul3A_2073 : i32
      %add3A_2075 = vector.broadcast %mul3A_2074 : i32 to vector<16xi32>
      %add3A_2076 = arith.addi %add3A_2075, %iota3A : vector<16xi32>
      %lt3A = arith.constant 5000 : i32
      %lt3A_2077 = vector.broadcast %lt3A : i32 to vector<16xi32>
      %lt3A_2078 = arith.cmpi slt, %add3A_2076, %lt3A_2077 : vector<16xi32>
      %get3A = arith.index_cast %mul3A_2074 : i32 to index
      %get3A_2079 = tpu.vector_load %arg10[%get3A] {strides = array<i32>} : memref<5008xi32, #tpu.memory_space<vmem>>, vector<16xi32>,
      %jit3A = arith.constant -1 : i32
      %broadcast_in_dim3A_2080 = vector.broadcast %jit3A : i32 to vector<16xi32>
      %select_n3A = arith.select %lt3A_2078, %get3A_2079, %broadcast_in_dim3A_2080 : vector<16xi1>, vector<16xi32>
      %get3A_2081 = arith.index_cast %mul3A_2074 : i32 to index
      %get3A_2082 = tpu.vector_load %arg13[%get3A_2081] {strides = array<i32>} : memref<5008xf32, #tpu.memory_space<vmem>>, vector<16xf32>,
      %jit3A_2083 = arith.constant 0.000000e+00 : f32
      %broadcast_in_dim3A_2084 = vector.broadcast %jit3A_2083 : f32 to vector<16xf32>
      %select_n3A_2085 = arith.select %lt3A_2078, %get3A_2082, %broadcast_in_dim3A_2084 : vector<16xi1>, vector<16xf32>
      %get3A_2086 = arith.index_cast %mul3A_2074 : i32 to index
      %get3A_2087 = tpu.vector_load %arg14[%get3A_2086] {strides = array<i32>} : memref<5008xf32, #tpu.memory_space<vmem>>, vector<16xf32>,
      %jit3A_2088 = arith.constant 0.000000e+00 : f32
      %broadcast_in_dim3A_2089 = vector.broadcast %jit3A_2088 : f32 to vector<16xf32>
      %select_n3A_2090 = arith.select %lt3A_2078, %get3A_2087, %broadcast_in_dim3A_2089 : vector<16xi1>, vector<16xf32>
      %mul3A_2091 = arith.mulf %select_n3A_2085, %select_n3A_2085 : vector<16xf32>
      %mul3A_2092 = arith.mulf %select_n3A_2090, %select_n3A_2090 : vector<16xf32>
      %jit3A_2093 = arith.constant 0xFF800000 : f32
      %broadcast_in_dim3A_2094 = vector.broadcast %jit3A_2093 : f32 to vector<16xf32>
      %select_n3A_2095 = arith.select %lt3A_2078, %select_n3A_2085, %broadcast_in_dim3A_2094 : vector<16xi1>, vector<16xf32>
      %jit3A_2096 = arith.constant 0xFF800000 : f32
      %broadcast_in_dim3A_2097 = vector.broadcast %jit3A_2096 : f32 to vector<16xf32>
      %select_n3A_2098 = arith.select %lt3A_2078, %select_n3A_2090, %broadcast_in_dim3A_2097 : vector<16xi1>, vector<16xf32>
      %sub3A = arith.constant 1 : i32
      %sub3A_2099 = vector.broadcast %sub3A : i32 to vector<16xi32>
      %sub3A_2100 = arith.subi %iota3A, %sub3A_2099 : vector<16xi32>
      %max3A = arith.constant 0 : i32
      %max3A_2101 = vector.broadcast %max3A : i32 to vector<16xi32>
      %max3A_2102 = arith.maxsi %sub3A_2100, %max3A_2101 : vector<16xi32>
      %lt3A_2103 = arith.constant 0 : i32
      %lt3A_2104 = vector.broadcast %lt3A_2103 : i32 to vector<16xi32>
      %lt3A_2105 = arith.cmpi slt, %max3A_2102, %lt3A_2104 : vector<16xi32>
      %add3A_2106 = arith.constant 16 : i32
      %add3A_2107 = vector.broadcast %add3A_2106 : i32 to vector<16xi32>
      %add3A_2108 = arith.addi %max3A_2102, %add3A_2107 : vector<16xi32>
      %select_n3A_2109 = arith.select %lt3A_2105, %add3A_2108, %max3A_2102 : vector<16xi1>, vector<16xi32>
      %broadcast_in_dim3A_2110 = vector.shape_cast %select_n3A_2109 : vector<16xi32> to vector<16x1xi32>
      %gather3A = vector.shape_cast %broadcast_in_dim3A_2110 : vector<16x1xi32> to vector<16xi32>
      %gather3A_2111 = tpu.dynamic_gather %select_n3A[%gather3A] in [0] : vector<16xi32>, vector<16xi32> -> vector<16xi32>
      %eq3A = arith.cmpi eq, %gather3A_2111, %select_n3A : vector<16xi32>
      %ge3A = arith.constant 1 : i32
      %ge3A_2112 = vector.broadcast %ge3A : i32 to vector<16xi32>
      %ge3A_2113 = arith.cmpi sge, %iota3A, %ge3A_2112 : vector<16xi32>
      %and3A = arith.andi %eq3A, %ge3A_2113 : vector<16xi1>
      %lt3A_2114 = arith.constant 0 : i32
      %lt3A_2115 = vector.broadcast %lt3A_2114 : i32 to vector<16xi32>
      %lt3A_2116 = arith.cmpi slt, %max3A_2102, %lt3A_2115 : vector<16xi32>
      %add3A_2117 = arith.constant 16 : i32
      %add3A_2118 = vector.broadcast %add3A_2117 : i32 to vector<16xi32>
      %add3A_2119 = arith.addi %max3A_2102, %add3A_2118 : vector<16xi32>
      %select_n3A_2120 = arith.select %lt3A_2116, %add3A_2119, %max3A_2102 : vector<16xi1>, vector<16xi32>
      %broadcast_in_dim3A_2121 = vector.shape_cast %select_n3A_2120 : vector<16xi32> to vector<16x1xi32>
      %gather3A_2122 = vector.shape_cast %broadcast_in_dim3A_2121 : vector<16x1xi32> to vector<16xi32>
      %gather3A_2123 = tpu.dynamic_gather %select_n3A_2085[%gather3A_2122] in [0] : vector<16xf32>, vector<16xi32> -> vector<16xf32>
      %jit3A_2124 = arith.constant 0.000000e+00 : f32
      %broadcast_in_dim3A_2125 = vector.broadcast %jit3A_2124 : f32 to vector<16xf32>
      %select_n3A_2126 = arith.select %and3A, %gather3A_2123, %broadcast_in_dim3A_2125 : vector<16xi1>, vector<16xf32>
      %add3A_2127 = arith.addf %select_n3A_2085, %select_n3A_2126 : vector<16xf32>
      %lt3A_2128 = arith.constant 0 : i32
      %lt3A_2129 = vector.broadcast %lt3A_2128 : i32 to vector<16xi32>
      %lt3A_2130 = arith.cmpi slt, %max3A_2102, %lt3A_2129 : vector<16xi32>
      %add3A_2131 = arith.constant 16 : i32
      %add3A_2132 = vector.broadcast %add3A_2131 : i32 to vector<16xi32>
      %add3A_2133 = arith.addi %max3A_2102, %add3A_2132 : vector<16xi32>
      %select_n3A_2134 = arith.select %lt3A_2130, %add3A_2133, %max3A_2102 : vector<16xi1>, vector<16xi32>
      %broadcast_in_dim3A_2135 = vector.shape_cast %select_n3A_2134 : vector<16xi32> to vector<16x1xi32>
      %gather3A_2136 = vector.shape_cast %broadcast_in_dim3A_2135 : vector<16x1xi32> to vector<16xi32>
      %gather3A_2137 = tpu.dynamic_gather %select_n3A_2090[%gather3A_2136] in [0] : vector<16xf32>, vector<16xi32> -> vector<16xf32>
      %jit3A_2138 = arith.constant 0.000000e+00 : f32
      %broadcast_in_dim3A_2139 = vector.broadcast %jit3A_2138 : f32 to vector<16xf32>
      %select_n3A_2140 = arith.select %and3A, %gather3A_2137, %broadcast_in_dim3A_2139 : vector<16xi1>, vector<16xf32>
      %add3A_2141 = arith.addf %select_n3A_2090, %select_n3A_2140 : vector<16xf32>
      %lt3A_2142 = arith.constant 0 : i32
      %lt3A_2143 = vector.broadcast %lt3A_2142 : i32 to vector<16xi32>
      %lt3A_2144 = arith.cmpi slt, %max3A_2102, %lt3A_2143 : vector<16xi32>
      %add3A_2145 = arith.constant 16 : i32
      %add3A_2146 = vector.broadcast %add3A_2145 : i32 to vector<16xi32>
      %add3A_2147 = arith.addi %max3A_2102, %add3A_2146 : vector<16xi32>
      %select_n3A_2148 = arith.select %lt3A_2144, %add3A_2147, %max3A_2102 : vector<16xi1>, vector<16xi32>
      %broadcast_in_dim3A_2149 = vector.shape_cast %select_n3A_2148 : vector<16xi32> to vector<16x1xi32>
      %gather3A_2150 = vector.shape_cast %broadcast_in_dim3A_2149 : vector<16x1xi32> to vector<16xi32>
      %gather3A_2151 = tpu.dynamic_gather %mul3A_2091[%gather3A_2150] in [0] : vector<16xf32>, vector<16xi32> -> vector<16xf32>
      %jit3A_2152 = arith.constant 0.000000e+00 : f32
      %broadcast_in_dim3A_2153 = vector.broadcast %jit3A_2152 : f32 to vector<16xf32>
      %select_n3A_2154 = arith.select %and3A, %gather3A_2151, %broadcast_in_dim3A_2153 : vector<16xi1>, vector<16xf32>
      %add3A_2155 = arith.addf %mul3A_2091, %select_n3A_2154 : vector<16xf32>
      %lt3A_2156 = arith.constant 0 : i32
      %lt3A_2157 = vector.broadcast %lt3A_2156 : i32 to vector<16xi32>
      %lt3A_2158 = arith.cmpi slt, %max3A_2102, %lt3A_2157 : vector<16xi32>
      %add3A_2159 = arith.constant 16 : i32
      %add3A_2160 = vector.broadcast %add3A_2159 : i32 to vector<16xi32>
      %add3A_2161 = arith.addi %max3A_2102, %add3A_2160 : vector<16xi32>
      %select_n3A_2162 = arith.select %lt3A_2158, %add3A_2161, %max3A_2102 : vector<16xi1>, vector<16xi32>
      %broadcast_in_dim3A_2163 = vector.shape_cast %select_n3A_2162 : vector<16xi32> to vector<16x1xi32>
      %gather3A_2164 = vector.shape_cast %broadcast_in_dim3A_2163 : vector<16x1xi32> to vector<16xi32>
      %gather3A_2165 = tpu.dynamic_gather %mul3A_2092[%gather3A_2164] in [0] : vector<16xf32>, vector<16xi32> -> vector<16xf32>
      %jit3A_2166 = arith.constant 0.000000e+00 : f32
      %broadcast_in_dim3A_2167 = vector.broadcast %jit3A_2166 : f32 to vector<16xf32>
      %select_n3A_2168 = arith.select %and3A, %gather3A_2165, %broadcast_in_dim3A_2167 : vector<16xi1>, vector<16xf32>
      %add3A_2169 = arith.addf %mul3A_2092, %select_n3A_2168 : vector<16xf32>
      %lt3A_2170 = arith.constant 0 : i32
      %lt3A_2171 = vector.broadcast %lt3A_2170 : i32 to vector<16xi32>
      %lt3A_2172 = arith.cmpi slt, %max3A_2102, %lt3A_2171 : vector<16xi32>
      %add3A_2173 = arith.constant 16 : i32
      %add3A_2174 = vector.broadcast %add3A_2173 : i32 to vector<16xi32>
      %add3A_2175 = arith.addi %max3A_2102, %add3A_2174 : vector<16xi32>
      %select_n3A_2176 = arith.select %lt3A_2172, %add3A_2175, %max3A_2102 : vector<16xi1>, vector<16xi32>
      %broadcast_in_dim3A_2177 = vector.shape_cast %select_n3A_2176 : vector<16xi32> to vector<16x1xi32>
      %gather3A_2178 = vector.shape_cast %broadcast_in_dim3A_2177 : vector<16x1xi32> to vector<16xi32>
      %gather3A_2179 = tpu.dynamic_gather %select_n3A_2095[%gather3A_2178] in [0] : vector<16xf32>, vector<16xi32> -> vector<16xf32>
      %jit3A_2180 = arith.constant 0xFF800000 : f32
      %broadcast_in_dim3A_2181 = vector.broadcast %jit3A_2180 : f32 to vector<16xf32>
      %select_n3A_2182 = arith.select %and3A, %gather3A_2179, %broadcast_in_dim3A_2181 : vector<16xi1>, vector<16xf32>
      %max3A_2183 = arith.maximumf %select_n3A_2095, %select_n3A_2182 : vector<16xf32>
      %lt3A_2184 = arith.constant 0 : i32
      %lt3A_2185 = vector.broadcast %lt3A_2184 : i32 to vector<16xi32>
      %lt3A_2186 = arith.cmpi slt, %max3A_2102, %lt3A_2185 : vector<16xi32>
      %add3A_2187 = arith.constant 16 : i32
      %add3A_2188 = vector.broadcast %add3A_2187 : i32 to vector<16xi32>
      %add3A_2189 = arith.addi %max3A_2102, %add3A_2188 : vector<16xi32>
      %select_n3A_2190 = arith.select %lt3A_2186, %add3A_2189, %max3A_2102 : vector<16xi1>, vector<16xi32>
      %broadcast_in_dim3A_2191 = vector.shape_cast %select_n3A_2190 : vector<16xi32> to vector<16x1xi32>
      %gather3A_2192 = vector.shape_cast %broadcast_in_dim3A_2191 : vector<16x1xi32> to vector<16xi32>
      %gather3A_2193 = tpu.dynamic_gather %select_n3A_2098[%gather3A_2192] in [0] : vector<16xf32>, vector<16xi32> -> vector<16xf32>
      %jit3A_2194 = arith.constant 0xFF800000 : f32
      %broadcast_in_dim3A_2195 = vector.broadcast %jit3A_2194 : f32 to vector<16xf32>
      %select_n3A_2196 = arith.select %and3A, %gather3A_2193, %broadcast_in_dim3A_2195 : vector<16xi1>, vector<16xf32>
      %max3A_2197 = arith.maximumf %select_n3A_2098, %select_n3A_2196 : vector<16xf32>
      %sub3A_2198 = arith.constant 2 : i32
      %sub3A_2199 = vector.broadcast %sub3A_2198 : i32 to vector<16xi32>
      %sub3A_2200 = arith.subi %iota3A, %sub3A_2199 : vector<16xi32>
      %max3A_2201 = arith.constant 0 : i32
      %max3A_2202 = vector.broadcast %max3A_2201 : i32 to vector<16xi32>
      %max3A_2203 = arith.maxsi %sub3A_2200, %max3A_2202 : vector<16xi32>
      %lt3A_2204 = arith.constant 0 : i32
      %lt3A_2205 = vector.broadcast %lt3A_2204 : i32 to vector<16xi32>
      %lt3A_2206 = arith.cmpi slt, %max3A_2203, %lt3A_2205 : vector<16xi32>
      %add3A_2207 = arith.constant 16 : i32
      %add3A_2208 = vector.broadcast %add3A_2207 : i32 to vector<16xi32>
      %add3A_2209 = arith.addi %max3A_2203, %add3A_2208 : vector<16xi32>
      %select_n3A_2210 = arith.select %lt3A_2206, %add3A_2209, %max3A_2203 : vector<16xi1>, vector<16xi32>
      %broadcast_in_dim3A_2211 = vector.shape_cast %select_n3A_2210 : vector<16xi32> to vector<16x1xi32>
      %gather3A_2212 = vector.shape_cast %broadcast_in_dim3A_2211 : vector<16x1xi32> to vector<16xi32>
      %gather3A_2213 = tpu.dynamic_gather %select_n3A[%gather3A_2212] in [0] : vector<16xi32>, vector<16xi32> -> vector<16xi32>
      %eq3A_2214 = arith.cmpi eq, %gather3A_2213, %select_n3A : vector<16xi32>
      %ge3A_2215 = arith.constant 2 : i32
      %ge3A_2216 = vector.broadcast %ge3A_2215 : i32 to vector<16xi32>
      %ge3A_2217 = arith.cmpi sge, %iota3A, %ge3A_2216 : vector<16xi32>
      %and3A_2218 = arith.andi %eq3A_2214, %ge3A_2217 : vector<16xi1>
      %lt3A_2219 = arith.constant 0 : i32
      %lt3A_2220 = vector.broadcast %lt3A_2219 : i32 to vector<16xi32>
      %lt3A_2221 = arith.cmpi slt, %max3A_2203, %lt3A_2220 : vector<16xi32>
      %add3A_2222 = arith.constant 16 : i32
      %add3A_2223 = vector.broadcast %add3A_2222 : i32 to vector<16xi32>
      %add3A_2224 = arith.addi %max3A_2203, %add3A_2223 : vector<16xi32>
      %select_n3A_2225 = arith.select %lt3A_2221, %add3A_2224, %max3A_2203 : vector<16xi1>, vector<16xi32>
      %broadcast_in_dim3A_2226 = vector.shape_cast %select_n3A_2225 : vector<16xi32> to vector<16x1xi32>
      %gather3A_2227 = vector.shape_cast %broadcast_in_dim3A_2226 : vector<16x1xi32> to vector<16xi32>
      %gather3A_2228 = tpu.dynamic_gather %add3A_2127[%gather3A_2227] in [0] : vector<16xf32>, vector<16xi32> -> vector<16xf32>
      %jit3A_2229 = arith.constant 0.000000e+00 : f32
      %broadcast_in_dim3A_2230 = vector.broadcast %jit3A_2229 : f32 to vector<16xf32>
      %select_n3A_2231 = arith.select %and3A_2218, %gather3A_2228, %broadcast_in_dim3A_2230 : vector<16xi1>, vector<16xf32>
      %add3A_2232 = arith.addf %add3A_2127, %select_n3A_2231 : vector<16xf32>
      %lt3A_2233 = arith.constant 0 : i32
      %lt3A_2234 = vector.broadcast %lt3A_2233 : i32 to vector<16xi32>
      %lt3A_2235 = arith.cmpi slt, %max3A_2203, %lt3A_2234 : vector<16xi32>
      %add3A_2236 = arith.constant 16 : i32
      %add3A_2237 = vector.broadcast %add3A_2236 : i32 to vector<16xi32>
      %add3A_2238 = arith.addi %max3A_2203, %add3A_2237 : vector<16xi32>
      %select_n3A_2239 = arith.select %lt3A_2235, %add3A_2238, %max3A_2203 : vector<16xi1>, vector<16xi32>
      %broadcast_in_dim3A_2240 = vector.shape_cast %select_n3A_2239 : vector<16xi32> to vector<16x1xi32>
      %gather3A_2241 = vector.shape_cast %broadcast_in_dim3A_2240 : vector<16x1xi32> to vector<16xi32>
      %gather3A_2242 = tpu.dynamic_gather %add3A_2141[%gather3A_2241] in [0] : vector<16xf32>, vector<16xi32> -> vector<16xf32>
      %jit3A_2243 = arith.constant 0.000000e+00 : f32
      %broadcast_in_dim3A_2244 = vector.broadcast %jit3A_2243 : f32 to vector<16xf32>
      %select_n3A_2245 = arith.select %and3A_2218, %gather3A_2242, %broadcast_in_dim3A_2244 : vector<16xi1>, vector<16xf32>
      %add3A_2246 = arith.addf %add3A_2141, %select_n3A_2245 : vector<16xf32>
      %lt3A_2247 = arith.constant 0 : i32
      %lt3A_2248 = vector.broadcast %lt3A_2247 : i32 to vector<16xi32>
      %lt3A_2249 = arith.cmpi slt, %max3A_2203, %lt3A_2248 : vector<16xi32>
      %add3A_2250 = arith.constant 16 : i32
      %add3A_2251 = vector.broadcast %add3A_2250 : i32 to vector<16xi32>
      %add3A_2252 = arith.addi %max3A_2203, %add3A_2251 : vector<16xi32>
      %select_n3A_2253 = arith.select %lt3A_2249, %add3A_2252, %max3A_2203 : vector<16xi1>, vector<16xi32>
      %broadcast_in_dim3A_2254 = vector.shape_cast %select_n3A_2253 : vector<16xi32> to vector<16x1xi32>
      %gather3A_2255 = vector.shape_cast %broadcast_in_dim3A_2254 : vector<16x1xi32> to vector<16xi32>
      %gather3A_2256 = tpu.dynamic_gather %add3A_2155[%gather3A_2255] in [0] : vector<16xf32>, vector<16xi32> -> vector<16xf32>
      %jit3A_2257 = arith.constant 0.000000e+00 : f32
      %broadcast_in_dim3A_2258 = vector.broadcast %jit3A_2257 : f32 to vector<16xf32>
      %select_n3A_2259 = arith.select %and3A_2218, %gather3A_2256, %broadcast_in_dim3A_2258 : vector<16xi1>, vector<16xf32>
      %add3A_2260 = arith.addf %add3A_2155, %select_n3A_2259 : vector<16xf32>
      %lt3A_2261 = arith.constant 0 : i32
      %lt3A_2262 = vector.broadcast %lt3A_2261 : i32 to vector<16xi32>
      %lt3A_2263 = arith.cmpi slt, %max3A_2203, %lt3A_2262 : vector<16xi32>
      %add3A_2264 = arith.constant 16 : i32
      %add3A_2265 = vector.broadcast %add3A_2264 : i32 to vector<16xi32>
      %add3A_2266 = arith.addi %max3A_2203, %add3A_2265 : vector<16xi32>
      %select_n3A_2267 = arith.select %lt3A_2263, %add3A_2266, %max3A_2203 : vector<16xi1>, vector<16xi32>
      %broadcast_in_dim3A_2268 = vector.shape_cast %select_n3A_2267 : vector<16xi32> to vector<16x1xi32>
      %gather3A_2269 = vector.shape_cast %broadcast_in_dim3A_2268 : vector<16x1xi32> to vector<16xi32>
      %gather3A_2270 = tpu.dynamic_gather %add3A_2169[%gather3A_2269] in [0] : vector<16xf32>, vector<16xi32> -> vector<16xf32>
      %jit3A_2271 = arith.constant 0.000000e+00 : f32
      %broadcast_in_dim3A_2272 = vector.broadcast %jit3A_2271 : f32 to vector<16xf32>
      %select_n3A_2273 = arith.select %and3A_2218, %gather3A_2270, %broadcast_in_dim3A_2272 : vector<16xi1>, vector<16xf32>
      %add3A_2274 = arith.addf %add3A_2169, %select_n3A_2273 : vector<16xf32>
      %lt3A_2275 = arith.constant 0 : i32
      %lt3A_2276 = vector.broadcast %lt3A_2275 : i32 to vector<16xi32>
      %lt3A_2277 = arith.cmpi slt, %max3A_2203, %lt3A_2276 : vector<16xi32>
      %add3A_2278 = arith.constant 16 : i32
      %add3A_2279 = vector.broadcast %add3A_2278 : i32 to vector<16xi32>
      %add3A_2280 = arith.addi %max3A_2203, %add3A_2279 : vector<16xi32>
      %select_n3A_2281 = arith.select %lt3A_2277, %add3A_2280, %max3A_2203 : vector<16xi1>, vector<16xi32>
      %broadcast_in_dim3A_2282 = vector.shape_cast %select_n3A_2281 : vector<16xi32> to vector<16x1xi32>
      %gather3A_2283 = vector.shape_cast %broadcast_in_dim3A_2282 : vector<16x1xi32> to vector<16xi32>
      %gather3A_2284 = tpu.dynamic_gather %max3A_2183[%gather3A_2283] in [0] : vector<16xf32>, vector<16xi32> -> vector<16xf32>
      %jit3A_2285 = arith.constant 0xFF800000 : f32
      %broadcast_in_dim3A_2286 = vector.broadcast %jit3A_2285 : f32 to vector<16xf32>
      %select_n3A_2287 = arith.select %and3A_2218, %gather3A_2284, %broadcast_in_dim3A_2286 : vector<16xi1>, vector<16xf32>
      %max3A_2288 = arith.maximumf %max3A_2183, %select_n3A_2287 : vector<16xf32>
      %lt3A_2289 = arith.constant 0 : i32
      %lt3A_2290 = vector.broadcast %lt3A_2289 : i32 to vector<16xi32>
      %lt3A_2291 = arith.cmpi slt, %max3A_2203, %lt3A_2290 : vector<16xi32>
      %add3A_2292 = arith.constant 16 : i32
      %add3A_2293 = vector.broadcast %add3A_2292 : i32 to vector<16xi32>
      %add3A_2294 = arith.addi %max3A_2203, %add3A_2293 : vector<16xi32>
      %select_n3A_2295 = arith.select %lt3A_2291, %add3A_2294, %max3A_2203 : vector<16xi1>, vector<16xi32>
      %broadcast_in_dim3A_2296 = vector.shape_cast %select_n3A_2295 : vector<16xi32> to vector<16x1xi32>
      %gather3A_2297 = vector.shape_cast %broadcast_in_dim3A_2296 : vector<16x1xi32> to vector<16xi32>
      %gather3A_2298 = tpu.dynamic_gather %max3A_2197[%gather3A_2297] in [0] : vector<16xf32>, vector<16xi32> -> vector<16xf32>
      %jit3A_2299 = arith.constant 0xFF800000 : f32
      %broadcast_in_dim3A_2300 = vector.broadcast %jit3A_2299 : f32 to vector<16xf32>
      %select_n3A_2301 = arith.select %and3A_2218, %gather3A_2298, %broadcast_in_dim3A_2300 : vector<16xi1>, vector<16xf32>
      %max3A_2302 = arith.maximumf %max3A_2197, %select_n3A_2301 : vector<16xf32>
      %sub3A_2303 = arith.constant 4 : i32
      %sub3A_2304 = vector.broadcast %sub3A_2303 : i32 to vector<16xi32>
      %sub3A_2305 = arith.subi %iota3A, %sub3A_2304 : vector<16xi32>
      %max3A_2306 = arith.constant 0 : i32
      %max3A_2307 = vector.broadcast %max3A_2306 : i32 to vector<16xi32>
      %max3A_2308 = arith.maxsi %sub3A_2305, %max3A_2307 : vector<16xi32>
      %lt3A_2309 = arith.constant 0 : i32
      %lt3A_2310 = vector.broadcast %lt3A_2309 : i32 to vector<16xi32>
      %lt3A_2311 = arith.cmpi slt, %max3A_2308, %lt3A_2310 : vector<16xi32>
      %add3A_2312 = arith.constant 16 : i32
      %add3A_2313 = vector.broadcast %add3A_2312 : i32 to vector<16xi32>
      %add3A_2314 = arith.addi %max3A_2308, %add3A_2313 : vector<16xi32>
      %select_n3A_2315 = arith.select %lt3A_2311, %add3A_2314, %max3A_2308 : vector<16xi1>, vector<16xi32>
      %broadcast_in_dim3A_2316 = vector.shape_cast %select_n3A_2315 : vector<16xi32> to vector<16x1xi32>
      %gather3A_2317 = vector.shape_cast %broadcast_in_dim3A_2316 : vector<16x1xi32> to vector<16xi32>
      %gather3A_2318 = tpu.dynamic_gather %select_n3A[%gather3A_2317] in [0] : vector<16xi32>, vector<16xi32> -> vector<16xi32>
      %eq3A_2319 = arith.cmpi eq, %gather3A_2318, %select_n3A : vector<16xi32>
      %ge3A_2320 = arith.constant 4 : i32
      %ge3A_2321 = vector.broadcast %ge3A_2320 : i32 to vector<16xi32>
      %ge3A_2322 = arith.cmpi sge, %iota3A, %ge3A_2321 : vector<16xi32>
      %and3A_2323 = arith.andi %eq3A_2319, %ge3A_2322 : vector<16xi1>
      %lt3A_2324 = arith.constant 0 : i32
      %lt3A_2325 = vector.broadcast %lt3A_2324 : i32 to vector<16xi32>
      %lt3A_2326 = arith.cmpi slt, %max3A_2308, %lt3A_2325 : vector<16xi32>
      %add3A_2327 = arith.constant 16 : i32
      %add3A_2328 = vector.broadcast %add3A_2327 : i32 to vector<16xi32>
      %add3A_2329 = arith.addi %max3A_2308, %add3A_2328 : vector<16xi32>
      %select_n3A_2330 = arith.select %lt3A_2326, %add3A_2329, %max3A_2308 : vector<16xi1>, vector<16xi32>
      %broadcast_in_dim3A_2331 = vector.shape_cast %select_n3A_2330 : vector<16xi32> to vector<16x1xi32>
      %gather3A_2332 = vector.shape_cast %broadcast_in_dim3A_2331 : vector<16x1xi32> to vector<16xi32>
      %gather3A_2333 = tpu.dynamic_gather %add3A_2232[%gather3A_2332] in [0] : vector<16xf32>, vector<16xi32> -> vector<16xf32>
      %jit3A_2334 = arith.constant 0.000000e+00 : f32
      %broadcast_in_dim3A_2335 = vector.broadcast %jit3A_2334 : f32 to vector<16xf32>
      %select_n3A_2336 = arith.select %and3A_2323, %gather3A_2333, %broadcast_in_dim3A_2335 : vector<16xi1>, vector<16xf32>
      %add3A_2337 = arith.addf %add3A_2232, %select_n3A_2336 : vector<16xf32>
      %lt3A_2338 = arith.constant 0 : i32
      %lt3A_2339 = vector.broadcast %lt3A_2338 : i32 to vector<16xi32>
      %lt3A_2340 = arith.cmpi slt, %max3A_2308, %lt3A_2339 : vector<16xi32>
      %add3A_2341 = arith.constant 16 : i32
      %add3A_2342 = vector.broadcast %add3A_2341 : i32 to vector<16xi32>
      %add3A_2343 = arith.addi %max3A_2308, %add3A_2342 : vector<16xi32>
      %select_n3A_2344 = arith.select %lt3A_2340, %add3A_2343, %max3A_2308 : vector<16xi1>, vector<16xi32>
      %broadcast_in_dim3A_2345 = vector.shape_cast %select_n3A_2344 : vector<16xi32> to vector<16x1xi32>
      %gather3A_2346 = vector.shape_cast %broadcast_in_dim3A_2345 : vector<16x1xi32> to vector<16xi32>
      %gather3A_2347 = tpu.dynamic_gather %add3A_2246[%gather3A_2346] in [0] : vector<16xf32>, vector<16xi32> -> vector<16xf32>
      %jit3A_2348 = arith.constant 0.000000e+00 : f32
      %broadcast_in_dim3A_2349 = vector.broadcast %jit3A_2348 : f32 to vector<16xf32>
      %select_n3A_2350 = arith.select %and3A_2323, %gather3A_2347, %broadcast_in_dim3A_2349 : vector<16xi1>, vector<16xf32>
      %add3A_2351 = arith.addf %add3A_2246, %select_n3A_2350 : vector<16xf32>
      %lt3A_2352 = arith.constant 0 : i32
      %lt3A_2353 = vector.broadcast %lt3A_2352 : i32 to vector<16xi32>
      %lt3A_2354 = arith.cmpi slt, %max3A_2308, %lt3A_2353 : vector<16xi32>
      %add3A_2355 = arith.constant 16 : i32
      %add3A_2356 = vector.broadcast %add3A_2355 : i32 to vector<16xi32>
      %add3A_2357 = arith.addi %max3A_2308, %add3A_2356 : vector<16xi32>
      %select_n3A_2358 = arith.select %lt3A_2354, %add3A_2357, %max3A_2308 : vector<16xi1>, vector<16xi32>
      %broadcast_in_dim3A_2359 = vector.shape_cast %select_n3A_2358 : vector<16xi32> to vector<16x1xi32>
      %gather3A_2360 = vector.shape_cast %broadcast_in_dim3A_2359 : vector<16x1xi32> to vector<16xi32>
      %gather3A_2361 = tpu.dynamic_gather %add3A_2260[%gather3A_2360] in [0] : vector<16xf32>, vector<16xi32> -> vector<16xf32>
      %jit3A_2362 = arith.constant 0.000000e+00 : f32
      %broadcast_in_dim3A_2363 = vector.broadcast %jit3A_2362 : f32 to vector<16xf32>
      %select_n3A_2364 = arith.select %and3A_2323, %gather3A_2361, %broadcast_in_dim3A_2363 : vector<16xi1>, vector<16xf32>
      %add3A_2365 = arith.addf %add3A_2260, %select_n3A_2364 : vector<16xf32>
      %lt3A_2366 = arith.constant 0 : i32
      %lt3A_2367 = vector.broadcast %lt3A_2366 : i32 to vector<16xi32>
      %lt3A_2368 = arith.cmpi slt, %max3A_2308, %lt3A_2367 : vector<16xi32>
      %add3A_2369 = arith.constant 16 : i32
      %add3A_2370 = vector.broadcast %add3A_2369 : i32 to vector<16xi32>
      %add3A_2371 = arith.addi %max3A_2308, %add3A_2370 : vector<16xi32>
      %select_n3A_2372 = arith.select %lt3A_2368, %add3A_2371, %max3A_2308 : vector<16xi1>, vector<16xi32>
      %broadcast_in_dim3A_2373 = vector.shape_cast %select_n3A_2372 : vector<16xi32> to vector<16x1xi32>
      %gather3A_2374 = vector.shape_cast %broadcast_in_dim3A_2373 : vector<16x1xi32> to vector<16xi32>
      %gather3A_2375 = tpu.dynamic_gather %add3A_2274[%gather3A_2374] in [0] : vector<16xf32>, vector<16xi32> -> vector<16xf32>
      %jit3A_2376 = arith.constant 0.000000e+00 : f32
      %broadcast_in_dim3A_2377 = vector.broadcast %jit3A_2376 : f32 to vector<16xf32>
      %select_n3A_2378 = arith.select %and3A_2323, %gather3A_2375, %broadcast_in_dim3A_2377 : vector<16xi1>, vector<16xf32>
      %add3A_2379 = arith.addf %add3A_2274, %select_n3A_2378 : vector<16xf32>
      %lt3A_2380 = arith.constant 0 : i32
      %lt3A_2381 = vector.broadcast %lt3A_2380 : i32 to vector<16xi32>
      %lt3A_2382 = arith.cmpi slt, %max3A_2308, %lt3A_2381 : vector<16xi32>
      %add3A_2383 = arith.constant 16 : i32
      %add3A_2384 = vector.broadcast %add3A_2383 : i32 to vector<16xi32>
      %add3A_2385 = arith.addi %max3A_2308, %add3A_2384 : vector<16xi32>
      %select_n3A_2386 = arith.select %lt3A_2382, %add3A_2385, %max3A_2308 : vector<16xi1>, vector<16xi32>
      %broadcast_in_dim3A_2387 = vector.shape_cast %select_n3A_2386 : vector<16xi32> to vector<16x1xi32>
      %gather3A_2388 = vector.shape_cast %broadcast_in_dim3A_2387 : vector<16x1xi32> to vector<16xi32>
      %gather3A_2389 = tpu.dynamic_gather %max3A_2288[%gather3A_2388] in [0] : vector<16xf32>, vector<16xi32> -> vector<16xf32>
      %jit3A_2390 = arith.constant 0xFF800000 : f32
      %broadcast_in_dim3A_2391 = vector.broadcast %jit3A_2390 : f32 to vector<16xf32>
      %select_n3A_2392 = arith.select %and3A_2323, %gather3A_2389, %broadcast_in_dim3A_2391 : vector<16xi1>, vector<16xf32>
      %max3A_2393 = arith.maximumf %max3A_2288, %select_n3A_2392 : vector<16xf32>
      %lt3A_2394 = arith.constant 0 : i32
      %lt3A_2395 = vector.broadcast %lt3A_2394 : i32 to vector<16xi32>
      %lt3A_2396 = arith.cmpi slt, %max3A_2308, %lt3A_2395 : vector<16xi32>
      %add3A_2397 = arith.constant 16 : i32
      %add3A_2398 = vector.broadcast %add3A_2397 : i32 to vector<16xi32>
      %add3A_2399 = arith.addi %max3A_2308, %add3A_2398 : vector<16xi32>
      %select_n3A_2400 = arith.select %lt3A_2396, %add3A_2399, %max3A_2308 : vector<16xi1>, vector<16xi32>
      %broadcast_in_dim3A_2401 = vector.shape_cast %select_n3A_2400 : vector<16xi32> to vector<16x1xi32>
      %gather3A_2402 = vector.shape_cast %broadcast_in_dim3A_2401 : vector<16x1xi32> to vector<16xi32>
      %gather3A_2403 = tpu.dynamic_gather %max3A_2302[%gather3A_2402] in [0] : vector<16xf32>, vector<16xi32> -> vector<16xf32>
      %jit3A_2404 = arith.constant 0xFF800000 : f32
      %broadcast_in_dim3A_2405 = vector.broadcast %jit3A_2404 : f32 to vector<16xf32>
      %select_n3A_2406 = arith.select %and3A_2323, %gather3A_2403, %broadcast_in_dim3A_2405 : vector<16xi1>, vector<16xf32>
      %max3A_2407 = arith.maximumf %max3A_2302, %select_n3A_2406 : vector<16xf32>
      %sub3A_2408 = arith.constant 8 : i32
      %sub3A_2409 = vector.broadcast %sub3A_2408 : i32 to vector<16xi32>
      %sub3A_2410 = arith.subi %iota3A, %sub3A_2409 : vector<16xi32>
      %max3A_2411 = arith.constant 0 : i32
      %max3A_2412 = vector.broadcast %max3A_2411 : i32 to vector<16xi32>
      %max3A_2413 = arith.maxsi %sub3A_2410, %max3A_2412 : vector<16xi32>
      %lt3A_2414 = arith.constant 0 : i32
      %lt3A_2415 = vector.broadcast %lt3A_2414 : i32 to vector<16xi32>
      %lt3A_2416 = arith.cmpi slt, %max3A_2413, %lt3A_2415 : vector<16xi32>
      %add3A_2417 = arith.constant 16 : i32
      %add3A_2418 = vector.broadcast %add3A_2417 : i32 to vector<16xi32>
      %add3A_2419 = arith.addi %max3A_2413, %add3A_2418 : vector<16xi32>
      %select_n3A_2420 = arith.select %lt3A_2416, %add3A_2419, %max3A_2413 : vector<16xi1>, vector<16xi32>
      %broadcast_in_dim3A_2421 = vector.shape_cast %select_n3A_2420 : vector<16xi32> to vector<16x1xi32>
      %gather3A_2422 = vector.shape_cast %broadcast_in_dim3A_2421 : vector<16x1xi32> to vector<16xi32>
      %gather3A_2423 = tpu.dynamic_gather %select_n3A[%gather3A_2422] in [0] : vector<16xi32>, vector<16xi32> -> vector<16xi32>
      %eq3A_2424 = arith.cmpi eq, %gather3A_2423, %select_n3A : vector<16xi32>
      %ge3A_2425 = arith.constant 8 : i32
      %ge3A_2426 = vector.broadcast %ge3A_2425 : i32 to vector<16xi32>
      %ge3A_2427 = arith.cmpi sge, %iota3A, %ge3A_2426 : vector<16xi32>
      %and3A_2428 = arith.andi %eq3A_2424, %ge3A_2427 : vector<16xi1>
      %lt3A_2429 = arith.constant 0 : i32
      %lt3A_2430 = vector.broadcast %lt3A_2429 : i32 to vector<16xi32>
      %lt3A_2431 = arith.cmpi slt, %max3A_2413, %lt3A_2430 : vector<16xi32>
      %add3A_2432 = arith.constant 16 : i32
      %add3A_2433 = vector.broadcast %add3A_2432 : i32 to vector<16xi32>
      %add3A_2434 = arith.addi %max3A_2413, %add3A_2433 : vector<16xi32>
      %select_n3A_2435 = arith.select %lt3A_2431, %add3A_2434, %max3A_2413 : vector<16xi1>, vector<16xi32>
      %broadcast_in_dim3A_2436 = vector.shape_cast %select_n3A_2435 : vector<16xi32> to vector<16x1xi32>
      %gather3A_2437 = vector.shape_cast %broadcast_in_dim3A_2436 : vector<16x1xi32> to vector<16xi32>
      %gather3A_2438 = tpu.dynamic_gather %add3A_2337[%gather3A_2437] in [0] : vector<16xf32>, vector<16xi32> -> vector<16xf32>
      %jit3A_2439 = arith.constant 0.000000e+00 : f32
      %broadcast_in_dim3A_2440 = vector.broadcast %jit3A_2439 : f32 to vector<16xf32>
      %select_n3A_2441 = arith.select %and3A_2428, %gather3A_2438, %broadcast_in_dim3A_2440 : vector<16xi1>, vector<16xf32>
      %add3A_2442 = arith.addf %add3A_2337, %select_n3A_2441 : vector<16xf32>
      %lt3A_2443 = arith.constant 0 : i32
      %lt3A_2444 = vector.broadcast %lt3A_2443 : i32 to vector<16xi32>
      %lt3A_2445 = arith.cmpi slt, %max3A_2413, %lt3A_2444 : vector<16xi32>
      %add3A_2446 = arith.constant 16 : i32
      %add3A_2447 = vector.broadcast %add3A_2446 : i32 to vector<16xi32>
      %add3A_2448 = arith.addi %max3A_2413, %add3A_2447 : vector<16xi32>
      %select_n3A_2449 = arith.select %lt3A_2445, %add3A_2448, %max3A_2413 : vector<16xi1>, vector<16xi32>
      %broadcast_in_dim3A_2450 = vector.shape_cast %select_n3A_2449 : vector<16xi32> to vector<16x1xi32>
      %gather3A_2451 = vector.shape_cast %broadcast_in_dim3A_2450 : vector<16x1xi32> to vector<16xi32>
      %gather3A_2452 = tpu.dynamic_gather %add3A_2351[%gather3A_2451] in [0] : vector<16xf32>, vector<16xi32> -> vector<16xf32>
      %jit3A_2453 = arith.constant 0.000000e+00 : f32
      %broadcast_in_dim3A_2454 = vector.broadcast %jit3A_2453 : f32 to vector<16xf32>
      %select_n3A_2455 = arith.select %and3A_2428, %gather3A_2452, %broadcast_in_dim3A_2454 : vector<16xi1>, vector<16xf32>
      %add3A_2456 = arith.addf %add3A_2351, %select_n3A_2455 : vector<16xf32>
      %lt3A_2457 = arith.constant 0 : i32
      %lt3A_2458 = vector.broadcast %lt3A_2457 : i32 to vector<16xi32>
      %lt3A_2459 = arith.cmpi slt, %max3A_2413, %lt3A_2458 : vector<16xi32>
      %add3A_2460 = arith.constant 16 : i32
      %add3A_2461 = vector.broadcast %add3A_2460 : i32 to vector<16xi32>
      %add3A_2462 = arith.addi %max3A_2413, %add3A_2461 : vector<16xi32>
      %select_n3A_2463 = arith.select %lt3A_2459, %add3A_2462, %max3A_2413 : vector<16xi1>, vector<16xi32>
      %broadcast_in_dim3A_2464 = vector.shape_cast %select_n3A_2463 : vector<16xi32> to vector<16x1xi32>
      %gather3A_2465 = vector.shape_cast %broadcast_in_dim3A_2464 : vector<16x1xi32> to vector<16xi32>
      %gather3A_2466 = tpu.dynamic_gather %add3A_2365[%gather3A_2465] in [0] : vector<16xf32>, vector<16xi32> -> vector<16xf32>
      %jit3A_2467 = arith.constant 0.000000e+00 : f32
      %broadcast_in_dim3A_2468 = vector.broadcast %jit3A_2467 : f32 to vector<16xf32>
      %select_n3A_2469 = arith.select %and3A_2428, %gather3A_2466, %broadcast_in_dim3A_2468 : vector<16xi1>, vector<16xf32>
      %add3A_2470 = arith.addf %add3A_2365, %select_n3A_2469 : vector<16xf32>
      %lt3A_2471 = arith.constant 0 : i32
      %lt3A_2472 = vector.broadcast %lt3A_2471 : i32 to vector<16xi32>
      %lt3A_2473 = arith.cmpi slt, %max3A_2413, %lt3A_2472 : vector<16xi32>
      %add3A_2474 = arith.constant 16 : i32
      %add3A_2475 = vector.broadcast %add3A_2474 : i32 to vector<16xi32>
      %add3A_2476 = arith.addi %max3A_2413, %add3A_2475 : vector<16xi32>
      %select_n3A_2477 = arith.select %lt3A_2473, %add3A_2476, %max3A_2413 : vector<16xi1>, vector<16xi32>
      %broadcast_in_dim3A_2478 = vector.shape_cast %select_n3A_2477 : vector<16xi32> to vector<16x1xi32>
      %gather3A_2479 = vector.shape_cast %broadcast_in_dim3A_2478 : vector<16x1xi32> to vector<16xi32>
      %gather3A_2480 = tpu.dynamic_gather %add3A_2379[%gather3A_2479] in [0] : vector<16xf32>, vector<16xi32> -> vector<16xf32>
      %jit3A_2481 = arith.constant 0.000000e+00 : f32
      %broadcast_in_dim3A_2482 = vector.broadcast %jit3A_2481 : f32 to vector<16xf32>
      %select_n3A_2483 = arith.select %and3A_2428, %gather3A_2480, %broadcast_in_dim3A_2482 : vector<16xi1>, vector<16xf32>
      %add3A_2484 = arith.addf %add3A_2379, %select_n3A_2483 : vector<16xf32>
      %lt3A_2485 = arith.constant 0 : i32
      %lt3A_2486 = vector.broadcast %lt3A_2485 : i32 to vector<16xi32>
      %lt3A_2487 = arith.cmpi slt, %max3A_2413, %lt3A_2486 : vector<16xi32>
      %add3A_2488 = arith.constant 16 : i32
      %add3A_2489 = vector.broadcast %add3A_2488 : i32 to vector<16xi32>
      %add3A_2490 = arith.addi %max3A_2413, %add3A_2489 : vector<16xi32>
      %select_n3A_2491 = arith.select %lt3A_2487, %add3A_2490, %max3A_2413 : vector<16xi1>, vector<16xi32>
      %broadcast_in_dim3A_2492 = vector.shape_cast %select_n3A_2491 : vector<16xi32> to vector<16x1xi32>
      %gather3A_2493 = vector.shape_cast %broadcast_in_dim3A_2492 : vector<16x1xi32> to vector<16xi32>
      %gather3A_2494 = tpu.dynamic_gather %max3A_2393[%gather3A_2493] in [0] : vector<16xf32>, vector<16xi32> -> vector<16xf32>
      %jit3A_2495 = arith.constant 0xFF800000 : f32
      %broadcast_in_dim3A_2496 = vector.broadcast %jit3A_2495 : f32 to vector<16xf32>
      %select_n3A_2497 = arith.select %and3A_2428, %gather3A_2494, %broadcast_in_dim3A_2496 : vector<16xi1>, vector<16xf32>
      %max3A_2498 = arith.maximumf %max3A_2393, %select_n3A_2497 : vector<16xf32>
      %lt3A_2499 = arith.constant 0 : i32
      %lt3A_2500 = vector.broadcast %lt3A_2499 : i32 to vector<16xi32>
      %lt3A_2501 = arith.cmpi slt, %max3A_2413, %lt3A_2500 : vector<16xi32>
      %add3A_2502 = arith.constant 16 : i32
      %add3A_2503 = vector.broadcast %add3A_2502 : i32 to vector<16xi32>
      %add3A_2504 = arith.addi %max3A_2413, %add3A_2503 : vector<16xi32>
      %select_n3A_2505 = arith.select %lt3A_2501, %add3A_2504, %max3A_2413 : vector<16xi1>, vector<16xi32>
      %broadcast_in_dim3A_2506 = vector.shape_cast %select_n3A_2505 : vector<16xi32> to vector<16x1xi32>
      %gather3A_2507 = vector.shape_cast %broadcast_in_dim3A_2506 : vector<16x1xi32> to vector<16xi32>
      %gather3A_2508 = tpu.dynamic_gather %max3A_2407[%gather3A_2507] in [0] : vector<16xf32>, vector<16xi32> -> vector<16xf32>
      %jit3A_2509 = arith.constant 0xFF800000 : f32
      %broadcast_in_dim3A_2510 = vector.broadcast %jit3A_2509 : f32 to vector<16xf32>
      %select_n3A_2511 = arith.select %and3A_2428, %gather3A_2508, %broadcast_in_dim3A_2510 : vector<16xi1>, vector<16xf32>
      %max3A_2512 = arith.maximumf %max3A_2407, %select_n3A_2511 : vector<16xf32>
      %add3A_2513 = arith.constant 1 : i32
      %add3A_2514 = vector.broadcast %add3A_2513 : i32 to vector<16xi32>
      %add3A_2515 = arith.addi %iota3A, %add3A_2514 : vector<16xi32>
      %min3A = arith.constant 15 : i32
      %min3A_2516 = vector.broadcast %min3A : i32 to vector<16xi32>
      %min3A_2517 = arith.minsi %add3A_2515, %min3A_2516 : vector<16xi32>
      %lt3A_2518 = arith.constant 0 : i32
      %lt3A_2519 = vector.broadcast %lt3A_2518 : i32 to vector<16xi32>
      %lt3A_2520 = arith.cmpi slt, %min3A_2517, %lt3A_2519 : vector<16xi32>
      %add3A_2521 = arith.constant 16 : i32
      %add3A_2522 = vector.broadcast %add3A_2521 : i32 to vector<16xi32>
      %add3A_2523 = arith.addi %min3A_2517, %add3A_2522 : vector<16xi32>
      %select_n3A_2524 = arith.select %lt3A_2520, %add3A_2523, %min3A_2517 : vector<16xi1>, vector<16xi32>
      %broadcast_in_dim3A_2525 = vector.shape_cast %select_n3A_2524 : vector<16xi32> to vector<16x1xi32>
      %gather3A_2526 = vector.shape_cast %broadcast_in_dim3A_2525 : vector<16x1xi32> to vector<16xi32>
      %gather3A_2527 = tpu.dynamic_gather %select_n3A[%gather3A_2526] in [0] : vector<16xi32>, vector<16xi32> -> vector<16xi32>
      %ne3A = arith.cmpi ne, %select_n3A, %gather3A_2527 : vector<16xi32>
      %eq3A_2528 = arith.constant 15 : i32
      %eq3A_2529 = vector.broadcast %eq3A_2528 : i32 to vector<16xi32>
      %eq3A_2530 = arith.cmpi eq, %iota3A, %eq3A_2529 : vector<16xi32>
      %or3A = arith.ori %ne3A, %eq3A_2530 : vector<16xi1>
      %and3A_2531 = arith.andi %or3A, %lt3A_2078 : vector<16xi1>
      %mul3A_2532 = arith.constant 0 : i32
      %mul3A_2533 = vector.broadcast %mul3A_2532 : i32 to vector<16xi32>
      %mul3A_2534 = arith.muli %iota3A, %mul3A_2533 : vector<16xi32>
      tpu.vector_store_idx %arg17[%mul3A_2534, %select_n3A], %add3A_2442 masked %and3A_2531 {add = true} : memref<16x512xf32, #tpu.memory_space<vmem>>[vector<16xi32>, vector<16xi32>], vector<16xf32>, vector<16xi1>
      %add3A_2535 = arith.constant 1 : i32
      %add3A_2536 = vector.broadcast %add3A_2535 : i32 to vector<16xi32>
      %add3A_2537 = arith.addi %mul3A_2534, %add3A_2536 : vector<16xi32>
      tpu.vector_store_idx %arg17[%add3A_2537, %select_n3A], %add3A_2456 masked %and3A_2531 {add = true} : memref<16x512xf32, #tpu.memory_space<vmem>>[vector<16xi32>, vector<16xi32>], vector<16xf32>, vector<16xi1>
      %add3A_2538 = arith.constant 2 : i32
      %add3A_2539 = vector.broadcast %add3A_2538 : i32 to vector<16xi32>
      %add3A_2540 = arith.addi %mul3A_2534, %add3A_2539 : vector<16xi32>
      tpu.vector_store_idx %arg17[%add3A_2540, %select_n3A], %add3A_2470 masked %and3A_2531 {add = true} : memref<16x512xf32, #tpu.memory_space<vmem>>[vector<16xi32>, vector<16xi32>], vector<16xf32>, vector<16xi1>
      %add3A_2541 = arith.constant 3 : i32
      %add3A_2542 = vector.broadcast %add3A_2541 : i32 to vector<16xi32>
      %add3A_2543 = arith.addi %mul3A_2534, %add3A_2542 : vector<16xi32>
      tpu.vector_store_idx %arg17[%add3A_2543, %select_n3A], %add3A_2484 masked %and3A_2531 {add = true} : memref<16x512xf32, #tpu.memory_space<vmem>>[vector<16xi32>, vector<16xi32>], vector<16xf32>, vector<16xi1>
      %add3A_2544 = arith.constant 4 : i32
      %add3A_2545 = vector.broadcast %add3A_2544 : i32 to vector<16xi32>
      %add3A_2546 = arith.addi %mul3A_2534, %add3A_2545 : vector<16xi32>
      %gather3A_2547 = tpu.vector_load_idx %arg17[%add3A_2546, %select_n3A] masked %and3A_2531 : memref<16x512xf32, #tpu.memory_space<vmem>>[vector<16xi32>, vector<16xi32>], vector<16xf32>, vector<16xi1>
      %add3A_2548 = arith.constant 4 : i32
      %add3A_2549 = vector.broadcast %add3A_2548 : i32 to vector<16xi32>
      %add3A_2550 = arith.addi %mul3A_2534, %add3A_2549 : vector<16xi32>
      %max3A_2551 = arith.maximumf %gather3A_2547, %max3A_2498 : vector<16xf32>
      tpu.vector_store_idx %arg17[%add3A_2550, %select_n3A], %max3A_2551 masked %and3A_2531 : memref<16x512xf32, #tpu.memory_space<vmem>>[vector<16xi32>, vector<16xi32>], vector<16xf32>, vector<16xi1>
      %add3A_2552 = arith.constant 5 : i32
      %add3A_2553 = vector.broadcast %add3A_2552 : i32 to vector<16xi32>
      %add3A_2554 = arith.addi %mul3A_2534, %add3A_2553 : vector<16xi32>
      %gather3A_2555 = tpu.vector_load_idx %arg17[%add3A_2554, %select_n3A] masked %and3A_2531 : memref<16x512xf32, #tpu.memory_space<vmem>>[vector<16xi32>, vector<16xi32>], vector<16xf32>, vector<16xi1>
      %add3A_2556 = arith.constant 5 : i32
      %add3A_2557 = vector.broadcast %add3A_2556 : i32 to vector<16xi32>
      %add3A_2558 = arith.addi %mul3A_2534, %add3A_2557 : vector<16xi32>
      %max3A_2559 = arith.maximumf %gather3A_2555, %max3A_2512 : vector<16xf32>
      tpu.vector_store_idx %arg17[%add3A_2558, %select_n3A], %max3A_2559 masked %and3A_2531 : memref<16x512xf32, #tpu.memory_space<vmem>>[vector<16xi32>, vector<16xi32>], vector<16xf32>, vector<16xi1>
    }
    %scan3A_2071 = arith.constant 313 : i32
    "tpu.region"() ({
      %run_scoped3A = tpu.sem_alloc : memref<!tpu.dma_semaphore, #tpu.memory_space<semaphore_mem>>
      %dma_start3A = arith.constant 0 : i32
      %dma_start3A_2072 = arith.constant 0 : i32
      %dma_start3A_2073 = tpu.memref_slice %arg9[%add3A, %dma_start3A, %dma_start3A_2072] : memref<32x16x512xf32, #tpu.memory_space<hbm>> -> memref<1x16x512xf32, #tpu.memory_space<hbm>>
      %dma_start3A_2074 = tpu.memref_squeeze %dma_start3A_2073 : memref<1x16x512xf32, #tpu.memory_space<hbm>> -> memref<16x512xf32, #tpu.memory_space<hbm>>
      %dma_start3A_2075 = arith.constant 0 : i32
      %dma_start3A_2076 = arith.constant 0 : i32
      %dma_start3A_2077 = tpu.memref_slice %arg9[%add3A, %dma_start3A_2075, %dma_start3A_2076] : memref<32x16x512xf32, #tpu.memory_space<hbm>> -> memref<1x16x512xf32, #tpu.memory_space<hbm>>
      %dma_start3A_2078 = tpu.memref_squeeze %dma_start3A_2077 : memref<1x16x512xf32, #tpu.memory_space<hbm>> -> memref<16x512xf32, #tpu.memory_space<hbm>>
      tpu.enqueue_dma source(%arg17 : memref<16x512xf32, #tpu.memory_space<vmem>>) target(%dma_start3A_2078 : memref<16x512xf32, #tpu.memory_space<hbm>>) target_semaphore(%run_scoped3A : memref<!tpu.dma_semaphore, #tpu.memory_space<semaphore_mem>>)
      %dma_wait3A = arith.constant 0 : i32
      %dma_wait3A_2079 = arith.constant 0 : i32
      %dma_wait3A_2080 = tpu.memref_slice %arg9[%add3A, %dma_wait3A, %dma_wait3A_2079] : memref<32x16x512xf32, #tpu.memory_space<hbm>> -> memref<1x16x512xf32, #tpu.memory_space<hbm>>
      %dma_wait3A_2081 = tpu.memref_squeeze %dma_wait3A_2080 : memref<1x16x512xf32, #tpu.memory_space<hbm>> -> memref<16x512xf32, #tpu.memory_space<hbm>>
      %dma_wait3A_2082 = arith.constant 0 : i32
      %dma_wait3A_2083 = arith.constant 0 : i32
      %dma_wait3A_2084 = tpu.memref_slice %arg9[%add3A, %dma_wait3A_2082, %dma_wait3A_2083] : memref<32x16x512xf32, #tpu.memory_space<hbm>> -> memref<1x16x512xf32, #tpu.memory_space<hbm>>
      %dma_wait3A_2085 = tpu.memref_squeeze %dma_wait3A_2084 : memref<1x16x512xf32, #tpu.memory_space<hbm>> -> memref<16x512xf32, #tpu.memory_space<hbm>>
      tpu.wait_dma2 semaphore(%run_scoped3A : memref<!tpu.dma_semaphore, #tpu.memory_space<semaphore_mem>>) src(%arg17 : memref<16x512xf32, #tpu.memory_space<vmem>>) dst(%dma_wait3A_2085 : memref<16x512xf32, #tpu.memory_space<hbm>>)
      tpu.yield
    }) : () -> ()
    return
  }
}

module attributes {stable_mosaic.version = 14 : i64} {
  func.func @_tc_mlp_body(%arg0: memref<32x256x128xi32, #tpu.memory_space<vmem>>, %arg1: memref<32x256x128xi32, #tpu.memory_space<vmem>>, %arg2: memref<32x16x512xf32, #tpu.memory_space<vmem>>, %arg3: memref<768x256xf32, #tpu.memory_space<vmem>>, %arg4: memref<3x256xf32, #tpu.memory_space<vmem>>, %arg5: memref<6x256xf32, #tpu.memory_space<vmem>>, %arg6: memref<1x256xf32, #tpu.memory_space<vmem>>, %arg7: memref<256x256xf32, #tpu.memory_space<vmem>>, %arg8: memref<1x256xf32, #tpu.memory_space<vmem>>, %arg9: memref<1x256xf32, #tpu.memory_space<vmem>>, %arg10: memref<1x1xf32, #tpu.memory_space<vmem>>, %arg11: memref<512x1xf32, #tpu.memory_space<vmem>>) attributes {dimension_semantics = [], scalar_prefetch = 0 : i64, scratch_operands = 0 : i64, tpu.core_type = #tpu.core_type<tc>} {
    %get3A = arith.constant 0 : index
    %get3A_0 = arith.constant 0 : index
    %get3A_1 = arith.constant 0 : index
    %get3A_2 = vector.load %arg0[%get3A, %get3A_0, %get3A_1] : memref<32x256x128xi32, #tpu.memory_space<vmem>>, vector<32x256x128xi32>
    %get3A_3 = arith.constant 0 : index
    %get3A_4 = arith.constant 0 : index
    %get3A_5 = arith.constant 0 : index
    %get3A_6 = vector.load %arg1[%get3A_3, %get3A_4, %get3A_5] : memref<32x256x128xi32, #tpu.memory_space<vmem>>, vector<32x256x128xi32>
    %and3A = arith.constant 65535 : i32
    %and3A_7 = vector.broadcast %and3A : i32 to vector<32x256x128xi32>
    %and3A_8 = arith.andi %get3A_2, %and3A_7 : vector<32x256x128xi32>
    %convert_element_type3A = arith.sitofp %and3A_8 : vector<32x256x128xi32> to vector<32x256x128xf32>
    %reduce_sum3A = arith.constant dense<0.000000e+00> : vector<256x128xf32>
    %reduce_sum3A_9 = vector.multi_reduction <add>, %convert_element_type3A, %reduce_sum3A [0] : vector<32x256x128xf32> to vector<256x128xf32>
    %shift_right_logical3A = arith.constant 16 : i32
    %shift_right_logical3A_10 = vector.broadcast %shift_right_logical3A : i32 to vector<32x256x128xi32>
    %shift_right_logical3A_11 = arith.shrui %get3A_2, %shift_right_logical3A_10 : vector<32x256x128xi32>
    %convert_element_type3A_12 = arith.sitofp %shift_right_logical3A_11 : vector<32x256x128xi32> to vector<32x256x128xf32>
    %reduce_sum3A_13 = arith.constant dense<0.000000e+00> : vector<256x128xf32>
    %reduce_sum3A_14 = vector.multi_reduction <add>, %convert_element_type3A_12, %reduce_sum3A_13 [0] : vector<32x256x128xf32> to vector<256x128xf32>
    %and3A_15 = arith.constant 65535 : i32
    %and3A_16 = vector.broadcast %and3A_15 : i32 to vector<32x256x128xi32>
    %and3A_17 = arith.andi %get3A_6, %and3A_16 : vector<32x256x128xi32>
    %convert_element_type3A_18 = arith.sitofp %and3A_17 : vector<32x256x128xi32> to vector<32x256x128xf32>
    %reduce_sum3A_19 = arith.constant dense<0.000000e+00> : vector<256x128xf32>
    %reduce_sum3A_20 = vector.multi_reduction <add>, %convert_element_type3A_18, %reduce_sum3A_19 [0] : vector<32x256x128xf32> to vector<256x128xf32>
    %shift_right_logical3A_21 = arith.constant 16 : i32
    %shift_right_logical3A_22 = vector.broadcast %shift_right_logical3A_21 : i32 to vector<32x256x128xi32>
    %shift_right_logical3A_23 = arith.shrui %get3A_6, %shift_right_logical3A_22 : vector<32x256x128xi32>
    %convert_element_type3A_24 = arith.sitofp %shift_right_logical3A_23 : vector<32x256x128xi32> to vector<32x256x128xf32>
    %reduce_sum3A_25 = arith.constant dense<0.000000e+00> : vector<256x128xf32>
    %reduce_sum3A_26 = vector.multi_reduction <add>, %convert_element_type3A_24, %reduce_sum3A_25 [0] : vector<32x256x128xf32> to vector<256x128xf32>
    %get3A_27 = arith.constant 0 : index
    %get3A_28 = arith.constant 0 : index
    %get3A_29 = arith.constant 0 : index
    %get3A_30 = vector.load %arg2[%get3A_27, %get3A_28, %get3A_29] : memref<32x16x512xf32, #tpu.memory_space<vmem>>, vector<32x16x512xf32>
    %slice3A = vector.extract_strided_slice %get3A_30 {offsets = [0, 0, 0], sizes = [32, 4, 512], strides = [1, 1, 1]} : vector<32x16x512xf32> to vector<32x4x512xf32>
    %reduce_sum3A_31 = arith.constant dense<0.000000e+00> : vector<4x512xf32>
    %reduce_sum3A_32 = vector.multi_reduction <add>, %slice3A, %reduce_sum3A_31 [0] : vector<32x4x512xf32> to vector<4x512xf32>
    %slice3A_33 = vector.extract_strided_slice %get3A_30 {offsets = [0, 4, 0], sizes = [32, 2, 512], strides = [1, 1, 1]} : vector<32x16x512xf32> to vector<32x2x512xf32>
    %reduce_max3A = arith.constant dense<0xFF800000> : vector<2x512xf32>
    %reduce_max3A_34 = vector.multi_reduction <maximumf>, %slice3A_33, %reduce_max3A [0] : vector<32x2x512xf32> to vector<2x512xf32>
    %stack3A = vector.shape_cast %reduce_sum3A_9 : vector<256x128xf32> to vector<256x1x128xf32>
    %stack3A_35 = vector.shape_cast %reduce_sum3A_14 : vector<256x128xf32> to vector<256x1x128xf32>
    %stack3A_36 = tpu.concatenate %stack3A, %stack3A_35 in 1 : vector<256x1x128xf32>, vector<256x1x128xf32> -> vector<256x2x128xf32>
    %reshape3A = vector.shape_cast %stack3A_36 : vector<256x2x128xf32> to vector<512x128xf32>
    %stack3A_37 = vector.shape_cast %reduce_sum3A_20 : vector<256x128xf32> to vector<256x1x128xf32>
    %stack3A_38 = vector.shape_cast %reduce_sum3A_26 : vector<256x128xf32> to vector<256x1x128xf32>
    %stack3A_39 = tpu.concatenate %stack3A_37, %stack3A_38 in 1 : vector<256x1x128xf32>, vector<256x1x128xf32> -> vector<256x2x128xf32>
    %reshape3A_40 = vector.shape_cast %stack3A_39 : vector<256x2x128xf32> to vector<512x128xf32>
    %reduce_sum3A_41 = arith.constant dense<0.000000e+00> : vector<512xf32>
    %reduce_sum3A_42 = vector.multi_reduction <add>, %reshape3A, %reduce_sum3A_41 [1] : vector<512x128xf32> to vector<512xf32>
    %broadcast_in_dim3A = vector.shape_cast %reduce_sum3A_42 : vector<512xf32> to vector<512x1xf32>
    %max3A = arith.constant 1.000000e+00 : f32
    %max3A_43 = vector.broadcast %max3A : f32 to vector<512x1xf32>
    %max3A_44 = arith.maximumf %broadcast_in_dim3A, %max3A_43 : vector<512x1xf32>
    %broadcast_in_dim3A_45 = arith.constant 1.000000e+00 : f32
    %broadcast_in_dim3A_46 = vector.broadcast %broadcast_in_dim3A_45 : f32 to vector<1x128xf32>
    %dot_general3A = arith.constant dense<0.000000e+00> : vector<1x512xf32>
    %dot_general3A_47 = tpu.matmul %broadcast_in_dim3A_46, %reshape3A, %dot_general3A {dimension_numbers = #tpu.dot_dimension_numbers<[1], [1], [0], [0], [0, 0, 1, 0], [], []>, precision = #tpu.contract_precision<fp32>, transpose_lhs_hint = false} : vector<1x128xf32>, vector<512x128xf32>, vector<1x512xf32> -> vector<1x512xf32>
    %max3A_48 = arith.constant 1.000000e+00 : f32
    %max3A_49 = vector.broadcast %max3A_48 : f32 to vector<1x512xf32>
    %max3A_50 = arith.maximumf %dot_general3A_47, %max3A_49 : vector<1x512xf32>
    %le3A = arith.constant 0.000000e+00 : f32
    %le3A_51 = vector.broadcast %le3A : f32 to vector<512x1xf32>
    %le3A_52 = arith.cmpf ole, %broadcast_in_dim3A, %le3A_51 : vector<512x1xf32>
    %div3A = vector.broadcast %max3A_44 : vector<512x1xf32> to vector<512x128xf32>
    %div3A_53 = arith.divf %reshape3A, %div3A : vector<512x128xf32>
    %div3A_54 = vector.broadcast %max3A_44 : vector<512x1xf32> to vector<512x128xf32>
    %div3A_55 = arith.divf %reshape3A_40, %div3A_54 : vector<512x128xf32>
    %gt3A = arith.constant 0.000000e+00 : f32
    %gt3A_56 = vector.broadcast %gt3A : f32 to vector<512x128xf32>
    %gt3A_57 = arith.cmpf ogt, %reshape3A, %gt3A_56 : vector<512x128xf32>
    %convert_element_type3A_58 = arith.extui %gt3A_57 : vector<512x128xi1> to vector<512x128xi32>
    %convert_element_type3A_59 = arith.sitofp %convert_element_type3A_58 : vector<512x128xi32> to vector<512x128xf32>
    %jit3A = arith.constant 0xFF800000 : f32
    %broadcast_in_dim3A_60 = vector.shape_cast %le3A_52 : vector<512x1xi1> to vector<512x1xi1>
    %broadcast_in_dim3A_61 = vector.broadcast %broadcast_in_dim3A_60 : vector<512x1xi1> to vector<512x128xi1>
    %broadcast_in_dim3A_62 = vector.broadcast %jit3A : f32 to vector<512x128xf32>
    %select_n3A = arith.select %broadcast_in_dim3A_61, %broadcast_in_dim3A_62, %convert_element_type3A_59 : vector<512x128xi1>, vector<512x128xf32>
    %gt3A_63 = arith.constant 0.000000e+00 : f32
    %gt3A_64 = vector.broadcast %gt3A_63 : f32 to vector<512x128xf32>
    %gt3A_65 = arith.cmpf ogt, %reshape3A_40, %gt3A_64 : vector<512x128xf32>
    %convert_element_type3A_66 = arith.extui %gt3A_65 : vector<512x128xi1> to vector<512x128xi32>
    %convert_element_type3A_67 = arith.sitofp %convert_element_type3A_66 : vector<512x128xi32> to vector<512x128xf32>
    %jit3A_68 = arith.constant 0xFF800000 : f32
    %broadcast_in_dim3A_69 = vector.shape_cast %le3A_52 : vector<512x1xi1> to vector<512x1xi1>
    %broadcast_in_dim3A_70 = vector.broadcast %broadcast_in_dim3A_69 : vector<512x1xi1> to vector<512x128xi1>
    %broadcast_in_dim3A_71 = vector.broadcast %jit3A_68 : f32 to vector<512x128xf32>
    %select_n3A_72 = arith.select %broadcast_in_dim3A_70, %broadcast_in_dim3A_71, %convert_element_type3A_67 : vector<512x128xi1>, vector<512x128xf32>
    %mul3A = arith.mulf %div3A_53, %div3A_53 : vector<512x128xf32>
    %sub3A = arith.subf %div3A_53, %mul3A : vector<512x128xf32>
    %jit3A_73 = arith.constant 0.000000e+00 : f32
    %max3A_74 = vector.broadcast %jit3A_73 : f32 to vector<512x128xf32>
    %max3A_75 = arith.maximumf %max3A_74, %sub3A : vector<512x128xf32>
    %add3A = arith.constant 9.99999993E-9 : f32
    %add3A_76 = vector.broadcast %add3A : f32 to vector<512x128xf32>
    %add3A_77 = arith.addf %max3A_75, %add3A_76 : vector<512x128xf32>
    %sqrt3A = math.sqrt %add3A_77 : vector<512x128xf32>
    %mul3A_78 = arith.mulf %div3A_55, %div3A_55 : vector<512x128xf32>
    %sub3A_79 = arith.subf %div3A_55, %mul3A_78 : vector<512x128xf32>
    %jit3A_80 = arith.constant 0.000000e+00 : f32
    %max3A_81 = vector.broadcast %jit3A_80 : f32 to vector<512x128xf32>
    %max3A_82 = arith.maximumf %max3A_81, %sub3A_79 : vector<512x128xf32>
    %add3A_83 = arith.constant 9.99999993E-9 : f32
    %add3A_84 = vector.broadcast %add3A_83 : f32 to vector<512x128xf32>
    %add3A_85 = arith.addf %max3A_82, %add3A_84 : vector<512x128xf32>
    %sqrt3A_86 = math.sqrt %add3A_85 : vector<512x128xf32>
    %reduce_sum3A_87 = arith.constant dense<0.000000e+00> : vector<512xf32>
    %reduce_sum3A_88 = vector.multi_reduction <add>, %reshape3A_40, %reduce_sum3A_87 [1] : vector<512x128xf32> to vector<512xf32>
    %broadcast_in_dim3A_89 = vector.shape_cast %reduce_sum3A_88 : vector<512xf32> to vector<512x1xf32>
    %sub3A_90 = arith.subf %broadcast_in_dim3A, %broadcast_in_dim3A_89 : vector<512x1xf32>
    %div3A_91 = arith.divf %sub3A_90, %max3A_44 : vector<512x1xf32>
    %gt3A_92 = arith.constant 0.000000e+00 : f32
    %gt3A_93 = vector.broadcast %gt3A_92 : f32 to vector<512x1xf32>
    %gt3A_94 = arith.cmpf ogt, %sub3A_90, %gt3A_93 : vector<512x1xf32>
    %convert_element_type3A_95 = arith.extui %gt3A_94 : vector<512x1xi1> to vector<512x1xi32>
    %convert_element_type3A_96 = arith.sitofp %convert_element_type3A_95 : vector<512x1xi32> to vector<512x1xf32>
    %jit3A_97 = arith.constant 0xFF800000 : f32
    %broadcast_in_dim3A_98 = vector.broadcast %jit3A_97 : f32 to vector<512x1xf32>
    %select_n3A_99 = arith.select %le3A_52, %broadcast_in_dim3A_98, %convert_element_type3A_96 : vector<512x1xi1>, vector<512x1xf32>
    %mul3A_100 = arith.mulf %div3A_91, %div3A_91 : vector<512x1xf32>
    %sub3A_101 = arith.subf %div3A_91, %mul3A_100 : vector<512x1xf32>
    %jit3A_102 = arith.constant 0.000000e+00 : f32
    %max3A_103 = vector.broadcast %jit3A_102 : f32 to vector<512x1xf32>
    %max3A_104 = arith.maximumf %max3A_103, %sub3A_101 : vector<512x1xf32>
    %add3A_105 = arith.constant 9.99999993E-9 : f32
    %add3A_106 = vector.broadcast %add3A_105 : f32 to vector<512x1xf32>
    %add3A_107 = arith.addf %max3A_104, %add3A_106 : vector<512x1xf32>
    %sqrt3A_108 = math.sqrt %add3A_107 : vector<512x1xf32>
    %slice3A_109 = vector.extract_strided_slice %reduce_sum3A_32 {offsets = [0, 0], sizes = [2, 512], strides = [1, 1]} : vector<4x512xf32> to vector<2x512xf32>
    %div3A_110 = vector.broadcast %max3A_50 : vector<1x512xf32> to vector<2x512xf32>
    %div3A_111 = arith.divf %slice3A_109, %div3A_110 : vector<2x512xf32>
    %slice3A_112 = vector.extract_strided_slice %reduce_sum3A_32 {offsets = [2, 0], sizes = [2, 512], strides = [1, 1]} : vector<4x512xf32> to vector<2x512xf32>
    %div3A_113 = vector.broadcast %max3A_50 : vector<1x512xf32> to vector<2x512xf32>
    %div3A_114 = arith.divf %slice3A_112, %div3A_113 : vector<2x512xf32>
    %mul3A_115 = arith.mulf %div3A_111, %div3A_111 : vector<2x512xf32>
    %sub3A_116 = arith.subf %div3A_114, %mul3A_115 : vector<2x512xf32>
    %jit3A_117 = arith.constant 0.000000e+00 : f32
    %max3A_118 = vector.broadcast %jit3A_117 : f32 to vector<2x512xf32>
    %max3A_119 = arith.maximumf %max3A_118, %sub3A_116 : vector<2x512xf32>
    %add3A_120 = arith.constant 9.99999993E-9 : f32
    %add3A_121 = vector.broadcast %add3A_120 : f32 to vector<2x512xf32>
    %add3A_122 = arith.addf %max3A_119, %add3A_121 : vector<2x512xf32>
    %sqrt3A_123 = math.sqrt %add3A_122 : vector<2x512xf32>
    %concatenate3A = tpu.concatenate %div3A_111, %reduce_max3A_34, %sqrt3A_123 in 0 : vector<2x512xf32>, vector<2x512xf32>, vector<2x512xf32> -> vector<6x512xf32>
    %concatenate3A_124 = tpu.concatenate %div3A_53, %div3A_55, %select_n3A, %select_n3A_72, %sqrt3A, %sqrt3A_86 in 1 : vector<512x128xf32>, vector<512x128xf32>, vector<512x128xf32>, vector<512x128xf32>, vector<512x128xf32>, vector<512x128xf32> -> vector<512x768xf32>
    %concatenate3A_125 = tpu.concatenate %div3A_91, %select_n3A_99, %sqrt3A_108 in 1 : vector<512x1xf32>, vector<512x1xf32>, vector<512x1xf32> -> vector<512x3xf32>
    %get3A_126 = arith.constant 0 : index
    %get3A_127 = arith.constant 0 : index
    %get3A_128 = vector.load %arg3[%get3A_126, %get3A_127] : memref<768x256xf32, #tpu.memory_space<vmem>>, vector<768x256xf32>
    %dot_general3A_129 = arith.constant dense<0.000000e+00> : vector<512x256xf32>
    %dot_general3A_130 = tpu.matmul %concatenate3A_124, %get3A_128, %dot_general3A_129 {dimension_numbers = #tpu.dot_dimension_numbers<[1], [0], [0], [1], [0, 0, 1, 1], [], []>, precision = #tpu.contract_precision<fp32>, transpose_lhs_hint = false} : vector<512x768xf32>, vector<768x256xf32>, vector<512x256xf32> -> vector<512x256xf32>
    %get3A_131 = arith.constant 0 : index
    %get3A_132 = arith.constant 0 : index
    %get3A_133 = vector.load %arg4[%get3A_131, %get3A_132] : memref<3x256xf32, #tpu.memory_space<vmem>>, vector<3x256xf32>
    %dot_general3A_134 = arith.constant dense<0.000000e+00> : vector<512x256xf32>
    %dot_general3A_135 = tpu.matmul %concatenate3A_125, %get3A_133, %dot_general3A_134 {dimension_numbers = #tpu.dot_dimension_numbers<[1], [0], [0], [1], [0, 0, 1, 1], [], []>, precision = #tpu.contract_precision<fp32>, transpose_lhs_hint = false} : vector<512x3xf32>, vector<3x256xf32>, vector<512x256xf32> -> vector<512x256xf32>
    %add3A_136 = arith.addf %dot_general3A_130, %dot_general3A_135 : vector<512x256xf32>
    %get3A_137 = arith.constant 0 : index
    %get3A_138 = arith.constant 0 : index
    %get3A_139 = vector.load %arg5[%get3A_137, %get3A_138] : memref<6x256xf32, #tpu.memory_space<vmem>>, vector<6x256xf32>
    %dot_general3A_140 = arith.constant dense<0.000000e+00> : vector<512x256xf32>
    %dot_general3A_141 = tpu.matmul %concatenate3A, %get3A_139, %dot_general3A_140 {dimension_numbers = #tpu.dot_dimension_numbers<[0], [0], [1], [1], [0, 1, 1, 1], [], []>, precision = #tpu.contract_precision<fp32>, transpose_lhs_hint = false} : vector<6x512xf32>, vector<6x256xf32>, vector<512x256xf32> -> vector<512x256xf32>
    %add3A_142 = arith.addf %add3A_136, %dot_general3A_141 : vector<512x256xf32>
    %get3A_143 = arith.constant 0 : index
    %get3A_144 = arith.constant 0 : index
    %get3A_145 = vector.load %arg6[%get3A_143, %get3A_144] : memref<1x256xf32, #tpu.memory_space<vmem>>, vector<1x256xf32>
    %add3A_146 = vector.broadcast %get3A_145 : vector<1x256xf32> to vector<512x256xf32>
    %add3A_147 = arith.addf %add3A_142, %add3A_146 : vector<512x256xf32>
    %gt3A_148 = arith.constant 0.000000e+00 : f32
    %gt3A_149 = vector.broadcast %gt3A_148 : f32 to vector<512x256xf32>
    %gt3A_150 = arith.cmpf ogt, %add3A_147, %gt3A_149 : vector<512x256xf32>
    %mul3A_151 = arith.constant 0.00999999977 : f32
    %mul3A_152 = vector.broadcast %mul3A_151 : f32 to vector<512x256xf32>
    %mul3A_153 = arith.mulf %mul3A_152, %add3A_147 : vector<512x256xf32>
    %select_n3A_154 = arith.select %gt3A_150, %add3A_147, %mul3A_153 : vector<512x256xi1>, vector<512x256xf32>
    %get3A_155 = arith.constant 0 : index
    %get3A_156 = arith.constant 0 : index
    %get3A_157 = vector.load %arg7[%get3A_155, %get3A_156] : memref<256x256xf32, #tpu.memory_space<vmem>>, vector<256x256xf32>
    %dot_general3A_158 = arith.constant dense<0.000000e+00> : vector<512x256xf32>
    %dot_general3A_159 = tpu.matmul %select_n3A_154, %get3A_157, %dot_general3A_158 {dimension_numbers = #tpu.dot_dimension_numbers<[1], [0], [0], [1], [0, 0, 1, 1], [], []>, precision = #tpu.contract_precision<fp32>, transpose_lhs_hint = false} : vector<512x256xf32>, vector<256x256xf32>, vector<512x256xf32> -> vector<512x256xf32>
    %get3A_160 = arith.constant 0 : index
    %get3A_161 = arith.constant 0 : index
    %get3A_162 = vector.load %arg8[%get3A_160, %get3A_161] : memref<1x256xf32, #tpu.memory_space<vmem>>, vector<1x256xf32>
    %add3A_163 = vector.broadcast %get3A_162 : vector<1x256xf32> to vector<512x256xf32>
    %add3A_164 = arith.addf %dot_general3A_159, %add3A_163 : vector<512x256xf32>
    %gt3A_165 = arith.constant 0.000000e+00 : f32
    %gt3A_166 = vector.broadcast %gt3A_165 : f32 to vector<512x256xf32>
    %gt3A_167 = arith.cmpf ogt, %add3A_164, %gt3A_166 : vector<512x256xf32>
    %mul3A_168 = arith.constant 0.00999999977 : f32
    %mul3A_169 = vector.broadcast %mul3A_168 : f32 to vector<512x256xf32>
    %mul3A_170 = arith.mulf %mul3A_169, %add3A_164 : vector<512x256xf32>
    %select_n3A_171 = arith.select %gt3A_167, %add3A_164, %mul3A_170 : vector<512x256xi1>, vector<512x256xf32>
    %get3A_172 = arith.constant 0 : index
    %get3A_173 = arith.constant 0 : index
    %get3A_174 = vector.load %arg9[%get3A_172, %get3A_173] : memref<1x256xf32, #tpu.memory_space<vmem>>, vector<1x256xf32>
    %mul3A_175 = vector.broadcast %get3A_174 : vector<1x256xf32> to vector<512x256xf32>
    %mul3A_176 = arith.mulf %select_n3A_171, %mul3A_175 : vector<512x256xf32>
    %reduce_sum3A_177 = arith.constant dense<0.000000e+00> : vector<512xf32>
    %reduce_sum3A_178 = vector.multi_reduction <add>, %mul3A_176, %reduce_sum3A_177 [1] : vector<512x256xf32> to vector<512xf32>
    %broadcast_in_dim3A_179 = vector.shape_cast %reduce_sum3A_178 : vector<512xf32> to vector<512x1xf32>
    %get3A_180 = arith.constant 0 : index
    %get3A_181 = arith.constant 0 : index
    %get3A_182 = vector.load %arg10[%get3A_180, %get3A_181] : memref<1x1xf32, #tpu.memory_space<vmem>>, vector<1x1xf32>
    %add3A_183 = vector.broadcast %get3A_182 : vector<1x1xf32> to vector<512x1xf32>
    %add3A_184 = arith.addf %broadcast_in_dim3A_179, %add3A_183 : vector<512x1xf32>
    %swap3A = arith.constant 0 : index
    %swap3A_185 = arith.constant 0 : index
    %swap3A_186 = vector.load %arg11[%swap3A, %swap3A_185] : memref<512x1xf32, #tpu.memory_space<vmem>>, vector<512x1xf32>
    tpu.vector_store %arg11[%swap3A, %swap3A_185], %add3A_184 {strides = array<i32>} : memref<512x1xf32, #tpu.memory_space<vmem>>, vector<512x1xf32>,
    return
  }
}

</mosaic_0001>

<sc_bundles>
// kernel: kernel.4.cloned.1.call-start
scs
__scs_entry_jumppad:
0x0: {  	(pc) =	sbr.rel $0x88, $3  }
0x1: {  	(tag) =	ssettag $0x0;
	lr =	simm.s32 $0x1  }
0x2: {  	[smem:$0x3F97] =	sst lr;
	_ =	strace $0xD0000000  }
0x3: {  	_ = 	snop  }
0x4: {  	_ = 	snop  }
0x5: {  	_ = 	snop  }
0x6: {  	_ = 	snop  }
0x7: {  	_ = 	snop  }
__scs_overlays_trampoline_lowered:
0x8: {  	[smem:$0x3FA6] =	sst s0  }
0x9: {  	[smem:$0x3FA7] =	sst s1  }
0xa: {  	[smem:$0x3FA8] =	sst s2  }
0xb: {  	[smem:$0x3FA9] =	sst s3  }
0xc: {  	[smem:$0x3FAA] =	sst s4  }
0xd: {  	[smem:$0x3FAB] =	sst s5  }
0xe: {  	[smem:$0x3FAC] =	sst s6  }
0xf: {  	[smem:$0x3FAD] =	sst s7  }
0x10: {  	[smem:$0x3FAE] =	sst s8  }
0x11: {  	[smem:$0x3FAF] =	sst s9;
	s0 =	simm.s32 @!p0 $0x0  }
0x12: {  	s1 =	sld [smem:$0x3F95];
	s0 =	simm.s32 @p0 $0x1  }
0x13: {  	[smem:$0x3FB0] =	sst s0;
	s0 =	simm.s32 @!p1 $0x0  }
0x14: {  	s2 =	sld [smem:$0x3F94];
	s0 =	simm.s32 @p1 $0x1  }
0x15: {  	[smem:$0x3FB1] =	sst s0;
	s0 =	simm.s32 @!p2 $0x0  }
0x16: {  	s3 =	sld [smem:$0x3FDB];
	s0 =	simm.s32 @p2 $0x1  }
0x17: {  	s4 =	simm.s32 $0x1BF5;
	[smem:$0x3FB3] =	sst s0  }
0x18: {  	s0 =	sld [smem:$0x3F96];
	_ =	swait.ge [sflag:s4], $0x0  }
0x19: {  	s7 =	sld [smem:$0x3F97]  }
0x1a: {  	s8 =	sadd.s32 $0xFFFFE003, lr  }
0x1b: {  	s9 =	sadd.s32 $0xFFFFFEF7, lr;
	s5 =	simm.s32 $0xFFFFFFFF;
	p2 =	slt.u32 s8, $0xFFFFF086  }
0x1c: {  	p1 =	slt.u32 s9, $0xF7A;
	s5 =	simm.s32 @!p2 $0x0  }
0x1d: {  	s5 =	simm.s32 @p1 $0x1;
	p0 =	seq.s32 s7, s2  }
0x1e: {  	s7 =	smul.u32 @!p0 $0xF7A, s2;
	p2 =	seq.s32 @!p0 s5, $0x0  }
0x1f: {  	s9 =	smul.u32 $0xF7A, s1;
	s8 =	simm.s32 @!p0 $0x1BF5;
	p2 =	por !p2, p0  }
0x20: {  	[sflag:s8] =	ssyncset.s32 @!p0 $0xFFFFF086;
	s6 =	sadd.s32 @!p0 s3, s7;
	s7 =	simm.s32 @!p0 $0x108  }
0x21: {  	s3 =	sadd.s32 s3, s9;
	s6 =	sadd.s32 @!p0 $0x88, s6;
	s7 =	simm.s32 @p2 $0x1082  }
0x22: {  	[simem:s7], [sflag:s8] =	dma.local @!p0 [hbm:s6], $0xF7A  }
0x23: {  	s9 =	sor.u32 $0xD0000000, s2;
	s6 =	simm.s32 $0x108;
	_ =	swait.ge @!p0 [sflag:s8], $0x0  }
0x24: {  	s3 =	sadd.s32 $0x88, s3;
	s6 =	simm.s32 @!p1 $0x1082;
	[sflag:s4] =	ssyncset.s32 $0xFFFFF086  }
0x25: {  	[simem:s6], [sflag:s4] =	dma.local [hbm:s3], $0xF7A  }
0x26: {  	[smem:$0x3F97] =	sst s1;
	(tag) =	ssettag s2;
	_ =	strace s9  }
0x27: {  	s1 =	sld [smem:$0x3FA7]  }
0x28: {  	s2 =	sld [smem:$0x3FA8]  }
0x29: {  	s4 =	sld [smem:$0x3FAA]  }
0x2a: {  	p0 =	seq.s32 s5, $0x0;
	s5 =	sld [smem:$0x3FAB]  }
0x2b: {  	s6 =	sld [smem:$0x3FAC]  }
0x2c: {  	s7 =	sld [smem:$0x3FAD]  }
0x2d: {  	s3 =	simm.s32 $0x108;
	s8 =	sld [smem:$0x3FAE]  }
0x2e: {  	s3 =	simm.s32 @!p0 $0x1082;
	s9 =	sld [smem:$0x3FAF]  }
0x2f: {  	lr =	sadd.s32 s0, s3;
	s0 =	sld [smem:$0x3FA6]  }
0x30: {  	s3 =	sld [smem:$0x3FA9]  }
0x31: {  	[smem:$0x3FB2] =	sst s10  }
0x32: {  	s10 =	sld [smem:$0x3FB0];
	_ =	sdelay $0x3  }
0x33: {  	p0 =	seq.s32 s10, $0x1;
	s10 =	sld [smem:$0x3FB2];
	_ =	sdelay $0x3  }
0x34: {  	[smem:$0x3FB2] =	sst s10  }
0x35: {  	s10 =	sld [smem:$0x3FB1];
	_ =	sdelay $0x3  }
0x36: {  	p1 =	seq.s32 s10, $0x1;
	s10 =	sld [smem:$0x3FB2];
	_ =	sdelay $0x3  }
0x37: {  	[smem:$0x3FB2] =	sst s10  }
0x38: {  	s10 =	sld [smem:$0x3FB3]  }
0x39: {  	_ = 	snop;
	(pc) =	sbr.ind lr, $3  }
0x3a: {  	_ = 	snop  }
0x3b: {  	_ = 	snop  }
0x3c: {  	p2 =	seq.s32 s10, $0x1;
	s10 =	sld [smem:$0x3FB2]  }
0x3d: {  	_ =	shalt  }
0x3e: {  	_ =	shalt  }
0x3f: {  	_ =	shalt  }
0x40: {  	_ =	shalt  }
0x41: {  	_ =	shalt  }
0x42: {  	_ =	shalt  }
0x43: {  	_ =	shalt  }
0x44: {  	_ =	shalt  }
0x45: {  	_ =	shalt  }
0x46: {  	_ =	shalt  }
0x47: {  	_ =	shalt  }
0x48: {  	_ =	shalt  }
0x49: {  	_ =	shalt  }
0x4a: {  	_ =	shalt  }
0x4b: {  	_ =	shalt  }
0x4c: {  	_ =	shalt  }
0x4d: {  	_ =	shalt  }
0x4e: {  	_ =	shalt  }
0x4f: {  	_ =	shalt  }
0x50: {  	_ =	shalt  }
0x51: {  	_ =	shalt  }
0x52: {  	_ =	shalt  }
0x53: {  	_ =	shalt  }
0x54: {  	_ =	shalt  }
0x55: {  	_ =	shalt  }
0x56: {  	_ =	shalt  }
0x57: {  	_ =	shalt  }
0x58: {  	_ =	shalt  }
0x59: {  	_ =	shalt  }
0x5a: {  	_ =	shalt  }
0x5b: {  	_ =	shalt  }
0x5c: {  	_ =	shalt  }
0x5d: {  	_ =	shalt  }
0x5e: {  	_ =	shalt  }
0x5f: {  	_ =	shalt  }
0x60: {  	_ =	shalt  }
0x61: {  	_ =	shalt  }
0x62: {  	_ =	shalt  }
0x63: {  	_ =	shalt  }
0x64: {  	_ =	shalt  }
0x65: {  	_ =	shalt  }
0x66: {  	_ =	shalt  }
0x67: {  	_ =	shalt  }
0x68: {  	_ =	shalt  }
0x69: {  	_ =	shalt  }
0x6a: {  	_ =	shalt  }
0x6b: {  	_ =	shalt  }
0x6c: {  	_ =	shalt  }
0x6d: {  	_ =	shalt  }
0x6e: {  	_ =	shalt  }
0x6f: {  	_ =	shalt  }
0x70: {  	_ =	shalt  }
0x71: {  	_ =	shalt  }
0x72: {  	_ =	shalt  }
0x73: {  	_ =	shalt  }
0x74: {  	_ =	shalt  }
0x75: {  	_ =	shalt  }
0x76: {  	_ =	shalt  }
0x77: {  	_ =	shalt  }
0x78: {  	_ =	shalt  }
0x79: {  	_ =	shalt  }
0x7a: {  	_ =	shalt  }
0x7b: {  	_ =	shalt  }
0x7c: {  	_ =	shalt  }
0x7d: {  	_ =	shalt  }
0x7e: {  	_ =	shalt  }
0x7f: {  	_ =	shalt  }
0x80: {  	_ =	shalt  }
0x81: {  	_ =	shalt  }
0x82: {  	_ =	shalt  }
0x83: {  	_ =	shalt  }
0x84: {  	_ =	shalt  }
0x85: {  	_ =	shalt  }
0x86: {  	_ =	shalt  }
0x87: {  	_ =	shalt  }
.Lfunc_end0:
.L_simem_size_0:
called_computation_lowered:
.L_overlay_start_0:
0x88: {  	s2 =	sld [smem:$0x3FD9]  }
0x89: {  	s3 =	sld [smem:$0x3FFE];
	_ =	sdelay $0x1  }
0x8a: {  	s1 =	srdreg.scid  }
0x8b: {  	s0 =	sand.u32 $0x1, s1  }
0x8c: {  	s17 =	sshll.u32 s0, $0xA;
	s2 =	sadd.s32 s3, s2  }
0x8d: {  	s2 =	sadd.s32 s2, s17  }
0x8e: {  	[smem:$0x3FBE] =	sst s2  }
0x8f: {  	_ = 	snop  }
0x90: {  	s2 =	sld [smem:$0x3FC9]  }
0x91: {  	s18 =	sld [smem:$0x3FC8]  }
0x92: {  	s4 =	sld [smem:$0x3FC6];
	(tm) =	ssettm $0x1  }
0x93: {  	s5 =	sld [smem:$0x3FFB];
	_ =	sdelay $0x3  }
0x94: {  	_ =	strace s5  }
0x95: {  	s5 =	sld [smem:$0x3FFC];
	_ =	sdelay $0x3  }
0x96: {  	_ =	strace s5  }
0x97: {  	s5 =	sld [smem:$0x3FFD];
	_ =	sdelay $0x3  }
0x98: {  	_ =	strace s5  }
0x99: {  	_ =	strace $0x8FFFFFFF  }
0x9a: {  	s19 =	sld [smem:$0x3FDB];
	_ =	sdelay $0x1  }
0x9b: {  	s6 =	simm.s32 $_scs_section_size  }
0x9c: {  	s7 =	simm.s32 $_size__tile_overlayer_lowered;
	s8 =	simm.s32 $_tile_overlayer_lowered  }
0x9d: {  	s22 =	simm.s32 $0x1BFF;
	s21 =	sshll.u32 s8, $0x1;
	s5 =	sadd.s32 s6, s19  }
0x9e: {  	s9 =	simm.s32 $0x0;
	s20 =	sshll.u32 s7, $0x1;
	s7 =	sadd.s32 s21, s5  }
0x9f: {  	[timem:s9], [sflag:s22] =	dma.local [hbm:s7], s20  }
0xa0: {  	_ =	swait.ge [sflag:s22], s20  }
0xa1: {  	s6 =	ssub.s32 $0x0, s20;
	[sflag:s22] =	ssyncset.done $0x0  }
0xa2: {  	[sflag:s22] =	ssyncadd.s32 s6;
	_ =	sdelay $0x1  }
0xa3: {  	s23 =	simm.s32 $0x1B8B  }
0xa4: {  	_ =	swait.ge [sflag:s23], $0x1  }
0xa5: {  	[sflag:s23] =	ssyncset.done $0x0  }
0xa6: {  	s25 =	simm.s32 $0x1B8E;
	s24 =	sld [smem:$0x3FFE];
	[sflag:s23] =	ssyncadd.s32 $0xFFFFFFFF  }
0xa7: {  	s26 =	simm.s32 $execute0_lowered;
	[smem:$0x3FD2] =	sst s25  }
0xa8: {  	s7 =	sshll.u32 s26, $0x1;
	_ =	strace $0x80000046;
	[dreg:$0x1] =	wrdreg $0xFFFFFFFF  }
0xa9: {  	s28 =	simm.s32 $_size_execute0_lowered;
	s5 =	sadd.s32 s5, s7;
	[dreg:$0x0] =	wrdreg $0x0  }
0xaa: {  	s7 =	sshll.u32 s28, $0x1;
	[dreg:$0x2] =	wrdreg s5  }
0xab: {  	[dreg:$0x3] =	wrdreg s7  }
0xac: {  	[dreg:$0x4] =	wrdreg $0xC0  }
0xad: {  	_ =	task [dreg:s9], $0x5FFFF  }
0xae: {  	[dreg:$0x1] =	wrdreg $0xFFFFFFFF  }
0xaf: {  	[dreg:$0x0] =	wrdreg $0x60  }
0xb0: {  	[dreg:$0x2] =	wrdreg s4  }
0xb1: {  	[dreg:$0x3] =	wrdreg s2  }
0xb2: {  	[dreg:$0x4] =	wrdreg s18  }
0xb3: {  	[dreg:$0x5] =	wrdreg s24  }
0xb4: {  	[dreg:$0x6] =	wrdreg $0x9  }
0xb5: {  	_ =	task.clear_ibuf [dreg:s9], $0x7FFFF;
	_ =	strace $0x90000046  }
0xb6: {  	s29 =	simm.s32 $0x9;
	_ =	strace $0x80000048  }
0xb7: {  	_ =	swait.ge [sflag:s29], $0x1  }
0xb8: {  	[sflag:s29] =	ssyncadd.s32 $0xFFFFFFFF  }
0xb9: {  	_ =	strace $0x90000048  }
0xba: {  	_ =	sfence  }
0xbb: {  	s30 =	sld [smem:$0x0];
	_ =	sdelay $0x2  }
0xbc: {  	s31 =	sshll.u32 s1, $0xD;
	s1 =	sshrl.u32 s1, $0x2  }
0xbd: {  	s3 =	sand.u32 $0x4000, s31;
	s1 =	sadd.s32 s1, s30  }
0xbe: {  	s0 =	sor.u32 s3, s0;
	s1 =	sshll.u32 s1, $0x11  }
0xbf: {  	s0 =	sor.u32 s1, s0  }
0xc0: {  	s0 =	sadd.s32 $0x8F2B, s0  }
0xc1: {  	[sflag:s0] =	ssyncadd.remote.s32 $0x1  }
0xc2: {  	_ =	sfence.sel $0xFFFF  }
0xc3: {  	[dreg:$0x0] =	wrdreg $0xFFFFFFFF;
	(pc) =	sbr.abs _section_cstart, $3  }
0xc4: {  	[dreg:$0x1] =	wrdreg $0xFFFFFFFF  }
0xc5: {  	_ =	task.clear_ibuf [dreg:s9], $0x2FFFF;
	_ =	strace $0x9FFFFFFF  }
0xc6: {  	(tm) =	ssettm $0x7FFFFFFF  }
0xc7: {  	_ =	shalt  }
tec
execute0_lowered:
.L_overlay_start_1:
0x0: {  	(tag) =	ssettag $0x1  }
0x1: {  	v0 =	vimm.s32 $0xEDCBA987;
	v1 =	vlaneseq.u32  }
0x2: {  	v6 =	vimm.s32 $0xDCBA9876;
	v7 =	vimm.s32 $0x54321000;
	v8 =	vimm.s32 $0xE40000  }
0x3: {  	v9 =	vimm.s32 $0xBA987654;
	v11 =	vimm.s32 $0x87654321;
	vm0 =	vcmask $0x3F30  }
0x4: {  	s3 =	rddreg [dreg:$0x0];
	v2 =	vunpack.c.l.s4.s8 v0;
	v3 =	vmul.u32 $0xFFFFFFFF, v1;
	v1 =	vimm.s32 $0x65432100  }
0x5: {  	s4 =	rddreg [dreg:$0x1];
	vm1 =	vcmask $0x3F08;
	vm2 =	vcmask $0x3F10;
	v4 =	vunpack.c.l.s4.s8 v1  }
0x6: {  	s1 =	srdreg.scid;
	s5 =	rddreg [dreg:$0x2];
	vm3 =	vcmask $0x3F20;
	vm4 =	vcmask $0x3F3C;
	v5 =	vunpack.c.0.s8.s32 v2  }
0x7: {  	s0 =	stileid.u32;
	s7 =	rddreg [dreg:$0x3];
	s2 =	simm.s32 $0x0;
	v6 =	vunpack.c.l.s4.s8 v6;
	v8 =	vunpack.c.l.s2.s4 v8;
	v4 =	vunpack.c.0.s8.s32 v4  }
0x8: {  	s14 =	simm.s32 $0x2800;
	s15 =	simm.s32 $0x3C00;
	s16 =	simm.s32 $0x5000;
	v0 =	vimm.s32 $0x0;
	v7 =	vunpack.c.l.s4.s8 v7;
	v5 =	vand.u32 $0xF, v5  }
0x9: {  	s17 =	simm.s32 $0x6400;
	s18 =	simm.s32 $0xE400;
	s19 =	simm.s32 $0x16400;
	v8 =	vunpack.c.l.s4.s8 v8;
	v4 =	vcombine.low v4, v5;
	v5 =	vunpack.c.0.s8.s32 v6  }
0xa: {  	s6 =	sand.u32 $0x1, s1;
	s31 =	sshll.u32 s0, $0x1;
	s1 =	rddreg [dreg:$0x4];
	v11 =	vunpack.c.l.s4.s8 v11;
	v1 =	vimm.f32 $0.0e+00;
	v7 =	vunpack.c.0.s8.s32 v7  }
0xb: {  	s20 =	simm.s32 $0x0;
	[smem:$0x7FF] =	sst s2;
	s8 =	sor.u32 s6, s31;
	v8 =	vunpack.c.0.s8.s32 v8;
	v6 =	vunpack.c.l.s4.s8 v9;
	v5 =	vand.u32 $0xF, v5  }
0xc: {  	_ =	strace $0x80000047;
	s6 =	ssub.s32 $0x2, s6;
	s9 =	smul.u32 $0x271, s8;
	v9 =	vimm.s32 $0x32100000;
	v5 =	vcombine.low v7, v5;
	v7 =	vimm.s32 $0x7060504  }
0xd: {  	s11 =	sshll.u32 s8, $0xC;
	s8 =	sshll.u32 s8, $0xA;
	s12 =	sshrl.u32 s6, $0x1;
	v9 =	vunpack.c.l.s4.s8 v9;
	v10 =	vunpack.c.0.s8.s32 v7;
	v7 =	vimm.s32 $0xFFEDCBA9  }
0xe: {  	v2 =	vimm.f32 $-Inf;
	s11 =	sadd.s32 s11, s7;
	s13 =	sadd.s32 s8, s7;
	s12 =	ssub.s32 s6, s12;
	v6 =	vunpack.c.0.s8.s32 v6;
	v12 =	vunpack.c.l.s4.s8 v7  }
0xf: {  	v11 =	vunpack.c.0.s8.s32 v11;
	s10 =	sadd.s32 s9, s7;
	s3 =	sadd.s32 s3, s9;
	s4 =	sadd.s32 s4, s9;
	v8 =	vand.u32 $0x3, v8;
	v9 =	vunpack.c.0.s8.s32 v9  }
0x10: {  	s5 =	sadd.s32 s5, s9;
	s8 =	sadd.s32 $0xB000, s11;
	s9 =	sadd.s32 $0x2B000, s11;
	v6 =	vand.u32 $0xF, v6;
	v8 =	vsel vm0, v10, v8;
	v10 =	vunpack.c.0.s8.s32 v12  }
0x11: {  	v3 =	vadd.s32 $0x1388, v3;
	s11 =	smax.u32 s12, $0x1;
	s12 =	simm.s32 $0x1;
	s6 =	sadd.s32 $0x6000, s10;
	v6 =	vcombine.low v9, v6;
	v7 =	vimm.s32 $0x1  }
0x12: {  	s7 =	sadd.s32 $0x1000, s10;
	s10 =	sadd.s32 $0x4B000, s13;
	s13 =	simm.s32 $0x1400;
	v9 =	vimm.s32 $0x10000;
	vm0 =	vcmask $0x3F04;
	v10 =	vcombine.low v11, v10  }
.LBB2_1:
0x13: {  	[tilespmem:s2], [sflag:$0x1] =	stream.linear.gather [hbm4b:s3+s2], $0x1388, $0x38;
	[tilespmem:$0x18400] =	vst v63  }
0x14: {  	_ =	swait.ge [sflag:s12], $0x1388  }
0x15: {  	[sflag:s12] =	ssyncset.done $0x0  }
0x16: {  	[sflag:s12] =	ssyncadd.s32 $0xFFFFEC78  }
0x17: {  	[tilespmem:s13], [sflag:$0x1] =	stream.linear.gather [hbm4b:s4+s2], $0x1388, $0x38;
	[tilespmem:$0x18400] =	vst v63  }
0x18: {  	_ =	swait.ge [sflag:s12], $0x1388  }
0x19: {  	[sflag:s12] =	ssyncset.done $0x0  }
0x1a: {  	[sflag:s12] =	ssyncadd.s32 $0xFFFFEC78  }
0x1b: {  	[tilespmem:s14], [sflag:$0x1] =	stream.linear.gather [hbm4b:s5+s2], $0x1388, $0x38;
	[tilespmem:$0x18400] =	vst v63  }
0x1c: {  	_ =	swait.ge [sflag:s12], $0x1388  }
0x1d: {  	[sflag:s12] =	ssyncset.done $0x0  }
0x1e: {  	[sflag:s12] =	ssyncadd.s32 $0xFFFFEC78  }
0x1f: {  	[tilespmem:s15], [sflag:$0x1] =	stream.linear.gather [hbm4b:s6+s2], $0x1388, $0x38;
	[tilespmem:$0x18400] =	vst v63  }
0x20: {  	_ =	swait.ge [sflag:s12], $0x1388  }
0x21: {  	[sflag:s12] =	ssyncset.done $0x0  }
0x22: {  	[sflag:s12] =	ssyncadd.s32 $0xFFFFEC78  }
0x23: {  	[tilespmem:s16], [sflag:$0x1] =	stream.linear.gather [hbm4b:s7+s2], $0x1388, $0x38;
	[tilespmem:$0x18400] =	vst v63  }
0x24: {  	_ =	swait.ge [sflag:s12], $0x1388  }
0x25: {  	[sflag:s12] =	ssyncset.done $0x0  }
0x26: {  	s21 =	simm.s32 $0x0;
	s22 =	simm.s32 $0x200;
	[sflag:s12] =	ssyncadd.s32 $0xFFFFEC78  }
.LBB2_2:
0x27: {  	p0 =	sne.s32 s22, $0x1FE00;
	[tilespmem:s21+$0xE470] =	vst v0  }
0x28: {  	[tilespmem:s21+$0x6400] =	vst v0  }
0x29: {  	[tilespmem:s21+$0xE400] =	vst v0  }
0x2a: {  	[tilespmem:s21+$0x6410] =	vst v0  }
0x2b: {  	[tilespmem:s21+$0xE410] =	vst v0  }
0x2c: {  	[tilespmem:s21+$0x6420] =	vst v0  }
0x2d: {  	[tilespmem:s21+$0xE420] =	vst v0  }
0x2e: {  	[tilespmem:s21+$0x6430] =	vst v0  }
0x2f: {  	[tilespmem:s21+$0xE430] =	vst v0  }
0x30: {  	[tilespmem:s21+$0x6440] =	vst v0  }
0x31: {  	[tilespmem:s21+$0xE440] =	vst v0  }
.Ltmp0:
0x32: {  	[tilespmem:s21+$0x6450] =	vst v0;
	(pc) =	sbr.rel @p0 .LBB2_2-.Ltmp0, $4  }
0x33: {  	[tilespmem:s21+$0xE450] =	vst v0  }
0x34: {  	[tilespmem:s21+$0x6460] =	vst v0  }
0x35: {  	[tilespmem:s21+$0xE460] =	vst v0  }
0x36: {  	[tilespmem:s21+$0x6470] =	vst v0;
	s21 =	sshra.s32 s22, $0x2;
	s22 =	sadd.s32 $0x200, s22  }
0x37: {  	[tilespmem:s21+$0xE470] =	vst v0  }
0x38: {  	[tilespmem:s21+$0x6400] =	vst v0  }
0x39: {  	[tilespmem:s21+$0xE400] =	vst v0  }
0x3a: {  	[tilespmem:s21+$0x6410] =	vst v0  }
0x3b: {  	[tilespmem:s21+$0xE410] =	vst v0  }
0x3c: {  	[tilespmem:s21+$0x6420] =	vst v0  }
0x3d: {  	[tilespmem:s21+$0xE420] =	vst v0  }
0x3e: {  	[tilespmem:s21+$0x6430] =	vst v0  }
0x3f: {  	[tilespmem:s21+$0xE430] =	vst v0  }
0x40: {  	[tilespmem:s21+$0x6440] =	vst v0  }
0x41: {  	[tilespmem:s21+$0xE440] =	vst v0  }
0x42: {  	[tilespmem:s21+$0x6450] =	vst v0  }
0x43: {  	[tilespmem:s21+$0xE450] =	vst v0  }
0x44: {  	[tilespmem:s21+$0x6460] =	vst v0  }
0x45: {  	[tilespmem:s21+$0xE460] =	vst v0  }
0x46: {  	[tilespmem:s21+$0x6470] =	vst v0  }
0x47: {  	[tilespmem:$0x16400] =	vst v1  }
0x48: {  	[tilespmem:$0x16410] =	vst v1  }
0x49: {  	[tilespmem:$0x16420] =	vst v1  }
0x4a: {  	[tilespmem:$0x16430] =	vst v1  }
0x4b: {  	[tilespmem:$0x16440] =	vst v1  }
0x4c: {  	[tilespmem:$0x16450] =	vst v1  }
0x4d: {  	[tilespmem:$0x16460] =	vst v1  }
0x4e: {  	[tilespmem:$0x16470] =	vst v1  }
0x4f: {  	[tilespmem:$0x16800] =	vst v1  }
0x50: {  	[tilespmem:$0x16810] =	vst v1  }
0x51: {  	[tilespmem:$0x16820] =	vst v1  }
0x52: {  	[tilespmem:$0x16830] =	vst v1  }
0x53: {  	[tilespmem:$0x16840] =	vst v1  }
0x54: {  	[tilespmem:$0x16850] =	vst v1  }
0x55: {  	[tilespmem:$0x16860] =	vst v1  }
0x56: {  	[tilespmem:$0x16870] =	vst v1  }
0x57: {  	[tilespmem:$0x16C00] =	vst v1  }
0x58: {  	[tilespmem:$0x16C10] =	vst v1  }
0x59: {  	[tilespmem:$0x16C20] =	vst v1  }
0x5a: {  	[tilespmem:$0x16C30] =	vst v1  }
0x5b: {  	[tilespmem:$0x16C40] =	vst v1  }
0x5c: {  	[tilespmem:$0x16C50] =	vst v1  }
0x5d: {  	[tilespmem:$0x16C60] =	vst v1  }
0x5e: {  	[tilespmem:$0x16C70] =	vst v1  }
0x5f: {  	[tilespmem:$0x17000] =	vst v1  }
0x60: {  	[tilespmem:$0x17010] =	vst v1  }
0x61: {  	[tilespmem:$0x17020] =	vst v1  }
0x62: {  	[tilespmem:$0x17030] =	vst v1  }
0x63: {  	[tilespmem:$0x17040] =	vst v1  }
0x64: {  	[tilespmem:$0x17050] =	vst v1  }
0x65: {  	[tilespmem:$0x17060] =	vst v1  }
0x66: {  	[tilespmem:$0x17070] =	vst v1  }
0x67: {  	[tilespmem:$0x16480] =	vst v1  }
0x68: {  	[tilespmem:$0x16490] =	vst v1  }
0x69: {  	[tilespmem:$0x164A0] =	vst v1  }
0x6a: {  	[tilespmem:$0x164B0] =	vst v1  }
0x6b: {  	[tilespmem:$0x164C0] =	vst v1  }
0x6c: {  	[tilespmem:$0x164D0] =	vst v1  }
0x6d: {  	[tilespmem:$0x164E0] =	vst v1  }
0x6e: {  	[tilespmem:$0x164F0] =	vst v1  }
0x6f: {  	[tilespmem:$0x16880] =	vst v1  }
0x70: {  	[tilespmem:$0x16890] =	vst v1  }
0x71: {  	[tilespmem:$0x168A0] =	vst v1  }
0x72: {  	[tilespmem:$0x168B0] =	vst v1  }
0x73: {  	[tilespmem:$0x168C0] =	vst v1  }
0x74: {  	[tilespmem:$0x168D0] =	vst v1  }
0x75: {  	[tilespmem:$0x168E0] =	vst v1  }
0x76: {  	[tilespmem:$0x168F0] =	vst v1  }
0x77: {  	[tilespmem:$0x16C80] =	vst v1  }
0x78: {  	[tilespmem:$0x16C90] =	vst v1  }
0x79: {  	[tilespmem:$0x16CA0] =	vst v1  }
0x7a: {  	[tilespmem:$0x16CB0] =	vst v1  }
0x7b: {  	[tilespmem:$0x16CC0] =	vst v1  }
0x7c: {  	[tilespmem:$0x16CD0] =	vst v1  }
0x7d: {  	[tilespmem:$0x16CE0] =	vst v1  }
0x7e: {  	[tilespmem:$0x16CF0] =	vst v1  }
0x7f: {  	[tilespmem:$0x17080] =	vst v1  }
0x80: {  	[tilespmem:$0x17090] =	vst v1  }
0x81: {  	[tilespmem:$0x170A0] =	vst v1  }
0x82: {  	[tilespmem:$0x170B0] =	vst v1  }
0x83: {  	[tilespmem:$0x170C0] =	vst v1  }
0x84: {  	[tilespmem:$0x170D0] =	vst v1  }
0x85: {  	[tilespmem:$0x170E0] =	vst v1  }
0x86: {  	[tilespmem:$0x170F0] =	vst v1  }
0x87: {  	[tilespmem:$0x16500] =	vst v1  }
0x88: {  	[tilespmem:$0x16510] =	vst v1  }
0x89: {  	[tilespmem:$0x16520] =	vst v1  }
0x8a: {  	[tilespmem:$0x16530] =	vst v1  }
0x8b: {  	[tilespmem:$0x16540] =	vst v1  }
0x8c: {  	[tilespmem:$0x16550] =	vst v1  }
0x8d: {  	[tilespmem:$0x16560] =	vst v1  }
0x8e: {  	[tilespmem:$0x16570] =	vst v1  }
0x8f: {  	[tilespmem:$0x16900] =	vst v1  }
0x90: {  	[tilespmem:$0x16910] =	vst v1  }
0x91: {  	[tilespmem:$0x16920] =	vst v1  }
0x92: {  	[tilespmem:$0x16930] =	vst v1  }
0x93: {  	[tilespmem:$0x16940] =	vst v1  }
0x94: {  	[tilespmem:$0x16950] =	vst v1  }
0x95: {  	[tilespmem:$0x16960] =	vst v1  }
0x96: {  	[tilespmem:$0x16970] =	vst v1  }
0x97: {  	[tilespmem:$0x16D00] =	vst v1  }
0x98: {  	[tilespmem:$0x16D10] =	vst v1  }
0x99: {  	[tilespmem:$0x16D20] =	vst v1  }
0x9a: {  	[tilespmem:$0x16D30] =	vst v1  }
0x9b: {  	[tilespmem:$0x16D40] =	vst v1  }
0x9c: {  	[tilespmem:$0x16D50] =	vst v1  }
0x9d: {  	[tilespmem:$0x16D60] =	vst v1  }
0x9e: {  	[tilespmem:$0x16D70] =	vst v1  }
0x9f: {  	[tilespmem:$0x17100] =	vst v1  }
0xa0: {  	[tilespmem:$0x17110] =	vst v1  }
0xa1: {  	[tilespmem:$0x17120] =	vst v1  }
0xa2: {  	[tilespmem:$0x17130] =	vst v1  }
0xa3: {  	[tilespmem:$0x17140] =	vst v1  }
0xa4: {  	[tilespmem:$0x17150] =	vst v1  }
0xa5: {  	[tilespmem:$0x17160] =	vst v1  }
0xa6: {  	[tilespmem:$0x17170] =	vst v1  }
0xa7: {  	[tilespmem:$0x16580] =	vst v1  }
0xa8: {  	[tilespmem:$0x16590] =	vst v1  }
0xa9: {  	[tilespmem:$0x165A0] =	vst v1  }
0xaa: {  	[tilespmem:$0x165B0] =	vst v1  }
0xab: {  	[tilespmem:$0x165C0] =	vst v1  }
0xac: {  	[tilespmem:$0x165D0] =	vst v1  }
0xad: {  	[tilespmem:$0x165E0] =	vst v1  }
0xae: {  	[tilespmem:$0x165F0] =	vst v1  }
0xaf: {  	[tilespmem:$0x16980] =	vst v1  }
0xb0: {  	[tilespmem:$0x16990] =	vst v1  }
0xb1: {  	[tilespmem:$0x169A0] =	vst v1  }
0xb2: {  	[tilespmem:$0x169B0] =	vst v1  }
0xb3: {  	[tilespmem:$0x169C0] =	vst v1  }
0xb4: {  	[tilespmem:$0x169D0] =	vst v1  }
0xb5: {  	[tilespmem:$0x169E0] =	vst v1  }
0xb6: {  	[tilespmem:$0x169F0] =	vst v1  }
0xb7: {  	[tilespmem:$0x16D80] =	vst v1  }
0xb8: {  	[tilespmem:$0x16D90] =	vst v1  }
0xb9: {  	[tilespmem:$0x16DA0] =	vst v1  }
0xba: {  	[tilespmem:$0x16DB0] =	vst v1  }
0xbb: {  	[tilespmem:$0x16DC0] =	vst v1  }
0xbc: {  	[tilespmem:$0x16DD0] =	vst v1  }
0xbd: {  	[tilespmem:$0x16DE0] =	vst v1  }
0xbe: {  	[tilespmem:$0x16DF0] =	vst v1  }
0xbf: {  	[tilespmem:$0x17180] =	vst v1  }
0xc0: {  	[tilespmem:$0x17190] =	vst v1  }
0xc1: {  	[tilespmem:$0x171A0] =	vst v1  }
0xc2: {  	[tilespmem:$0x171B0] =	vst v1  }
0xc3: {  	[tilespmem:$0x171C0] =	vst v1  }
0xc4: {  	[tilespmem:$0x171D0] =	vst v1  }
0xc5: {  	[tilespmem:$0x171E0] =	vst v1  }
0xc6: {  	[tilespmem:$0x171F0] =	vst v1  }
0xc7: {  	[tilespmem:$0x16600] =	vst v2  }
0xc8: {  	[tilespmem:$0x16610] =	vst v2  }
0xc9: {  	[tilespmem:$0x16620] =	vst v2  }
0xca: {  	[tilespmem:$0x16630] =	vst v2  }
0xcb: {  	[tilespmem:$0x16640] =	vst v2  }
0xcc: {  	[tilespmem:$0x16650] =	vst v2  }
0xcd: {  	[tilespmem:$0x16660] =	vst v2  }
0xce: {  	[tilespmem:$0x16670] =	vst v2  }
0xcf: {  	[tilespmem:$0x16A00] =	vst v2  }
0xd0: {  	[tilespmem:$0x16A10] =	vst v2  }
0xd1: {  	[tilespmem:$0x16A20] =	vst v2  }
0xd2: {  	[tilespmem:$0x16A30] =	vst v2  }
0xd3: {  	[tilespmem:$0x16A40] =	vst v2  }
0xd4: {  	[tilespmem:$0x16A50] =	vst v2  }
0xd5: {  	[tilespmem:$0x16A60] =	vst v2  }
0xd6: {  	[tilespmem:$0x16A70] =	vst v2  }
0xd7: {  	[tilespmem:$0x16E00] =	vst v2  }
0xd8: {  	[tilespmem:$0x16E10] =	vst v2  }
0xd9: {  	[tilespmem:$0x16E20] =	vst v2  }
0xda: {  	[tilespmem:$0x16E30] =	vst v2  }
0xdb: {  	[tilespmem:$0x16E40] =	vst v2  }
0xdc: {  	[tilespmem:$0x16E50] =	vst v2  }
0xdd: {  	[tilespmem:$0x16E60] =	vst v2  }
0xde: {  	[tilespmem:$0x16E70] =	vst v2  }
0xdf: {  	[tilespmem:$0x17200] =	vst v2  }
0xe0: {  	[tilespmem:$0x17210] =	vst v2  }
0xe1: {  	[tilespmem:$0x17220] =	vst v2  }
0xe2: {  	[tilespmem:$0x17230] =	vst v2  }
0xe3: {  	[tilespmem:$0x17240] =	vst v2  }
0xe4: {  	[tilespmem:$0x17250] =	vst v2  }
0xe5: {  	[tilespmem:$0x17260] =	vst v2  }
0xe6: {  	[tilespmem:$0x17270] =	vst v2  }
0xe7: {  	[tilespmem:$0x16680] =	vst v2  }
0xe8: {  	[tilespmem:$0x16690] =	vst v2  }
0xe9: {  	[tilespmem:$0x166A0] =	vst v2  }
0xea: {  	[tilespmem:$0x166B0] =	vst v2  }
0xeb: {  	[tilespmem:$0x166C0] =	vst v2  }
0xec: {  	[tilespmem:$0x166D0] =	vst v2  }
0xed: {  	[tilespmem:$0x166E0] =	vst v2  }
0xee: {  	[tilespmem:$0x166F0] =	vst v2  }
0xef: {  	[tilespmem:$0x16A80] =	vst v2  }
0xf0: {  	[tilespmem:$0x16A90] =	vst v2  }
0xf1: {  	[tilespmem:$0x16AA0] =	vst v2  }
0xf2: {  	[tilespmem:$0x16AB0] =	vst v2  }
0xf3: {  	[tilespmem:$0x16AC0] =	vst v2  }
0xf4: {  	[tilespmem:$0x16AD0] =	vst v2  }
0xf5: {  	[tilespmem:$0x16AE0] =	vst v2  }
0xf6: {  	[tilespmem:$0x16AF0] =	vst v2  }
0xf7: {  	[tilespmem:$0x16E80] =	vst v2  }
0xf8: {  	[tilespmem:$0x16E90] =	vst v2  }
0xf9: {  	[tilespmem:$0x16EA0] =	vst v2  }
0xfa: {  	[tilespmem:$0x16EB0] =	vst v2  }
0xfb: {  	[tilespmem:$0x16EC0] =	vst v2  }
0xfc: {  	[tilespmem:$0x16ED0] =	vst v2  }
0xfd: {  	[tilespmem:$0x16EE0] =	vst v2  }
0xfe: {  	[tilespmem:$0x16EF0] =	vst v2  }
0xff: {  	[tilespmem:$0x17280] =	vst v2  }
0x100: {  	[tilespmem:$0x17290] =	vst v2  }
0x101: {  	[tilespmem:$0x172A0] =	vst v2  }
0x102: {  	[tilespmem:$0x172B0] =	vst v2  }
0x103: {  	[tilespmem:$0x172C0] =	vst v2  }
0x104: {  	[tilespmem:$0x172D0] =	vst v2  }
0x105: {  	[tilespmem:$0x172E0] =	vst v2  }
0x106: {  	[tilespmem:$0x172F0] =	vst v2  }
0x107: {  	[tilespmem:$0x16700] =	vst v1  }
0x108: {  	[tilespmem:$0x16710] =	vst v1  }
0x109: {  	[tilespmem:$0x16720] =	vst v1  }
0x10a: {  	[tilespmem:$0x16730] =	vst v1  }
0x10b: {  	[tilespmem:$0x16740] =	vst v1  }
0x10c: {  	[tilespmem:$0x16750] =	vst v1  }
0x10d: {  	[tilespmem:$0x16760] =	vst v1  }
0x10e: {  	[tilespmem:$0x16770] =	vst v1  }
0x10f: {  	[tilespmem:$0x16B00] =	vst v1  }
0x110: {  	[tilespmem:$0x16B10] =	vst v1  }
0x111: {  	[tilespmem:$0x16B20] =	vst v1  }
0x112: {  	[tilespmem:$0x16B30] =	vst v1  }
0x113: {  	[tilespmem:$0x16B40] =	vst v1  }
0x114: {  	[tilespmem:$0x16B50] =	vst v1  }
0x115: {  	[tilespmem:$0x16B60] =	vst v1  }
0x116: {  	[tilespmem:$0x16B70] =	vst v1  }
0x117: {  	[tilespmem:$0x16F00] =	vst v1  }
0x118: {  	[tilespmem:$0x16F10] =	vst v1  }
0x119: {  	[tilespmem:$0x16F20] =	vst v1  }
0x11a: {  	[tilespmem:$0x16F30] =	vst v1  }
0x11b: {  	[tilespmem:$0x16F40] =	vst v1  }
0x11c: {  	[tilespmem:$0x16F50] =	vst v1  }
0x11d: {  	[tilespmem:$0x16F60] =	vst v1  }
0x11e: {  	[tilespmem:$0x16F70] =	vst v1  }
0x11f: {  	[tilespmem:$0x17300] =	vst v1  }
0x120: {  	[tilespmem:$0x17310] =	vst v1  }
0x121: {  	[tilespmem:$0x17320] =	vst v1  }
0x122: {  	[tilespmem:$0x17330] =	vst v1  }
0x123: {  	[tilespmem:$0x17340] =	vst v1  }
0x124: {  	[tilespmem:$0x17350] =	vst v1  }
0x125: {  	[tilespmem:$0x17360] =	vst v1  }
0x126: {  	[tilespmem:$0x17370] =	vst v1  }
0x127: {  	[tilespmem:$0x16780] =	vst v1  }
0x128: {  	[tilespmem:$0x16790] =	vst v1  }
0x129: {  	[tilespmem:$0x167A0] =	vst v1  }
0x12a: {  	[tilespmem:$0x167B0] =	vst v1  }
0x12b: {  	[tilespmem:$0x167C0] =	vst v1  }
0x12c: {  	[tilespmem:$0x167D0] =	vst v1  }
0x12d: {  	[tilespmem:$0x167E0] =	vst v1  }
0x12e: {  	[tilespmem:$0x167F0] =	vst v1  }
0x12f: {  	[tilespmem:$0x16B80] =	vst v1  }
0x130: {  	[tilespmem:$0x16B90] =	vst v1  }
0x131: {  	[tilespmem:$0x16BA0] =	vst v1  }
0x132: {  	[tilespmem:$0x16BB0] =	vst v1  }
0x133: {  	[tilespmem:$0x16BC0] =	vst v1  }
0x134: {  	[tilespmem:$0x16BD0] =	vst v1  }
0x135: {  	[tilespmem:$0x16BE0] =	vst v1  }
0x136: {  	[tilespmem:$0x16BF0] =	vst v1  }
0x137: {  	[tilespmem:$0x16F80] =	vst v1  }
0x138: {  	[tilespmem:$0x16F90] =	vst v1  }
0x139: {  	[tilespmem:$0x16FA0] =	vst v1  }
0x13a: {  	[tilespmem:$0x16FB0] =	vst v1  }
0x13b: {  	[tilespmem:$0x16FC0] =	vst v1  }
0x13c: {  	[tilespmem:$0x16FD0] =	vst v1  }
0x13d: {  	[tilespmem:$0x16FE0] =	vst v1  }
0x13e: {  	[tilespmem:$0x16FF0] =	vst v1  }
0x13f: {  	[tilespmem:$0x17380] =	vst v1  }
0x140: {  	[tilespmem:$0x17390] =	vst v1  }
0x141: {  	[tilespmem:$0x173A0] =	vst v1  }
0x142: {  	[tilespmem:$0x173B0] =	vst v1  }
0x143: {  	[tilespmem:$0x173C0] =	vst v1  }
0x144: {  	[tilespmem:$0x173D0] =	vst v1  }
0x145: {  	[tilespmem:$0x173E0] =	vst v1  }
0x146: {  	[tilespmem:$0x173F0] =	vst v1  }
0x147: {  	[tilespmem:$0x17400] =	vst v1  }
0x148: {  	[tilespmem:$0x17410] =	vst v1  }
0x149: {  	[tilespmem:$0x17420] =	vst v1  }
0x14a: {  	[tilespmem:$0x17430] =	vst v1  }
0x14b: {  	[tilespmem:$0x17440] =	vst v1  }
0x14c: {  	[tilespmem:$0x17450] =	vst v1  }
0x14d: {  	[tilespmem:$0x17460] =	vst v1  }
0x14e: {  	[tilespmem:$0x17470] =	vst v1  }
0x14f: {  	[tilespmem:$0x17800] =	vst v1  }
0x150: {  	[tilespmem:$0x17810] =	vst v1  }
0x151: {  	[tilespmem:$0x17820] =	vst v1  }
0x152: {  	[tilespmem:$0x17830] =	vst v1  }
0x153: {  	[tilespmem:$0x17840] =	vst v1  }
0x154: {  	[tilespmem:$0x17850] =	vst v1  }
0x155: {  	[tilespmem:$0x183F0] =	vst v1  }
0x156: {  	[tilespmem:$0x17870] =	vst v1  }
0x157: {  	[tilespmem:$0x17C00] =	vst v1  }
0x158: {  	[tilespmem:$0x17C10] =	vst v1  }
0x159: {  	[tilespmem:$0x17C20] =	vst v1  }
0x15a: {  	[tilespmem:$0x17C30] =	vst v1  }
0x15b: {  	[tilespmem:$0x17C40] =	vst v1  }
0x15c: {  	[tilespmem:$0x17C50] =	vst v1  }
0x15d: {  	[tilespmem:$0x17C60] =	vst v1  }
0x15e: {  	[tilespmem:$0x17C70] =	vst v1  }
0x15f: {  	[tilespmem:$0x18000] =	vst v1  }
0x160: {  	[tilespmem:$0x18010] =	vst v1  }
0x161: {  	[tilespmem:$0x18020] =	vst v1  }
0x162: {  	[tilespmem:$0x18030] =	vst v1  }
0x163: {  	[tilespmem:$0x18040] =	vst v1  }
0x164: {  	[tilespmem:$0x18050] =	vst v1  }
0x165: {  	[tilespmem:$0x18060] =	vst v1  }
0x166: {  	[tilespmem:$0x18070] =	vst v1  }
0x167: {  	[tilespmem:$0x17480] =	vst v1  }
0x168: {  	[tilespmem:$0x17490] =	vst v1  }
0x169: {  	[tilespmem:$0x174A0] =	vst v1  }
0x16a: {  	[tilespmem:$0x174B0] =	vst v1  }
0x16b: {  	[tilespmem:$0x174C0] =	vst v1  }
0x16c: {  	[tilespmem:$0x174D0] =	vst v1  }
0x16d: {  	[tilespmem:$0x174E0] =	vst v1  }
0x16e: {  	[tilespmem:$0x174F0] =	vst v1  }
0x16f: {  	[tilespmem:$0x17880] =	vst v1  }
0x170: {  	[tilespmem:$0x17890] =	vst v1  }
0x171: {  	[tilespmem:$0x178A0] =	vst v1  }
0x172: {  	[tilespmem:$0x178B0] =	vst v1  }
0x173: {  	[tilespmem:$0x178C0] =	vst v1  }
0x174: {  	[tilespmem:$0x178D0] =	vst v1  }
0x175: {  	[tilespmem:$0x178E0] =	vst v1  }
0x176: {  	[tilespmem:$0x178F0] =	vst v1  }
0x177: {  	[tilespmem:$0x17C80] =	vst v1  }
0x178: {  	[tilespmem:$0x17C90] =	vst v1  }
0x179: {  	[tilespmem:$0x17CA0] =	vst v1  }
0x17a: {  	[tilespmem:$0x17CB0] =	vst v1  }
0x17b: {  	[tilespmem:$0x17CC0] =	vst v1  }
0x17c: {  	[tilespmem:$0x17CD0] =	vst v1  }
0x17d: {  	[tilespmem:$0x17CE0] =	vst v1  }
0x17e: {  	[tilespmem:$0x17CF0] =	vst v1  }
0x17f: {  	[tilespmem:$0x18080] =	vst v1  }
0x180: {  	[tilespmem:$0x18090] =	vst v1  }
0x181: {  	[tilespmem:$0x180A0] =	vst v1  }
0x182: {  	[tilespmem:$0x180B0] =	vst v1  }
0x183: {  	[tilespmem:$0x180C0] =	vst v1  }
0x184: {  	[tilespmem:$0x180D0] =	vst v1  }
0x185: {  	[tilespmem:$0x180E0] =	vst v1  }
0x186: {  	[tilespmem:$0x180F0] =	vst v1  }
0x187: {  	[tilespmem:$0x17500] =	vst v1  }
0x188: {  	[tilespmem:$0x17510] =	vst v1  }
0x189: {  	[tilespmem:$0x17520] =	vst v1  }
0x18a: {  	[tilespmem:$0x17530] =	vst v1  }
0x18b: {  	[tilespmem:$0x17540] =	vst v1  }
0x18c: {  	[tilespmem:$0x17550] =	vst v1  }
0x18d: {  	[tilespmem:$0x17560] =	vst v1  }
0x18e: {  	[tilespmem:$0x17570] =	vst v1  }
0x18f: {  	[tilespmem:$0x17900] =	vst v1  }
0x190: {  	[tilespmem:$0x17910] =	vst v1  }
0x191: {  	[tilespmem:$0x17920] =	vst v1  }
0x192: {  	[tilespmem:$0x17930] =	vst v1  }
0x193: {  	[tilespmem:$0x17940] =	vst v1  }
0x194: {  	[tilespmem:$0x17950] =	vst v1  }
0x195: {  	[tilespmem:$0x17960] =	vst v1  }
0x196: {  	[tilespmem:$0x17970] =	vst v1  }
0x197: {  	[tilespmem:$0x17D00] =	vst v1  }
0x198: {  	[tilespmem:$0x17D10] =	vst v1  }
0x199: {  	[tilespmem:$0x17D20] =	vst v1  }
0x19a: {  	[tilespmem:$0x17D30] =	vst v1  }
0x19b: {  	[tilespmem:$0x17D40] =	vst v1  }
0x19c: {  	[tilespmem:$0x17D50] =	vst v1  }
0x19d: {  	[tilespmem:$0x17D60] =	vst v1  }
0x19e: {  	[tilespmem:$0x17D70] =	vst v1  }
0x19f: {  	[tilespmem:$0x18100] =	vst v1  }
0x1a0: {  	[tilespmem:$0x18110] =	vst v1  }
0x1a1: {  	[tilespmem:$0x18120] =	vst v1  }
0x1a2: {  	[tilespmem:$0x18130] =	vst v1  }
0x1a3: {  	[tilespmem:$0x18140] =	vst v1  }
0x1a4: {  	[tilespmem:$0x18150] =	vst v1  }
0x1a5: {  	[tilespmem:$0x18160] =	vst v1  }
0x1a6: {  	[tilespmem:$0x18170] =	vst v1  }
0x1a7: {  	[tilespmem:$0x17580] =	vst v1  }
0x1a8: {  	[tilespmem:$0x17590] =	vst v1  }
0x1a9: {  	[tilespmem:$0x175A0] =	vst v1  }
0x1aa: {  	[tilespmem:$0x175B0] =	vst v1  }
0x1ab: {  	[tilespmem:$0x175C0] =	vst v1  }
0x1ac: {  	[tilespmem:$0x175D0] =	vst v1  }
0x1ad: {  	[tilespmem:$0x175E0] =	vst v1  }
0x1ae: {  	[tilespmem:$0x175F0] =	vst v1  }
0x1af: {  	[tilespmem:$0x17980] =	vst v1  }
0x1b0: {  	[tilespmem:$0x17990] =	vst v1  }
0x1b1: {  	[tilespmem:$0x179A0] =	vst v1  }
0x1b2: {  	[tilespmem:$0x179B0] =	vst v1  }
0x1b3: {  	[tilespmem:$0x179C0] =	vst v1  }
0x1b4: {  	[tilespmem:$0x179D0] =	vst v1  }
0x1b5: {  	[tilespmem:$0x179E0] =	vst v1  }
0x1b6: {  	[tilespmem:$0x179F0] =	vst v1  }
0x1b7: {  	[tilespmem:$0x17D80] =	vst v1  }
0x1b8: {  	[tilespmem:$0x17D90] =	vst v1  }
0x1b9: {  	[tilespmem:$0x17DA0] =	vst v1  }
0x1ba: {  	[tilespmem:$0x17DB0] =	vst v1  }
0x1bb: {  	[tilespmem:$0x17DC0] =	vst v1  }
0x1bc: {  	[tilespmem:$0x17DD0] =	vst v1  }
0x1bd: {  	[tilespmem:$0x17DE0] =	vst v1  }
0x1be: {  	[tilespmem:$0x17DF0] =	vst v1  }
0x1bf: {  	[tilespmem:$0x18180] =	vst v1  }
0x1c0: {  	[tilespmem:$0x18190] =	vst v1  }
0x1c1: {  	[tilespmem:$0x181A0] =	vst v1  }
0x1c2: {  	[tilespmem:$0x181B0] =	vst v1  }
0x1c3: {  	[tilespmem:$0x181C0] =	vst v1  }
0x1c4: {  	[tilespmem:$0x181D0] =	vst v1  }
0x1c5: {  	[tilespmem:$0x181E0] =	vst v1  }
0x1c6: {  	[tilespmem:$0x181F0] =	vst v1  }
0x1c7: {  	[tilespmem:$0x17600] =	vst v1  }
0x1c8: {  	[tilespmem:$0x17610] =	vst v1  }
0x1c9: {  	[tilespmem:$0x17620] =	vst v1  }
0x1ca: {  	[tilespmem:$0x17630] =	vst v1  }
0x1cb: {  	[tilespmem:$0x17640] =	vst v1  }
0x1cc: {  	[tilespmem:$0x17650] =	vst v1  }
0x1cd: {  	[tilespmem:$0x17660] =	vst v1  }
0x1ce: {  	[tilespmem:$0x17670] =	vst v1  }
0x1cf: {  	[tilespmem:$0x17A00] =	vst v1  }
0x1d0: {  	[tilespmem:$0x17A10] =	vst v1  }
0x1d1: {  	[tilespmem:$0x17A20] =	vst v1  }
0x1d2: {  	[tilespmem:$0x17A30] =	vst v1  }
0x1d3: {  	[tilespmem:$0x17A40] =	vst v1  }
0x1d4: {  	[tilespmem:$0x17A50] =	vst v1  }
0x1d5: {  	[tilespmem:$0x17A60] =	vst v1  }
0x1d6: {  	[tilespmem:$0x17A70] =	vst v1  }
0x1d7: {  	[tilespmem:$0x17E00] =	vst v1  }
0x1d8: {  	[tilespmem:$0x17E10] =	vst v1  }
0x1d9: {  	[tilespmem:$0x17E20] =	vst v1  }
0x1da: {  	[tilespmem:$0x17E30] =	vst v1  }
0x1db: {  	[tilespmem:$0x17E40] =	vst v1  }
0x1dc: {  	[tilespmem:$0x17E50] =	vst v1  }
0x1dd: {  	[tilespmem:$0x17E60] =	vst v1  }
0x1de: {  	[tilespmem:$0x17E70] =	vst v1  }
0x1df: {  	[tilespmem:$0x18200] =	vst v1  }
0x1e0: {  	[tilespmem:$0x18210] =	vst v1  }
0x1e1: {  	[tilespmem:$0x18220] =	vst v1  }
0x1e2: {  	[tilespmem:$0x18230] =	vst v1  }
0x1e3: {  	[tilespmem:$0x18240] =	vst v1  }
0x1e4: {  	[tilespmem:$0x18250] =	vst v1  }
0x1e5: {  	[tilespmem:$0x18260] =	vst v1  }
0x1e6: {  	[tilespmem:$0x18270] =	vst v1  }
0x1e7: {  	[tilespmem:$0x17680] =	vst v1  }
0x1e8: {  	[tilespmem:$0x17690] =	vst v1  }
0x1e9: {  	[tilespmem:$0x176A0] =	vst v1  }
0x1ea: {  	[tilespmem:$0x176B0] =	vst v1  }
0x1eb: {  	[tilespmem:$0x176C0] =	vst v1  }
0x1ec: {  	[tilespmem:$0x176D0] =	vst v1  }
0x1ed: {  	[tilespmem:$0x176E0] =	vst v1  }
0x1ee: {  	[tilespmem:$0x176F0] =	vst v1  }
0x1ef: {  	[tilespmem:$0x17A80] =	vst v1  }
0x1f0: {  	[tilespmem:$0x17A90] =	vst v1  }
0x1f1: {  	[tilespmem:$0x17AA0] =	vst v1  }
0x1f2: {  	[tilespmem:$0x17AB0] =	vst v1  }
0x1f3: {  	[tilespmem:$0x17AC0] =	vst v1  }
0x1f4: {  	[tilespmem:$0x17AD0] =	vst v1  }
0x1f5: {  	[tilespmem:$0x17AE0] =	vst v1  }
0x1f6: {  	[tilespmem:$0x17AF0] =	vst v1  }
0x1f7: {  	[tilespmem:$0x17E80] =	vst v1  }
0x1f8: {  	[tilespmem:$0x17E90] =	vst v1  }
0x1f9: {  	[tilespmem:$0x17EA0] =	vst v1  }
0x1fa: {  	[tilespmem:$0x17EB0] =	vst v1  }
0x1fb: {  	[tilespmem:$0x17EC0] =	vst v1  }
0x1fc: {  	[tilespmem:$0x17ED0] =	vst v1  }
0x1fd: {  	[tilespmem:$0x17EE0] =	vst v1  }
0x1fe: {  	[tilespmem:$0x17EF0] =	vst v1  }
0x1ff: {  	[tilespmem:$0x18280] =	vst v1  }
0x200: {  	[tilespmem:$0x18290] =	vst v1  }
0x201: {  	[tilespmem:$0x182A0] =	vst v1  }
0x202: {  	[tilespmem:$0x182B0] =	vst v1  }
0x203: {  	[tilespmem:$0x182C0] =	vst v1  }
0x204: {  	[tilespmem:$0x182D0] =	vst v1  }
0x205: {  	[tilespmem:$0x182E0] =	vst v1  }
0x206: {  	[tilespmem:$0x182F0] =	vst v1  }
0x207: {  	[tilespmem:$0x17700] =	vst v1  }
0x208: {  	[tilespmem:$0x17710] =	vst v1  }
0x209: {  	[tilespmem:$0x17720] =	vst v1  }
0x20a: {  	[tilespmem:$0x17730] =	vst v1  }
0x20b: {  	[tilespmem:$0x17740] =	vst v1  }
0x20c: {  	[tilespmem:$0x17750] =	vst v1  }
0x20d: {  	[tilespmem:$0x17760] =	vst v1  }
0x20e: {  	[tilespmem:$0x17770] =	vst v1  }
0x20f: {  	[tilespmem:$0x17B00] =	vst v1  }
0x210: {  	[tilespmem:$0x17B10] =	vst v1  }
0x211: {  	[tilespmem:$0x17B20] =	vst v1  }
0x212: {  	[tilespmem:$0x17B30] =	vst v1  }
0x213: {  	[tilespmem:$0x17B40] =	vst v1  }
0x214: {  	[tilespmem:$0x17B50] =	vst v1  }
0x215: {  	[tilespmem:$0x17B60] =	vst v1  }
0x216: {  	[tilespmem:$0x17B70] =	vst v1  }
0x217: {  	[tilespmem:$0x17F00] =	vst v1  }
0x218: {  	[tilespmem:$0x17F10] =	vst v1  }
0x219: {  	[tilespmem:$0x17F20] =	vst v1  }
0x21a: {  	[tilespmem:$0x17F30] =	vst v1  }
0x21b: {  	[tilespmem:$0x17F40] =	vst v1  }
0x21c: {  	[tilespmem:$0x17F50] =	vst v1  }
0x21d: {  	[tilespmem:$0x17F60] =	vst v1  }
0x21e: {  	[tilespmem:$0x17F70] =	vst v1  }
0x21f: {  	[tilespmem:$0x18300] =	vst v1  }
0x220: {  	[tilespmem:$0x18310] =	vst v1  }
0x221: {  	[tilespmem:$0x18320] =	vst v1  }
0x222: {  	[tilespmem:$0x18330] =	vst v1  }
0x223: {  	[tilespmem:$0x18340] =	vst v1  }
0x224: {  	[tilespmem:$0x18350] =	vst v1  }
0x225: {  	[tilespmem:$0x18360] =	vst v1  }
0x226: {  	[tilespmem:$0x18370] =	vst v1  }
0x227: {  	[tilespmem:$0x17780] =	vst v1  }
0x228: {  	[tilespmem:$0x17790] =	vst v1  }
0x229: {  	[tilespmem:$0x177A0] =	vst v1  }
0x22a: {  	[tilespmem:$0x177B0] =	vst v1  }
0x22b: {  	[tilespmem:$0x177C0] =	vst v1  }
0x22c: {  	[tilespmem:$0x177D0] =	vst v1  }
0x22d: {  	[tilespmem:$0x177E0] =	vst v1  }
0x22e: {  	[tilespmem:$0x177F0] =	vst v1  }
0x22f: {  	[tilespmem:$0x17B80] =	vst v1  }
0x230: {  	[tilespmem:$0x17B90] =	vst v1  }
0x231: {  	[tilespmem:$0x17BA0] =	vst v1  }
0x232: {  	[tilespmem:$0x17BB0] =	vst v1  }
0x233: {  	[tilespmem:$0x17BC0] =	vst v1  }
0x234: {  	[tilespmem:$0x17BD0] =	vst v1  }
0x235: {  	[tilespmem:$0x17BE0] =	vst v1  }
0x236: {  	[tilespmem:$0x17BF0] =	vst v1  }
0x237: {  	[tilespmem:$0x17F80] =	vst v1  }
0x238: {  	[tilespmem:$0x17F90] =	vst v1  }
0x239: {  	[tilespmem:$0x17FA0] =	vst v1  }
0x23a: {  	[tilespmem:$0x17FB0] =	vst v1  }
0x23b: {  	[tilespmem:$0x17FC0] =	vst v1  }
0x23c: {  	[tilespmem:$0x17FD0] =	vst v1  }
0x23d: {  	[tilespmem:$0x17FE0] =	vst v1  }
0x23e: {  	[tilespmem:$0x17FF0] =	vst v1  }
0x23f: {  	[tilespmem:$0x18380] =	vst v1  }
0x240: {  	[tilespmem:$0x18390] =	vst v1  }
0x241: {  	[tilespmem:$0x183A0] =	vst v1  }
0x242: {  	[tilespmem:$0x183B0] =	vst v1  }
0x243: {  	[tilespmem:$0x183C0] =	vst v1  }
0x244: {  	[tilespmem:$0x183D0] =	vst v1  }
0x245: {  	[tilespmem:$0x183E0] =	vst v1  }
0x246: {  	s21 =	simm.s32 $0x2800;
	[tilespmem:$0x17860] =	vst v1  }
0x247: {  	s22 =	simm.s32 $0x0;
	v12 =	vld [tilespmem:s21+$0x0]  }
0x248: {  	v11 =	vld [tilespmem:s22+$0x0];
	_ =	sdelay $0x1  }
0x249: {  	s23 =	simm.s32 $0x1400  }
0x24a: {  	v13 =	vmov s22;
	v14 =	vld [tilespmem:s23+$0x0]  }
0x24b: {  	vm6 =	vlt.u32 v13, v3  }
0x24c: {  	vm5 =	vgt.s32 v12, $0x0;
	v11 =	vnsel vm6, $0xFFFFFFFF, v11  }
0x24d: {  	v13 =	vnsel vm5, $0x0, v12;
	v15 =	vand.u32 $0x1, v11;
	v11 =	vshll.u32 v11, $0x6  }
0x24e: {  	v13 =	vmin.u32 v13, $0x80;
	vm5 =	veq.s32 v15, $0x1;
	v15 =	vand.u32 $0xFFFFFF80, v11  }
0x24f: {  	v11 =	vand.u32 $0xFFFFFF80, v14;
	v14 =	vand.u32 $0x7F, v14;
	vm7 =	vmneg vm5  }
0x250: {  	v11 =	vadd.s32 v11, v15;
	vm5 =	vmand vm6, vm5;
	vm6 =	vmand vm6, vm7  }
0x251: {  	vm8 =	vlt.s32 v12, $0x80;
	v16 =	vand.u32 $0x80, v13;
	v11 =	vor.u32 v14, v11  }
0x252: {  	v13 =	vand.u32 $0x7F, v13;
	v12 =	vadd.s32 v15, v16;
	vm7 =	vmand vm6, vm8  }
0x253: {  	s24 =	simm.s32 $0x10;
	v12 =	vor.u32 v13, v12;
	vm8 =	vmand vm5, vm8  }
.LBB2_4:
0x254: {  	_ =	sdelay $0x1  }
0x255: {  	[tilespmem:v11+s17+$0x0] =	vst.idx.add.s32.msk vm6, v7;
	s22 =	sadd.s32 $0x10, s22;
	s23 =	sadd.s32 $0x10, s23;
	s21 =	sadd.s32 $0x10, s21  }
0x256: {  	p0 =	sne.s32 s24, $0x1380;
	s25 =	smov.u32 s24;
	s24 =	sadd.s32 $0x10, s24;
	[tilespmem:v11+s17+$0x0] =	vst.idx.add.s32.msk vm5, v9  }
0x257: {  	[tilespmem:v12+s18+$0x0] =	vst.idx.add.s32.msk vm7, v7  }
0x258: {  	[tilespmem:v12+s18+$0x0] =	vst.idx.add.s32.msk vm8, v9  }
0x259: {  	v12 =	vld [tilespmem:s21+$0x0]  }
0x25a: {  	v11 =	vmov s25;
	v13 =	vld [tilespmem:s22+$0x0]  }
0x25b: {  	vm6 =	vlt.u32 v11, v3  }
0x25c: {  	v11 =	vld [tilespmem:s23+$0x0];
	_ =	sdelay $0x1  }
0x25d: {  	vm5 =	vgt.s32 v12, $0x0  }
0x25e: {  	v13 =	vnsel vm6, $0xFFFFFFFF, v13;
	v14 =	vnsel vm5, $0x0, v12  }
0x25f: {  	v14 =	vmin.u32 v14, $0x80;
	v15 =	vand.u32 $0x1, v13;
	v13 =	vshll.u32 v13, $0x6  }
0x260: {  	vm5 =	veq.s32 v15, $0x1;
	v13 =	vand.u32 $0xFFFFFF80, v13;
	v15 =	vand.u32 $0x80, v14  }
.Ltmp1:
0x261: {  	v16 =	vand.u32 $0xFFFFFF80, v11;
	vm7 =	vmneg vm5;
	vm5 =	vmand vm6, vm5;
	(pc) =	sbr.rel @p0 .LBB2_4-.Ltmp1, $4  }
0x262: {  	v11 =	vand.u32 $0x7F, v11;
	v16 =	vadd.s32 v16, v13;
	vm6 =	vmand vm6, vm7  }
0x263: {  	vm8 =	vlt.s32 v12, $0x80;
	v12 =	vadd.s32 v13, v15;
	v11 =	vor.u32 v11, v16  }
0x264: {  	v13 =	vand.u32 $0x7F, v14;
	vm7 =	vmand vm6, vm8  }
0x265: {  	v12 =	vor.u32 v13, v12;
	vm8 =	vmand vm5, vm8  }
0x266: {  	_ =	sdelay $0x4  }
0x267: {  	[tilespmem:v11+s17+$0x0] =	vst.idx.add.s32.msk vm6, v7  }
0x268: {  	[tilespmem:v11+s17+$0x0] =	vst.idx.add.s32.msk vm5, v9  }
0x269: {  	[tilespmem:v12+s18+$0x0] =	vst.idx.add.s32.msk vm7, v7  }
0x26a: {  	s21 =	simm.s32 $0x0;
	[tilespmem:v12+s18+$0x0] =	vst.idx.add.s32.msk vm8, v9  }
0x26b: {  	[hbm4b:s8+s21] =	stream.linear.scatter [tilespmem:s17], [sflag:$0x1], $0x8000, $0x38;
	[tilespmem:$0x18400] =	vst v63  }
0x26c: {  	_ =	swait.ge [sflag:s12], $0x8000  }
0x26d: {  	[sflag:s12] =	ssyncset.done $0x0  }
0x26e: {  	[sflag:s12] =	ssyncadd.s32 $0xFFFF8000  }
0x26f: {  	[hbm4b:s9+s21] =	stream.linear.scatter [tilespmem:s18], [sflag:$0x1], $0x8000, $0x38;
	[tilespmem:$0x18400] =	vst v63  }
0x270: {  	_ =	swait.ge [sflag:s12], $0x8000  }
0x271: {  	[sflag:s12] =	ssyncset.done $0x0  }
0x272: {  	s22 =	simm.s32 $0x3C00;
	[sflag:s12] =	ssyncadd.s32 $0xFFFF8000  }
0x273: {  	v11 =	vld [tilespmem:s22+$0x0]  }
0x274: {  	s23 =	simm.s32 $0x5000;
	v12 =	vld [tilespmem:s21+$0x0]  }
0x275: {  	v15 =	vld [tilespmem:s23+$0x0]  }
0x276: {  	v13 =	vmov s21  }
0x277: {  	vm10 =	vlt.u32 v13, v3  }
0x278: {  	v13 =	vnsel vm10, $0x0, v11;
	v17 =	vnsel vm10, $0xFF800000, v11  }
0x279: {  	v11 =	vnsel vm10, $0xFFFFFFFF, v12;
	v12 =	vmul.f32 v13, v13;
	v14 =	vperm.xlane v17, v4  }
0x27a: {  	v20 =	vnsel vm10, $0x0, v15;
	v16 =	vperm.xlane v11, v4;
	v18 =	vperm.xlane v11, v6  }
0x27b: {  	v19 =	vshll.u32 v11, $0x3;
	v21 =	vperm.xlane v13, v4;
	v24 =	vperm.xlane v11, v5  }
0x27c: {  	v22 =	vmax.f32 v17, v14;
	v14 =	vmul.f32 v20, v20;
	vm5 =	veq.s32 v16, v11  }
0x27d: {  	v25 =	vperm.xlane v20, v4;
	v23 =	vperm.xlane v12, v4;
	vm5 =	vmand vm5, vm0  }
0x27e: {  	v61 =	vperm.xlane v11, v10;
	v21 =	vnsel vm5, $0x0, v21;
	v26 =	vperm.xlane v14, v4  }
0x27f: {  	v19 =	vand.u32 $0xFFFFFC00, v19;
	v13 =	vadd.f32 v21, v13;
	v21 =	vnsel vm5, $0x0, v23  }
0x280: {  	vm6 =	veq.s32 v24, v11;
	v12 =	vadd.f32 v21, v12;
	v21 =	vnsel vm5, $0x0, v26  }
0x281: {  	v23 =	vnsel vm5, $0x0, v25;
	v14 =	vadd.f32 v21, v14;
	v21 =	vperm.xlane v13, v5  }
0x282: {  	v16 =	vperm.xlane v11, v8;
	vm6 =	vmand vm6, vm1;
	v20 =	vadd.f32 v23, v20  }
0x283: {  	vm7 =	veq.s32 v18, v11;
	v23 =	vperm.xlane v12, v5;
	v21 =	vnsel vm6, $0x0, v21  }
0x284: {  	vm8 =	vne.s32 v11, v61;
	v18 =	vperm.xlane v20, v5;
	v13 =	vadd.f32 v21, v13  }
0x285: {  	vm9 =	veq.s32 v16, v11;
	v62 =	vperm.xlane v14, v5;
	v16 =	vnsel vm6, $0x0, v23  }
0x286: {  	v18 =	vnsel vm6, $0x0, v18;
	v12 =	vadd.f32 v16, v12;
	v16 =	vperm.xlane v13, v6  }
0x287: {  	vm7 =	vmand vm7, vm2;
	v21 =	vnsel vm6, $0x0, v62;
	v18 =	vadd.f32 v18, v20  }
0x288: {  	v14 =	vadd.f32 v21, v14;
	v20 =	vperm.xlane v12, v6;
	v16 =	vnsel vm7, $0x0, v16  }
0x289: {  	vm8 =	vmor vm8, vm4;
	v13 =	vadd.f32 v16, v13;
	v16 =	vperm.xlane v18, v6  }
0x28a: {  	vm8 =	vmand vm10, vm8;
	v21 =	vperm.xlane v14, v6;
	v20 =	vnsel vm7, $0x0, v20  }
0x28b: {  	v12 =	vadd.f32 v20, v12;
	v16 =	vnsel vm7, $0x0, v16;
	v20 =	vperm.xlane v13, v8  }
0x28c: {  	v11 =	vand.u32 $0x7F, v11;
	vm9 =	vmand vm9, vm3;
	v23 =	vadd.f32 v16, v18  }
0x28d: {  	v11 =	vor.u32 v11, v19;
	v16 =	vnsel vm7, $0x0, v21;
	v18 =	vnsel vm9, $0x0, v20  }
0x28e: {  	v20 =	vperm.xlane v12, v8;
	v63 =	vadd.f32 v16, v14;
	v16 =	vperm.xlane v23, v8  }
0x28f: {  	v14 =	vadd.f32 v18, v13;
	v13 =	vnsel vm10, $0xFF800000, v15;
	v18 =	vsel vm5, v22, v17  }
0x290: {  	v21 =	vperm.xlane v63, v8;
	v15 =	vnsel vm9, $0x0, v16;
	v16 =	vor.u32 $0x80, v11  }
0x291: {  	v17 =	vor.u32 $0x180, v11;
	v19 =	vadd.f32 v15, v23;
	v15 =	vor.u32 $0x100, v11  }
0x292: {  	v20 =	vnsel vm9, $0x0, v20;
	v22 =	vperm.xlane v18, v5;
	v23 =	vnsel vm9, $0x0, v21  }
0x293: {  	s24 =	simm.s32 $0x10;
	v21 =	vadd.f32 v20, v12;
	v12 =	vor.u32 $0x200, v11;
	v20 =	vadd.f32 v23, v63  }
.LBB2_6:
0x294: {  	v23 =	vperm.xlane v13, v4;
	v22 =	vmax.f32 v18, v22;
	[tilespmem:v11+s19+$0x0] =	vst.idx.add.f32.msk vm8, v14;
	s21 =	sadd.s32 $0x10, s21;
	s22 =	sadd.s32 $0x10, s22;
	s23 =	sadd.s32 $0x10, s23  }
0x295: {  	p0 =	sne.s32 s24, $0x1380;
	s25 =	smov.u32 s24;
	s24 =	sadd.s32 $0x10, s24;
	v14 =	vsel vm6, v22, v18;
	[tilespmem:v16+s19+$0x0] =	vst.idx.add.f32.msk vm8, v19  }
0x296: {  	v16 =	vmax.f32 v13, v23;
	v18 =	vperm.xlane v14, v6;
	[tilespmem:v15+s19+$0x0] =	vst.idx.add.f32.msk vm8, v21  }
0x297: {  	v13 =	vsel vm5, v16, v13;
	[tilespmem:v17+s19+$0x0] =	vst.idx.add.f32.msk vm8, v20  }
0x298: {  	v15 =	vperm.xlane v13, v5;
	v16 =	vmax.f32 v14, v18;
	v17 =	vld.idx.msk [tilespmem:v12+s19+$0x0], vm8  }
0x299: {  	v14 =	vsel vm7, v16, v14  }
0x29a: {  	v15 =	vmax.f32 v13, v15;
	v16 =	vperm.xlane v14, v8  }
0x29b: {  	v11 =	vor.u32 $0x280, v11;
	v13 =	vsel vm6, v15, v13  }
0x29c: {  	v15 =	vperm.xlane v13, v6;
	v16 =	vmax.f32 v14, v16  }
0x29d: {  	v18 =	vmov s25;
	v14 =	vsel vm9, v16, v14  }
0x29e: {  	vm10 =	vlt.u32 v18, v3;
	v15 =	vmax.f32 v13, v15;
	v14 =	vmax.f32 v17, v14  }
0x29f: {  	[tilespmem:v12+s19+$0x0] =	vst.idx.msk vm8, v14  }
0x2a0: {  	v12 =	vld.idx.msk [tilespmem:v11+s19+$0x0], vm8  }
0x2a1: {  	v13 =	vsel vm7, v15, v13  }
0x2a2: {  	v14 =	vperm.xlane v13, v8;
	_ =	sdelay $0x1  }
0x2a3: {  	v14 =	vmax.f32 v13, v14  }
0x2a4: {  	v13 =	vsel vm9, v14, v13  }
0x2a5: {  	v12 =	vmax.f32 v12, v13  }
0x2a6: {  	[tilespmem:v11+s19+$0x0] =	vst.idx.msk vm8, v12  }
0x2a7: {  	v11 =	vld [tilespmem:s22+$0x0]  }
0x2a8: {  	v12 =	vld [tilespmem:s21+$0x0];
	_ =	sdelay $0x1  }
0x2a9: {  	v13 =	vld [tilespmem:s23+$0x0];
	_ =	sdelay $0x1  }
0x2aa: {  	v14 =	vnsel vm10, $0x0, v11;
	v15 =	vnsel vm10, $0xFF800000, v11  }
0x2ab: {  	v11 =	vnsel vm10, $0xFFFFFFFF, v12;
	v12 =	vmul.f32 v14, v14;
	v16 =	vperm.xlane v15, v4  }
0x2ac: {  	v17 =	vperm.xlane v11, v4;
	v18 =	vperm.xlane v11, v6;
	v19 =	vshll.u32 v11, $0x3  }
0x2ad: {  	v21 =	vperm.xlane v14, v4;
	v20 =	vnsel vm10, $0x0, v13;
	v22 =	vmax.f32 v15, v16  }
0x2ae: {  	v16 =	vmul.f32 v20, v20;
	vm5 =	veq.s32 v17, v11;
	v17 =	vperm.xlane v11, v8  }
0x2af: {  	v24 =	vperm.xlane v11, v5;
	v23 =	vperm.xlane v12, v4;
	vm5 =	vmand vm5, vm0  }
0x2b0: {  	v25 =	vperm.xlane v20, v4;
	v21 =	vnsel vm5, $0x0, v21;
	v26 =	vperm.xlane v16, v4  }
0x2b1: {  	vm6 =	veq.s32 v24, v11;
	v14 =	vadd.f32 v21, v14;
	v21 =	vnsel vm5, $0x0, v23  }
0x2b2: {  	vm6 =	vmand vm6, vm1;
	v12 =	vadd.f32 v21, v12;
	v21 =	vnsel vm5, $0x0, v26  }
0x2b3: {  	v23 =	vnsel vm5, $0x0, v25;
	v16 =	vadd.f32 v21, v16;
	v21 =	vperm.xlane v14, v5  }
0x2b4: {  	v24 =	vperm.xlane v11, v10;
	v20 =	vadd.f32 v23, v20;
	v23 =	vperm.xlane v12, v5  }
0x2b5: {  	vm7 =	veq.s32 v18, v11;
	v21 =	vnsel vm6, $0x0, v21;
	v25 =	vperm.xlane v16, v5  }
0x2b6: {  	vm9 =	veq.s32 v17, v11;
	v18 =	vperm.xlane v20, v5;
	v14 =	vadd.f32 v21, v14  }
0x2b7: {  	vm8 =	vne.s32 v11, v24;
	v17 =	vnsel vm6, $0x0, v23;
	v21 =	vnsel vm6, $0x0, v25  }
0x2b8: {  	v18 =	vnsel vm6, $0x0, v18;
	v12 =	vadd.f32 v17, v12;
	v17 =	vperm.xlane v14, v6  }
0x2b9: {  	vm7 =	vmand vm7, vm2;
	vm8 =	vmor vm8, vm4;
	v18 =	vadd.f32 v18, v20  }
0x2ba: {  	v16 =	vadd.f32 v21, v16;
	v20 =	vperm.xlane v12, v6;
	v17 =	vnsel vm7, $0x0, v17  }
0x2bb: {  	v19 =	vand.u32 $0xFFFFFC00, v19;
	v14 =	vadd.f32 v17, v14;
	v17 =	vperm.xlane v18, v6  }
0x2bc: {  	vm8 =	vmand vm10, vm8;
	v21 =	vperm.xlane v16, v6;
	v20 =	vnsel vm7, $0x0, v20  }
0x2bd: {  	v12 =	vadd.f32 v20, v12;
	v17 =	vnsel vm7, $0x0, v17;
	v20 =	vperm.xlane v14, v8  }
0x2be: {  	v11 =	vand.u32 $0x7F, v11;
	vm9 =	vmand vm9, vm3;
	v17 =	vadd.f32 v17, v18  }
0x2bf: {  	v18 =	vnsel vm7, $0x0, v21;
	v21 =	vperm.xlane v12, v8;
	v20 =	vnsel vm9, $0x0, v20  }
0x2c0: {  	v23 =	vadd.f32 v18, v16;
	v14 =	vadd.f32 v20, v14;
	v16 =	vperm.xlane v17, v8  }
.Ltmp2:
0x2c1: {  	v13 =	vnsel vm10, $0xFF800000, v13;
	v11 =	vor.u32 v11, v19;
	v20 =	vnsel vm9, $0x0, v21;
	(pc) =	sbr.rel @p0 .LBB2_6-.Ltmp2, $4  }
0x2c2: {  	v21 =	vperm.xlane v23, v8;
	v19 =	vnsel vm9, $0x0, v16;
	v16 =	vor.u32 $0x80, v11  }
0x2c3: {  	v18 =	vsel vm5, v22, v15;
	v15 =	vor.u32 $0x100, v11;
	v19 =	vadd.f32 v19, v17  }
0x2c4: {  	v22 =	vperm.xlane v18, v5;
	v24 =	vnsel vm9, $0x0, v21;
	v17 =	vor.u32 $0x180, v11  }
0x2c5: {  	v21 =	vadd.f32 v20, v12;
	v12 =	vor.u32 $0x200, v11;
	v20 =	vadd.f32 v24, v23  }
0x2c6: {  	_ =	sdelay $0x3  }
0x2c7: {  	v22 =	vmax.f32 v18, v22  }
0x2c8: {  	v23 =	vperm.xlane v13, v4;
	[tilespmem:v11+s19+$0x0] =	vst.idx.add.f32.msk vm8, v14;
	v57 =	vsel vm6, v22, v18  }
0x2c9: {  	[tilespmem:v16+s19+$0x0] =	vst.idx.add.f32.msk vm8, v19;
	v58 =	vperm.xlane v57, v6  }
0x2ca: {  	v59 =	vmax.f32 v13, v23;
	[tilespmem:v15+s19+$0x0] =	vst.idx.add.f32.msk vm8, v21  }
0x2cb: {  	v13 =	vsel vm5, v59, v13;
	[tilespmem:v17+s19+$0x0] =	vst.idx.add.f32.msk vm8, v20;
	v60 =	vmax.f32 v57, v58  }
0x2cc: {  	v61 =	vperm.xlane v13, v5;
	v17 =	vld.idx.msk [tilespmem:v12+s19+$0x0], vm8;
	v14 =	vsel vm7, v60, v57  }
0x2cd: {  	v15 =	vperm.xlane v14, v8  }
0x2ce: {  	v11 =	vor.u32 $0x280, v11;
	v16 =	vmax.f32 v13, v61  }
0x2cf: {  	v13 =	vsel vm6, v16, v13;
	v15 =	vmax.f32 v14, v15  }
0x2d0: {  	v16 =	vperm.xlane v13, v6;
	v14 =	vsel vm9, v15, v14  }
0x2d1: {  	v14 =	vmax.f32 v17, v14  }
0x2d2: {  	v62 =	vmax.f32 v13, v16;
	[tilespmem:v12+s19+$0x0] =	vst.idx.msk vm8, v14  }
0x2d3: {  	v13 =	vsel vm7, v62, v13;
	v12 =	vld.idx.msk [tilespmem:v11+s19+$0x0], vm8  }
0x2d4: {  	v63 =	vperm.xlane v13, v8;
	_ =	sdelay $0x1  }
0x2d5: {  	v14 =	vmax.f32 v13, v63  }
0x2d6: {  	s20 =	sadd.s32 $0x1, s20;
	v13 =	vsel vm9, v14, v13  }
0x2d7: {  	p0 =	sne.s32 s20, s11;
	v12 =	vmax.f32 v12, v13  }
.Ltmp3:
0x2d8: {  	[tilespmem:v11+s19+$0x0] =	vst.idx.msk vm8, v12;
	(pc) =	sbr.rel @p0 .LBB2_1-.Ltmp3, $4  }
0x2d9: {  	[hbm4b:s10+s2] =	stream.linear.scatter [tilespmem:s19], [sflag:$0x1], $0x2000, $0x38;
	[tilespmem:$0x18400] =	vst v63  }
0x2da: {  	_ =	swait.ge [sflag:s12], $0x2000  }
0x2db: {  	[sflag:s12] =	ssyncset.done $0x0  }
0x2dc: {  	[sflag:s12] =	ssyncadd.s32 $0xFFFFE000  }
0x2dd: {  	_ =	sfence.sel $0x180000  }
0x2de: {  	[bflag:$0x0] =	sbarrier.arrive $0xFFFF  }
0x2df: {  	p0 =	sne.s32 s0, $0x0;
	_ =	strace $0x90000047  }
0x2e0: {  	s0 =	sadd.s32 @!p0 $0x100000, s1;
	[bflag:$0x2] =	sbarrier.arrive $0xFFFF  }
0x2e1: {  	[sflag:s0] =	ssyncadd.tile.s32 @!p0 $0x1;
	_ =	shalt  }
.Lfunc_end2:
_tile_overlayer_lowered:
.L_overlay_start_2:
0x2e2: {  	(tag) =	ssettag $0x2  }
0x2e3: {  	s0 =	rddreg [dreg:$0x0];
	s2 =	stileid.u32  }
0x2e4: {  	s1 =	rddreg [dreg:$0x1];
	p0 =	sne.s32 s2, $0x0  }
0x2e5: {  	s3 =	rddreg [dreg:$0x2];
	[bflag:$0x3] =	sbarrier.arrive $0xFFFF;
	s2 =	simm.s32 @!p0 $0x1C01  }
0x2e6: {  	[timem:s3], [sflag:s2] =	dma.local @!p0 [hbm:s0], s1  }
0x2e7: {  	s0 =	simm.s32 @!p0 $0x1  }
0x2e8: {  	_ =	swait.ge @!p0 [sflag:s0], s1  }
0x2e9: {  	s1 =	ssub.s32 @!p0 $0x0, s1;
	[sflag:s0] =	ssyncset.done @!p0 $0x0  }
0x2ea: {  	[sflag:s0] =	ssyncadd.s32 @!p0 s1  }
0x2eb: {  	[bflag:$0x3] =	sbarrier.arrive $0xFFFF  }
0x2ec: {  	_ =	shalt  }

</sc_bundles>
